<compile_context>
chip_gen: v7x
topology: tpu7x:2x2x1
jax: 0.10.2.dev20260603
libtpu: 0.0.44.dev20260713+nightly
codegen_flags: <defaults>
</compile_context>

<pallas_src>
import jax
import jax.numpy as jnp
from jax import lax
from jax.experimental import pallas as pl
from jax.experimental.pallas import tpu as pltpu
from jax.experimental.pallas import tpu_sc as plsc

N = 10000
E = 320000
D = 128
BETA_ = 0.5
C_ = 1.0

NC = 2
NS = 16
NW = NC * NS
SUB = 128
CR = E // SUB
SLAB = 80
SLAB_LD = 88
CR_PAD = 31 * SLAB + SLAB_LD
N_PAD = 10240
ROWS_PER_TILE = N_PAD // NS
PAIRS = SLAB // 2


def _mm_body(x_ref, w_ref, o_ref):
    o_ref[...] = jnp.dot(x_ref[...], w_ref[...],
                         preferred_element_type=jnp.float32)


def _matmul(x, W):
    return pl.pallas_call(
        _mm_body,
        grid=(10,),
        in_specs=[
            pl.BlockSpec((N // 10, D), lambda i: (i, 0)),
            pl.BlockSpec((D, D), lambda i: (0, 0)),
        ],
        out_specs=pl.BlockSpec((N // 10, D), lambda i: (i, 0)),
        out_shape=jax.ShapeDtypeStruct((N, D), jnp.float32),
    )(x, W)


def _mix_body(p_ref, b_ref, o_ref):
    z = p_ref[0] + p_ref[1] + b_ref[...]
    o_ref[...] = BETA_ * z + (C_ - BETA_) * jnp.maximum(z, 0.0)


def _mix(partials, b):
    return pl.pallas_call(
        _mix_body,
        grid=(10,),
        in_specs=[
            pl.BlockSpec((2, N // 10, D), lambda i: (0, i, 0)),
            pl.BlockSpec((1, D), lambda i: (0, 0)),
        ],
        out_specs=pl.BlockSpec((N // 10, D), lambda i: (i, 0)),
        out_shape=jax.ShapeDtypeStruct((N, D), jnp.float32),
    )(partials, b.reshape(1, D))


def _sc_body(xlin, packed, ews, out, acc,
             packed_v, rows_a, rows_b, sra, dra, srb, drb, ewa, ewb,
             sem_a, sem_b, sem_ea, sem_eb):
    c = lax.axis_index("c")
    s = lax.axis_index("s")
    wid = c * NS + s

    def zero_rows(buf):
        def zrow(i, carry):
            for cb in range(D // 16):
                buf[i, pl.ds(cb * 16, 16)] = jnp.zeros((16,), jnp.float32)
            return carry
        lax.fori_loop(0, SUB, zrow, 0)

    zero_rows(rows_a)
    base_n = s * ROWS_PER_TILE
    for k in range(ROWS_PER_TILE // SUB):
        pltpu.sync_copy(rows_a, acc.at[pl.ds(base_n + k * SUB, SUB)])
    zero_rows(rows_b)
    for v in range(SUB // 16):
        drb[pl.ds(v * 16, 16)] = jnp.zeros((16,), jnp.int32)
    plsc.subcore_barrier()

    start = wid * SLAB
    pltpu.sync_copy(packed.at[pl.ds(start, SLAB_LD)], packed_v)

    def unpack(j, src_r, dst_r):
        for v in range(SUB // 16):
            p = packed_v[j, pl.ds(v * 16, 16)]
            src_r[pl.ds(v * 16, 16)] = p & 0x3FFF
            dst_r[pl.ds(v * 16, 16)] = lax.shift_right_logical(p, 14)

    def gather(buf, src_r, sem):
        pltpu.async_copy(xlin.at[src_r], buf, sem)

    def wait_g(buf, src_r, sem):
        pltpu.make_async_copy(xlin.at[src_r], buf, sem).wait()

    def scatter(buf, dst_r, sem):
        pltpu.async_copy(buf, acc.at[dst_r], sem, add=True)

    def wait_s(buf, dst_r, sem):
        pltpu.make_async_copy(buf, acc.at[dst_r], sem).wait()

    def ew_load(j, ewr, sem):
        pltpu.async_copy(ews.at[start + j], ewr, sem)

    def wait_ew(j, ewr, sem):
        pltpu.make_async_copy(ews.at[start + j], ewr, sem).wait()

    def scale(buf, ewr):
        def scale16(q, carry2):
            ewv = ewr[0, pl.ds(q * 16, 16)]
            for e in range(16):
                wv = jnp.broadcast_to(ewv[e], (16,))
                for cb in range(D // 16):
                    r = buf[q * 16 + e, pl.ds(cb * 16, 16)]
                    buf[q * 16 + e, pl.ds(cb * 16, 16)] = r * wv
            return carry2
        lax.fori_loop(0, SUB // 16, scale16, 0)

    scatter(rows_b, drb, sem_b)
    unpack(0, sra, dra)
    gather(rows_a, sra, sem_a)
    ew_load(0, ewa, sem_ea)

    def pair(p, carry):
        j = 2 * p
        wait_s(rows_b, drb, sem_b)
        unpack(j + 1, srb, drb)
        gather(rows_b, srb, sem_b)
        ew_load(j + 1, ewb, sem_eb)
        wait_g(rows_a, sra, sem_a)
        wait_ew(j, ewa, sem_ea)
        scale(rows_a, ewa)
        scatter(rows_a, dra, sem_a)
        wait_s(rows_a, dra, sem_a)
        unpack(j + 2, sra, dra)
        gather(rows_a, sra, sem_a)
        ew_load(j + 2, ewa, sem_ea)
        wait_g(rows_b, srb, sem_b)
        wait_ew(j + 1, ewb, sem_eb)
        scale(rows_b, ewb)
        scatter(rows_b, drb, sem_b)
        return carry

    lax.fori_loop(0, PAIRS, pair, 0)
    wait_g(rows_a, sra, sem_a)
    wait_ew(0, ewa, sem_ea)
    wait_s(rows_b, drb, sem_b)
    plsc.subcore_barrier()

    pltpu.sync_copy(acc.at[pl.ds(base_n, ROWS_PER_TILE)],
                    out.at[c, pl.ds(base_n, ROWS_PER_TILE)])


def _scatter_gather(xlin, packed, ews):
    mesh = plsc.VectorSubcoreMesh(core_axis_name="c", subcore_axis_name="s")
    return pl.kernel(
        _sc_body,
        out_type=jax.ShapeDtypeStruct((NC, N_PAD, D), jnp.float32),
        mesh=mesh,
        scratch_types=[
            pltpu.VMEM_SHARED((N_PAD, D), jnp.float32),
            pltpu.VMEM((SLAB_LD, SUB), jnp.int32),
            pltpu.VMEM((SUB, D), jnp.float32),
            pltpu.VMEM((SUB, D), jnp.float32),
            pltpu.VMEM((SUB,), jnp.int32),
            pltpu.VMEM((SUB,), jnp.int32),
            pltpu.VMEM((SUB,), jnp.int32),
            pltpu.VMEM((SUB,), jnp.int32),
            pltpu.VMEM((1, SUB), jnp.float32),
            pltpu.VMEM((1, SUB), jnp.float32),
            pltpu.SemaphoreType.DMA,
            pltpu.SemaphoreType.DMA,
            pltpu.SemaphoreType.DMA,
            pltpu.SemaphoreType.DMA,
        ],
    )(xlin, packed, ews)


def kernel(x, edge_index, edge_weight, W, b):
    src = edge_index[0].astype(jnp.int32)
    dst = edge_index[1].astype(jnp.int32)
    packed = (src | (dst << 14))
    pad = CR_PAD * SUB - E
    packed = jnp.pad(packed, (0, pad)).reshape(CR_PAD, SUB)
    ew = jnp.pad(edge_weight, (0, pad)).reshape(CR_PAD, 1, SUB)
    x_lin = _matmul(x, W)
    partials = _scatter_gather(x_lin, packed, ew)
    return _mix(partials, b)

# --- scband reference (transcript-rebuilt; emitter-appended) ---
"""Pipeline reference for scband-mix-jklayer-14697378087201 (READ-ONLY COPY).

The authoritative reference and input builder live on the scoring server;
editing this copy changes nothing except your own understanding.
"""

import jax, jax.numpy as jnp
import numpy as np

N_NODES = 10000
N_EDGES = 320000
D_IN = 128
D_OUT = 128
BETA = 0.5
C_CONST = 1.0


def setup_inputs(seed: int = 0) -> dict:
    key = jax.random.key(seed)
    k1, k2, k3, k4, k5 = jax.random.split(key, 5)
    x = jax.random.normal(k1, (N_NODES, D_IN), dtype=jnp.float32)
    edge_index = jax.random.randint(k2, (2, N_EDGES), 0, N_NODES, dtype=jnp.int64)
    edge_weight = jax.random.uniform(k3, (N_EDGES,), dtype=jnp.float32)
    # Learned params of GCNConv (normalize=False, bias=True): linear weight + bias
    W = jax.random.normal(k4, (D_IN, D_OUT), dtype=jnp.float32) * (1.0 / np.sqrt(D_IN))
    b = jax.random.normal(k5, (D_OUT,), dtype=jnp.float32) * 0.01
    return {"x": x, "edge_index": edge_index, "edge_weight": edge_weight, "W": W, "b": b}


def reference(x, edge_index, edge_weight, W, b):
    # Dropout is treated as identity (eval mode) for a deterministic reference.
    # GCNConv(cached=False, normalize=False, bias=True):
    #   x' = x @ W; message_e = edge_weight_e * x'[src_e]; z_i = sum_{e: dst_e = i} message_e + b
    x_lin = x @ W
    src = edge_index[0]
    dst = edge_index[1]
    msgs = edge_weight[:, None] * jnp.take(x_lin, src, axis=0)
    z = jax.ops.segment_sum(msgs, dst, num_segments=N_NODES) + b
    # Mix: y = beta * z + (C - beta) * relu(z)
    return BETA * z + (C_CONST - BETA) * jax.nn.relu(z)

if __name__ == "__main__":
    import jax
    _d = setup_inputs()
    print(jax.jit(kernel)(*tuple(_d.values())))

</pallas_src>

<mosaic_0001>
#map = affine_map<(d0, d1) -> (0, 0)>
#map1 = affine_map<(d0, d1) -> (0, 0, 0)>
module attributes {stable_mosaic.version = 14 : i64} {
  func.func @_sc_body(%arg0: i32, %arg1: i32, %arg2: memref<10000x128xf32, #tpu.memory_space<hbm>>, %arg3: memref<2568x128xi32, #tpu.memory_space<hbm>>, %arg4: memref<2568x1x128xf32, #tpu.memory_space<hbm>>, %arg5: memref<2x10240x128xf32, #tpu.memory_space<hbm>>, %arg6: memref<10240x128xf32, #tpu.memory_space<vmem_shared>>, %arg7: memref<88x128xi32, #tpu.memory_space<vmem>>, %arg8: memref<128x128xf32, #tpu.memory_space<vmem>>, %arg9: memref<128x128xf32, #tpu.memory_space<vmem>>, %arg10: memref<128xi32, #tpu.memory_space<vmem>>, %arg11: memref<128xi32, #tpu.memory_space<vmem>>, %arg12: memref<128xi32, #tpu.memory_space<vmem>>, %arg13: memref<128xi32, #tpu.memory_space<vmem>>, %arg14: memref<1x128xf32, #tpu.memory_space<vmem>>, %arg15: memref<1x128xf32, #tpu.memory_space<vmem>>, %arg16: memref<!tpu.dma_semaphore, #tpu.memory_space<semaphore_mem>>, %arg17: memref<!tpu.dma_semaphore, #tpu.memory_space<semaphore_mem>>, %arg18: memref<!tpu.dma_semaphore, #tpu.memory_space<semaphore_mem>>, %arg19: memref<!tpu.dma_semaphore, #tpu.memory_space<semaphore_mem>>) attributes {dimension_semantics = [#tpu.dimension_semantics<core_parallel>, #tpu.dimension_semantics<subcore_parallel>], iteration_bounds = array<i64: 2, 16>, scalar_prefetch = 0 : i64, scratch_operands = 14 : i64, tpu.core_type = #tpu.core_type<sc_vector_subcore>, window_params = [{transform_indices = #map}, {transform_indices = #map}, {transform_indices = #map1}, {transform_indices = #map1}]} {
    %mul3A = arith.constant 16 : i32
    %mul3A_0 = arith.muli %arg0, %mul3A : i32
    %add3A = arith.addi %mul3A_0, %arg1 : i32
    %scan3A = arith.constant 0 : i32
    %scan3A_1 = arith.constant 0 : i32
    %scan3A_2 = arith.constant 128 : i32
    %scan3A_3 = arith.addi %scan3A_1, %scan3A_2 : i32
    %scan3A_4 = arith.constant 1 : i32
    scf.for %scan3A_258 = %scan3A_1 to %scan3A_3 step %scan3A_4  : i32 {
      %broadcast_in_dim3A_259 = arith.constant 0.000000e+00 : f32
      %broadcast_in_dim3A_260 = vector.broadcast %broadcast_in_dim3A_259 : f32 to vector<16xf32>
      %swap3A_261 = arith.index_cast %scan3A_258 : i32 to index
      %swap3A_262 = arith.constant 0 : index
      %swap3A_263 = tpu.vector_load %arg8[%swap3A_261, %swap3A_262] {strides = array<i32>} : memref<128x128xf32, #tpu.memory_space<vmem>>, vector<1x16xf32>,
      %swap3A_264 = vector.shape_cast %swap3A_263 : vector<1x16xf32> to vector<16xf32>
      %swap3A_265 = vector.shape_cast %broadcast_in_dim3A_260 : vector<16xf32> to vector<1x16xf32>
      tpu.vector_store %arg8[%swap3A_261, %swap3A_262], %swap3A_265 {strides = array<i32>} : memref<128x128xf32, #tpu.memory_space<vmem>>, vector<1x16xf32>,
      %broadcast_in_dim3A_266 = arith.constant 0.000000e+00 : f32
      %broadcast_in_dim3A_267 = vector.broadcast %broadcast_in_dim3A_266 : f32 to vector<16xf32>
      %swap3A_268 = arith.index_cast %scan3A_258 : i32 to index
      %swap3A_269 = arith.constant 16 : index
      %swap3A_270 = tpu.vector_load %arg8[%swap3A_268, %swap3A_269] {strides = array<i32>} : memref<128x128xf32, #tpu.memory_space<vmem>>, vector<1x16xf32>,
      %swap3A_271 = vector.shape_cast %swap3A_270 : vector<1x16xf32> to vector<16xf32>
      %swap3A_272 = vector.shape_cast %broadcast_in_dim3A_267 : vector<16xf32> to vector<1x16xf32>
      tpu.vector_store %arg8[%swap3A_268, %swap3A_269], %swap3A_272 {strides = array<i32>} : memref<128x128xf32, #tpu.memory_space<vmem>>, vector<1x16xf32>,
      %broadcast_in_dim3A_273 = arith.constant 0.000000e+00 : f32
      %broadcast_in_dim3A_274 = vector.broadcast %broadcast_in_dim3A_273 : f32 to vector<16xf32>
      %swap3A_275 = arith.index_cast %scan3A_258 : i32 to index
      %swap3A_276 = arith.constant 32 : index
      %swap3A_277 = tpu.vector_load %arg8[%swap3A_275, %swap3A_276] {strides = array<i32>} : memref<128x128xf32, #tpu.memory_space<vmem>>, vector<1x16xf32>,
      %swap3A_278 = vector.shape_cast %swap3A_277 : vector<1x16xf32> to vector<16xf32>
      %swap3A_279 = vector.shape_cast %broadcast_in_dim3A_274 : vector<16xf32> to vector<1x16xf32>
      tpu.vector_store %arg8[%swap3A_275, %swap3A_276], %swap3A_279 {strides = array<i32>} : memref<128x128xf32, #tpu.memory_space<vmem>>, vector<1x16xf32>,
      %broadcast_in_dim3A_280 = arith.constant 0.000000e+00 : f32
      %broadcast_in_dim3A_281 = vector.broadcast %broadcast_in_dim3A_280 : f32 to vector<16xf32>
      %swap3A_282 = arith.index_cast %scan3A_258 : i32 to index
      %swap3A_283 = arith.constant 48 : index
      %swap3A_284 = tpu.vector_load %arg8[%swap3A_282, %swap3A_283] {strides = array<i32>} : memref<128x128xf32, #tpu.memory_space<vmem>>, vector<1x16xf32>,
      %swap3A_285 = vector.shape_cast %swap3A_284 : vector<1x16xf32> to vector<16xf32>
      %swap3A_286 = vector.shape_cast %broadcast_in_dim3A_281 : vector<16xf32> to vector<1x16xf32>
      tpu.vector_store %arg8[%swap3A_282, %swap3A_283], %swap3A_286 {strides = array<i32>} : memref<128x128xf32, #tpu.memory_space<vmem>>, vector<1x16xf32>,
      %broadcast_in_dim3A_287 = arith.constant 0.000000e+00 : f32
      %broadcast_in_dim3A_288 = vector.broadcast %broadcast_in_dim3A_287 : f32 to vector<16xf32>
      %swap3A_289 = arith.index_cast %scan3A_258 : i32 to index
      %swap3A_290 = arith.constant 64 : index
      %swap3A_291 = tpu.vector_load %arg8[%swap3A_289, %swap3A_290] {strides = array<i32>} : memref<128x128xf32, #tpu.memory_space<vmem>>, vector<1x16xf32>,
      %swap3A_292 = vector.shape_cast %swap3A_291 : vector<1x16xf32> to vector<16xf32>
      %swap3A_293 = vector.shape_cast %broadcast_in_dim3A_288 : vector<16xf32> to vector<1x16xf32>
      tpu.vector_store %arg8[%swap3A_289, %swap3A_290], %swap3A_293 {strides = array<i32>} : memref<128x128xf32, #tpu.memory_space<vmem>>, vector<1x16xf32>,
      %broadcast_in_dim3A_294 = arith.constant 0.000000e+00 : f32
      %broadcast_in_dim3A_295 = vector.broadcast %broadcast_in_dim3A_294 : f32 to vector<16xf32>
      %swap3A_296 = arith.index_cast %scan3A_258 : i32 to index
      %swap3A_297 = arith.constant 80 : index
      %swap3A_298 = tpu.vector_load %arg8[%swap3A_296, %swap3A_297] {strides = array<i32>} : memref<128x128xf32, #tpu.memory_space<vmem>>, vector<1x16xf32>,
      %swap3A_299 = vector.shape_cast %swap3A_298 : vector<1x16xf32> to vector<16xf32>
      %swap3A_300 = vector.shape_cast %broadcast_in_dim3A_295 : vector<16xf32> to vector<1x16xf32>
      tpu.vector_store %arg8[%swap3A_296, %swap3A_297], %swap3A_300 {strides = array<i32>} : memref<128x128xf32, #tpu.memory_space<vmem>>, vector<1x16xf32>,
      %broadcast_in_dim3A_301 = arith.constant 0.000000e+00 : f32
      %broadcast_in_dim3A_302 = vector.broadcast %broadcast_in_dim3A_301 : f32 to vector<16xf32>
      %swap3A_303 = arith.index_cast %scan3A_258 : i32 to index
      %swap3A_304 = arith.constant 96 : index
      %swap3A_305 = tpu.vector_load %arg8[%swap3A_303, %swap3A_304] {strides = array<i32>} : memref<128x128xf32, #tpu.memory_space<vmem>>, vector<1x16xf32>,
      %swap3A_306 = vector.shape_cast %swap3A_305 : vector<1x16xf32> to vector<16xf32>
      %swap3A_307 = vector.shape_cast %broadcast_in_dim3A_302 : vector<16xf32> to vector<1x16xf32>
      tpu.vector_store %arg8[%swap3A_303, %swap3A_304], %swap3A_307 {strides = array<i32>} : memref<128x128xf32, #tpu.memory_space<vmem>>, vector<1x16xf32>,
      %broadcast_in_dim3A_308 = arith.constant 0.000000e+00 : f32
      %broadcast_in_dim3A_309 = vector.broadcast %broadcast_in_dim3A_308 : f32 to vector<16xf32>
      %swap3A_310 = arith.index_cast %scan3A_258 : i32 to index
      %swap3A_311 = arith.constant 112 : index
      %swap3A_312 = tpu.vector_load %arg8[%swap3A_310, %swap3A_311] {strides = array<i32>} : memref<128x128xf32, #tpu.memory_space<vmem>>, vector<1x16xf32>,
      %swap3A_313 = vector.shape_cast %swap3A_312 : vector<1x16xf32> to vector<16xf32>
      %swap3A_314 = vector.shape_cast %broadcast_in_dim3A_309 : vector<16xf32> to vector<1x16xf32>
      tpu.vector_store %arg8[%swap3A_310, %swap3A_311], %swap3A_314 {strides = array<i32>} : memref<128x128xf32, #tpu.memory_space<vmem>>, vector<1x16xf32>,
    }
    %scan3A_5 = arith.constant 128 : i32
    %mul3A_6 = arith.constant 640 : i32
    %mul3A_7 = arith.muli %arg1, %mul3A_6 : i32
    %add3A_8 = arith.constant 0 : i32
    %add3A_9 = arith.addi %mul3A_7, %add3A_8 : i32
    "tpu.region"() ({
      %run_scoped3A = tpu.sem_alloc : memref<!tpu.dma_semaphore, #tpu.memory_space<semaphore_mem>>
      %dma_start3A_258 = arith.constant 0 : i32
      %dma_start3A_259 = tpu.memref_slice %arg6[%add3A_9, %dma_start3A_258] : memref<10240x128xf32, #tpu.memory_space<vmem_shared>> -> memref<128x128xf32, #tpu.memory_space<vmem_shared>>
      %dma_start3A_260 = arith.constant 0 : i32
      %dma_start3A_261 = tpu.memref_slice %arg6[%add3A_9, %dma_start3A_260] : memref<10240x128xf32, #tpu.memory_space<vmem_shared>> -> memref<128x128xf32, #tpu.memory_space<vmem_shared>>
      tpu.enqueue_dma source(%arg8 : memref<128x128xf32, #tpu.memory_space<vmem>>) target(%dma_start3A_261 : memref<128x128xf32, #tpu.memory_space<vmem_shared>>) target_semaphore(%run_scoped3A : memref<!tpu.dma_semaphore, #tpu.memory_space<semaphore_mem>>)
      %dma_wait3A_262 = arith.constant 0 : i32
      %dma_wait3A_263 = tpu.memref_slice %arg6[%add3A_9, %dma_wait3A_262] : memref<10240x128xf32, #tpu.memory_space<vmem_shared>> -> memref<128x128xf32, #tpu.memory_space<vmem_shared>>
      %dma_wait3A_264 = arith.constant 0 : i32
      %dma_wait3A_265 = tpu.memref_slice %arg6[%add3A_9, %dma_wait3A_264] : memref<10240x128xf32, #tpu.memory_space<vmem_shared>> -> memref<128x128xf32, #tpu.memory_space<vmem_shared>>
      tpu.wait_dma2 semaphore(%run_scoped3A : memref<!tpu.dma_semaphore, #tpu.memory_space<semaphore_mem>>) src(%arg8 : memref<128x128xf32, #tpu.memory_space<vmem>>) dst(%dma_wait3A_265 : memref<128x128xf32, #tpu.memory_space<vmem_shared>>)
      tpu.yield
    }) : () -> ()
    %add3A_10 = arith.constant 128 : i32
    %add3A_11 = arith.addi %mul3A_7, %add3A_10 : i32
    "tpu.region"() ({
      %run_scoped3A = tpu.sem_alloc : memref<!tpu.dma_semaphore, #tpu.memory_space<semaphore_mem>>
      %dma_start3A_258 = arith.constant 0 : i32
      %dma_start3A_259 = tpu.memref_slice %arg6[%add3A_11, %dma_start3A_258] : memref<10240x128xf32, #tpu.memory_space<vmem_shared>> -> memref<128x128xf32, #tpu.memory_space<vmem_shared>>
      %dma_start3A_260 = arith.constant 0 : i32
      %dma_start3A_261 = tpu.memref_slice %arg6[%add3A_11, %dma_start3A_260] : memref<10240x128xf32, #tpu.memory_space<vmem_shared>> -> memref<128x128xf32, #tpu.memory_space<vmem_shared>>
      tpu.enqueue_dma source(%arg8 : memref<128x128xf32, #tpu.memory_space<vmem>>) target(%dma_start3A_261 : memref<128x128xf32, #tpu.memory_space<vmem_shared>>) target_semaphore(%run_scoped3A : memref<!tpu.dma_semaphore, #tpu.memory_space<semaphore_mem>>)
      %dma_wait3A_262 = arith.constant 0 : i32
      %dma_wait3A_263 = tpu.memref_slice %arg6[%add3A_11, %dma_wait3A_262] : memref<10240x128xf32, #tpu.memory_space<vmem_shared>> -> memref<128x128xf32, #tpu.memory_space<vmem_shared>>
      %dma_wait3A_264 = arith.constant 0 : i32
      %dma_wait3A_265 = tpu.memref_slice %arg6[%add3A_11, %dma_wait3A_264] : memref<10240x128xf32, #tpu.memory_space<vmem_shared>> -> memref<128x128xf32, #tpu.memory_space<vmem_shared>>
      tpu.wait_dma2 semaphore(%run_scoped3A : memref<!tpu.dma_semaphore, #tpu.memory_space<semaphore_mem>>) src(%arg8 : memref<128x128xf32, #tpu.memory_space<vmem>>) dst(%dma_wait3A_265 : memref<128x128xf32, #tpu.memory_space<vmem_shared>>)
      tpu.yield
    }) : () -> ()
    %add3A_12 = arith.constant 256 : i32
    %add3A_13 = arith.addi %mul3A_7, %add3A_12 : i32
    "tpu.region"() ({
      %run_scoped3A = tpu.sem_alloc : memref<!tpu.dma_semaphore, #tpu.memory_space<semaphore_mem>>
      %dma_start3A_258 = arith.constant 0 : i32
      %dma_start3A_259 = tpu.memref_slice %arg6[%add3A_13, %dma_start3A_258] : memref<10240x128xf32, #tpu.memory_space<vmem_shared>> -> memref<128x128xf32, #tpu.memory_space<vmem_shared>>
      %dma_start3A_260 = arith.constant 0 : i32
      %dma_start3A_261 = tpu.memref_slice %arg6[%add3A_13, %dma_start3A_260] : memref<10240x128xf32, #tpu.memory_space<vmem_shared>> -> memref<128x128xf32, #tpu.memory_space<vmem_shared>>
      tpu.enqueue_dma source(%arg8 : memref<128x128xf32, #tpu.memory_space<vmem>>) target(%dma_start3A_261 : memref<128x128xf32, #tpu.memory_space<vmem_shared>>) target_semaphore(%run_scoped3A : memref<!tpu.dma_semaphore, #tpu.memory_space<semaphore_mem>>)
      %dma_wait3A_262 = arith.constant 0 : i32
      %dma_wait3A_263 = tpu.memref_slice %arg6[%add3A_13, %dma_wait3A_262] : memref<10240x128xf32, #tpu.memory_space<vmem_shared>> -> memref<128x128xf32, #tpu.memory_space<vmem_shared>>
      %dma_wait3A_264 = arith.constant 0 : i32
      %dma_wait3A_265 = tpu.memref_slice %arg6[%add3A_13, %dma_wait3A_264] : memref<10240x128xf32, #tpu.memory_space<vmem_shared>> -> memref<128x128xf32, #tpu.memory_space<vmem_shared>>
      tpu.wait_dma2 semaphore(%run_scoped3A : memref<!tpu.dma_semaphore, #tpu.memory_space<semaphore_mem>>) src(%arg8 : memref<128x128xf32, #tpu.memory_space<vmem>>) dst(%dma_wait3A_265 : memref<128x128xf32, #tpu.memory_space<vmem_shared>>)
      tpu.yield
    }) : () -> ()
    %add3A_14 = arith.constant 384 : i32
    %add3A_15 = arith.addi %mul3A_7, %add3A_14 : i32
    "tpu.region"() ({
      %run_scoped3A = tpu.sem_alloc : memref<!tpu.dma_semaphore, #tpu.memory_space<semaphore_mem>>
      %dma_start3A_258 = arith.constant 0 : i32
      %dma_start3A_259 = tpu.memref_slice %arg6[%add3A_15, %dma_start3A_258] : memref<10240x128xf32, #tpu.memory_space<vmem_shared>> -> memref<128x128xf32, #tpu.memory_space<vmem_shared>>
      %dma_start3A_260 = arith.constant 0 : i32
      %dma_start3A_261 = tpu.memref_slice %arg6[%add3A_15, %dma_start3A_260] : memref<10240x128xf32, #tpu.memory_space<vmem_shared>> -> memref<128x128xf32, #tpu.memory_space<vmem_shared>>
      tpu.enqueue_dma source(%arg8 : memref<128x128xf32, #tpu.memory_space<vmem>>) target(%dma_start3A_261 : memref<128x128xf32, #tpu.memory_space<vmem_shared>>) target_semaphore(%run_scoped3A : memref<!tpu.dma_semaphore, #tpu.memory_space<semaphore_mem>>)
      %dma_wait3A_262 = arith.constant 0 : i32
      %dma_wait3A_263 = tpu.memref_slice %arg6[%add3A_15, %dma_wait3A_262] : memref<10240x128xf32, #tpu.memory_space<vmem_shared>> -> memref<128x128xf32, #tpu.memory_space<vmem_shared>>
      %dma_wait3A_264 = arith.constant 0 : i32
      %dma_wait3A_265 = tpu.memref_slice %arg6[%add3A_15, %dma_wait3A_264] : memref<10240x128xf32, #tpu.memory_space<vmem_shared>> -> memref<128x128xf32, #tpu.memory_space<vmem_shared>>
      tpu.wait_dma2 semaphore(%run_scoped3A : memref<!tpu.dma_semaphore, #tpu.memory_space<semaphore_mem>>) src(%arg8 : memref<128x128xf32, #tpu.memory_space<vmem>>) dst(%dma_wait3A_265 : memref<128x128xf32, #tpu.memory_space<vmem_shared>>)
      tpu.yield
    }) : () -> ()
    %add3A_16 = arith.constant 512 : i32
    %add3A_17 = arith.addi %mul3A_7, %add3A_16 : i32
    "tpu.region"() ({
      %run_scoped3A = tpu.sem_alloc : memref<!tpu.dma_semaphore, #tpu.memory_space<semaphore_mem>>
      %dma_start3A_258 = arith.constant 0 : i32
      %dma_start3A_259 = tpu.memref_slice %arg6[%add3A_17, %dma_start3A_258] : memref<10240x128xf32, #tpu.memory_space<vmem_shared>> -> memref<128x128xf32, #tpu.memory_space<vmem_shared>>
      %dma_start3A_260 = arith.constant 0 : i32
      %dma_start3A_261 = tpu.memref_slice %arg6[%add3A_17, %dma_start3A_260] : memref<10240x128xf32, #tpu.memory_space<vmem_shared>> -> memref<128x128xf32, #tpu.memory_space<vmem_shared>>
      tpu.enqueue_dma source(%arg8 : memref<128x128xf32, #tpu.memory_space<vmem>>) target(%dma_start3A_261 : memref<128x128xf32, #tpu.memory_space<vmem_shared>>) target_semaphore(%run_scoped3A : memref<!tpu.dma_semaphore, #tpu.memory_space<semaphore_mem>>)
      %dma_wait3A_262 = arith.constant 0 : i32
      %dma_wait3A_263 = tpu.memref_slice %arg6[%add3A_17, %dma_wait3A_262] : memref<10240x128xf32, #tpu.memory_space<vmem_shared>> -> memref<128x128xf32, #tpu.memory_space<vmem_shared>>
      %dma_wait3A_264 = arith.constant 0 : i32
      %dma_wait3A_265 = tpu.memref_slice %arg6[%add3A_17, %dma_wait3A_264] : memref<10240x128xf32, #tpu.memory_space<vmem_shared>> -> memref<128x128xf32, #tpu.memory_space<vmem_shared>>
      tpu.wait_dma2 semaphore(%run_scoped3A : memref<!tpu.dma_semaphore, #tpu.memory_space<semaphore_mem>>) src(%arg8 : memref<128x128xf32, #tpu.memory_space<vmem>>) dst(%dma_wait3A_265 : memref<128x128xf32, #tpu.memory_space<vmem_shared>>)
      tpu.yield
    }) : () -> ()
    %scan3A_18 = arith.constant 0 : i32
    %scan3A_19 = arith.constant 0 : i32
    %scan3A_20 = arith.constant 128 : i32
    %scan3A_21 = arith.addi %scan3A_19, %scan3A_20 : i32
    %scan3A_22 = arith.constant 1 : i32
    scf.for %scan3A_258 = %scan3A_19 to %scan3A_21 step %scan3A_22  : i32 {
      %broadcast_in_dim3A_259 = arith.constant 0.000000e+00 : f32
      %broadcast_in_dim3A_260 = vector.broadcast %broadcast_in_dim3A_259 : f32 to vector<16xf32>
      %swap3A_261 = arith.index_cast %scan3A_258 : i32 to index
      %swap3A_262 = arith.constant 0 : index
      %swap3A_263 = tpu.vector_load %arg9[%swap3A_261, %swap3A_262] {strides = array<i32>} : memref<128x128xf32, #tpu.memory_space<vmem>>, vector<1x16xf32>,
      %swap3A_264 = vector.shape_cast %swap3A_263 : vector<1x16xf32> to vector<16xf32>
      %swap3A_265 = vector.shape_cast %broadcast_in_dim3A_260 : vector<16xf32> to vector<1x16xf32>
      tpu.vector_store %arg9[%swap3A_261, %swap3A_262], %swap3A_265 {strides = array<i32>} : memref<128x128xf32, #tpu.memory_space<vmem>>, vector<1x16xf32>,
      %broadcast_in_dim3A_266 = arith.constant 0.000000e+00 : f32
      %broadcast_in_dim3A_267 = vector.broadcast %broadcast_in_dim3A_266 : f32 to vector<16xf32>
      %swap3A_268 = arith.index_cast %scan3A_258 : i32 to index
      %swap3A_269 = arith.constant 16 : index
      %swap3A_270 = tpu.vector_load %arg9[%swap3A_268, %swap3A_269] {strides = array<i32>} : memref<128x128xf32, #tpu.memory_space<vmem>>, vector<1x16xf32>,
      %swap3A_271 = vector.shape_cast %swap3A_270 : vector<1x16xf32> to vector<16xf32>
      %swap3A_272 = vector.shape_cast %broadcast_in_dim3A_267 : vector<16xf32> to vector<1x16xf32>
      tpu.vector_store %arg9[%swap3A_268, %swap3A_269], %swap3A_272 {strides = array<i32>} : memref<128x128xf32, #tpu.memory_space<vmem>>, vector<1x16xf32>,
      %broadcast_in_dim3A_273 = arith.constant 0.000000e+00 : f32
      %broadcast_in_dim3A_274 = vector.broadcast %broadcast_in_dim3A_273 : f32 to vector<16xf32>
      %swap3A_275 = arith.index_cast %scan3A_258 : i32 to index
      %swap3A_276 = arith.constant 32 : index
      %swap3A_277 = tpu.vector_load %arg9[%swap3A_275, %swap3A_276] {strides = array<i32>} : memref<128x128xf32, #tpu.memory_space<vmem>>, vector<1x16xf32>,
      %swap3A_278 = vector.shape_cast %swap3A_277 : vector<1x16xf32> to vector<16xf32>
      %swap3A_279 = vector.shape_cast %broadcast_in_dim3A_274 : vector<16xf32> to vector<1x16xf32>
      tpu.vector_store %arg9[%swap3A_275, %swap3A_276], %swap3A_279 {strides = array<i32>} : memref<128x128xf32, #tpu.memory_space<vmem>>, vector<1x16xf32>,
      %broadcast_in_dim3A_280 = arith.constant 0.000000e+00 : f32
      %broadcast_in_dim3A_281 = vector.broadcast %broadcast_in_dim3A_280 : f32 to vector<16xf32>
      %swap3A_282 = arith.index_cast %scan3A_258 : i32 to index
      %swap3A_283 = arith.constant 48 : index
      %swap3A_284 = tpu.vector_load %arg9[%swap3A_282, %swap3A_283] {strides = array<i32>} : memref<128x128xf32, #tpu.memory_space<vmem>>, vector<1x16xf32>,
      %swap3A_285 = vector.shape_cast %swap3A_284 : vector<1x16xf32> to vector<16xf32>
      %swap3A_286 = vector.shape_cast %broadcast_in_dim3A_281 : vector<16xf32> to vector<1x16xf32>
      tpu.vector_store %arg9[%swap3A_282, %swap3A_283], %swap3A_286 {strides = array<i32>} : memref<128x128xf32, #tpu.memory_space<vmem>>, vector<1x16xf32>,
      %broadcast_in_dim3A_287 = arith.constant 0.000000e+00 : f32
      %broadcast_in_dim3A_288 = vector.broadcast %broadcast_in_dim3A_287 : f32 to vector<16xf32>
      %swap3A_289 = arith.index_cast %scan3A_258 : i32 to index
      %swap3A_290 = arith.constant 64 : index
      %swap3A_291 = tpu.vector_load %arg9[%swap3A_289, %swap3A_290] {strides = array<i32>} : memref<128x128xf32, #tpu.memory_space<vmem>>, vector<1x16xf32>,
      %swap3A_292 = vector.shape_cast %swap3A_291 : vector<1x16xf32> to vector<16xf32>
      %swap3A_293 = vector.shape_cast %broadcast_in_dim3A_288 : vector<16xf32> to vector<1x16xf32>
      tpu.vector_store %arg9[%swap3A_289, %swap3A_290], %swap3A_293 {strides = array<i32>} : memref<128x128xf32, #tpu.memory_space<vmem>>, vector<1x16xf32>,
      %broadcast_in_dim3A_294 = arith.constant 0.000000e+00 : f32
      %broadcast_in_dim3A_295 = vector.broadcast %broadcast_in_dim3A_294 : f32 to vector<16xf32>
      %swap3A_296 = arith.index_cast %scan3A_258 : i32 to index
      %swap3A_297 = arith.constant 80 : index
      %swap3A_298 = tpu.vector_load %arg9[%swap3A_296, %swap3A_297] {strides = array<i32>} : memref<128x128xf32, #tpu.memory_space<vmem>>, vector<1x16xf32>,
      %swap3A_299 = vector.shape_cast %swap3A_298 : vector<1x16xf32> to vector<16xf32>
      %swap3A_300 = vector.shape_cast %broadcast_in_dim3A_295 : vector<16xf32> to vector<1x16xf32>
      tpu.vector_store %arg9[%swap3A_296, %swap3A_297], %swap3A_300 {strides = array<i32>} : memref<128x128xf32, #tpu.memory_space<vmem>>, vector<1x16xf32>,
      %broadcast_in_dim3A_301 = arith.constant 0.000000e+00 : f32
      %broadcast_in_dim3A_302 = vector.broadcast %broadcast_in_dim3A_301 : f32 to vector<16xf32>
      %swap3A_303 = arith.index_cast %scan3A_258 : i32 to index
      %swap3A_304 = arith.constant 96 : index
      %swap3A_305 = tpu.vector_load %arg9[%swap3A_303, %swap3A_304] {strides = array<i32>} : memref<128x128xf32, #tpu.memory_space<vmem>>, vector<1x16xf32>,
      %swap3A_306 = vector.shape_cast %swap3A_305 : vector<1x16xf32> to vector<16xf32>
      %swap3A_307 = vector.shape_cast %broadcast_in_dim3A_302 : vector<16xf32> to vector<1x16xf32>
      tpu.vector_store %arg9[%swap3A_303, %swap3A_304], %swap3A_307 {strides = array<i32>} : memref<128x128xf32, #tpu.memory_space<vmem>>, vector<1x16xf32>,
      %broadcast_in_dim3A_308 = arith.constant 0.000000e+00 : f32
      %broadcast_in_dim3A_309 = vector.broadcast %broadcast_in_dim3A_308 : f32 to vector<16xf32>
      %swap3A_310 = arith.index_cast %scan3A_258 : i32 to index
      %swap3A_311 = arith.constant 112 : index
      %swap3A_312 = tpu.vector_load %arg9[%swap3A_310, %swap3A_311] {strides = array<i32>} : memref<128x128xf32, #tpu.memory_space<vmem>>, vector<1x16xf32>,
      %swap3A_313 = vector.shape_cast %swap3A_312 : vector<1x16xf32> to vector<16xf32>
      %swap3A_314 = vector.shape_cast %broadcast_in_dim3A_309 : vector<16xf32> to vector<1x16xf32>
      tpu.vector_store %arg9[%swap3A_310, %swap3A_311], %swap3A_314 {strides = array<i32>} : memref<128x128xf32, #tpu.memory_space<vmem>>, vector<1x16xf32>,
    }
    %scan3A_23 = arith.constant 128 : i32
    %broadcast_in_dim3A = arith.constant 0 : i32
    %broadcast_in_dim3A_24 = vector.broadcast %broadcast_in_dim3A : i32 to vector<16xi32>
    %swap3A = arith.constant 0 : index
    %swap3A_25 = tpu.vector_load %arg13[%swap3A] {strides = array<i32>} : memref<128xi32, #tpu.memory_space<vmem>>, vector<16xi32>,
    %swap3A_26 = vector.shape_cast %swap3A_25 : vector<16xi32> to vector<16xi32>
    %swap3A_27 = vector.shape_cast %broadcast_in_dim3A_24 : vector<16xi32> to vector<16xi32>
    tpu.vector_store %arg13[%swap3A], %swap3A_27 {strides = array<i32>} : memref<128xi32, #tpu.memory_space<vmem>>, vector<16xi32>,
    %broadcast_in_dim3A_28 = arith.constant 0 : i32
    %broadcast_in_dim3A_29 = vector.broadcast %broadcast_in_dim3A_28 : i32 to vector<16xi32>
    %swap3A_30 = arith.constant 16 : index
    %swap3A_31 = tpu.vector_load %arg13[%swap3A_30] {strides = array<i32>} : memref<128xi32, #tpu.memory_space<vmem>>, vector<16xi32>,
    %swap3A_32 = vector.shape_cast %swap3A_31 : vector<16xi32> to vector<16xi32>
    %swap3A_33 = vector.shape_cast %broadcast_in_dim3A_29 : vector<16xi32> to vector<16xi32>
    tpu.vector_store %arg13[%swap3A_30], %swap3A_33 {strides = array<i32>} : memref<128xi32, #tpu.memory_space<vmem>>, vector<16xi32>,
    %broadcast_in_dim3A_34 = arith.constant 0 : i32
    %broadcast_in_dim3A_35 = vector.broadcast %broadcast_in_dim3A_34 : i32 to vector<16xi32>
    %swap3A_36 = arith.constant 32 : index
    %swap3A_37 = tpu.vector_load %arg13[%swap3A_36] {strides = array<i32>} : memref<128xi32, #tpu.memory_space<vmem>>, vector<16xi32>,
    %swap3A_38 = vector.shape_cast %swap3A_37 : vector<16xi32> to vector<16xi32>
    %swap3A_39 = vector.shape_cast %broadcast_in_dim3A_35 : vector<16xi32> to vector<16xi32>
    tpu.vector_store %arg13[%swap3A_36], %swap3A_39 {strides = array<i32>} : memref<128xi32, #tpu.memory_space<vmem>>, vector<16xi32>,
    %broadcast_in_dim3A_40 = arith.constant 0 : i32
    %broadcast_in_dim3A_41 = vector.broadcast %broadcast_in_dim3A_40 : i32 to vector<16xi32>
    %swap3A_42 = arith.constant 48 : index
    %swap3A_43 = tpu.vector_load %arg13[%swap3A_42] {strides = array<i32>} : memref<128xi32, #tpu.memory_space<vmem>>, vector<16xi32>,
    %swap3A_44 = vector.shape_cast %swap3A_43 : vector<16xi32> to vector<16xi32>
    %swap3A_45 = vector.shape_cast %broadcast_in_dim3A_41 : vector<16xi32> to vector<16xi32>
    tpu.vector_store %arg13[%swap3A_42], %swap3A_45 {strides = array<i32>} : memref<128xi32, #tpu.memory_space<vmem>>, vector<16xi32>,
    %broadcast_in_dim3A_46 = arith.constant 0 : i32
    %broadcast_in_dim3A_47 = vector.broadcast %broadcast_in_dim3A_46 : i32 to vector<16xi32>
    %swap3A_48 = arith.constant 64 : index
    %swap3A_49 = tpu.vector_load %arg13[%swap3A_48] {strides = array<i32>} : memref<128xi32, #tpu.memory_space<vmem>>, vector<16xi32>,
    %swap3A_50 = vector.shape_cast %swap3A_49 : vector<16xi32> to vector<16xi32>
    %swap3A_51 = vector.shape_cast %broadcast_in_dim3A_47 : vector<16xi32> to vector<16xi32>
    tpu.vector_store %arg13[%swap3A_48], %swap3A_51 {strides = array<i32>} : memref<128xi32, #tpu.memory_space<vmem>>, vector<16xi32>,
    %broadcast_in_dim3A_52 = arith.constant 0 : i32
    %broadcast_in_dim3A_53 = vector.broadcast %broadcast_in_dim3A_52 : i32 to vector<16xi32>
    %swap3A_54 = arith.constant 80 : index
    %swap3A_55 = tpu.vector_load %arg13[%swap3A_54] {strides = array<i32>} : memref<128xi32, #tpu.memory_space<vmem>>, vector<16xi32>,
    %swap3A_56 = vector.shape_cast %swap3A_55 : vector<16xi32> to vector<16xi32>
    %swap3A_57 = vector.shape_cast %broadcast_in_dim3A_53 : vector<16xi32> to vector<16xi32>
    tpu.vector_store %arg13[%swap3A_54], %swap3A_57 {strides = array<i32>} : memref<128xi32, #tpu.memory_space<vmem>>, vector<16xi32>,
    %broadcast_in_dim3A_58 = arith.constant 0 : i32
    %broadcast_in_dim3A_59 = vector.broadcast %broadcast_in_dim3A_58 : i32 to vector<16xi32>
    %swap3A_60 = arith.constant 96 : index
    %swap3A_61 = tpu.vector_load %arg13[%swap3A_60] {strides = array<i32>} : memref<128xi32, #tpu.memory_space<vmem>>, vector<16xi32>,
    %swap3A_62 = vector.shape_cast %swap3A_61 : vector<16xi32> to vector<16xi32>
    %swap3A_63 = vector.shape_cast %broadcast_in_dim3A_59 : vector<16xi32> to vector<16xi32>
    tpu.vector_store %arg13[%swap3A_60], %swap3A_63 {strides = array<i32>} : memref<128xi32, #tpu.memory_space<vmem>>, vector<16xi32>,
    %broadcast_in_dim3A_64 = arith.constant 0 : i32
    %broadcast_in_dim3A_65 = vector.broadcast %broadcast_in_dim3A_64 : i32 to vector<16xi32>
    %swap3A_66 = arith.constant 112 : index
    %swap3A_67 = tpu.vector_load %arg13[%swap3A_66] {strides = array<i32>} : memref<128xi32, #tpu.memory_space<vmem>>, vector<16xi32>,
    %swap3A_68 = vector.shape_cast %swap3A_67 : vector<16xi32> to vector<16xi32>
    %swap3A_69 = vector.shape_cast %broadcast_in_dim3A_65 : vector<16xi32> to vector<16xi32>
    tpu.vector_store %arg13[%swap3A_66], %swap3A_69 {strides = array<i32>} : memref<128xi32, #tpu.memory_space<vmem>>, vector<16xi32>,
    %barrier3A = arith.constant 0 : index
    tpu.barrier barrier_id(%barrier3A)
    %mul3A_70 = arith.constant 80 : i32
    %mul3A_71 = arith.muli %add3A, %mul3A_70 : i32
    "tpu.region"() ({
      %run_scoped3A = tpu.sem_alloc : memref<!tpu.dma_semaphore, #tpu.memory_space<semaphore_mem>>
      %dma_start3A_258 = arith.constant 0 : i32
      %dma_start3A_259 = tpu.memref_slice %arg3[%mul3A_71, %dma_start3A_258] : memref<2568x128xi32, #tpu.memory_space<hbm>> -> memref<88x128xi32, #tpu.memory_space<hbm>>
      %dma_start3A_260 = arith.constant 0 : i32
      %dma_start3A_261 = tpu.memref_slice %arg3[%mul3A_71, %dma_start3A_260] : memref<2568x128xi32, #tpu.memory_space<hbm>> -> memref<88x128xi32, #tpu.memory_space<hbm>>
      tpu.enqueue_dma source(%dma_start3A_261 : memref<88x128xi32, #tpu.memory_space<hbm>>) target(%arg7 : memref<88x128xi32, #tpu.memory_space<vmem>>) target_semaphore(%run_scoped3A : memref<!tpu.dma_semaphore, #tpu.memory_space<semaphore_mem>>)
      %dma_wait3A_262 = arith.constant 0 : i32
      %dma_wait3A_263 = tpu.memref_slice %arg3[%mul3A_71, %dma_wait3A_262] : memref<2568x128xi32, #tpu.memory_space<hbm>> -> memref<88x128xi32, #tpu.memory_space<hbm>>
      %dma_wait3A_264 = arith.constant 0 : i32
      %dma_wait3A_265 = tpu.memref_slice %arg3[%mul3A_71, %dma_wait3A_264] : memref<2568x128xi32, #tpu.memory_space<hbm>> -> memref<88x128xi32, #tpu.memory_space<hbm>>
      tpu.wait_dma2 semaphore(%run_scoped3A : memref<!tpu.dma_semaphore, #tpu.memory_space<semaphore_mem>>) src(%dma_wait3A_265 : memref<88x128xi32, #tpu.memory_space<hbm>>) dst(%arg7 : memref<88x128xi32, #tpu.memory_space<vmem>>)
      tpu.yield
    }) : () -> ()
    %dma_start3A = arith.constant 0 : i32
    %dma_start3A_72 = arith.constant 0 : i32
    %dma_start3A_73 = tpu.memref_slice %arg6[%dma_start3A, %dma_start3A_72] : memref<10240x128xf32, #tpu.memory_space<vmem_shared>> -> memref<10240x128xf32, #tpu.memory_space<vmem_shared>>
    tpu.enqueue_indirect_dma source(%arg9 : memref<128x128xf32, #tpu.memory_space<vmem>>) target(%dma_start3A_73 : memref<10240x128xf32, #tpu.memory_space<vmem_shared>>) offsets(%arg13 : memref<128xi32, #tpu.memory_space<vmem>>) semaphore(%arg17 : memref<!tpu.dma_semaphore, #tpu.memory_space<semaphore_mem>>) {add = true}
    %get3A = arith.constant 0 : i32
    %get3A_74 = arith.index_cast %get3A : i32 to index
    %get3A_75 = arith.constant 0 : index
    %get3A_76 = tpu.vector_load %arg7[%get3A_74, %get3A_75] {strides = array<i32>} : memref<88x128xi32, #tpu.memory_space<vmem>>, vector<1x16xi32>,
    %get3A_77 = vector.shape_cast %get3A_76 : vector<1x16xi32> to vector<16xi32>
    %and3A = arith.constant 16383 : i32
    %and3A_78 = vector.broadcast %and3A : i32 to vector<16xi32>
    %and3A_79 = arith.andi %get3A_77, %and3A_78 : vector<16xi32>
    %swap3A_80 = arith.constant 0 : index
    %swap3A_81 = tpu.vector_load %arg10[%swap3A_80] {strides = array<i32>} : memref<128xi32, #tpu.memory_space<vmem>>, vector<16xi32>,
    %swap3A_82 = vector.shape_cast %swap3A_81 : vector<16xi32> to vector<16xi32>
    %swap3A_83 = vector.shape_cast %and3A_79 : vector<16xi32> to vector<16xi32>
    tpu.vector_store %arg10[%swap3A_80], %swap3A_83 {strides = array<i32>} : memref<128xi32, #tpu.memory_space<vmem>>, vector<16xi32>,
    %shift_right_logical3A = arith.constant 14 : i32
    %shift_right_logical3A_84 = vector.broadcast %shift_right_logical3A : i32 to vector<16xi32>
    %shift_right_logical3A_85 = arith.shrui %get3A_77, %shift_right_logical3A_84 : vector<16xi32>
    %swap3A_86 = arith.constant 0 : index
    %swap3A_87 = tpu.vector_load %arg11[%swap3A_86] {strides = array<i32>} : memref<128xi32, #tpu.memory_space<vmem>>, vector<16xi32>,
    %swap3A_88 = vector.shape_cast %swap3A_87 : vector<16xi32> to vector<16xi32>
    %swap3A_89 = vector.shape_cast %shift_right_logical3A_85 : vector<16xi32> to vector<16xi32>
    tpu.vector_store %arg11[%swap3A_86], %swap3A_89 {strides = array<i32>} : memref<128xi32, #tpu.memory_space<vmem>>, vector<16xi32>,
    %get3A_90 = arith.constant 0 : i32
    %get3A_91 = arith.index_cast %get3A_90 : i32 to index
    %get3A_92 = arith.constant 16 : index
    %get3A_93 = tpu.vector_load %arg7[%get3A_91, %get3A_92] {strides = array<i32>} : memref<88x128xi32, #tpu.memory_space<vmem>>, vector<1x16xi32>,
    %get3A_94 = vector.shape_cast %get3A_93 : vector<1x16xi32> to vector<16xi32>
    %and3A_95 = arith.constant 16383 : i32
    %and3A_96 = vector.broadcast %and3A_95 : i32 to vector<16xi32>
    %and3A_97 = arith.andi %get3A_94, %and3A_96 : vector<16xi32>
    %swap3A_98 = arith.constant 16 : index
    %swap3A_99 = tpu.vector_load %arg10[%swap3A_98] {strides = array<i32>} : memref<128xi32, #tpu.memory_space<vmem>>, vector<16xi32>,
    %swap3A_100 = vector.shape_cast %swap3A_99 : vector<16xi32> to vector<16xi32>
    %swap3A_101 = vector.shape_cast %and3A_97 : vector<16xi32> to vector<16xi32>
    tpu.vector_store %arg10[%swap3A_98], %swap3A_101 {strides = array<i32>} : memref<128xi32, #tpu.memory_space<vmem>>, vector<16xi32>,
    %shift_right_logical3A_102 = arith.constant 14 : i32
    %shift_right_logical3A_103 = vector.broadcast %shift_right_logical3A_102 : i32 to vector<16xi32>
    %shift_right_logical3A_104 = arith.shrui %get3A_94, %shift_right_logical3A_103 : vector<16xi32>
    %swap3A_105 = arith.constant 16 : index
    %swap3A_106 = tpu.vector_load %arg11[%swap3A_105] {strides = array<i32>} : memref<128xi32, #tpu.memory_space<vmem>>, vector<16xi32>,
    %swap3A_107 = vector.shape_cast %swap3A_106 : vector<16xi32> to vector<16xi32>
    %swap3A_108 = vector.shape_cast %shift_right_logical3A_104 : vector<16xi32> to vector<16xi32>
    tpu.vector_store %arg11[%swap3A_105], %swap3A_108 {strides = array<i32>} : memref<128xi32, #tpu.memory_space<vmem>>, vector<16xi32>,
    %get3A_109 = arith.constant 0 : i32
    %get3A_110 = arith.index_cast %get3A_109 : i32 to index
    %get3A_111 = arith.constant 32 : index
    %get3A_112 = tpu.vector_load %arg7[%get3A_110, %get3A_111] {strides = array<i32>} : memref<88x128xi32, #tpu.memory_space<vmem>>, vector<1x16xi32>,
    %get3A_113 = vector.shape_cast %get3A_112 : vector<1x16xi32> to vector<16xi32>
    %and3A_114 = arith.constant 16383 : i32
    %and3A_115 = vector.broadcast %and3A_114 : i32 to vector<16xi32>
    %and3A_116 = arith.andi %get3A_113, %and3A_115 : vector<16xi32>
    %swap3A_117 = arith.constant 32 : index
    %swap3A_118 = tpu.vector_load %arg10[%swap3A_117] {strides = array<i32>} : memref<128xi32, #tpu.memory_space<vmem>>, vector<16xi32>,
    %swap3A_119 = vector.shape_cast %swap3A_118 : vector<16xi32> to vector<16xi32>
    %swap3A_120 = vector.shape_cast %and3A_116 : vector<16xi32> to vector<16xi32>
    tpu.vector_store %arg10[%swap3A_117], %swap3A_120 {strides = array<i32>} : memref<128xi32, #tpu.memory_space<vmem>>, vector<16xi32>,
    %shift_right_logical3A_121 = arith.constant 14 : i32
    %shift_right_logical3A_122 = vector.broadcast %shift_right_logical3A_121 : i32 to vector<16xi32>
    %shift_right_logical3A_123 = arith.shrui %get3A_113, %shift_right_logical3A_122 : vector<16xi32>
    %swap3A_124 = arith.constant 32 : index
    %swap3A_125 = tpu.vector_load %arg11[%swap3A_124] {strides = array<i32>} : memref<128xi32, #tpu.memory_space<vmem>>, vector<16xi32>,
    %swap3A_126 = vector.shape_cast %swap3A_125 : vector<16xi32> to vector<16xi32>
    %swap3A_127 = vector.shape_cast %shift_right_logical3A_123 : vector<16xi32> to vector<16xi32>
    tpu.vector_store %arg11[%swap3A_124], %swap3A_127 {strides = array<i32>} : memref<128xi32, #tpu.memory_space<vmem>>, vector<16xi32>,
    %get3A_128 = arith.constant 0 : i32
    %get3A_129 = arith.index_cast %get3A_128 : i32 to index
    %get3A_130 = arith.constant 48 : index
    %get3A_131 = tpu.vector_load %arg7[%get3A_129, %get3A_130] {strides = array<i32>} : memref<88x128xi32, #tpu.memory_space<vmem>>, vector<1x16xi32>,
    %get3A_132 = vector.shape_cast %get3A_131 : vector<1x16xi32> to vector<16xi32>
    %and3A_133 = arith.constant 16383 : i32
    %and3A_134 = vector.broadcast %and3A_133 : i32 to vector<16xi32>
    %and3A_135 = arith.andi %get3A_132, %and3A_134 : vector<16xi32>
    %swap3A_136 = arith.constant 48 : index
    %swap3A_137 = tpu.vector_load %arg10[%swap3A_136] {strides = array<i32>} : memref<128xi32, #tpu.memory_space<vmem>>, vector<16xi32>,
    %swap3A_138 = vector.shape_cast %swap3A_137 : vector<16xi32> to vector<16xi32>
    %swap3A_139 = vector.shape_cast %and3A_135 : vector<16xi32> to vector<16xi32>
    tpu.vector_store %arg10[%swap3A_136], %swap3A_139 {strides = array<i32>} : memref<128xi32, #tpu.memory_space<vmem>>, vector<16xi32>,
    %shift_right_logical3A_140 = arith.constant 14 : i32
    %shift_right_logical3A_141 = vector.broadcast %shift_right_logical3A_140 : i32 to vector<16xi32>
    %shift_right_logical3A_142 = arith.shrui %get3A_132, %shift_right_logical3A_141 : vector<16xi32>
    %swap3A_143 = arith.constant 48 : index
    %swap3A_144 = tpu.vector_load %arg11[%swap3A_143] {strides = array<i32>} : memref<128xi32, #tpu.memory_space<vmem>>, vector<16xi32>,
    %swap3A_145 = vector.shape_cast %swap3A_144 : vector<16xi32> to vector<16xi32>
    %swap3A_146 = vector.shape_cast %shift_right_logical3A_142 : vector<16xi32> to vector<16xi32>
    tpu.vector_store %arg11[%swap3A_143], %swap3A_146 {strides = array<i32>} : memref<128xi32, #tpu.memory_space<vmem>>, vector<16xi32>,
    %get3A_147 = arith.constant 0 : i32
    %get3A_148 = arith.index_cast %get3A_147 : i32 to index
    %get3A_149 = arith.constant 64 : index
    %get3A_150 = tpu.vector_load %arg7[%get3A_148, %get3A_149] {strides = array<i32>} : memref<88x128xi32, #tpu.memory_space<vmem>>, vector<1x16xi32>,
    %get3A_151 = vector.shape_cast %get3A_150 : vector<1x16xi32> to vector<16xi32>
    %and3A_152 = arith.constant 16383 : i32
    %and3A_153 = vector.broadcast %and3A_152 : i32 to vector<16xi32>
    %and3A_154 = arith.andi %get3A_151, %and3A_153 : vector<16xi32>
    %swap3A_155 = arith.constant 64 : index
    %swap3A_156 = tpu.vector_load %arg10[%swap3A_155] {strides = array<i32>} : memref<128xi32, #tpu.memory_space<vmem>>, vector<16xi32>,
    %swap3A_157 = vector.shape_cast %swap3A_156 : vector<16xi32> to vector<16xi32>
    %swap3A_158 = vector.shape_cast %and3A_154 : vector<16xi32> to vector<16xi32>
    tpu.vector_store %arg10[%swap3A_155], %swap3A_158 {strides = array<i32>} : memref<128xi32, #tpu.memory_space<vmem>>, vector<16xi32>,
    %shift_right_logical3A_159 = arith.constant 14 : i32
    %shift_right_logical3A_160 = vector.broadcast %shift_right_logical3A_159 : i32 to vector<16xi32>
    %shift_right_logical3A_161 = arith.shrui %get3A_151, %shift_right_logical3A_160 : vector<16xi32>
    %swap3A_162 = arith.constant 64 : index
    %swap3A_163 = tpu.vector_load %arg11[%swap3A_162] {strides = array<i32>} : memref<128xi32, #tpu.memory_space<vmem>>, vector<16xi32>,
    %swap3A_164 = vector.shape_cast %swap3A_163 : vector<16xi32> to vector<16xi32>
    %swap3A_165 = vector.shape_cast %shift_right_logical3A_161 : vector<16xi32> to vector<16xi32>
    tpu.vector_store %arg11[%swap3A_162], %swap3A_165 {strides = array<i32>} : memref<128xi32, #tpu.memory_space<vmem>>, vector<16xi32>,
    %get3A_166 = arith.constant 0 : i32
    %get3A_167 = arith.index_cast %get3A_166 : i32 to index
    %get3A_168 = arith.constant 80 : index
    %get3A_169 = tpu.vector_load %arg7[%get3A_167, %get3A_168] {strides = array<i32>} : memref<88x128xi32, #tpu.memory_space<vmem>>, vector<1x16xi32>,
    %get3A_170 = vector.shape_cast %get3A_169 : vector<1x16xi32> to vector<16xi32>
    %and3A_171 = arith.constant 16383 : i32
    %and3A_172 = vector.broadcast %and3A_171 : i32 to vector<16xi32>
    %and3A_173 = arith.andi %get3A_170, %and3A_172 : vector<16xi32>
    %swap3A_174 = arith.constant 80 : index
    %swap3A_175 = tpu.vector_load %arg10[%swap3A_174] {strides = array<i32>} : memref<128xi32, #tpu.memory_space<vmem>>, vector<16xi32>,
    %swap3A_176 = vector.shape_cast %swap3A_175 : vector<16xi32> to vector<16xi32>
    %swap3A_177 = vector.shape_cast %and3A_173 : vector<16xi32> to vector<16xi32>
    tpu.vector_store %arg10[%swap3A_174], %swap3A_177 {strides = array<i32>} : memref<128xi32, #tpu.memory_space<vmem>>, vector<16xi32>,
    %shift_right_logical3A_178 = arith.constant 14 : i32
    %shift_right_logical3A_179 = vector.broadcast %shift_right_logical3A_178 : i32 to vector<16xi32>
    %shift_right_logical3A_180 = arith.shrui %get3A_170, %shift_right_logical3A_179 : vector<16xi32>
    %swap3A_181 = arith.constant 80 : index
    %swap3A_182 = tpu.vector_load %arg11[%swap3A_181] {strides = array<i32>} : memref<128xi32, #tpu.memory_space<vmem>>, vector<16xi32>,
    %swap3A_183 = vector.shape_cast %swap3A_182 : vector<16xi32> to vector<16xi32>
    %swap3A_184 = vector.shape_cast %shift_right_logical3A_180 : vector<16xi32> to vector<16xi32>
    tpu.vector_store %arg11[%swap3A_181], %swap3A_184 {strides = array<i32>} : memref<128xi32, #tpu.memory_space<vmem>>, vector<16xi32>,
    %get3A_185 = arith.constant 0 : i32
    %get3A_186 = arith.index_cast %get3A_185 : i32 to index
    %get3A_187 = arith.constant 96 : index
    %get3A_188 = tpu.vector_load %arg7[%get3A_186, %get3A_187] {strides = array<i32>} : memref<88x128xi32, #tpu.memory_space<vmem>>, vector<1x16xi32>,
    %get3A_189 = vector.shape_cast %get3A_188 : vector<1x16xi32> to vector<16xi32>
    %and3A_190 = arith.constant 16383 : i32
    %and3A_191 = vector.broadcast %and3A_190 : i32 to vector<16xi32>
    %and3A_192 = arith.andi %get3A_189, %and3A_191 : vector<16xi32>
    %swap3A_193 = arith.constant 96 : index
    %swap3A_194 = tpu.vector_load %arg10[%swap3A_193] {strides = array<i32>} : memref<128xi32, #tpu.memory_space<vmem>>, vector<16xi32>,
    %swap3A_195 = vector.shape_cast %swap3A_194 : vector<16xi32> to vector<16xi32>
    %swap3A_196 = vector.shape_cast %and3A_192 : vector<16xi32> to vector<16xi32>
    tpu.vector_store %arg10[%swap3A_193], %swap3A_196 {strides = array<i32>} : memref<128xi32, #tpu.memory_space<vmem>>, vector<16xi32>,
    %shift_right_logical3A_197 = arith.constant 14 : i32
    %shift_right_logical3A_198 = vector.broadcast %shift_right_logical3A_197 : i32 to vector<16xi32>
    %shift_right_logical3A_199 = arith.shrui %get3A_189, %shift_right_logical3A_198 : vector<16xi32>
    %swap3A_200 = arith.constant 96 : index
    %swap3A_201 = tpu.vector_load %arg11[%swap3A_200] {strides = array<i32>} : memref<128xi32, #tpu.memory_space<vmem>>, vector<16xi32>,
    %swap3A_202 = vector.shape_cast %swap3A_201 : vector<16xi32> to vector<16xi32>
    %swap3A_203 = vector.shape_cast %shift_right_logical3A_199 : vector<16xi32> to vector<16xi32>
    tpu.vector_store %arg11[%swap3A_200], %swap3A_203 {strides = array<i32>} : memref<128xi32, #tpu.memory_space<vmem>>, vector<16xi32>,
    %get3A_204 = arith.constant 0 : i32
    %get3A_205 = arith.index_cast %get3A_204 : i32 to index
    %get3A_206 = arith.constant 112 : index
    %get3A_207 = tpu.vector_load %arg7[%get3A_205, %get3A_206] {strides = array<i32>} : memref<88x128xi32, #tpu.memory_space<vmem>>, vector<1x16xi32>,
    %get3A_208 = vector.shape_cast %get3A_207 : vector<1x16xi32> to vector<16xi32>
    %and3A_209 = arith.constant 16383 : i32
    %and3A_210 = vector.broadcast %and3A_209 : i32 to vector<16xi32>
    %and3A_211 = arith.andi %get3A_208, %and3A_210 : vector<16xi32>
    %swap3A_212 = arith.constant 112 : index
    %swap3A_213 = tpu.vector_load %arg10[%swap3A_212] {strides = array<i32>} : memref<128xi32, #tpu.memory_space<vmem>>, vector<16xi32>,
    %swap3A_214 = vector.shape_cast %swap3A_213 : vector<16xi32> to vector<16xi32>
    %swap3A_215 = vector.shape_cast %and3A_211 : vector<16xi32> to vector<16xi32>
    tpu.vector_store %arg10[%swap3A_212], %swap3A_215 {strides = array<i32>} : memref<128xi32, #tpu.memory_space<vmem>>, vector<16xi32>,
    %shift_right_logical3A_216 = arith.constant 14 : i32
    %shift_right_logical3A_217 = vector.broadcast %shift_right_logical3A_216 : i32 to vector<16xi32>
    %shift_right_logical3A_218 = arith.shrui %get3A_208, %shift_right_logical3A_217 : vector<16xi32>
    %swap3A_219 = arith.constant 112 : index
    %swap3A_220 = tpu.vector_load %arg11[%swap3A_219] {strides = array<i32>} : memref<128xi32, #tpu.memory_space<vmem>>, vector<16xi32>,
    %swap3A_221 = vector.shape_cast %swap3A_220 : vector<16xi32> to vector<16xi32>
    %swap3A_222 = vector.shape_cast %shift_right_logical3A_218 : vector<16xi32> to vector<16xi32>
    tpu.vector_store %arg11[%swap3A_219], %swap3A_222 {strides = array<i32>} : memref<128xi32, #tpu.memory_space<vmem>>, vector<16xi32>,
    %dma_start3A_223 = arith.constant 0 : i32
    %dma_start3A_224 = arith.constant 0 : i32
    %dma_start3A_225 = tpu.memref_slice %arg2[%dma_start3A_223, %dma_start3A_224] : memref<10000x128xf32, #tpu.memory_space<hbm>> -> memref<10000x128xf32, #tpu.memory_space<hbm>>
    tpu.enqueue_indirect_dma source(%dma_start3A_225 : memref<10000x128xf32, #tpu.memory_space<hbm>>) target(%arg8 : memref<128x128xf32, #tpu.memory_space<vmem>>) offsets(%arg10 : memref<128xi32, #tpu.memory_space<vmem>>) semaphore(%arg16 : memref<!tpu.dma_semaphore, #tpu.memory_space<semaphore_mem>>)
    %add3A_226 = arith.constant 0 : i32
    %add3A_227 = arith.addi %mul3A_71, %add3A_226 : i32
    %dma_start3A_228 = arith.constant 0 : i32
    %dma_start3A_229 = arith.constant 0 : i32
    %dma_start3A_230 = tpu.memref_slice %arg4[%add3A_227, %dma_start3A_228, %dma_start3A_229] : memref<2568x1x128xf32, #tpu.memory_space<hbm>> -> memref<1x1x128xf32, #tpu.memory_space<hbm>>
    %dma_start3A_231 = tpu.memref_squeeze %dma_start3A_230 : memref<1x1x128xf32, #tpu.memory_space<hbm>> -> memref<1x128xf32, #tpu.memory_space<hbm>>
    %dma_start3A_232 = arith.constant 0 : i32
    %dma_start3A_233 = arith.constant 0 : i32
    %dma_start3A_234 = tpu.memref_slice %arg4[%add3A_227, %dma_start3A_232, %dma_start3A_233] : memref<2568x1x128xf32, #tpu.memory_space<hbm>> -> memref<1x1x128xf32, #tpu.memory_space<hbm>>
    %dma_start3A_235 = tpu.memref_squeeze %dma_start3A_234 : memref<1x1x128xf32, #tpu.memory_space<hbm>> -> memref<1x128xf32, #tpu.memory_space<hbm>>
    tpu.enqueue_dma source(%dma_start3A_235 : memref<1x128xf32, #tpu.memory_space<hbm>>) target(%arg14 : memref<1x128xf32, #tpu.memory_space<vmem>>) target_semaphore(%arg18 : memref<!tpu.dma_semaphore, #tpu.memory_space<semaphore_mem>>)
    %scan3A_236 = arith.constant 0 : i32
    %scan3A_237 = arith.constant 0 : i32
    %scan3A_238 = arith.constant 40 : i32
    %scan3A_239 = arith.addi %scan3A_237, %scan3A_238 : i32
    %scan3A_240 = arith.constant 1 : i32
    scf.for %scan3A_258 = %scan3A_237 to %scan3A_239 step %scan3A_240  : i32 {
      %mul3A_259 = arith.constant 2 : i32
      %mul3A_260 = arith.muli %mul3A_259, %scan3A_258 : i32
      %dma_wait3A_261 = arith.constant 0 : i32
      %dma_wait3A_262 = arith.constant 0 : i32
      %dma_wait3A_263 = tpu.memref_slice %arg6[%dma_wait3A_261, %dma_wait3A_262] : memref<10240x128xf32, #tpu.memory_space<vmem_shared>> -> memref<10240x128xf32, #tpu.memory_space<vmem_shared>>
      tpu.wait_indirect_dma semaphore(%arg17 : memref<!tpu.dma_semaphore, #tpu.memory_space<semaphore_mem>>) src(%arg9 : memref<128x128xf32, #tpu.memory_space<vmem>>) dst(%dma_wait3A_263 : memref<10240x128xf32, #tpu.memory_space<vmem_shared>>)
      %add3A_264 = arith.constant 1 : i32
      %add3A_265 = arith.addi %mul3A_260, %add3A_264 : i32
      %get3A_266 = arith.index_cast %add3A_265 : i32 to index
      %get3A_267 = arith.constant 0 : index
      %get3A_268 = tpu.vector_load %arg7[%get3A_266, %get3A_267] {strides = array<i32>} : memref<88x128xi32, #tpu.memory_space<vmem>>, vector<1x16xi32>,
      %get3A_269 = vector.shape_cast %get3A_268 : vector<1x16xi32> to vector<16xi32>
      %and3A_270 = arith.constant 16383 : i32
      %and3A_271 = vector.broadcast %and3A_270 : i32 to vector<16xi32>
      %and3A_272 = arith.andi %get3A_269, %and3A_271 : vector<16xi32>
      %swap3A_273 = arith.constant 0 : index
      %swap3A_274 = tpu.vector_load %arg12[%swap3A_273] {strides = array<i32>} : memref<128xi32, #tpu.memory_space<vmem>>, vector<16xi32>,
      %swap3A_275 = vector.shape_cast %swap3A_274 : vector<16xi32> to vector<16xi32>
      %swap3A_276 = vector.shape_cast %and3A_272 : vector<16xi32> to vector<16xi32>
      tpu.vector_store %arg12[%swap3A_273], %swap3A_276 {strides = array<i32>} : memref<128xi32, #tpu.memory_space<vmem>>, vector<16xi32>,
      %shift_right_logical3A_277 = arith.constant 14 : i32
      %shift_right_logical3A_278 = vector.broadcast %shift_right_logical3A_277 : i32 to vector<16xi32>
      %shift_right_logical3A_279 = arith.shrui %get3A_269, %shift_right_logical3A_278 : vector<16xi32>
      %swap3A_280 = arith.constant 0 : index
      %swap3A_281 = tpu.vector_load %arg13[%swap3A_280] {strides = array<i32>} : memref<128xi32, #tpu.memory_space<vmem>>, vector<16xi32>,
      %swap3A_282 = vector.shape_cast %swap3A_281 : vector<16xi32> to vector<16xi32>
      %swap3A_283 = vector.shape_cast %shift_right_logical3A_279 : vector<16xi32> to vector<16xi32>
      tpu.vector_store %arg13[%swap3A_280], %swap3A_283 {strides = array<i32>} : memref<128xi32, #tpu.memory_space<vmem>>, vector<16xi32>,
      %get3A_284 = arith.index_cast %add3A_265 : i32 to index
      %get3A_285 = arith.constant 16 : index
      %get3A_286 = tpu.vector_load %arg7[%get3A_284, %get3A_285] {strides = array<i32>} : memref<88x128xi32, #tpu.memory_space<vmem>>, vector<1x16xi32>,
      %get3A_287 = vector.shape_cast %get3A_286 : vector<1x16xi32> to vector<16xi32>
      %and3A_288 = arith.constant 16383 : i32
      %and3A_289 = vector.broadcast %and3A_288 : i32 to vector<16xi32>
      %and3A_290 = arith.andi %get3A_287, %and3A_289 : vector<16xi32>
      %swap3A_291 = arith.constant 16 : index
      %swap3A_292 = tpu.vector_load %arg12[%swap3A_291] {strides = array<i32>} : memref<128xi32, #tpu.memory_space<vmem>>, vector<16xi32>,
      %swap3A_293 = vector.shape_cast %swap3A_292 : vector<16xi32> to vector<16xi32>
      %swap3A_294 = vector.shape_cast %and3A_290 : vector<16xi32> to vector<16xi32>
      tpu.vector_store %arg12[%swap3A_291], %swap3A_294 {strides = array<i32>} : memref<128xi32, #tpu.memory_space<vmem>>, vector<16xi32>,
      %shift_right_logical3A_295 = arith.constant 14 : i32
      %shift_right_logical3A_296 = vector.broadcast %shift_right_logical3A_295 : i32 to vector<16xi32>
      %shift_right_logical3A_297 = arith.shrui %get3A_287, %shift_right_logical3A_296 : vector<16xi32>
      %swap3A_298 = arith.constant 16 : index
      %swap3A_299 = tpu.vector_load %arg13[%swap3A_298] {strides = array<i32>} : memref<128xi32, #tpu.memory_space<vmem>>, vector<16xi32>,
      %swap3A_300 = vector.shape_cast %swap3A_299 : vector<16xi32> to vector<16xi32>
      %swap3A_301 = vector.shape_cast %shift_right_logical3A_297 : vector<16xi32> to vector<16xi32>
      tpu.vector_store %arg13[%swap3A_298], %swap3A_301 {strides = array<i32>} : memref<128xi32, #tpu.memory_space<vmem>>, vector<16xi32>,
      %get3A_302 = arith.index_cast %add3A_265 : i32 to index
      %get3A_303 = arith.constant 32 : index
      %get3A_304 = tpu.vector_load %arg7[%get3A_302, %get3A_303] {strides = array<i32>} : memref<88x128xi32, #tpu.memory_space<vmem>>, vector<1x16xi32>,
      %get3A_305 = vector.shape_cast %get3A_304 : vector<1x16xi32> to vector<16xi32>
      %and3A_306 = arith.constant 16383 : i32
      %and3A_307 = vector.broadcast %and3A_306 : i32 to vector<16xi32>
      %and3A_308 = arith.andi %get3A_305, %and3A_307 : vector<16xi32>
      %swap3A_309 = arith.constant 32 : index
      %swap3A_310 = tpu.vector_load %arg12[%swap3A_309] {strides = array<i32>} : memref<128xi32, #tpu.memory_space<vmem>>, vector<16xi32>,
      %swap3A_311 = vector.shape_cast %swap3A_310 : vector<16xi32> to vector<16xi32>
      %swap3A_312 = vector.shape_cast %and3A_308 : vector<16xi32> to vector<16xi32>
      tpu.vector_store %arg12[%swap3A_309], %swap3A_312 {strides = array<i32>} : memref<128xi32, #tpu.memory_space<vmem>>, vector<16xi32>,
      %shift_right_logical3A_313 = arith.constant 14 : i32
      %shift_right_logical3A_314 = vector.broadcast %shift_right_logical3A_313 : i32 to vector<16xi32>
      %shift_right_logical3A_315 = arith.shrui %get3A_305, %shift_right_logical3A_314 : vector<16xi32>
      %swap3A_316 = arith.constant 32 : index
      %swap3A_317 = tpu.vector_load %arg13[%swap3A_316] {strides = array<i32>} : memref<128xi32, #tpu.memory_space<vmem>>, vector<16xi32>,
      %swap3A_318 = vector.shape_cast %swap3A_317 : vector<16xi32> to vector<16xi32>
      %swap3A_319 = vector.shape_cast %shift_right_logical3A_315 : vector<16xi32> to vector<16xi32>
      tpu.vector_store %arg13[%swap3A_316], %swap3A_319 {strides = array<i32>} : memref<128xi32, #tpu.memory_space<vmem>>, vector<16xi32>,
      %get3A_320 = arith.index_cast %add3A_265 : i32 to index
      %get3A_321 = arith.constant 48 : index
      %get3A_322 = tpu.vector_load %arg7[%get3A_320, %get3A_321] {strides = array<i32>} : memref<88x128xi32, #tpu.memory_space<vmem>>, vector<1x16xi32>,
      %get3A_323 = vector.shape_cast %get3A_322 : vector<1x16xi32> to vector<16xi32>
      %and3A_324 = arith.constant 16383 : i32
      %and3A_325 = vector.broadcast %and3A_324 : i32 to vector<16xi32>
      %and3A_326 = arith.andi %get3A_323, %and3A_325 : vector<16xi32>
      %swap3A_327 = arith.constant 48 : index
      %swap3A_328 = tpu.vector_load %arg12[%swap3A_327] {strides = array<i32>} : memref<128xi32, #tpu.memory_space<vmem>>, vector<16xi32>,
      %swap3A_329 = vector.shape_cast %swap3A_328 : vector<16xi32> to vector<16xi32>
      %swap3A_330 = vector.shape_cast %and3A_326 : vector<16xi32> to vector<16xi32>
      tpu.vector_store %arg12[%swap3A_327], %swap3A_330 {strides = array<i32>} : memref<128xi32, #tpu.memory_space<vmem>>, vector<16xi32>,
      %shift_right_logical3A_331 = arith.constant 14 : i32
      %shift_right_logical3A_332 = vector.broadcast %shift_right_logical3A_331 : i32 to vector<16xi32>
      %shift_right_logical3A_333 = arith.shrui %get3A_323, %shift_right_logical3A_332 : vector<16xi32>
      %swap3A_334 = arith.constant 48 : index
      %swap3A_335 = tpu.vector_load %arg13[%swap3A_334] {strides = array<i32>} : memref<128xi32, #tpu.memory_space<vmem>>, vector<16xi32>,
      %swap3A_336 = vector.shape_cast %swap3A_335 : vector<16xi32> to vector<16xi32>
      %swap3A_337 = vector.shape_cast %shift_right_logical3A_333 : vector<16xi32> to vector<16xi32>
      tpu.vector_store %arg13[%swap3A_334], %swap3A_337 {strides = array<i32>} : memref<128xi32, #tpu.memory_space<vmem>>, vector<16xi32>,
      %get3A_338 = arith.index_cast %add3A_265 : i32 to index
      %get3A_339 = arith.constant 64 : index
      %get3A_340 = tpu.vector_load %arg7[%get3A_338, %get3A_339] {strides = array<i32>} : memref<88x128xi32, #tpu.memory_space<vmem>>, vector<1x16xi32>,
      %get3A_341 = vector.shape_cast %get3A_340 : vector<1x16xi32> to vector<16xi32>
      %and3A_342 = arith.constant 16383 : i32
      %and3A_343 = vector.broadcast %and3A_342 : i32 to vector<16xi32>
      %and3A_344 = arith.andi %get3A_341, %and3A_343 : vector<16xi32>
      %swap3A_345 = arith.constant 64 : index
      %swap3A_346 = tpu.vector_load %arg12[%swap3A_345] {strides = array<i32>} : memref<128xi32, #tpu.memory_space<vmem>>, vector<16xi32>,
      %swap3A_347 = vector.shape_cast %swap3A_346 : vector<16xi32> to vector<16xi32>
      %swap3A_348 = vector.shape_cast %and3A_344 : vector<16xi32> to vector<16xi32>
      tpu.vector_store %arg12[%swap3A_345], %swap3A_348 {strides = array<i32>} : memref<128xi32, #tpu.memory_space<vmem>>, vector<16xi32>,
      %shift_right_logical3A_349 = arith.constant 14 : i32
      %shift_right_logical3A_350 = vector.broadcast %shift_right_logical3A_349 : i32 to vector<16xi32>
      %shift_right_logical3A_351 = arith.shrui %get3A_341, %shift_right_logical3A_350 : vector<16xi32>
      %swap3A_352 = arith.constant 64 : index
      %swap3A_353 = tpu.vector_load %arg13[%swap3A_352] {strides = array<i32>} : memref<128xi32, #tpu.memory_space<vmem>>, vector<16xi32>,
      %swap3A_354 = vector.shape_cast %swap3A_353 : vector<16xi32> to vector<16xi32>
      %swap3A_355 = vector.shape_cast %shift_right_logical3A_351 : vector<16xi32> to vector<16xi32>
      tpu.vector_store %arg13[%swap3A_352], %swap3A_355 {strides = array<i32>} : memref<128xi32, #tpu.memory_space<vmem>>, vector<16xi32>,
      %get3A_356 = arith.index_cast %add3A_265 : i32 to index
      %get3A_357 = arith.constant 80 : index
      %get3A_358 = tpu.vector_load %arg7[%get3A_356, %get3A_357] {strides = array<i32>} : memref<88x128xi32, #tpu.memory_space<vmem>>, vector<1x16xi32>,
      %get3A_359 = vector.shape_cast %get3A_358 : vector<1x16xi32> to vector<16xi32>
      %and3A_360 = arith.constant 16383 : i32
      %and3A_361 = vector.broadcast %and3A_360 : i32 to vector<16xi32>
      %and3A_362 = arith.andi %get3A_359, %and3A_361 : vector<16xi32>
      %swap3A_363 = arith.constant 80 : index
      %swap3A_364 = tpu.vector_load %arg12[%swap3A_363] {strides = array<i32>} : memref<128xi32, #tpu.memory_space<vmem>>, vector<16xi32>,
      %swap3A_365 = vector.shape_cast %swap3A_364 : vector<16xi32> to vector<16xi32>
      %swap3A_366 = vector.shape_cast %and3A_362 : vector<16xi32> to vector<16xi32>
      tpu.vector_store %arg12[%swap3A_363], %swap3A_366 {strides = array<i32>} : memref<128xi32, #tpu.memory_space<vmem>>, vector<16xi32>,
      %shift_right_logical3A_367 = arith.constant 14 : i32
      %shift_right_logical3A_368 = vector.broadcast %shift_right_logical3A_367 : i32 to vector<16xi32>
      %shift_right_logical3A_369 = arith.shrui %get3A_359, %shift_right_logical3A_368 : vector<16xi32>
      %swap3A_370 = arith.constant 80 : index
      %swap3A_371 = tpu.vector_load %arg13[%swap3A_370] {strides = array<i32>} : memref<128xi32, #tpu.memory_space<vmem>>, vector<16xi32>,
      %swap3A_372 = vector.shape_cast %swap3A_371 : vector<16xi32> to vector<16xi32>
      %swap3A_373 = vector.shape_cast %shift_right_logical3A_369 : vector<16xi32> to vector<16xi32>
      tpu.vector_store %arg13[%swap3A_370], %swap3A_373 {strides = array<i32>} : memref<128xi32, #tpu.memory_space<vmem>>, vector<16xi32>,
      %get3A_374 = arith.index_cast %add3A_265 : i32 to index
      %get3A_375 = arith.constant 96 : index
      %get3A_376 = tpu.vector_load %arg7[%get3A_374, %get3A_375] {strides = array<i32>} : memref<88x128xi32, #tpu.memory_space<vmem>>, vector<1x16xi32>,
      %get3A_377 = vector.shape_cast %get3A_376 : vector<1x16xi32> to vector<16xi32>
      %and3A_378 = arith.constant 16383 : i32
      %and3A_379 = vector.broadcast %and3A_378 : i32 to vector<16xi32>
      %and3A_380 = arith.andi %get3A_377, %and3A_379 : vector<16xi32>
      %swap3A_381 = arith.constant 96 : index
      %swap3A_382 = tpu.vector_load %arg12[%swap3A_381] {strides = array<i32>} : memref<128xi32, #tpu.memory_space<vmem>>, vector<16xi32>,
      %swap3A_383 = vector.shape_cast %swap3A_382 : vector<16xi32> to vector<16xi32>
      %swap3A_384 = vector.shape_cast %and3A_380 : vector<16xi32> to vector<16xi32>
      tpu.vector_store %arg12[%swap3A_381], %swap3A_384 {strides = array<i32>} : memref<128xi32, #tpu.memory_space<vmem>>, vector<16xi32>,
      %shift_right_logical3A_385 = arith.constant 14 : i32
      %shift_right_logical3A_386 = vector.broadcast %shift_right_logical3A_385 : i32 to vector<16xi32>
      %shift_right_logical3A_387 = arith.shrui %get3A_377, %shift_right_logical3A_386 : vector<16xi32>
      %swap3A_388 = arith.constant 96 : index
      %swap3A_389 = tpu.vector_load %arg13[%swap3A_388] {strides = array<i32>} : memref<128xi32, #tpu.memory_space<vmem>>, vector<16xi32>,
      %swap3A_390 = vector.shape_cast %swap3A_389 : vector<16xi32> to vector<16xi32>
      %swap3A_391 = vector.shape_cast %shift_right_logical3A_387 : vector<16xi32> to vector<16xi32>
      tpu.vector_store %arg13[%swap3A_388], %swap3A_391 {strides = array<i32>} : memref<128xi32, #tpu.memory_space<vmem>>, vector<16xi32>,
      %get3A_392 = arith.index_cast %add3A_265 : i32 to index
      %get3A_393 = arith.constant 112 : index
      %get3A_394 = tpu.vector_load %arg7[%get3A_392, %get3A_393] {strides = array<i32>} : memref<88x128xi32, #tpu.memory_space<vmem>>, vector<1x16xi32>,
      %get3A_395 = vector.shape_cast %get3A_394 : vector<1x16xi32> to vector<16xi32>
      %and3A_396 = arith.constant 16383 : i32
      %and3A_397 = vector.broadcast %and3A_396 : i32 to vector<16xi32>
      %and3A_398 = arith.andi %get3A_395, %and3A_397 : vector<16xi32>
      %swap3A_399 = arith.constant 112 : index
      %swap3A_400 = tpu.vector_load %arg12[%swap3A_399] {strides = array<i32>} : memref<128xi32, #tpu.memory_space<vmem>>, vector<16xi32>,
      %swap3A_401 = vector.shape_cast %swap3A_400 : vector<16xi32> to vector<16xi32>
      %swap3A_402 = vector.shape_cast %and3A_398 : vector<16xi32> to vector<16xi32>
      tpu.vector_store %arg12[%swap3A_399], %swap3A_402 {strides = array<i32>} : memref<128xi32, #tpu.memory_space<vmem>>, vector<16xi32>,
      %shift_right_logical3A_403 = arith.constant 14 : i32
      %shift_right_logical3A_404 = vector.broadcast %shift_right_logical3A_403 : i32 to vector<16xi32>
      %shift_right_logical3A_405 = arith.shrui %get3A_395, %shift_right_logical3A_404 : vector<16xi32>
      %swap3A_406 = arith.constant 112 : index
      %swap3A_407 = tpu.vector_load %arg13[%swap3A_406] {strides = array<i32>} : memref<128xi32, #tpu.memory_space<vmem>>, vector<16xi32>,
      %swap3A_408 = vector.shape_cast %swap3A_407 : vector<16xi32> to vector<16xi32>
      %swap3A_409 = vector.shape_cast %shift_right_logical3A_405 : vector<16xi32> to vector<16xi32>
      tpu.vector_store %arg13[%swap3A_406], %swap3A_409 {strides = array<i32>} : memref<128xi32, #tpu.memory_space<vmem>>, vector<16xi32>,
      %dma_start3A_410 = arith.constant 0 : i32
      %dma_start3A_411 = arith.constant 0 : i32
      %dma_start3A_412 = tpu.memref_slice %arg2[%dma_start3A_410, %dma_start3A_411] : memref<10000x128xf32, #tpu.memory_space<hbm>> -> memref<10000x128xf32, #tpu.memory_space<hbm>>
      tpu.enqueue_indirect_dma source(%dma_start3A_412 : memref<10000x128xf32, #tpu.memory_space<hbm>>) target(%arg9 : memref<128x128xf32, #tpu.memory_space<vmem>>) offsets(%arg12 : memref<128xi32, #tpu.memory_space<vmem>>) semaphore(%arg17 : memref<!tpu.dma_semaphore, #tpu.memory_space<semaphore_mem>>)
      %add3A_413 = arith.constant 1 : i32
      %add3A_414 = arith.addi %mul3A_260, %add3A_413 : i32
      %add3A_415 = arith.addi %mul3A_71, %add3A_414 : i32
      %dma_start3A_416 = arith.constant 0 : i32
      %dma_start3A_417 = arith.constant 0 : i32
      %dma_start3A_418 = tpu.memref_slice %arg4[%add3A_415, %dma_start3A_416, %dma_start3A_417] : memref<2568x1x128xf32, #tpu.memory_space<hbm>> -> memref<1x1x128xf32, #tpu.memory_space<hbm>>
      %dma_start3A_419 = tpu.memref_squeeze %dma_start3A_418 : memref<1x1x128xf32, #tpu.memory_space<hbm>> -> memref<1x128xf32, #tpu.memory_space<hbm>>
      %dma_start3A_420 = arith.constant 0 : i32
      %dma_start3A_421 = arith.constant 0 : i32
      %dma_start3A_422 = tpu.memref_slice %arg4[%add3A_415, %dma_start3A_420, %dma_start3A_421] : memref<2568x1x128xf32, #tpu.memory_space<hbm>> -> memref<1x1x128xf32, #tpu.memory_space<hbm>>
      %dma_start3A_423 = tpu.memref_squeeze %dma_start3A_422 : memref<1x1x128xf32, #tpu.memory_space<hbm>> -> memref<1x128xf32, #tpu.memory_space<hbm>>
      tpu.enqueue_dma source(%dma_start3A_423 : memref<1x128xf32, #tpu.memory_space<hbm>>) target(%arg15 : memref<1x128xf32, #tpu.memory_space<vmem>>) target_semaphore(%arg19 : memref<!tpu.dma_semaphore, #tpu.memory_space<semaphore_mem>>)
      %dma_wait3A_424 = arith.constant 0 : i32
      %dma_wait3A_425 = arith.constant 0 : i32
      %dma_wait3A_426 = tpu.memref_slice %arg2[%dma_wait3A_424, %dma_wait3A_425] : memref<10000x128xf32, #tpu.memory_space<hbm>> -> memref<10000x128xf32, #tpu.memory_space<hbm>>
      tpu.wait_indirect_dma semaphore(%arg16 : memref<!tpu.dma_semaphore, #tpu.memory_space<semaphore_mem>>) src(%dma_wait3A_426 : memref<10000x128xf32, #tpu.memory_space<hbm>>) dst(%arg8 : memref<128x128xf32, #tpu.memory_space<vmem>>)
      %add3A_427 = arith.addi %mul3A_71, %mul3A_260 : i32
      %dma_wait3A_428 = arith.constant 0 : i32
      %dma_wait3A_429 = arith.constant 0 : i32
      %dma_wait3A_430 = tpu.memref_slice %arg4[%add3A_427, %dma_wait3A_428, %dma_wait3A_429] : memref<2568x1x128xf32, #tpu.memory_space<hbm>> -> memref<1x1x128xf32, #tpu.memory_space<hbm>>
      %dma_wait3A_431 = tpu.memref_squeeze %dma_wait3A_430 : memref<1x1x128xf32, #tpu.memory_space<hbm>> -> memref<1x128xf32, #tpu.memory_space<hbm>>
      %dma_wait3A_432 = arith.constant 0 : i32
      %dma_wait3A_433 = arith.constant 0 : i32
      %dma_wait3A_434 = tpu.memref_slice %arg4[%add3A_427, %dma_wait3A_432, %dma_wait3A_433] : memref<2568x1x128xf32, #tpu.memory_space<hbm>> -> memref<1x1x128xf32, #tpu.memory_space<hbm>>
      %dma_wait3A_435 = tpu.memref_squeeze %dma_wait3A_434 : memref<1x1x128xf32, #tpu.memory_space<hbm>> -> memref<1x128xf32, #tpu.memory_space<hbm>>
      tpu.wait_dma2 semaphore(%arg18 : memref<!tpu.dma_semaphore, #tpu.memory_space<semaphore_mem>>) src(%dma_wait3A_435 : memref<1x128xf32, #tpu.memory_space<hbm>>) dst(%arg14 : memref<1x128xf32, #tpu.memory_space<vmem>>)
      %scan3A_436 = arith.constant 0 : i32
      %scan3A_437 = arith.constant 0 : i32
      %scan3A_438 = arith.constant 8 : i32
      %scan3A_439 = arith.addi %scan3A_437, %scan3A_438 : i32
      %scan3A_440 = arith.constant 1 : i32
      scf.for %scan3A_631 = %scan3A_437 to %scan3A_439 step %scan3A_440  : i32 {
        %mul3A_632 = arith.constant 16 : i32
        %mul3A_633 = arith.muli %scan3A_631, %mul3A_632 : i32
        %get3A_634 = arith.constant 0 : i32
        %get3A_635 = arith.index_cast %get3A_634 : i32 to index
        %get3A_636 = arith.index_cast %mul3A_633 : i32 to index
        %get3A_637 = tpu.vector_load %arg14[%get3A_635, %get3A_636] {strides = array<i32>} : memref<1x128xf32, #tpu.memory_space<vmem>>, vector<1x16xf32>,
        %get3A_638 = vector.shape_cast %get3A_637 : vector<1x16xf32> to vector<16xf32>
        %slice3A = vector.extract_strided_slice %get3A_638 {offsets = [0], sizes = [1], strides = [1]} : vector<16xf32> to vector<1xf32>
        %squeeze3A = vector.extract %slice3A[0] : f32 from vector<1xf32>
        %broadcast_in_dim3A_639 = vector.broadcast %squeeze3A : f32 to vector<16xf32>
        %mul3A_640 = arith.constant 16 : i32
        %mul3A_641 = arith.muli %scan3A_631, %mul3A_640 : i32
        %add3A_642 = arith.constant 0 : i32
        %add3A_643 = arith.addi %mul3A_641, %add3A_642 : i32
        %get3A_644 = arith.index_cast %add3A_643 : i32 to index
        %get3A_645 = arith.constant 0 : index
        %get3A_646 = tpu.vector_load %arg8[%get3A_644, %get3A_645] {strides = array<i32>} : memref<128x128xf32, #tpu.memory_space<vmem>>, vector<1x16xf32>,
        %get3A_647 = vector.shape_cast %get3A_646 : vector<1x16xf32> to vector<16xf32>
        %mul3A_648 = arith.mulf %get3A_647, %broadcast_in_dim3A_639 : vector<16xf32>
        %mul3A_649 = arith.constant 16 : i32
        %mul3A_650 = arith.muli %scan3A_631, %mul3A_649 : i32
        %add3A_651 = arith.constant 0 : i32
        %add3A_652 = arith.addi %mul3A_650, %add3A_651 : i32
        %swap3A_653 = arith.index_cast %add3A_652 : i32 to index
        %swap3A_654 = arith.constant 0 : index
        %swap3A_655 = tpu.vector_load %arg8[%swap3A_653, %swap3A_654] {strides = array<i32>} : memref<128x128xf32, #tpu.memory_space<vmem>>, vector<1x16xf32>,
        %swap3A_656 = vector.shape_cast %swap3A_655 : vector<1x16xf32> to vector<16xf32>
        %swap3A_657 = vector.shape_cast %mul3A_648 : vector<16xf32> to vector<1x16xf32>
        tpu.vector_store %arg8[%swap3A_653, %swap3A_654], %swap3A_657 {strides = array<i32>} : memref<128x128xf32, #tpu.memory_space<vmem>>, vector<1x16xf32>,
        %mul3A_658 = arith.constant 16 : i32
        %mul3A_659 = arith.muli %scan3A_631, %mul3A_658 : i32
        %add3A_660 = arith.constant 0 : i32
        %add3A_661 = arith.addi %mul3A_659, %add3A_660 : i32
        %get3A_662 = arith.index_cast %add3A_661 : i32 to index
        %get3A_663 = arith.constant 16 : index
        %get3A_664 = tpu.vector_load %arg8[%get3A_662, %get3A_663] {strides = array<i32>} : memref<128x128xf32, #tpu.memory_space<vmem>>, vector<1x16xf32>,
        %get3A_665 = vector.shape_cast %get3A_664 : vector<1x16xf32> to vector<16xf32>
        %mul3A_666 = arith.mulf %get3A_665, %broadcast_in_dim3A_639 : vector<16xf32>
        %mul3A_667 = arith.constant 16 : i32
        %mul3A_668 = arith.muli %scan3A_631, %mul3A_667 : i32
        %add3A_669 = arith.constant 0 : i32
        %add3A_670 = arith.addi %mul3A_668, %add3A_669 : i32
        %swap3A_671 = arith.index_cast %add3A_670 : i32 to index
        %swap3A_672 = arith.constant 16 : index
        %swap3A_673 = tpu.vector_load %arg8[%swap3A_671, %swap3A_672] {strides = array<i32>} : memref<128x128xf32, #tpu.memory_space<vmem>>, vector<1x16xf32>,
        %swap3A_674 = vector.shape_cast %swap3A_673 : vector<1x16xf32> to vector<16xf32>
        %swap3A_675 = vector.shape_cast %mul3A_666 : vector<16xf32> to vector<1x16xf32>
        tpu.vector_store %arg8[%swap3A_671, %swap3A_672], %swap3A_675 {strides = array<i32>} : memref<128x128xf32, #tpu.memory_space<vmem>>, vector<1x16xf32>,
        %mul3A_676 = arith.constant 16 : i32
        %mul3A_677 = arith.muli %scan3A_631, %mul3A_676 : i32
        %add3A_678 = arith.constant 0 : i32
        %add3A_679 = arith.addi %mul3A_677, %add3A_678 : i32
        %get3A_680 = arith.index_cast %add3A_679 : i32 to index
        %get3A_681 = arith.constant 32 : index
        %get3A_682 = tpu.vector_load %arg8[%get3A_680, %get3A_681] {strides = array<i32>} : memref<128x128xf32, #tpu.memory_space<vmem>>, vector<1x16xf32>,
        %get3A_683 = vector.shape_cast %get3A_682 : vector<1x16xf32> to vector<16xf32>
        %mul3A_684 = arith.mulf %get3A_683, %broadcast_in_dim3A_639 : vector<16xf32>
        %mul3A_685 = arith.constant 16 : i32
        %mul3A_686 = arith.muli %scan3A_631, %mul3A_685 : i32
        %add3A_687 = arith.constant 0 : i32
        %add3A_688 = arith.addi %mul3A_686, %add3A_687 : i32
        %swap3A_689 = arith.index_cast %add3A_688 : i32 to index
        %swap3A_690 = arith.constant 32 : index
        %swap3A_691 = tpu.vector_load %arg8[%swap3A_689, %swap3A_690] {strides = array<i32>} : memref<128x128xf32, #tpu.memory_space<vmem>>, vector<1x16xf32>,
        %swap3A_692 = vector.shape_cast %swap3A_691 : vector<1x16xf32> to vector<16xf32>
        %swap3A_693 = vector.shape_cast %mul3A_684 : vector<16xf32> to vector<1x16xf32>
        tpu.vector_store %arg8[%swap3A_689, %swap3A_690], %swap3A_693 {strides = array<i32>} : memref<128x128xf32, #tpu.memory_space<vmem>>, vector<1x16xf32>,
        %mul3A_694 = arith.constant 16 : i32
        %mul3A_695 = arith.muli %scan3A_631, %mul3A_694 : i32
        %add3A_696 = arith.constant 0 : i32
        %add3A_697 = arith.addi %mul3A_695, %add3A_696 : i32
        %get3A_698 = arith.index_cast %add3A_697 : i32 to index
        %get3A_699 = arith.constant 48 : index
        %get3A_700 = tpu.vector_load %arg8[%get3A_698, %get3A_699] {strides = array<i32>} : memref<128x128xf32, #tpu.memory_space<vmem>>, vector<1x16xf32>,
        %get3A_701 = vector.shape_cast %get3A_700 : vector<1x16xf32> to vector<16xf32>
        %mul3A_702 = arith.mulf %get3A_701, %broadcast_in_dim3A_639 : vector<16xf32>
        %mul3A_703 = arith.constant 16 : i32
        %mul3A_704 = arith.muli %scan3A_631, %mul3A_703 : i32
        %add3A_705 = arith.constant 0 : i32
        %add3A_706 = arith.addi %mul3A_704, %add3A_705 : i32
        %swap3A_707 = arith.index_cast %add3A_706 : i32 to index
        %swap3A_708 = arith.constant 48 : index
        %swap3A_709 = tpu.vector_load %arg8[%swap3A_707, %swap3A_708] {strides = array<i32>} : memref<128x128xf32, #tpu.memory_space<vmem>>, vector<1x16xf32>,
        %swap3A_710 = vector.shape_cast %swap3A_709 : vector<1x16xf32> to vector<16xf32>
        %swap3A_711 = vector.shape_cast %mul3A_702 : vector<16xf32> to vector<1x16xf32>
        tpu.vector_store %arg8[%swap3A_707, %swap3A_708], %swap3A_711 {strides = array<i32>} : memref<128x128xf32, #tpu.memory_space<vmem>>, vector<1x16xf32>,
        %mul3A_712 = arith.constant 16 : i32
        %mul3A_713 = arith.muli %scan3A_631, %mul3A_712 : i32
        %add3A_714 = arith.constant 0 : i32
        %add3A_715 = arith.addi %mul3A_713, %add3A_714 : i32
        %get3A_716 = arith.index_cast %add3A_715 : i32 to index
        %get3A_717 = arith.constant 64 : index
        %get3A_718 = tpu.vector_load %arg8[%get3A_716, %get3A_717] {strides = array<i32>} : memref<128x128xf32, #tpu.memory_space<vmem>>, vector<1x16xf32>,
        %get3A_719 = vector.shape_cast %get3A_718 : vector<1x16xf32> to vector<16xf32>
        %mul3A_720 = arith.mulf %get3A_719, %broadcast_in_dim3A_639 : vector<16xf32>
        %mul3A_721 = arith.constant 16 : i32
        %mul3A_722 = arith.muli %scan3A_631, %mul3A_721 : i32
        %add3A_723 = arith.constant 0 : i32
        %add3A_724 = arith.addi %mul3A_722, %add3A_723 : i32
        %swap3A_725 = arith.index_cast %add3A_724 : i32 to index
        %swap3A_726 = arith.constant 64 : index
        %swap3A_727 = tpu.vector_load %arg8[%swap3A_725, %swap3A_726] {strides = array<i32>} : memref<128x128xf32, #tpu.memory_space<vmem>>, vector<1x16xf32>,
        %swap3A_728 = vector.shape_cast %swap3A_727 : vector<1x16xf32> to vector<16xf32>
        %swap3A_729 = vector.shape_cast %mul3A_720 : vector<16xf32> to vector<1x16xf32>
        tpu.vector_store %arg8[%swap3A_725, %swap3A_726], %swap3A_729 {strides = array<i32>} : memref<128x128xf32, #tpu.memory_space<vmem>>, vector<1x16xf32>,
        %mul3A_730 = arith.constant 16 : i32
        %mul3A_731 = arith.muli %scan3A_631, %mul3A_730 : i32
        %add3A_732 = arith.constant 0 : i32
        %add3A_733 = arith.addi %mul3A_731, %add3A_732 : i32
        %get3A_734 = arith.index_cast %add3A_733 : i32 to index
        %get3A_735 = arith.constant 80 : index
        %get3A_736 = tpu.vector_load %arg8[%get3A_734, %get3A_735] {strides = array<i32>} : memref<128x128xf32, #tpu.memory_space<vmem>>, vector<1x16xf32>,
        %get3A_737 = vector.shape_cast %get3A_736 : vector<1x16xf32> to vector<16xf32>
        %mul3A_738 = arith.mulf %get3A_737, %broadcast_in_dim3A_639 : vector<16xf32>
        %mul3A_739 = arith.constant 16 : i32
        %mul3A_740 = arith.muli %scan3A_631, %mul3A_739 : i32
        %add3A_741 = arith.constant 0 : i32
        %add3A_742 = arith.addi %mul3A_740, %add3A_741 : i32
        %swap3A_743 = arith.index_cast %add3A_742 : i32 to index
        %swap3A_744 = arith.constant 80 : index
        %swap3A_745 = tpu.vector_load %arg8[%swap3A_743, %swap3A_744] {strides = array<i32>} : memref<128x128xf32, #tpu.memory_space<vmem>>, vector<1x16xf32>,
        %swap3A_746 = vector.shape_cast %swap3A_745 : vector<1x16xf32> to vector<16xf32>
        %swap3A_747 = vector.shape_cast %mul3A_738 : vector<16xf32> to vector<1x16xf32>
        tpu.vector_store %arg8[%swap3A_743, %swap3A_744], %swap3A_747 {strides = array<i32>} : memref<128x128xf32, #tpu.memory_space<vmem>>, vector<1x16xf32>,
        %mul3A_748 = arith.constant 16 : i32
        %mul3A_749 = arith.muli %scan3A_631, %mul3A_748 : i32
        %add3A_750 = arith.constant 0 : i32
        %add3A_751 = arith.addi %mul3A_749, %add3A_750 : i32
        %get3A_752 = arith.index_cast %add3A_751 : i32 to index
        %get3A_753 = arith.constant 96 : index
        %get3A_754 = tpu.vector_load %arg8[%get3A_752, %get3A_753] {strides = array<i32>} : memref<128x128xf32, #tpu.memory_space<vmem>>, vector<1x16xf32>,
        %get3A_755 = vector.shape_cast %get3A_754 : vector<1x16xf32> to vector<16xf32>
        %mul3A_756 = arith.mulf %get3A_755, %broadcast_in_dim3A_639 : vector<16xf32>
        %mul3A_757 = arith.constant 16 : i32
        %mul3A_758 = arith.muli %scan3A_631, %mul3A_757 : i32
        %add3A_759 = arith.constant 0 : i32
        %add3A_760 = arith.addi %mul3A_758, %add3A_759 : i32
        %swap3A_761 = arith.index_cast %add3A_760 : i32 to index
        %swap3A_762 = arith.constant 96 : index
        %swap3A_763 = tpu.vector_load %arg8[%swap3A_761, %swap3A_762] {strides = array<i32>} : memref<128x128xf32, #tpu.memory_space<vmem>>, vector<1x16xf32>,
        %swap3A_764 = vector.shape_cast %swap3A_763 : vector<1x16xf32> to vector<16xf32>
        %swap3A_765 = vector.shape_cast %mul3A_756 : vector<16xf32> to vector<1x16xf32>
        tpu.vector_store %arg8[%swap3A_761, %swap3A_762], %swap3A_765 {strides = array<i32>} : memref<128x128xf32, #tpu.memory_space<vmem>>, vector<1x16xf32>,
        %mul3A_766 = arith.constant 16 : i32
        %mul3A_767 = arith.muli %scan3A_631, %mul3A_766 : i32
        %add3A_768 = arith.constant 0 : i32
        %add3A_769 = arith.addi %mul3A_767, %add3A_768 : i32
        %get3A_770 = arith.index_cast %add3A_769 : i32 to index
        %get3A_771 = arith.constant 112 : index
        %get3A_772 = tpu.vector_load %arg8[%get3A_770, %get3A_771] {strides = array<i32>} : memref<128x128xf32, #tpu.memory_space<vmem>>, vector<1x16xf32>,
        %get3A_773 = vector.shape_cast %get3A_772 : vector<1x16xf32> to vector<16xf32>
        %mul3A_774 = arith.mulf %get3A_773, %broadcast_in_dim3A_639 : vector<16xf32>
        %mul3A_775 = arith.constant 16 : i32
        %mul3A_776 = arith.muli %scan3A_631, %mul3A_775 : i32
        %add3A_777 = arith.constant 0 : i32
        %add3A_778 = arith.addi %mul3A_776, %add3A_777 : i32
        %swap3A_779 = arith.index_cast %add3A_778 : i32 to index
        %swap3A_780 = arith.constant 112 : index
        %swap3A_781 = tpu.vector_load %arg8[%swap3A_779, %swap3A_780] {strides = array<i32>} : memref<128x128xf32, #tpu.memory_space<vmem>>, vector<1x16xf32>,
        %swap3A_782 = vector.shape_cast %swap3A_781 : vector<1x16xf32> to vector<16xf32>
        %swap3A_783 = vector.shape_cast %mul3A_774 : vector<16xf32> to vector<1x16xf32>
        tpu.vector_store %arg8[%swap3A_779, %swap3A_780], %swap3A_783 {strides = array<i32>} : memref<128x128xf32, #tpu.memory_space<vmem>>, vector<1x16xf32>,
        %slice3A_784 = vector.extract_strided_slice %get3A_638 {offsets = [1], sizes = [1], strides = [1]} : vector<16xf32> to vector<1xf32>
        %squeeze3A_785 = vector.extract %slice3A_784[0] : f32 from vector<1xf32>
        %broadcast_in_dim3A_786 = vector.broadcast %squeeze3A_785 : f32 to vector<16xf32>
        %mul3A_787 = arith.constant 16 : i32
        %mul3A_788 = arith.muli %scan3A_631, %mul3A_787 : i32
        %add3A_789 = arith.constant 1 : i32
        %add3A_790 = arith.addi %mul3A_788, %add3A_789 : i32
        %get3A_791 = arith.index_cast %add3A_790 : i32 to index
        %get3A_792 = arith.constant 0 : index
        %get3A_793 = tpu.vector_load %arg8[%get3A_791, %get3A_792] {strides = array<i32>} : memref<128x128xf32, #tpu.memory_space<vmem>>, vector<1x16xf32>,
        %get3A_794 = vector.shape_cast %get3A_793 : vector<1x16xf32> to vector<16xf32>
        %mul3A_795 = arith.mulf %get3A_794, %broadcast_in_dim3A_786 : vector<16xf32>
        %mul3A_796 = arith.constant 16 : i32
        %mul3A_797 = arith.muli %scan3A_631, %mul3A_796 : i32
        %add3A_798 = arith.constant 1 : i32
        %add3A_799 = arith.addi %mul3A_797, %add3A_798 : i32
        %swap3A_800 = arith.index_cast %add3A_799 : i32 to index
        %swap3A_801 = arith.constant 0 : index
        %swap3A_802 = tpu.vector_load %arg8[%swap3A_800, %swap3A_801] {strides = array<i32>} : memref<128x128xf32, #tpu.memory_space<vmem>>, vector<1x16xf32>,
        %swap3A_803 = vector.shape_cast %swap3A_802 : vector<1x16xf32> to vector<16xf32>
        %swap3A_804 = vector.shape_cast %mul3A_795 : vector<16xf32> to vector<1x16xf32>
        tpu.vector_store %arg8[%swap3A_800, %swap3A_801], %swap3A_804 {strides = array<i32>} : memref<128x128xf32, #tpu.memory_space<vmem>>, vector<1x16xf32>,
        %mul3A_805 = arith.constant 16 : i32
        %mul3A_806 = arith.muli %scan3A_631, %mul3A_805 : i32
        %add3A_807 = arith.constant 1 : i32
        %add3A_808 = arith.addi %mul3A_806, %add3A_807 : i32
        %get3A_809 = arith.index_cast %add3A_808 : i32 to index
        %get3A_810 = arith.constant 16 : index
        %get3A_811 = tpu.vector_load %arg8[%get3A_809, %get3A_810] {strides = array<i32>} : memref<128x128xf32, #tpu.memory_space<vmem>>, vector<1x16xf32>,
        %get3A_812 = vector.shape_cast %get3A_811 : vector<1x16xf32> to vector<16xf32>
        %mul3A_813 = arith.mulf %get3A_812, %broadcast_in_dim3A_786 : vector<16xf32>
        %mul3A_814 = arith.constant 16 : i32
        %mul3A_815 = arith.muli %scan3A_631, %mul3A_814 : i32
        %add3A_816 = arith.constant 1 : i32
        %add3A_817 = arith.addi %mul3A_815, %add3A_816 : i32
        %swap3A_818 = arith.index_cast %add3A_817 : i32 to index
        %swap3A_819 = arith.constant 16 : index
        %swap3A_820 = tpu.vector_load %arg8[%swap3A_818, %swap3A_819] {strides = array<i32>} : memref<128x128xf32, #tpu.memory_space<vmem>>, vector<1x16xf32>,
        %swap3A_821 = vector.shape_cast %swap3A_820 : vector<1x16xf32> to vector<16xf32>
        %swap3A_822 = vector.shape_cast %mul3A_813 : vector<16xf32> to vector<1x16xf32>
        tpu.vector_store %arg8[%swap3A_818, %swap3A_819], %swap3A_822 {strides = array<i32>} : memref<128x128xf32, #tpu.memory_space<vmem>>, vector<1x16xf32>,
        %mul3A_823 = arith.constant 16 : i32
        %mul3A_824 = arith.muli %scan3A_631, %mul3A_823 : i32
        %add3A_825 = arith.constant 1 : i32
        %add3A_826 = arith.addi %mul3A_824, %add3A_825 : i32
        %get3A_827 = arith.index_cast %add3A_826 : i32 to index
        %get3A_828 = arith.constant 32 : index
        %get3A_829 = tpu.vector_load %arg8[%get3A_827, %get3A_828] {strides = array<i32>} : memref<128x128xf32, #tpu.memory_space<vmem>>, vector<1x16xf32>,
        %get3A_830 = vector.shape_cast %get3A_829 : vector<1x16xf32> to vector<16xf32>
        %mul3A_831 = arith.mulf %get3A_830, %broadcast_in_dim3A_786 : vector<16xf32>
        %mul3A_832 = arith.constant 16 : i32
        %mul3A_833 = arith.muli %scan3A_631, %mul3A_832 : i32
        %add3A_834 = arith.constant 1 : i32
        %add3A_835 = arith.addi %mul3A_833, %add3A_834 : i32
        %swap3A_836 = arith.index_cast %add3A_835 : i32 to index
        %swap3A_837 = arith.constant 32 : index
        %swap3A_838 = tpu.vector_load %arg8[%swap3A_836, %swap3A_837] {strides = array<i32>} : memref<128x128xf32, #tpu.memory_space<vmem>>, vector<1x16xf32>,
        %swap3A_839 = vector.shape_cast %swap3A_838 : vector<1x16xf32> to vector<16xf32>
        %swap3A_840 = vector.shape_cast %mul3A_831 : vector<16xf32> to vector<1x16xf32>
        tpu.vector_store %arg8[%swap3A_836, %swap3A_837], %swap3A_840 {strides = array<i32>} : memref<128x128xf32, #tpu.memory_space<vmem>>, vector<1x16xf32>,
        %mul3A_841 = arith.constant 16 : i32
        %mul3A_842 = arith.muli %scan3A_631, %mul3A_841 : i32
        %add3A_843 = arith.constant 1 : i32
        %add3A_844 = arith.addi %mul3A_842, %add3A_843 : i32
        %get3A_845 = arith.index_cast %add3A_844 : i32 to index
        %get3A_846 = arith.constant 48 : index
        %get3A_847 = tpu.vector_load %arg8[%get3A_845, %get3A_846] {strides = array<i32>} : memref<128x128xf32, #tpu.memory_space<vmem>>, vector<1x16xf32>,
        %get3A_848 = vector.shape_cast %get3A_847 : vector<1x16xf32> to vector<16xf32>
        %mul3A_849 = arith.mulf %get3A_848, %broadcast_in_dim3A_786 : vector<16xf32>
        %mul3A_850 = arith.constant 16 : i32
        %mul3A_851 = arith.muli %scan3A_631, %mul3A_850 : i32
        %add3A_852 = arith.constant 1 : i32
        %add3A_853 = arith.addi %mul3A_851, %add3A_852 : i32
        %swap3A_854 = arith.index_cast %add3A_853 : i32 to index
        %swap3A_855 = arith.constant 48 : index
        %swap3A_856 = tpu.vector_load %arg8[%swap3A_854, %swap3A_855] {strides = array<i32>} : memref<128x128xf32, #tpu.memory_space<vmem>>, vector<1x16xf32>,
        %swap3A_857 = vector.shape_cast %swap3A_856 : vector<1x16xf32> to vector<16xf32>
        %swap3A_858 = vector.shape_cast %mul3A_849 : vector<16xf32> to vector<1x16xf32>
        tpu.vector_store %arg8[%swap3A_854, %swap3A_855], %swap3A_858 {strides = array<i32>} : memref<128x128xf32, #tpu.memory_space<vmem>>, vector<1x16xf32>,
        %mul3A_859 = arith.constant 16 : i32
        %mul3A_860 = arith.muli %scan3A_631, %mul3A_859 : i32
        %add3A_861 = arith.constant 1 : i32
        %add3A_862 = arith.addi %mul3A_860, %add3A_861 : i32
        %get3A_863 = arith.index_cast %add3A_862 : i32 to index
        %get3A_864 = arith.constant 64 : index
        %get3A_865 = tpu.vector_load %arg8[%get3A_863, %get3A_864] {strides = array<i32>} : memref<128x128xf32, #tpu.memory_space<vmem>>, vector<1x16xf32>,
        %get3A_866 = vector.shape_cast %get3A_865 : vector<1x16xf32> to vector<16xf32>
        %mul3A_867 = arith.mulf %get3A_866, %broadcast_in_dim3A_786 : vector<16xf32>
        %mul3A_868 = arith.constant 16 : i32
        %mul3A_869 = arith.muli %scan3A_631, %mul3A_868 : i32
        %add3A_870 = arith.constant 1 : i32
        %add3A_871 = arith.addi %mul3A_869, %add3A_870 : i32
        %swap3A_872 = arith.index_cast %add3A_871 : i32 to index
        %swap3A_873 = arith.constant 64 : index
        %swap3A_874 = tpu.vector_load %arg8[%swap3A_872, %swap3A_873] {strides = array<i32>} : memref<128x128xf32, #tpu.memory_space<vmem>>, vector<1x16xf32>,
        %swap3A_875 = vector.shape_cast %swap3A_874 : vector<1x16xf32> to vector<16xf32>
        %swap3A_876 = vector.shape_cast %mul3A_867 : vector<16xf32> to vector<1x16xf32>
        tpu.vector_store %arg8[%swap3A_872, %swap3A_873], %swap3A_876 {strides = array<i32>} : memref<128x128xf32, #tpu.memory_space<vmem>>, vector<1x16xf32>,
        %mul3A_877 = arith.constant 16 : i32
        %mul3A_878 = arith.muli %scan3A_631, %mul3A_877 : i32
        %add3A_879 = arith.constant 1 : i32
        %add3A_880 = arith.addi %mul3A_878, %add3A_879 : i32
        %get3A_881 = arith.index_cast %add3A_880 : i32 to index
        %get3A_882 = arith.constant 80 : index
        %get3A_883 = tpu.vector_load %arg8[%get3A_881, %get3A_882] {strides = array<i32>} : memref<128x128xf32, #tpu.memory_space<vmem>>, vector<1x16xf32>,
        %get3A_884 = vector.shape_cast %get3A_883 : vector<1x16xf32> to vector<16xf32>
        %mul3A_885 = arith.mulf %get3A_884, %broadcast_in_dim3A_786 : vector<16xf32>
        %mul3A_886 = arith.constant 16 : i32
        %mul3A_887 = arith.muli %scan3A_631, %mul3A_886 : i32
        %add3A_888 = arith.constant 1 : i32
        %add3A_889 = arith.addi %mul3A_887, %add3A_888 : i32
        %swap3A_890 = arith.index_cast %add3A_889 : i32 to index
        %swap3A_891 = arith.constant 80 : index
        %swap3A_892 = tpu.vector_load %arg8[%swap3A_890, %swap3A_891] {strides = array<i32>} : memref<128x128xf32, #tpu.memory_space<vmem>>, vector<1x16xf32>,
        %swap3A_893 = vector.shape_cast %swap3A_892 : vector<1x16xf32> to vector<16xf32>
        %swap3A_894 = vector.shape_cast %mul3A_885 : vector<16xf32> to vector<1x16xf32>
        tpu.vector_store %arg8[%swap3A_890, %swap3A_891], %swap3A_894 {strides = array<i32>} : memref<128x128xf32, #tpu.memory_space<vmem>>, vector<1x16xf32>,
        %mul3A_895 = arith.constant 16 : i32
        %mul3A_896 = arith.muli %scan3A_631, %mul3A_895 : i32
        %add3A_897 = arith.constant 1 : i32
        %add3A_898 = arith.addi %mul3A_896, %add3A_897 : i32
        %get3A_899 = arith.index_cast %add3A_898 : i32 to index
        %get3A_900 = arith.constant 96 : index
        %get3A_901 = tpu.vector_load %arg8[%get3A_899, %get3A_900] {strides = array<i32>} : memref<128x128xf32, #tpu.memory_space<vmem>>, vector<1x16xf32>,
        %get3A_902 = vector.shape_cast %get3A_901 : vector<1x16xf32> to vector<16xf32>
        %mul3A_903 = arith.mulf %get3A_902, %broadcast_in_dim3A_786 : vector<16xf32>
        %mul3A_904 = arith.constant 16 : i32
        %mul3A_905 = arith.muli %scan3A_631, %mul3A_904 : i32
        %add3A_906 = arith.constant 1 : i32
        %add3A_907 = arith.addi %mul3A_905, %add3A_906 : i32
        %swap3A_908 = arith.index_cast %add3A_907 : i32 to index
        %swap3A_909 = arith.constant 96 : index
        %swap3A_910 = tpu.vector_load %arg8[%swap3A_908, %swap3A_909] {strides = array<i32>} : memref<128x128xf32, #tpu.memory_space<vmem>>, vector<1x16xf32>,
        %swap3A_911 = vector.shape_cast %swap3A_910 : vector<1x16xf32> to vector<16xf32>
        %swap3A_912 = vector.shape_cast %mul3A_903 : vector<16xf32> to vector<1x16xf32>
        tpu.vector_store %arg8[%swap3A_908, %swap3A_909], %swap3A_912 {strides = array<i32>} : memref<128x128xf32, #tpu.memory_space<vmem>>, vector<1x16xf32>,
        %mul3A_913 = arith.constant 16 : i32
        %mul3A_914 = arith.muli %scan3A_631, %mul3A_913 : i32
        %add3A_915 = arith.constant 1 : i32
        %add3A_916 = arith.addi %mul3A_914, %add3A_915 : i32
        %get3A_917 = arith.index_cast %add3A_916 : i32 to index
        %get3A_918 = arith.constant 112 : index
        %get3A_919 = tpu.vector_load %arg8[%get3A_917, %get3A_918] {strides = array<i32>} : memref<128x128xf32, #tpu.memory_space<vmem>>, vector<1x16xf32>,
        %get3A_920 = vector.shape_cast %get3A_919 : vector<1x16xf32> to vector<16xf32>
        %mul3A_921 = arith.mulf %get3A_920, %broadcast_in_dim3A_786 : vector<16xf32>
        %mul3A_922 = arith.constant 16 : i32
        %mul3A_923 = arith.muli %scan3A_631, %mul3A_922 : i32
        %add3A_924 = arith.constant 1 : i32
        %add3A_925 = arith.addi %mul3A_923, %add3A_924 : i32
        %swap3A_926 = arith.index_cast %add3A_925 : i32 to index
        %swap3A_927 = arith.constant 112 : index
        %swap3A_928 = tpu.vector_load %arg8[%swap3A_926, %swap3A_927] {strides = array<i32>} : memref<128x128xf32, #tpu.memory_space<vmem>>, vector<1x16xf32>,
        %swap3A_929 = vector.shape_cast %swap3A_928 : vector<1x16xf32> to vector<16xf32>
        %swap3A_930 = vector.shape_cast %mul3A_921 : vector<16xf32> to vector<1x16xf32>
        tpu.vector_store %arg8[%swap3A_926, %swap3A_927], %swap3A_930 {strides = array<i32>} : memref<128x128xf32, #tpu.memory_space<vmem>>, vector<1x16xf32>,
        %slice3A_931 = vector.extract_strided_slice %get3A_638 {offsets = [2], sizes = [1], strides = [1]} : vector<16xf32> to vector<1xf32>
        %squeeze3A_932 = vector.extract %slice3A_931[0] : f32 from vector<1xf32>
        %broadcast_in_dim3A_933 = vector.broadcast %squeeze3A_932 : f32 to vector<16xf32>
        %mul3A_934 = arith.constant 16 : i32
        %mul3A_935 = arith.muli %scan3A_631, %mul3A_934 : i32
        %add3A_936 = arith.constant 2 : i32
        %add3A_937 = arith.addi %mul3A_935, %add3A_936 : i32
        %get3A_938 = arith.index_cast %add3A_937 : i32 to index
        %get3A_939 = arith.constant 0 : index
        %get3A_940 = tpu.vector_load %arg8[%get3A_938, %get3A_939] {strides = array<i32>} : memref<128x128xf32, #tpu.memory_space<vmem>>, vector<1x16xf32>,
        %get3A_941 = vector.shape_cast %get3A_940 : vector<1x16xf32> to vector<16xf32>
        %mul3A_942 = arith.mulf %get3A_941, %broadcast_in_dim3A_933 : vector<16xf32>
        %mul3A_943 = arith.constant 16 : i32
        %mul3A_944 = arith.muli %scan3A_631, %mul3A_943 : i32
        %add3A_945 = arith.constant 2 : i32
        %add3A_946 = arith.addi %mul3A_944, %add3A_945 : i32
        %swap3A_947 = arith.index_cast %add3A_946 : i32 to index
        %swap3A_948 = arith.constant 0 : index
        %swap3A_949 = tpu.vector_load %arg8[%swap3A_947, %swap3A_948] {strides = array<i32>} : memref<128x128xf32, #tpu.memory_space<vmem>>, vector<1x16xf32>,
        %swap3A_950 = vector.shape_cast %swap3A_949 : vector<1x16xf32> to vector<16xf32>
        %swap3A_951 = vector.shape_cast %mul3A_942 : vector<16xf32> to vector<1x16xf32>
        tpu.vector_store %arg8[%swap3A_947, %swap3A_948], %swap3A_951 {strides = array<i32>} : memref<128x128xf32, #tpu.memory_space<vmem>>, vector<1x16xf32>,
        %mul3A_952 = arith.constant 16 : i32
        %mul3A_953 = arith.muli %scan3A_631, %mul3A_952 : i32
        %add3A_954 = arith.constant 2 : i32
        %add3A_955 = arith.addi %mul3A_953, %add3A_954 : i32
        %get3A_956 = arith.index_cast %add3A_955 : i32 to index
        %get3A_957 = arith.constant 16 : index
        %get3A_958 = tpu.vector_load %arg8[%get3A_956, %get3A_957] {strides = array<i32>} : memref<128x128xf32, #tpu.memory_space<vmem>>, vector<1x16xf32>,
        %get3A_959 = vector.shape_cast %get3A_958 : vector<1x16xf32> to vector<16xf32>
        %mul3A_960 = arith.mulf %get3A_959, %broadcast_in_dim3A_933 : vector<16xf32>
        %mul3A_961 = arith.constant 16 : i32
        %mul3A_962 = arith.muli %scan3A_631, %mul3A_961 : i32
        %add3A_963 = arith.constant 2 : i32
        %add3A_964 = arith.addi %mul3A_962, %add3A_963 : i32
        %swap3A_965 = arith.index_cast %add3A_964 : i32 to index
        %swap3A_966 = arith.constant 16 : index
        %swap3A_967 = tpu.vector_load %arg8[%swap3A_965, %swap3A_966] {strides = array<i32>} : memref<128x128xf32, #tpu.memory_space<vmem>>, vector<1x16xf32>,
        %swap3A_968 = vector.shape_cast %swap3A_967 : vector<1x16xf32> to vector<16xf32>
        %swap3A_969 = vector.shape_cast %mul3A_960 : vector<16xf32> to vector<1x16xf32>
        tpu.vector_store %arg8[%swap3A_965, %swap3A_966], %swap3A_969 {strides = array<i32>} : memref<128x128xf32, #tpu.memory_space<vmem>>, vector<1x16xf32>,
        %mul3A_970 = arith.constant 16 : i32
        %mul3A_971 = arith.muli %scan3A_631, %mul3A_970 : i32
        %add3A_972 = arith.constant 2 : i32
        %add3A_973 = arith.addi %mul3A_971, %add3A_972 : i32
        %get3A_974 = arith.index_cast %add3A_973 : i32 to index
        %get3A_975 = arith.constant 32 : index
        %get3A_976 = tpu.vector_load %arg8[%get3A_974, %get3A_975] {strides = array<i32>} : memref<128x128xf32, #tpu.memory_space<vmem>>, vector<1x16xf32>,
        %get3A_977 = vector.shape_cast %get3A_976 : vector<1x16xf32> to vector<16xf32>
        %mul3A_978 = arith.mulf %get3A_977, %broadcast_in_dim3A_933 : vector<16xf32>
        %mul3A_979 = arith.constant 16 : i32
        %mul3A_980 = arith.muli %scan3A_631, %mul3A_979 : i32
        %add3A_981 = arith.constant 2 : i32
        %add3A_982 = arith.addi %mul3A_980, %add3A_981 : i32
        %swap3A_983 = arith.index_cast %add3A_982 : i32 to index
        %swap3A_984 = arith.constant 32 : index
        %swap3A_985 = tpu.vector_load %arg8[%swap3A_983, %swap3A_984] {strides = array<i32>} : memref<128x128xf32, #tpu.memory_space<vmem>>, vector<1x16xf32>,
        %swap3A_986 = vector.shape_cast %swap3A_985 : vector<1x16xf32> to vector<16xf32>
        %swap3A_987 = vector.shape_cast %mul3A_978 : vector<16xf32> to vector<1x16xf32>
        tpu.vector_store %arg8[%swap3A_983, %swap3A_984], %swap3A_987 {strides = array<i32>} : memref<128x128xf32, #tpu.memory_space<vmem>>, vector<1x16xf32>,
        %mul3A_988 = arith.constant 16 : i32
        %mul3A_989 = arith.muli %scan3A_631, %mul3A_988 : i32
        %add3A_990 = arith.constant 2 : i32
        %add3A_991 = arith.addi %mul3A_989, %add3A_990 : i32
        %get3A_992 = arith.index_cast %add3A_991 : i32 to index
        %get3A_993 = arith.constant 48 : index
        %get3A_994 = tpu.vector_load %arg8[%get3A_992, %get3A_993] {strides = array<i32>} : memref<128x128xf32, #tpu.memory_space<vmem>>, vector<1x16xf32>,
        %get3A_995 = vector.shape_cast %get3A_994 : vector<1x16xf32> to vector<16xf32>
        %mul3A_996 = arith.mulf %get3A_995, %broadcast_in_dim3A_933 : vector<16xf32>
        %mul3A_997 = arith.constant 16 : i32
        %mul3A_998 = arith.muli %scan3A_631, %mul3A_997 : i32
        %add3A_999 = arith.constant 2 : i32
        %add3A_1000 = arith.addi %mul3A_998, %add3A_999 : i32
        %swap3A_1001 = arith.index_cast %add3A_1000 : i32 to index
        %swap3A_1002 = arith.constant 48 : index
        %swap3A_1003 = tpu.vector_load %arg8[%swap3A_1001, %swap3A_1002] {strides = array<i32>} : memref<128x128xf32, #tpu.memory_space<vmem>>, vector<1x16xf32>,
        %swap3A_1004 = vector.shape_cast %swap3A_1003 : vector<1x16xf32> to vector<16xf32>
        %swap3A_1005 = vector.shape_cast %mul3A_996 : vector<16xf32> to vector<1x16xf32>
        tpu.vector_store %arg8[%swap3A_1001, %swap3A_1002], %swap3A_1005 {strides = array<i32>} : memref<128x128xf32, #tpu.memory_space<vmem>>, vector<1x16xf32>,
        %mul3A_1006 = arith.constant 16 : i32
        %mul3A_1007 = arith.muli %scan3A_631, %mul3A_1006 : i32
        %add3A_1008 = arith.constant 2 : i32
        %add3A_1009 = arith.addi %mul3A_1007, %add3A_1008 : i32
        %get3A_1010 = arith.index_cast %add3A_1009 : i32 to index
        %get3A_1011 = arith.constant 64 : index
        %get3A_1012 = tpu.vector_load %arg8[%get3A_1010, %get3A_1011] {strides = array<i32>} : memref<128x128xf32, #tpu.memory_space<vmem>>, vector<1x16xf32>,
        %get3A_1013 = vector.shape_cast %get3A_1012 : vector<1x16xf32> to vector<16xf32>
        %mul3A_1014 = arith.mulf %get3A_1013, %broadcast_in_dim3A_933 : vector<16xf32>
        %mul3A_1015 = arith.constant 16 : i32
        %mul3A_1016 = arith.muli %scan3A_631, %mul3A_1015 : i32
        %add3A_1017 = arith.constant 2 : i32
        %add3A_1018 = arith.addi %mul3A_1016, %add3A_1017 : i32
        %swap3A_1019 = arith.index_cast %add3A_1018 : i32 to index
        %swap3A_1020 = arith.constant 64 : index
        %swap3A_1021 = tpu.vector_load %arg8[%swap3A_1019, %swap3A_1020] {strides = array<i32>} : memref<128x128xf32, #tpu.memory_space<vmem>>, vector<1x16xf32>,
        %swap3A_1022 = vector.shape_cast %swap3A_1021 : vector<1x16xf32> to vector<16xf32>
        %swap3A_1023 = vector.shape_cast %mul3A_1014 : vector<16xf32> to vector<1x16xf32>
        tpu.vector_store %arg8[%swap3A_1019, %swap3A_1020], %swap3A_1023 {strides = array<i32>} : memref<128x128xf32, #tpu.memory_space<vmem>>, vector<1x16xf32>,
        %mul3A_1024 = arith.constant 16 : i32
        %mul3A_1025 = arith.muli %scan3A_631, %mul3A_1024 : i32
        %add3A_1026 = arith.constant 2 : i32
        %add3A_1027 = arith.addi %mul3A_1025, %add3A_1026 : i32
        %get3A_1028 = arith.index_cast %add3A_1027 : i32 to index
        %get3A_1029 = arith.constant 80 : index
        %get3A_1030 = tpu.vector_load %arg8[%get3A_1028, %get3A_1029] {strides = array<i32>} : memref<128x128xf32, #tpu.memory_space<vmem>>, vector<1x16xf32>,
        %get3A_1031 = vector.shape_cast %get3A_1030 : vector<1x16xf32> to vector<16xf32>
        %mul3A_1032 = arith.mulf %get3A_1031, %broadcast_in_dim3A_933 : vector<16xf32>
        %mul3A_1033 = arith.constant 16 : i32
        %mul3A_1034 = arith.muli %scan3A_631, %mul3A_1033 : i32
        %add3A_1035 = arith.constant 2 : i32
        %add3A_1036 = arith.addi %mul3A_1034, %add3A_1035 : i32
        %swap3A_1037 = arith.index_cast %add3A_1036 : i32 to index
        %swap3A_1038 = arith.constant 80 : index
        %swap3A_1039 = tpu.vector_load %arg8[%swap3A_1037, %swap3A_1038] {strides = array<i32>} : memref<128x128xf32, #tpu.memory_space<vmem>>, vector<1x16xf32>,
        %swap3A_1040 = vector.shape_cast %swap3A_1039 : vector<1x16xf32> to vector<16xf32>
        %swap3A_1041 = vector.shape_cast %mul3A_1032 : vector<16xf32> to vector<1x16xf32>
        tpu.vector_store %arg8[%swap3A_1037, %swap3A_1038], %swap3A_1041 {strides = array<i32>} : memref<128x128xf32, #tpu.memory_space<vmem>>, vector<1x16xf32>,
        %mul3A_1042 = arith.constant 16 : i32
        %mul3A_1043 = arith.muli %scan3A_631, %mul3A_1042 : i32
        %add3A_1044 = arith.constant 2 : i32
        %add3A_1045 = arith.addi %mul3A_1043, %add3A_1044 : i32
        %get3A_1046 = arith.index_cast %add3A_1045 : i32 to index
        %get3A_1047 = arith.constant 96 : index
        %get3A_1048 = tpu.vector_load %arg8[%get3A_1046, %get3A_1047] {strides = array<i32>} : memref<128x128xf32, #tpu.memory_space<vmem>>, vector<1x16xf32>,
        %get3A_1049 = vector.shape_cast %get3A_1048 : vector<1x16xf32> to vector<16xf32>
        %mul3A_1050 = arith.mulf %get3A_1049, %broadcast_in_dim3A_933 : vector<16xf32>
        %mul3A_1051 = arith.constant 16 : i32
        %mul3A_1052 = arith.muli %scan3A_631, %mul3A_1051 : i32
        %add3A_1053 = arith.constant 2 : i32
        %add3A_1054 = arith.addi %mul3A_1052, %add3A_1053 : i32
        %swap3A_1055 = arith.index_cast %add3A_1054 : i32 to index
        %swap3A_1056 = arith.constant 96 : index
        %swap3A_1057 = tpu.vector_load %arg8[%swap3A_1055, %swap3A_1056] {strides = array<i32>} : memref<128x128xf32, #tpu.memory_space<vmem>>, vector<1x16xf32>,
        %swap3A_1058 = vector.shape_cast %swap3A_1057 : vector<1x16xf32> to vector<16xf32>
        %swap3A_1059 = vector.shape_cast %mul3A_1050 : vector<16xf32> to vector<1x16xf32>
        tpu.vector_store %arg8[%swap3A_1055, %swap3A_1056], %swap3A_1059 {strides = array<i32>} : memref<128x128xf32, #tpu.memory_space<vmem>>, vector<1x16xf32>,
        %mul3A_1060 = arith.constant 16 : i32
        %mul3A_1061 = arith.muli %scan3A_631, %mul3A_1060 : i32
        %add3A_1062 = arith.constant 2 : i32
        %add3A_1063 = arith.addi %mul3A_1061, %add3A_1062 : i32
        %get3A_1064 = arith.index_cast %add3A_1063 : i32 to index
        %get3A_1065 = arith.constant 112 : index
        %get3A_1066 = tpu.vector_load %arg8[%get3A_1064, %get3A_1065] {strides = array<i32>} : memref<128x128xf32, #tpu.memory_space<vmem>>, vector<1x16xf32>,
        %get3A_1067 = vector.shape_cast %get3A_1066 : vector<1x16xf32> to vector<16xf32>
        %mul3A_1068 = arith.mulf %get3A_1067, %broadcast_in_dim3A_933 : vector<16xf32>
        %mul3A_1069 = arith.constant 16 : i32
        %mul3A_1070 = arith.muli %scan3A_631, %mul3A_1069 : i32
        %add3A_1071 = arith.constant 2 : i32
        %add3A_1072 = arith.addi %mul3A_1070, %add3A_1071 : i32
        %swap3A_1073 = arith.index_cast %add3A_1072 : i32 to index
        %swap3A_1074 = arith.constant 112 : index
        %swap3A_1075 = tpu.vector_load %arg8[%swap3A_1073, %swap3A_1074] {strides = array<i32>} : memref<128x128xf32, #tpu.memory_space<vmem>>, vector<1x16xf32>,
        %swap3A_1076 = vector.shape_cast %swap3A_1075 : vector<1x16xf32> to vector<16xf32>
        %swap3A_1077 = vector.shape_cast %mul3A_1068 : vector<16xf32> to vector<1x16xf32>
        tpu.vector_store %arg8[%swap3A_1073, %swap3A_1074], %swap3A_1077 {strides = array<i32>} : memref<128x128xf32, #tpu.memory_space<vmem>>, vector<1x16xf32>,
        %slice3A_1078 = vector.extract_strided_slice %get3A_638 {offsets = [3], sizes = [1], strides = [1]} : vector<16xf32> to vector<1xf32>
        %squeeze3A_1079 = vector.extract %slice3A_1078[0] : f32 from vector<1xf32>
        %broadcast_in_dim3A_1080 = vector.broadcast %squeeze3A_1079 : f32 to vector<16xf32>
        %mul3A_1081 = arith.constant 16 : i32
        %mul3A_1082 = arith.muli %scan3A_631, %mul3A_1081 : i32
        %add3A_1083 = arith.constant 3 : i32
        %add3A_1084 = arith.addi %mul3A_1082, %add3A_1083 : i32
        %get3A_1085 = arith.index_cast %add3A_1084 : i32 to index
        %get3A_1086 = arith.constant 0 : index
        %get3A_1087 = tpu.vector_load %arg8[%get3A_1085, %get3A_1086] {strides = array<i32>} : memref<128x128xf32, #tpu.memory_space<vmem>>, vector<1x16xf32>,
        %get3A_1088 = vector.shape_cast %get3A_1087 : vector<1x16xf32> to vector<16xf32>
        %mul3A_1089 = arith.mulf %get3A_1088, %broadcast_in_dim3A_1080 : vector<16xf32>
        %mul3A_1090 = arith.constant 16 : i32
        %mul3A_1091 = arith.muli %scan3A_631, %mul3A_1090 : i32
        %add3A_1092 = arith.constant 3 : i32
        %add3A_1093 = arith.addi %mul3A_1091, %add3A_1092 : i32
        %swap3A_1094 = arith.index_cast %add3A_1093 : i32 to index
        %swap3A_1095 = arith.constant 0 : index
        %swap3A_1096 = tpu.vector_load %arg8[%swap3A_1094, %swap3A_1095] {strides = array<i32>} : memref<128x128xf32, #tpu.memory_space<vmem>>, vector<1x16xf32>,
        %swap3A_1097 = vector.shape_cast %swap3A_1096 : vector<1x16xf32> to vector<16xf32>
        %swap3A_1098 = vector.shape_cast %mul3A_1089 : vector<16xf32> to vector<1x16xf32>
        tpu.vector_store %arg8[%swap3A_1094, %swap3A_1095], %swap3A_1098 {strides = array<i32>} : memref<128x128xf32, #tpu.memory_space<vmem>>, vector<1x16xf32>,
        %mul3A_1099 = arith.constant 16 : i32
        %mul3A_1100 = arith.muli %scan3A_631, %mul3A_1099 : i32
        %add3A_1101 = arith.constant 3 : i32
        %add3A_1102 = arith.addi %mul3A_1100, %add3A_1101 : i32
        %get3A_1103 = arith.index_cast %add3A_1102 : i32 to index
        %get3A_1104 = arith.constant 16 : index
        %get3A_1105 = tpu.vector_load %arg8[%get3A_1103, %get3A_1104] {strides = array<i32>} : memref<128x128xf32, #tpu.memory_space<vmem>>, vector<1x16xf32>,
        %get3A_1106 = vector.shape_cast %get3A_1105 : vector<1x16xf32> to vector<16xf32>
        %mul3A_1107 = arith.mulf %get3A_1106, %broadcast_in_dim3A_1080 : vector<16xf32>
        %mul3A_1108 = arith.constant 16 : i32
        %mul3A_1109 = arith.muli %scan3A_631, %mul3A_1108 : i32
        %add3A_1110 = arith.constant 3 : i32
        %add3A_1111 = arith.addi %mul3A_1109, %add3A_1110 : i32
        %swap3A_1112 = arith.index_cast %add3A_1111 : i32 to index
        %swap3A_1113 = arith.constant 16 : index
        %swap3A_1114 = tpu.vector_load %arg8[%swap3A_1112, %swap3A_1113] {strides = array<i32>} : memref<128x128xf32, #tpu.memory_space<vmem>>, vector<1x16xf32>,
        %swap3A_1115 = vector.shape_cast %swap3A_1114 : vector<1x16xf32> to vector<16xf32>
        %swap3A_1116 = vector.shape_cast %mul3A_1107 : vector<16xf32> to vector<1x16xf32>
        tpu.vector_store %arg8[%swap3A_1112, %swap3A_1113], %swap3A_1116 {strides = array<i32>} : memref<128x128xf32, #tpu.memory_space<vmem>>, vector<1x16xf32>,
        %mul3A_1117 = arith.constant 16 : i32
        %mul3A_1118 = arith.muli %scan3A_631, %mul3A_1117 : i32
        %add3A_1119 = arith.constant 3 : i32
        %add3A_1120 = arith.addi %mul3A_1118, %add3A_1119 : i32
        %get3A_1121 = arith.index_cast %add3A_1120 : i32 to index
        %get3A_1122 = arith.constant 32 : index
        %get3A_1123 = tpu.vector_load %arg8[%get3A_1121, %get3A_1122] {strides = array<i32>} : memref<128x128xf32, #tpu.memory_space<vmem>>, vector<1x16xf32>,
        %get3A_1124 = vector.shape_cast %get3A_1123 : vector<1x16xf32> to vector<16xf32>
        %mul3A_1125 = arith.mulf %get3A_1124, %broadcast_in_dim3A_1080 : vector<16xf32>
        %mul3A_1126 = arith.constant 16 : i32
        %mul3A_1127 = arith.muli %scan3A_631, %mul3A_1126 : i32
        %add3A_1128 = arith.constant 3 : i32
        %add3A_1129 = arith.addi %mul3A_1127, %add3A_1128 : i32
        %swap3A_1130 = arith.index_cast %add3A_1129 : i32 to index
        %swap3A_1131 = arith.constant 32 : index
        %swap3A_1132 = tpu.vector_load %arg8[%swap3A_1130, %swap3A_1131] {strides = array<i32>} : memref<128x128xf32, #tpu.memory_space<vmem>>, vector<1x16xf32>,
        %swap3A_1133 = vector.shape_cast %swap3A_1132 : vector<1x16xf32> to vector<16xf32>
        %swap3A_1134 = vector.shape_cast %mul3A_1125 : vector<16xf32> to vector<1x16xf32>
        tpu.vector_store %arg8[%swap3A_1130, %swap3A_1131], %swap3A_1134 {strides = array<i32>} : memref<128x128xf32, #tpu.memory_space<vmem>>, vector<1x16xf32>,
        %mul3A_1135 = arith.constant 16 : i32
        %mul3A_1136 = arith.muli %scan3A_631, %mul3A_1135 : i32
        %add3A_1137 = arith.constant 3 : i32
        %add3A_1138 = arith.addi %mul3A_1136, %add3A_1137 : i32
        %get3A_1139 = arith.index_cast %add3A_1138 : i32 to index
        %get3A_1140 = arith.constant 48 : index
        %get3A_1141 = tpu.vector_load %arg8[%get3A_1139, %get3A_1140] {strides = array<i32>} : memref<128x128xf32, #tpu.memory_space<vmem>>, vector<1x16xf32>,
        %get3A_1142 = vector.shape_cast %get3A_1141 : vector<1x16xf32> to vector<16xf32>
        %mul3A_1143 = arith.mulf %get3A_1142, %broadcast_in_dim3A_1080 : vector<16xf32>
        %mul3A_1144 = arith.constant 16 : i32
        %mul3A_1145 = arith.muli %scan3A_631, %mul3A_1144 : i32
        %add3A_1146 = arith.constant 3 : i32
        %add3A_1147 = arith.addi %mul3A_1145, %add3A_1146 : i32
        %swap3A_1148 = arith.index_cast %add3A_1147 : i32 to index
        %swap3A_1149 = arith.constant 48 : index
        %swap3A_1150 = tpu.vector_load %arg8[%swap3A_1148, %swap3A_1149] {strides = array<i32>} : memref<128x128xf32, #tpu.memory_space<vmem>>, vector<1x16xf32>,
        %swap3A_1151 = vector.shape_cast %swap3A_1150 : vector<1x16xf32> to vector<16xf32>
        %swap3A_1152 = vector.shape_cast %mul3A_1143 : vector<16xf32> to vector<1x16xf32>
        tpu.vector_store %arg8[%swap3A_1148, %swap3A_1149], %swap3A_1152 {strides = array<i32>} : memref<128x128xf32, #tpu.memory_space<vmem>>, vector<1x16xf32>,
        %mul3A_1153 = arith.constant 16 : i32
        %mul3A_1154 = arith.muli %scan3A_631, %mul3A_1153 : i32
        %add3A_1155 = arith.constant 3 : i32
        %add3A_1156 = arith.addi %mul3A_1154, %add3A_1155 : i32
        %get3A_1157 = arith.index_cast %add3A_1156 : i32 to index
        %get3A_1158 = arith.constant 64 : index
        %get3A_1159 = tpu.vector_load %arg8[%get3A_1157, %get3A_1158] {strides = array<i32>} : memref<128x128xf32, #tpu.memory_space<vmem>>, vector<1x16xf32>,
        %get3A_1160 = vector.shape_cast %get3A_1159 : vector<1x16xf32> to vector<16xf32>
        %mul3A_1161 = arith.mulf %get3A_1160, %broadcast_in_dim3A_1080 : vector<16xf32>
        %mul3A_1162 = arith.constant 16 : i32
        %mul3A_1163 = arith.muli %scan3A_631, %mul3A_1162 : i32
        %add3A_1164 = arith.constant 3 : i32
        %add3A_1165 = arith.addi %mul3A_1163, %add3A_1164 : i32
        %swap3A_1166 = arith.index_cast %add3A_1165 : i32 to index
        %swap3A_1167 = arith.constant 64 : index
        %swap3A_1168 = tpu.vector_load %arg8[%swap3A_1166, %swap3A_1167] {strides = array<i32>} : memref<128x128xf32, #tpu.memory_space<vmem>>, vector<1x16xf32>,
        %swap3A_1169 = vector.shape_cast %swap3A_1168 : vector<1x16xf32> to vector<16xf32>
        %swap3A_1170 = vector.shape_cast %mul3A_1161 : vector<16xf32> to vector<1x16xf32>
        tpu.vector_store %arg8[%swap3A_1166, %swap3A_1167], %swap3A_1170 {strides = array<i32>} : memref<128x128xf32, #tpu.memory_space<vmem>>, vector<1x16xf32>,
        %mul3A_1171 = arith.constant 16 : i32
        %mul3A_1172 = arith.muli %scan3A_631, %mul3A_1171 : i32
        %add3A_1173 = arith.constant 3 : i32
        %add3A_1174 = arith.addi %mul3A_1172, %add3A_1173 : i32
        %get3A_1175 = arith.index_cast %add3A_1174 : i32 to index
        %get3A_1176 = arith.constant 80 : index
        %get3A_1177 = tpu.vector_load %arg8[%get3A_1175, %get3A_1176] {strides = array<i32>} : memref<128x128xf32, #tpu.memory_space<vmem>>, vector<1x16xf32>,
        %get3A_1178 = vector.shape_cast %get3A_1177 : vector<1x16xf32> to vector<16xf32>
        %mul3A_1179 = arith.mulf %get3A_1178, %broadcast_in_dim3A_1080 : vector<16xf32>
        %mul3A_1180 = arith.constant 16 : i32
        %mul3A_1181 = arith.muli %scan3A_631, %mul3A_1180 : i32
        %add3A_1182 = arith.constant 3 : i32
        %add3A_1183 = arith.addi %mul3A_1181, %add3A_1182 : i32
        %swap3A_1184 = arith.index_cast %add3A_1183 : i32 to index
        %swap3A_1185 = arith.constant 80 : index
        %swap3A_1186 = tpu.vector_load %arg8[%swap3A_1184, %swap3A_1185] {strides = array<i32>} : memref<128x128xf32, #tpu.memory_space<vmem>>, vector<1x16xf32>,
        %swap3A_1187 = vector.shape_cast %swap3A_1186 : vector<1x16xf32> to vector<16xf32>
        %swap3A_1188 = vector.shape_cast %mul3A_1179 : vector<16xf32> to vector<1x16xf32>
        tpu.vector_store %arg8[%swap3A_1184, %swap3A_1185], %swap3A_1188 {strides = array<i32>} : memref<128x128xf32, #tpu.memory_space<vmem>>, vector<1x16xf32>,
        %mul3A_1189 = arith.constant 16 : i32
        %mul3A_1190 = arith.muli %scan3A_631, %mul3A_1189 : i32
        %add3A_1191 = arith.constant 3 : i32
        %add3A_1192 = arith.addi %mul3A_1190, %add3A_1191 : i32
        %get3A_1193 = arith.index_cast %add3A_1192 : i32 to index
        %get3A_1194 = arith.constant 96 : index
        %get3A_1195 = tpu.vector_load %arg8[%get3A_1193, %get3A_1194] {strides = array<i32>} : memref<128x128xf32, #tpu.memory_space<vmem>>, vector<1x16xf32>,
        %get3A_1196 = vector.shape_cast %get3A_1195 : vector<1x16xf32> to vector<16xf32>
        %mul3A_1197 = arith.mulf %get3A_1196, %broadcast_in_dim3A_1080 : vector<16xf32>
        %mul3A_1198 = arith.constant 16 : i32
        %mul3A_1199 = arith.muli %scan3A_631, %mul3A_1198 : i32
        %add3A_1200 = arith.constant 3 : i32
        %add3A_1201 = arith.addi %mul3A_1199, %add3A_1200 : i32
        %swap3A_1202 = arith.index_cast %add3A_1201 : i32 to index
        %swap3A_1203 = arith.constant 96 : index
        %swap3A_1204 = tpu.vector_load %arg8[%swap3A_1202, %swap3A_1203] {strides = array<i32>} : memref<128x128xf32, #tpu.memory_space<vmem>>, vector<1x16xf32>,
        %swap3A_1205 = vector.shape_cast %swap3A_1204 : vector<1x16xf32> to vector<16xf32>
        %swap3A_1206 = vector.shape_cast %mul3A_1197 : vector<16xf32> to vector<1x16xf32>
        tpu.vector_store %arg8[%swap3A_1202, %swap3A_1203], %swap3A_1206 {strides = array<i32>} : memref<128x128xf32, #tpu.memory_space<vmem>>, vector<1x16xf32>,
        %mul3A_1207 = arith.constant 16 : i32
        %mul3A_1208 = arith.muli %scan3A_631, %mul3A_1207 : i32
        %add3A_1209 = arith.constant 3 : i32
        %add3A_1210 = arith.addi %mul3A_1208, %add3A_1209 : i32
        %get3A_1211 = arith.index_cast %add3A_1210 : i32 to index
        %get3A_1212 = arith.constant 112 : index
        %get3A_1213 = tpu.vector_load %arg8[%get3A_1211, %get3A_1212] {strides = array<i32>} : memref<128x128xf32, #tpu.memory_space<vmem>>, vector<1x16xf32>,
        %get3A_1214 = vector.shape_cast %get3A_1213 : vector<1x16xf32> to vector<16xf32>
        %mul3A_1215 = arith.mulf %get3A_1214, %broadcast_in_dim3A_1080 : vector<16xf32>
        %mul3A_1216 = arith.constant 16 : i32
        %mul3A_1217 = arith.muli %scan3A_631, %mul3A_1216 : i32
        %add3A_1218 = arith.constant 3 : i32
        %add3A_1219 = arith.addi %mul3A_1217, %add3A_1218 : i32
        %swap3A_1220 = arith.index_cast %add3A_1219 : i32 to index
        %swap3A_1221 = arith.constant 112 : index
        %swap3A_1222 = tpu.vector_load %arg8[%swap3A_1220, %swap3A_1221] {strides = array<i32>} : memref<128x128xf32, #tpu.memory_space<vmem>>, vector<1x16xf32>,
        %swap3A_1223 = vector.shape_cast %swap3A_1222 : vector<1x16xf32> to vector<16xf32>
        %swap3A_1224 = vector.shape_cast %mul3A_1215 : vector<16xf32> to vector<1x16xf32>
        tpu.vector_store %arg8[%swap3A_1220, %swap3A_1221], %swap3A_1224 {strides = array<i32>} : memref<128x128xf32, #tpu.memory_space<vmem>>, vector<1x16xf32>,
        %slice3A_1225 = vector.extract_strided_slice %get3A_638 {offsets = [4], sizes = [1], strides = [1]} : vector<16xf32> to vector<1xf32>
        %squeeze3A_1226 = vector.extract %slice3A_1225[0] : f32 from vector<1xf32>
        %broadcast_in_dim3A_1227 = vector.broadcast %squeeze3A_1226 : f32 to vector<16xf32>
        %mul3A_1228 = arith.constant 16 : i32
        %mul3A_1229 = arith.muli %scan3A_631, %mul3A_1228 : i32
        %add3A_1230 = arith.constant 4 : i32
        %add3A_1231 = arith.addi %mul3A_1229, %add3A_1230 : i32
        %get3A_1232 = arith.index_cast %add3A_1231 : i32 to index
        %get3A_1233 = arith.constant 0 : index
        %get3A_1234 = tpu.vector_load %arg8[%get3A_1232, %get3A_1233] {strides = array<i32>} : memref<128x128xf32, #tpu.memory_space<vmem>>, vector<1x16xf32>,
        %get3A_1235 = vector.shape_cast %get3A_1234 : vector<1x16xf32> to vector<16xf32>
        %mul3A_1236 = arith.mulf %get3A_1235, %broadcast_in_dim3A_1227 : vector<16xf32>
        %mul3A_1237 = arith.constant 16 : i32
        %mul3A_1238 = arith.muli %scan3A_631, %mul3A_1237 : i32
        %add3A_1239 = arith.constant 4 : i32
        %add3A_1240 = arith.addi %mul3A_1238, %add3A_1239 : i32
        %swap3A_1241 = arith.index_cast %add3A_1240 : i32 to index
        %swap3A_1242 = arith.constant 0 : index
        %swap3A_1243 = tpu.vector_load %arg8[%swap3A_1241, %swap3A_1242] {strides = array<i32>} : memref<128x128xf32, #tpu.memory_space<vmem>>, vector<1x16xf32>,
        %swap3A_1244 = vector.shape_cast %swap3A_1243 : vector<1x16xf32> to vector<16xf32>
        %swap3A_1245 = vector.shape_cast %mul3A_1236 : vector<16xf32> to vector<1x16xf32>
        tpu.vector_store %arg8[%swap3A_1241, %swap3A_1242], %swap3A_1245 {strides = array<i32>} : memref<128x128xf32, #tpu.memory_space<vmem>>, vector<1x16xf32>,
        %mul3A_1246 = arith.constant 16 : i32
        %mul3A_1247 = arith.muli %scan3A_631, %mul3A_1246 : i32
        %add3A_1248 = arith.constant 4 : i32
        %add3A_1249 = arith.addi %mul3A_1247, %add3A_1248 : i32
        %get3A_1250 = arith.index_cast %add3A_1249 : i32 to index
        %get3A_1251 = arith.constant 16 : index
        %get3A_1252 = tpu.vector_load %arg8[%get3A_1250, %get3A_1251] {strides = array<i32>} : memref<128x128xf32, #tpu.memory_space<vmem>>, vector<1x16xf32>,
        %get3A_1253 = vector.shape_cast %get3A_1252 : vector<1x16xf32> to vector<16xf32>
        %mul3A_1254 = arith.mulf %get3A_1253, %broadcast_in_dim3A_1227 : vector<16xf32>
        %mul3A_1255 = arith.constant 16 : i32
        %mul3A_1256 = arith.muli %scan3A_631, %mul3A_1255 : i32
        %add3A_1257 = arith.constant 4 : i32
        %add3A_1258 = arith.addi %mul3A_1256, %add3A_1257 : i32
        %swap3A_1259 = arith.index_cast %add3A_1258 : i32 to index
        %swap3A_1260 = arith.constant 16 : index
        %swap3A_1261 = tpu.vector_load %arg8[%swap3A_1259, %swap3A_1260] {strides = array<i32>} : memref<128x128xf32, #tpu.memory_space<vmem>>, vector<1x16xf32>,
        %swap3A_1262 = vector.shape_cast %swap3A_1261 : vector<1x16xf32> to vector<16xf32>
        %swap3A_1263 = vector.shape_cast %mul3A_1254 : vector<16xf32> to vector<1x16xf32>
        tpu.vector_store %arg8[%swap3A_1259, %swap3A_1260], %swap3A_1263 {strides = array<i32>} : memref<128x128xf32, #tpu.memory_space<vmem>>, vector<1x16xf32>,
        %mul3A_1264 = arith.constant 16 : i32
        %mul3A_1265 = arith.muli %scan3A_631, %mul3A_1264 : i32
        %add3A_1266 = arith.constant 4 : i32
        %add3A_1267 = arith.addi %mul3A_1265, %add3A_1266 : i32
        %get3A_1268 = arith.index_cast %add3A_1267 : i32 to index
        %get3A_1269 = arith.constant 32 : index
        %get3A_1270 = tpu.vector_load %arg8[%get3A_1268, %get3A_1269] {strides = array<i32>} : memref<128x128xf32, #tpu.memory_space<vmem>>, vector<1x16xf32>,
        %get3A_1271 = vector.shape_cast %get3A_1270 : vector<1x16xf32> to vector<16xf32>
        %mul3A_1272 = arith.mulf %get3A_1271, %broadcast_in_dim3A_1227 : vector<16xf32>
        %mul3A_1273 = arith.constant 16 : i32
        %mul3A_1274 = arith.muli %scan3A_631, %mul3A_1273 : i32
        %add3A_1275 = arith.constant 4 : i32
        %add3A_1276 = arith.addi %mul3A_1274, %add3A_1275 : i32
        %swap3A_1277 = arith.index_cast %add3A_1276 : i32 to index
        %swap3A_1278 = arith.constant 32 : index
        %swap3A_1279 = tpu.vector_load %arg8[%swap3A_1277, %swap3A_1278] {strides = array<i32>} : memref<128x128xf32, #tpu.memory_space<vmem>>, vector<1x16xf32>,
        %swap3A_1280 = vector.shape_cast %swap3A_1279 : vector<1x16xf32> to vector<16xf32>
        %swap3A_1281 = vector.shape_cast %mul3A_1272 : vector<16xf32> to vector<1x16xf32>
        tpu.vector_store %arg8[%swap3A_1277, %swap3A_1278], %swap3A_1281 {strides = array<i32>} : memref<128x128xf32, #tpu.memory_space<vmem>>, vector<1x16xf32>,
        %mul3A_1282 = arith.constant 16 : i32
        %mul3A_1283 = arith.muli %scan3A_631, %mul3A_1282 : i32
        %add3A_1284 = arith.constant 4 : i32
        %add3A_1285 = arith.addi %mul3A_1283, %add3A_1284 : i32
        %get3A_1286 = arith.index_cast %add3A_1285 : i32 to index
        %get3A_1287 = arith.constant 48 : index
        %get3A_1288 = tpu.vector_load %arg8[%get3A_1286, %get3A_1287] {strides = array<i32>} : memref<128x128xf32, #tpu.memory_space<vmem>>, vector<1x16xf32>,
        %get3A_1289 = vector.shape_cast %get3A_1288 : vector<1x16xf32> to vector<16xf32>
        %mul3A_1290 = arith.mulf %get3A_1289, %broadcast_in_dim3A_1227 : vector<16xf32>
        %mul3A_1291 = arith.constant 16 : i32
        %mul3A_1292 = arith.muli %scan3A_631, %mul3A_1291 : i32
        %add3A_1293 = arith.constant 4 : i32
        %add3A_1294 = arith.addi %mul3A_1292, %add3A_1293 : i32
        %swap3A_1295 = arith.index_cast %add3A_1294 : i32 to index
        %swap3A_1296 = arith.constant 48 : index
        %swap3A_1297 = tpu.vector_load %arg8[%swap3A_1295, %swap3A_1296] {strides = array<i32>} : memref<128x128xf32, #tpu.memory_space<vmem>>, vector<1x16xf32>,
        %swap3A_1298 = vector.shape_cast %swap3A_1297 : vector<1x16xf32> to vector<16xf32>
        %swap3A_1299 = vector.shape_cast %mul3A_1290 : vector<16xf32> to vector<1x16xf32>
        tpu.vector_store %arg8[%swap3A_1295, %swap3A_1296], %swap3A_1299 {strides = array<i32>} : memref<128x128xf32, #tpu.memory_space<vmem>>, vector<1x16xf32>,
        %mul3A_1300 = arith.constant 16 : i32
        %mul3A_1301 = arith.muli %scan3A_631, %mul3A_1300 : i32
        %add3A_1302 = arith.constant 4 : i32
        %add3A_1303 = arith.addi %mul3A_1301, %add3A_1302 : i32
        %get3A_1304 = arith.index_cast %add3A_1303 : i32 to index
        %get3A_1305 = arith.constant 64 : index
        %get3A_1306 = tpu.vector_load %arg8[%get3A_1304, %get3A_1305] {strides = array<i32>} : memref<128x128xf32, #tpu.memory_space<vmem>>, vector<1x16xf32>,
        %get3A_1307 = vector.shape_cast %get3A_1306 : vector<1x16xf32> to vector<16xf32>
        %mul3A_1308 = arith.mulf %get3A_1307, %broadcast_in_dim3A_1227 : vector<16xf32>
        %mul3A_1309 = arith.constant 16 : i32
        %mul3A_1310 = arith.muli %scan3A_631, %mul3A_1309 : i32
        %add3A_1311 = arith.constant 4 : i32
        %add3A_1312 = arith.addi %mul3A_1310, %add3A_1311 : i32
        %swap3A_1313 = arith.index_cast %add3A_1312 : i32 to index
        %swap3A_1314 = arith.constant 64 : index
        %swap3A_1315 = tpu.vector_load %arg8[%swap3A_1313, %swap3A_1314] {strides = array<i32>} : memref<128x128xf32, #tpu.memory_space<vmem>>, vector<1x16xf32>,
        %swap3A_1316 = vector.shape_cast %swap3A_1315 : vector<1x16xf32> to vector<16xf32>
        %swap3A_1317 = vector.shape_cast %mul3A_1308 : vector<16xf32> to vector<1x16xf32>
        tpu.vector_store %arg8[%swap3A_1313, %swap3A_1314], %swap3A_1317 {strides = array<i32>} : memref<128x128xf32, #tpu.memory_space<vmem>>, vector<1x16xf32>,
        %mul3A_1318 = arith.constant 16 : i32
        %mul3A_1319 = arith.muli %scan3A_631, %mul3A_1318 : i32
        %add3A_1320 = arith.constant 4 : i32
        %add3A_1321 = arith.addi %mul3A_1319, %add3A_1320 : i32
        %get3A_1322 = arith.index_cast %add3A_1321 : i32 to index
        %get3A_1323 = arith.constant 80 : index
        %get3A_1324 = tpu.vector_load %arg8[%get3A_1322, %get3A_1323] {strides = array<i32>} : memref<128x128xf32, #tpu.memory_space<vmem>>, vector<1x16xf32>,
        %get3A_1325 = vector.shape_cast %get3A_1324 : vector<1x16xf32> to vector<16xf32>
        %mul3A_1326 = arith.mulf %get3A_1325, %broadcast_in_dim3A_1227 : vector<16xf32>
        %mul3A_1327 = arith.constant 16 : i32
        %mul3A_1328 = arith.muli %scan3A_631, %mul3A_1327 : i32
        %add3A_1329 = arith.constant 4 : i32
        %add3A_1330 = arith.addi %mul3A_1328, %add3A_1329 : i32
        %swap3A_1331 = arith.index_cast %add3A_1330 : i32 to index
        %swap3A_1332 = arith.constant 80 : index
        %swap3A_1333 = tpu.vector_load %arg8[%swap3A_1331, %swap3A_1332] {strides = array<i32>} : memref<128x128xf32, #tpu.memory_space<vmem>>, vector<1x16xf32>,
        %swap3A_1334 = vector.shape_cast %swap3A_1333 : vector<1x16xf32> to vector<16xf32>
        %swap3A_1335 = vector.shape_cast %mul3A_1326 : vector<16xf32> to vector<1x16xf32>
        tpu.vector_store %arg8[%swap3A_1331, %swap3A_1332], %swap3A_1335 {strides = array<i32>} : memref<128x128xf32, #tpu.memory_space<vmem>>, vector<1x16xf32>,
        %mul3A_1336 = arith.constant 16 : i32
        %mul3A_1337 = arith.muli %scan3A_631, %mul3A_1336 : i32
        %add3A_1338 = arith.constant 4 : i32
        %add3A_1339 = arith.addi %mul3A_1337, %add3A_1338 : i32
        %get3A_1340 = arith.index_cast %add3A_1339 : i32 to index
        %get3A_1341 = arith.constant 96 : index
        %get3A_1342 = tpu.vector_load %arg8[%get3A_1340, %get3A_1341] {strides = array<i32>} : memref<128x128xf32, #tpu.memory_space<vmem>>, vector<1x16xf32>,
        %get3A_1343 = vector.shape_cast %get3A_1342 : vector<1x16xf32> to vector<16xf32>
        %mul3A_1344 = arith.mulf %get3A_1343, %broadcast_in_dim3A_1227 : vector<16xf32>
        %mul3A_1345 = arith.constant 16 : i32
        %mul3A_1346 = arith.muli %scan3A_631, %mul3A_1345 : i32
        %add3A_1347 = arith.constant 4 : i32
        %add3A_1348 = arith.addi %mul3A_1346, %add3A_1347 : i32
        %swap3A_1349 = arith.index_cast %add3A_1348 : i32 to index
        %swap3A_1350 = arith.constant 96 : index
        %swap3A_1351 = tpu.vector_load %arg8[%swap3A_1349, %swap3A_1350] {strides = array<i32>} : memref<128x128xf32, #tpu.memory_space<vmem>>, vector<1x16xf32>,
        %swap3A_1352 = vector.shape_cast %swap3A_1351 : vector<1x16xf32> to vector<16xf32>
        %swap3A_1353 = vector.shape_cast %mul3A_1344 : vector<16xf32> to vector<1x16xf32>
        tpu.vector_store %arg8[%swap3A_1349, %swap3A_1350], %swap3A_1353 {strides = array<i32>} : memref<128x128xf32, #tpu.memory_space<vmem>>, vector<1x16xf32>,
        %mul3A_1354 = arith.constant 16 : i32
        %mul3A_1355 = arith.muli %scan3A_631, %mul3A_1354 : i32
        %add3A_1356 = arith.constant 4 : i32
        %add3A_1357 = arith.addi %mul3A_1355, %add3A_1356 : i32
        %get3A_1358 = arith.index_cast %add3A_1357 : i32 to index
        %get3A_1359 = arith.constant 112 : index
        %get3A_1360 = tpu.vector_load %arg8[%get3A_1358, %get3A_1359] {strides = array<i32>} : memref<128x128xf32, #tpu.memory_space<vmem>>, vector<1x16xf32>,
        %get3A_1361 = vector.shape_cast %get3A_1360 : vector<1x16xf32> to vector<16xf32>
        %mul3A_1362 = arith.mulf %get3A_1361, %broadcast_in_dim3A_1227 : vector<16xf32>
        %mul3A_1363 = arith.constant 16 : i32
        %mul3A_1364 = arith.muli %scan3A_631, %mul3A_1363 : i32
        %add3A_1365 = arith.constant 4 : i32
        %add3A_1366 = arith.addi %mul3A_1364, %add3A_1365 : i32
        %swap3A_1367 = arith.index_cast %add3A_1366 : i32 to index
        %swap3A_1368 = arith.constant 112 : index
        %swap3A_1369 = tpu.vector_load %arg8[%swap3A_1367, %swap3A_1368] {strides = array<i32>} : memref<128x128xf32, #tpu.memory_space<vmem>>, vector<1x16xf32>,
        %swap3A_1370 = vector.shape_cast %swap3A_1369 : vector<1x16xf32> to vector<16xf32>
        %swap3A_1371 = vector.shape_cast %mul3A_1362 : vector<16xf32> to vector<1x16xf32>
        tpu.vector_store %arg8[%swap3A_1367, %swap3A_1368], %swap3A_1371 {strides = array<i32>} : memref<128x128xf32, #tpu.memory_space<vmem>>, vector<1x16xf32>,
        %slice3A_1372 = vector.extract_strided_slice %get3A_638 {offsets = [5], sizes = [1], strides = [1]} : vector<16xf32> to vector<1xf32>
        %squeeze3A_1373 = vector.extract %slice3A_1372[0] : f32 from vector<1xf32>
        %broadcast_in_dim3A_1374 = vector.broadcast %squeeze3A_1373 : f32 to vector<16xf32>
        %mul3A_1375 = arith.constant 16 : i32
        %mul3A_1376 = arith.muli %scan3A_631, %mul3A_1375 : i32
        %add3A_1377 = arith.constant 5 : i32
        %add3A_1378 = arith.addi %mul3A_1376, %add3A_1377 : i32
        %get3A_1379 = arith.index_cast %add3A_1378 : i32 to index
        %get3A_1380 = arith.constant 0 : index
        %get3A_1381 = tpu.vector_load %arg8[%get3A_1379, %get3A_1380] {strides = array<i32>} : memref<128x128xf32, #tpu.memory_space<vmem>>, vector<1x16xf32>,
        %get3A_1382 = vector.shape_cast %get3A_1381 : vector<1x16xf32> to vector<16xf32>
        %mul3A_1383 = arith.mulf %get3A_1382, %broadcast_in_dim3A_1374 : vector<16xf32>
        %mul3A_1384 = arith.constant 16 : i32
        %mul3A_1385 = arith.muli %scan3A_631, %mul3A_1384 : i32
        %add3A_1386 = arith.constant 5 : i32
        %add3A_1387 = arith.addi %mul3A_1385, %add3A_1386 : i32
        %swap3A_1388 = arith.index_cast %add3A_1387 : i32 to index
        %swap3A_1389 = arith.constant 0 : index
        %swap3A_1390 = tpu.vector_load %arg8[%swap3A_1388, %swap3A_1389] {strides = array<i32>} : memref<128x128xf32, #tpu.memory_space<vmem>>, vector<1x16xf32>,
        %swap3A_1391 = vector.shape_cast %swap3A_1390 : vector<1x16xf32> to vector<16xf32>
        %swap3A_1392 = vector.shape_cast %mul3A_1383 : vector<16xf32> to vector<1x16xf32>
        tpu.vector_store %arg8[%swap3A_1388, %swap3A_1389], %swap3A_1392 {strides = array<i32>} : memref<128x128xf32, #tpu.memory_space<vmem>>, vector<1x16xf32>,
        %mul3A_1393 = arith.constant 16 : i32
        %mul3A_1394 = arith.muli %scan3A_631, %mul3A_1393 : i32
        %add3A_1395 = arith.constant 5 : i32
        %add3A_1396 = arith.addi %mul3A_1394, %add3A_1395 : i32
        %get3A_1397 = arith.index_cast %add3A_1396 : i32 to index
        %get3A_1398 = arith.constant 16 : index
        %get3A_1399 = tpu.vector_load %arg8[%get3A_1397, %get3A_1398] {strides = array<i32>} : memref<128x128xf32, #tpu.memory_space<vmem>>, vector<1x16xf32>,
        %get3A_1400 = vector.shape_cast %get3A_1399 : vector<1x16xf32> to vector<16xf32>
        %mul3A_1401 = arith.mulf %get3A_1400, %broadcast_in_dim3A_1374 : vector<16xf32>
        %mul3A_1402 = arith.constant 16 : i32
        %mul3A_1403 = arith.muli %scan3A_631, %mul3A_1402 : i32
        %add3A_1404 = arith.constant 5 : i32
        %add3A_1405 = arith.addi %mul3A_1403, %add3A_1404 : i32
        %swap3A_1406 = arith.index_cast %add3A_1405 : i32 to index
        %swap3A_1407 = arith.constant 16 : index
        %swap3A_1408 = tpu.vector_load %arg8[%swap3A_1406, %swap3A_1407] {strides = array<i32>} : memref<128x128xf32, #tpu.memory_space<vmem>>, vector<1x16xf32>,
        %swap3A_1409 = vector.shape_cast %swap3A_1408 : vector<1x16xf32> to vector<16xf32>
        %swap3A_1410 = vector.shape_cast %mul3A_1401 : vector<16xf32> to vector<1x16xf32>
        tpu.vector_store %arg8[%swap3A_1406, %swap3A_1407], %swap3A_1410 {strides = array<i32>} : memref<128x128xf32, #tpu.memory_space<vmem>>, vector<1x16xf32>,
        %mul3A_1411 = arith.constant 16 : i32
        %mul3A_1412 = arith.muli %scan3A_631, %mul3A_1411 : i32
        %add3A_1413 = arith.constant 5 : i32
        %add3A_1414 = arith.addi %mul3A_1412, %add3A_1413 : i32
        %get3A_1415 = arith.index_cast %add3A_1414 : i32 to index
        %get3A_1416 = arith.constant 32 : index
        %get3A_1417 = tpu.vector_load %arg8[%get3A_1415, %get3A_1416] {strides = array<i32>} : memref<128x128xf32, #tpu.memory_space<vmem>>, vector<1x16xf32>,
        %get3A_1418 = vector.shape_cast %get3A_1417 : vector<1x16xf32> to vector<16xf32>
        %mul3A_1419 = arith.mulf %get3A_1418, %broadcast_in_dim3A_1374 : vector<16xf32>
        %mul3A_1420 = arith.constant 16 : i32
        %mul3A_1421 = arith.muli %scan3A_631, %mul3A_1420 : i32
        %add3A_1422 = arith.constant 5 : i32
        %add3A_1423 = arith.addi %mul3A_1421, %add3A_1422 : i32
        %swap3A_1424 = arith.index_cast %add3A_1423 : i32 to index
        %swap3A_1425 = arith.constant 32 : index
        %swap3A_1426 = tpu.vector_load %arg8[%swap3A_1424, %swap3A_1425] {strides = array<i32>} : memref<128x128xf32, #tpu.memory_space<vmem>>, vector<1x16xf32>,
        %swap3A_1427 = vector.shape_cast %swap3A_1426 : vector<1x16xf32> to vector<16xf32>
        %swap3A_1428 = vector.shape_cast %mul3A_1419 : vector<16xf32> to vector<1x16xf32>
        tpu.vector_store %arg8[%swap3A_1424, %swap3A_1425], %swap3A_1428 {strides = array<i32>} : memref<128x128xf32, #tpu.memory_space<vmem>>, vector<1x16xf32>,
        %mul3A_1429 = arith.constant 16 : i32
        %mul3A_1430 = arith.muli %scan3A_631, %mul3A_1429 : i32
        %add3A_1431 = arith.constant 5 : i32
        %add3A_1432 = arith.addi %mul3A_1430, %add3A_1431 : i32
        %get3A_1433 = arith.index_cast %add3A_1432 : i32 to index
        %get3A_1434 = arith.constant 48 : index
        %get3A_1435 = tpu.vector_load %arg8[%get3A_1433, %get3A_1434] {strides = array<i32>} : memref<128x128xf32, #tpu.memory_space<vmem>>, vector<1x16xf32>,
        %get3A_1436 = vector.shape_cast %get3A_1435 : vector<1x16xf32> to vector<16xf32>
        %mul3A_1437 = arith.mulf %get3A_1436, %broadcast_in_dim3A_1374 : vector<16xf32>
        %mul3A_1438 = arith.constant 16 : i32
        %mul3A_1439 = arith.muli %scan3A_631, %mul3A_1438 : i32
        %add3A_1440 = arith.constant 5 : i32
        %add3A_1441 = arith.addi %mul3A_1439, %add3A_1440 : i32
        %swap3A_1442 = arith.index_cast %add3A_1441 : i32 to index
        %swap3A_1443 = arith.constant 48 : index
        %swap3A_1444 = tpu.vector_load %arg8[%swap3A_1442, %swap3A_1443] {strides = array<i32>} : memref<128x128xf32, #tpu.memory_space<vmem>>, vector<1x16xf32>,
        %swap3A_1445 = vector.shape_cast %swap3A_1444 : vector<1x16xf32> to vector<16xf32>
        %swap3A_1446 = vector.shape_cast %mul3A_1437 : vector<16xf32> to vector<1x16xf32>
        tpu.vector_store %arg8[%swap3A_1442, %swap3A_1443], %swap3A_1446 {strides = array<i32>} : memref<128x128xf32, #tpu.memory_space<vmem>>, vector<1x16xf32>,
        %mul3A_1447 = arith.constant 16 : i32
        %mul3A_1448 = arith.muli %scan3A_631, %mul3A_1447 : i32
        %add3A_1449 = arith.constant 5 : i32
        %add3A_1450 = arith.addi %mul3A_1448, %add3A_1449 : i32
        %get3A_1451 = arith.index_cast %add3A_1450 : i32 to index
        %get3A_1452 = arith.constant 64 : index
        %get3A_1453 = tpu.vector_load %arg8[%get3A_1451, %get3A_1452] {strides = array<i32>} : memref<128x128xf32, #tpu.memory_space<vmem>>, vector<1x16xf32>,
        %get3A_1454 = vector.shape_cast %get3A_1453 : vector<1x16xf32> to vector<16xf32>
        %mul3A_1455 = arith.mulf %get3A_1454, %broadcast_in_dim3A_1374 : vector<16xf32>
        %mul3A_1456 = arith.constant 16 : i32
        %mul3A_1457 = arith.muli %scan3A_631, %mul3A_1456 : i32
        %add3A_1458 = arith.constant 5 : i32
        %add3A_1459 = arith.addi %mul3A_1457, %add3A_1458 : i32
        %swap3A_1460 = arith.index_cast %add3A_1459 : i32 to index
        %swap3A_1461 = arith.constant 64 : index
        %swap3A_1462 = tpu.vector_load %arg8[%swap3A_1460, %swap3A_1461] {strides = array<i32>} : memref<128x128xf32, #tpu.memory_space<vmem>>, vector<1x16xf32>,
        %swap3A_1463 = vector.shape_cast %swap3A_1462 : vector<1x16xf32> to vector<16xf32>
        %swap3A_1464 = vector.shape_cast %mul3A_1455 : vector<16xf32> to vector<1x16xf32>
        tpu.vector_store %arg8[%swap3A_1460, %swap3A_1461], %swap3A_1464 {strides = array<i32>} : memref<128x128xf32, #tpu.memory_space<vmem>>, vector<1x16xf32>,
        %mul3A_1465 = arith.constant 16 : i32
        %mul3A_1466 = arith.muli %scan3A_631, %mul3A_1465 : i32
        %add3A_1467 = arith.constant 5 : i32
        %add3A_1468 = arith.addi %mul3A_1466, %add3A_1467 : i32
        %get3A_1469 = arith.index_cast %add3A_1468 : i32 to index
        %get3A_1470 = arith.constant 80 : index
        %get3A_1471 = tpu.vector_load %arg8[%get3A_1469, %get3A_1470] {strides = array<i32>} : memref<128x128xf32, #tpu.memory_space<vmem>>, vector<1x16xf32>,
        %get3A_1472 = vector.shape_cast %get3A_1471 : vector<1x16xf32> to vector<16xf32>
        %mul3A_1473 = arith.mulf %get3A_1472, %broadcast_in_dim3A_1374 : vector<16xf32>
        %mul3A_1474 = arith.constant 16 : i32
        %mul3A_1475 = arith.muli %scan3A_631, %mul3A_1474 : i32
        %add3A_1476 = arith.constant 5 : i32
        %add3A_1477 = arith.addi %mul3A_1475, %add3A_1476 : i32
        %swap3A_1478 = arith.index_cast %add3A_1477 : i32 to index
        %swap3A_1479 = arith.constant 80 : index
        %swap3A_1480 = tpu.vector_load %arg8[%swap3A_1478, %swap3A_1479] {strides = array<i32>} : memref<128x128xf32, #tpu.memory_space<vmem>>, vector<1x16xf32>,
        %swap3A_1481 = vector.shape_cast %swap3A_1480 : vector<1x16xf32> to vector<16xf32>
        %swap3A_1482 = vector.shape_cast %mul3A_1473 : vector<16xf32> to vector<1x16xf32>
        tpu.vector_store %arg8[%swap3A_1478, %swap3A_1479], %swap3A_1482 {strides = array<i32>} : memref<128x128xf32, #tpu.memory_space<vmem>>, vector<1x16xf32>,
        %mul3A_1483 = arith.constant 16 : i32
        %mul3A_1484 = arith.muli %scan3A_631, %mul3A_1483 : i32
        %add3A_1485 = arith.constant 5 : i32
        %add3A_1486 = arith.addi %mul3A_1484, %add3A_1485 : i32
        %get3A_1487 = arith.index_cast %add3A_1486 : i32 to index
        %get3A_1488 = arith.constant 96 : index
        %get3A_1489 = tpu.vector_load %arg8[%get3A_1487, %get3A_1488] {strides = array<i32>} : memref<128x128xf32, #tpu.memory_space<vmem>>, vector<1x16xf32>,
        %get3A_1490 = vector.shape_cast %get3A_1489 : vector<1x16xf32> to vector<16xf32>
        %mul3A_1491 = arith.mulf %get3A_1490, %broadcast_in_dim3A_1374 : vector<16xf32>
        %mul3A_1492 = arith.constant 16 : i32
        %mul3A_1493 = arith.muli %scan3A_631, %mul3A_1492 : i32
        %add3A_1494 = arith.constant 5 : i32
        %add3A_1495 = arith.addi %mul3A_1493, %add3A_1494 : i32
        %swap3A_1496 = arith.index_cast %add3A_1495 : i32 to index
        %swap3A_1497 = arith.constant 96 : index
        %swap3A_1498 = tpu.vector_load %arg8[%swap3A_1496, %swap3A_1497] {strides = array<i32>} : memref<128x128xf32, #tpu.memory_space<vmem>>, vector<1x16xf32>,
        %swap3A_1499 = vector.shape_cast %swap3A_1498 : vector<1x16xf32> to vector<16xf32>
        %swap3A_1500 = vector.shape_cast %mul3A_1491 : vector<16xf32> to vector<1x16xf32>
        tpu.vector_store %arg8[%swap3A_1496, %swap3A_1497], %swap3A_1500 {strides = array<i32>} : memref<128x128xf32, #tpu.memory_space<vmem>>, vector<1x16xf32>,
        %mul3A_1501 = arith.constant 16 : i32
        %mul3A_1502 = arith.muli %scan3A_631, %mul3A_1501 : i32
        %add3A_1503 = arith.constant 5 : i32
        %add3A_1504 = arith.addi %mul3A_1502, %add3A_1503 : i32
        %get3A_1505 = arith.index_cast %add3A_1504 : i32 to index
        %get3A_1506 = arith.constant 112 : index
        %get3A_1507 = tpu.vector_load %arg8[%get3A_1505, %get3A_1506] {strides = array<i32>} : memref<128x128xf32, #tpu.memory_space<vmem>>, vector<1x16xf32>,
        %get3A_1508 = vector.shape_cast %get3A_1507 : vector<1x16xf32> to vector<16xf32>
        %mul3A_1509 = arith.mulf %get3A_1508, %broadcast_in_dim3A_1374 : vector<16xf32>
        %mul3A_1510 = arith.constant 16 : i32
        %mul3A_1511 = arith.muli %scan3A_631, %mul3A_1510 : i32
        %add3A_1512 = arith.constant 5 : i32
        %add3A_1513 = arith.addi %mul3A_1511, %add3A_1512 : i32
        %swap3A_1514 = arith.index_cast %add3A_1513 : i32 to index
        %swap3A_1515 = arith.constant 112 : index
        %swap3A_1516 = tpu.vector_load %arg8[%swap3A_1514, %swap3A_1515] {strides = array<i32>} : memref<128x128xf32, #tpu.memory_space<vmem>>, vector<1x16xf32>,
        %swap3A_1517 = vector.shape_cast %swap3A_1516 : vector<1x16xf32> to vector<16xf32>
        %swap3A_1518 = vector.shape_cast %mul3A_1509 : vector<16xf32> to vector<1x16xf32>
        tpu.vector_store %arg8[%swap3A_1514, %swap3A_1515], %swap3A_1518 {strides = array<i32>} : memref<128x128xf32, #tpu.memory_space<vmem>>, vector<1x16xf32>,
        %slice3A_1519 = vector.extract_strided_slice %get3A_638 {offsets = [6], sizes = [1], strides = [1]} : vector<16xf32> to vector<1xf32>
        %squeeze3A_1520 = vector.extract %slice3A_1519[0] : f32 from vector<1xf32>
        %broadcast_in_dim3A_1521 = vector.broadcast %squeeze3A_1520 : f32 to vector<16xf32>
        %mul3A_1522 = arith.constant 16 : i32
        %mul3A_1523 = arith.muli %scan3A_631, %mul3A_1522 : i32
        %add3A_1524 = arith.constant 6 : i32
        %add3A_1525 = arith.addi %mul3A_1523, %add3A_1524 : i32
        %get3A_1526 = arith.index_cast %add3A_1525 : i32 to index
        %get3A_1527 = arith.constant 0 : index
        %get3A_1528 = tpu.vector_load %arg8[%get3A_1526, %get3A_1527] {strides = array<i32>} : memref<128x128xf32, #tpu.memory_space<vmem>>, vector<1x16xf32>,
        %get3A_1529 = vector.shape_cast %get3A_1528 : vector<1x16xf32> to vector<16xf32>
        %mul3A_1530 = arith.mulf %get3A_1529, %broadcast_in_dim3A_1521 : vector<16xf32>
        %mul3A_1531 = arith.constant 16 : i32
        %mul3A_1532 = arith.muli %scan3A_631, %mul3A_1531 : i32
        %add3A_1533 = arith.constant 6 : i32
        %add3A_1534 = arith.addi %mul3A_1532, %add3A_1533 : i32
        %swap3A_1535 = arith.index_cast %add3A_1534 : i32 to index
        %swap3A_1536 = arith.constant 0 : index
        %swap3A_1537 = tpu.vector_load %arg8[%swap3A_1535, %swap3A_1536] {strides = array<i32>} : memref<128x128xf32, #tpu.memory_space<vmem>>, vector<1x16xf32>,
        %swap3A_1538 = vector.shape_cast %swap3A_1537 : vector<1x16xf32> to vector<16xf32>
        %swap3A_1539 = vector.shape_cast %mul3A_1530 : vector<16xf32> to vector<1x16xf32>
        tpu.vector_store %arg8[%swap3A_1535, %swap3A_1536], %swap3A_1539 {strides = array<i32>} : memref<128x128xf32, #tpu.memory_space<vmem>>, vector<1x16xf32>,
        %mul3A_1540 = arith.constant 16 : i32
        %mul3A_1541 = arith.muli %scan3A_631, %mul3A_1540 : i32
        %add3A_1542 = arith.constant 6 : i32
        %add3A_1543 = arith.addi %mul3A_1541, %add3A_1542 : i32
        %get3A_1544 = arith.index_cast %add3A_1543 : i32 to index
        %get3A_1545 = arith.constant 16 : index
        %get3A_1546 = tpu.vector_load %arg8[%get3A_1544, %get3A_1545] {strides = array<i32>} : memref<128x128xf32, #tpu.memory_space<vmem>>, vector<1x16xf32>,
        %get3A_1547 = vector.shape_cast %get3A_1546 : vector<1x16xf32> to vector<16xf32>
        %mul3A_1548 = arith.mulf %get3A_1547, %broadcast_in_dim3A_1521 : vector<16xf32>
        %mul3A_1549 = arith.constant 16 : i32
        %mul3A_1550 = arith.muli %scan3A_631, %mul3A_1549 : i32
        %add3A_1551 = arith.constant 6 : i32
        %add3A_1552 = arith.addi %mul3A_1550, %add3A_1551 : i32
        %swap3A_1553 = arith.index_cast %add3A_1552 : i32 to index
        %swap3A_1554 = arith.constant 16 : index
        %swap3A_1555 = tpu.vector_load %arg8[%swap3A_1553, %swap3A_1554] {strides = array<i32>} : memref<128x128xf32, #tpu.memory_space<vmem>>, vector<1x16xf32>,
        %swap3A_1556 = vector.shape_cast %swap3A_1555 : vector<1x16xf32> to vector<16xf32>
        %swap3A_1557 = vector.shape_cast %mul3A_1548 : vector<16xf32> to vector<1x16xf32>
        tpu.vector_store %arg8[%swap3A_1553, %swap3A_1554], %swap3A_1557 {strides = array<i32>} : memref<128x128xf32, #tpu.memory_space<vmem>>, vector<1x16xf32>,
        %mul3A_1558 = arith.constant 16 : i32
        %mul3A_1559 = arith.muli %scan3A_631, %mul3A_1558 : i32
        %add3A_1560 = arith.constant 6 : i32
        %add3A_1561 = arith.addi %mul3A_1559, %add3A_1560 : i32
        %get3A_1562 = arith.index_cast %add3A_1561 : i32 to index
        %get3A_1563 = arith.constant 32 : index
        %get3A_1564 = tpu.vector_load %arg8[%get3A_1562, %get3A_1563] {strides = array<i32>} : memref<128x128xf32, #tpu.memory_space<vmem>>, vector<1x16xf32>,
        %get3A_1565 = vector.shape_cast %get3A_1564 : vector<1x16xf32> to vector<16xf32>
        %mul3A_1566 = arith.mulf %get3A_1565, %broadcast_in_dim3A_1521 : vector<16xf32>
        %mul3A_1567 = arith.constant 16 : i32
        %mul3A_1568 = arith.muli %scan3A_631, %mul3A_1567 : i32
        %add3A_1569 = arith.constant 6 : i32
        %add3A_1570 = arith.addi %mul3A_1568, %add3A_1569 : i32
        %swap3A_1571 = arith.index_cast %add3A_1570 : i32 to index
        %swap3A_1572 = arith.constant 32 : index
        %swap3A_1573 = tpu.vector_load %arg8[%swap3A_1571, %swap3A_1572] {strides = array<i32>} : memref<128x128xf32, #tpu.memory_space<vmem>>, vector<1x16xf32>,
        %swap3A_1574 = vector.shape_cast %swap3A_1573 : vector<1x16xf32> to vector<16xf32>
        %swap3A_1575 = vector.shape_cast %mul3A_1566 : vector<16xf32> to vector<1x16xf32>
        tpu.vector_store %arg8[%swap3A_1571, %swap3A_1572], %swap3A_1575 {strides = array<i32>} : memref<128x128xf32, #tpu.memory_space<vmem>>, vector<1x16xf32>,
        %mul3A_1576 = arith.constant 16 : i32
        %mul3A_1577 = arith.muli %scan3A_631, %mul3A_1576 : i32
        %add3A_1578 = arith.constant 6 : i32
        %add3A_1579 = arith.addi %mul3A_1577, %add3A_1578 : i32
        %get3A_1580 = arith.index_cast %add3A_1579 : i32 to index
        %get3A_1581 = arith.constant 48 : index
        %get3A_1582 = tpu.vector_load %arg8[%get3A_1580, %get3A_1581] {strides = array<i32>} : memref<128x128xf32, #tpu.memory_space<vmem>>, vector<1x16xf32>,
        %get3A_1583 = vector.shape_cast %get3A_1582 : vector<1x16xf32> to vector<16xf32>
        %mul3A_1584 = arith.mulf %get3A_1583, %broadcast_in_dim3A_1521 : vector<16xf32>
        %mul3A_1585 = arith.constant 16 : i32
        %mul3A_1586 = arith.muli %scan3A_631, %mul3A_1585 : i32
        %add3A_1587 = arith.constant 6 : i32
        %add3A_1588 = arith.addi %mul3A_1586, %add3A_1587 : i32
        %swap3A_1589 = arith.index_cast %add3A_1588 : i32 to index
        %swap3A_1590 = arith.constant 48 : index
        %swap3A_1591 = tpu.vector_load %arg8[%swap3A_1589, %swap3A_1590] {strides = array<i32>} : memref<128x128xf32, #tpu.memory_space<vmem>>, vector<1x16xf32>,
        %swap3A_1592 = vector.shape_cast %swap3A_1591 : vector<1x16xf32> to vector<16xf32>
        %swap3A_1593 = vector.shape_cast %mul3A_1584 : vector<16xf32> to vector<1x16xf32>
        tpu.vector_store %arg8[%swap3A_1589, %swap3A_1590], %swap3A_1593 {strides = array<i32>} : memref<128x128xf32, #tpu.memory_space<vmem>>, vector<1x16xf32>,
        %mul3A_1594 = arith.constant 16 : i32
        %mul3A_1595 = arith.muli %scan3A_631, %mul3A_1594 : i32
        %add3A_1596 = arith.constant 6 : i32
        %add3A_1597 = arith.addi %mul3A_1595, %add3A_1596 : i32
        %get3A_1598 = arith.index_cast %add3A_1597 : i32 to index
        %get3A_1599 = arith.constant 64 : index
        %get3A_1600 = tpu.vector_load %arg8[%get3A_1598, %get3A_1599] {strides = array<i32>} : memref<128x128xf32, #tpu.memory_space<vmem>>, vector<1x16xf32>,
        %get3A_1601 = vector.shape_cast %get3A_1600 : vector<1x16xf32> to vector<16xf32>
        %mul3A_1602 = arith.mulf %get3A_1601, %broadcast_in_dim3A_1521 : vector<16xf32>
        %mul3A_1603 = arith.constant 16 : i32
        %mul3A_1604 = arith.muli %scan3A_631, %mul3A_1603 : i32
        %add3A_1605 = arith.constant 6 : i32
        %add3A_1606 = arith.addi %mul3A_1604, %add3A_1605 : i32
        %swap3A_1607 = arith.index_cast %add3A_1606 : i32 to index
        %swap3A_1608 = arith.constant 64 : index
        %swap3A_1609 = tpu.vector_load %arg8[%swap3A_1607, %swap3A_1608] {strides = array<i32>} : memref<128x128xf32, #tpu.memory_space<vmem>>, vector<1x16xf32>,
        %swap3A_1610 = vector.shape_cast %swap3A_1609 : vector<1x16xf32> to vector<16xf32>
        %swap3A_1611 = vector.shape_cast %mul3A_1602 : vector<16xf32> to vector<1x16xf32>
        tpu.vector_store %arg8[%swap3A_1607, %swap3A_1608], %swap3A_1611 {strides = array<i32>} : memref<128x128xf32, #tpu.memory_space<vmem>>, vector<1x16xf32>,
        %mul3A_1612 = arith.constant 16 : i32
        %mul3A_1613 = arith.muli %scan3A_631, %mul3A_1612 : i32
        %add3A_1614 = arith.constant 6 : i32
        %add3A_1615 = arith.addi %mul3A_1613, %add3A_1614 : i32
        %get3A_1616 = arith.index_cast %add3A_1615 : i32 to index
        %get3A_1617 = arith.constant 80 : index
        %get3A_1618 = tpu.vector_load %arg8[%get3A_1616, %get3A_1617] {strides = array<i32>} : memref<128x128xf32, #tpu.memory_space<vmem>>, vector<1x16xf32>,
        %get3A_1619 = vector.shape_cast %get3A_1618 : vector<1x16xf32> to vector<16xf32>
        %mul3A_1620 = arith.mulf %get3A_1619, %broadcast_in_dim3A_1521 : vector<16xf32>
        %mul3A_1621 = arith.constant 16 : i32
        %mul3A_1622 = arith.muli %scan3A_631, %mul3A_1621 : i32
        %add3A_1623 = arith.constant 6 : i32
        %add3A_1624 = arith.addi %mul3A_1622, %add3A_1623 : i32
        %swap3A_1625 = arith.index_cast %add3A_1624 : i32 to index
        %swap3A_1626 = arith.constant 80 : index
        %swap3A_1627 = tpu.vector_load %arg8[%swap3A_1625, %swap3A_1626] {strides = array<i32>} : memref<128x128xf32, #tpu.memory_space<vmem>>, vector<1x16xf32>,
        %swap3A_1628 = vector.shape_cast %swap3A_1627 : vector<1x16xf32> to vector<16xf32>
        %swap3A_1629 = vector.shape_cast %mul3A_1620 : vector<16xf32> to vector<1x16xf32>
        tpu.vector_store %arg8[%swap3A_1625, %swap3A_1626], %swap3A_1629 {strides = array<i32>} : memref<128x128xf32, #tpu.memory_space<vmem>>, vector<1x16xf32>,
        %mul3A_1630 = arith.constant 16 : i32
        %mul3A_1631 = arith.muli %scan3A_631, %mul3A_1630 : i32
        %add3A_1632 = arith.constant 6 : i32
        %add3A_1633 = arith.addi %mul3A_1631, %add3A_1632 : i32
        %get3A_1634 = arith.index_cast %add3A_1633 : i32 to index
        %get3A_1635 = arith.constant 96 : index
        %get3A_1636 = tpu.vector_load %arg8[%get3A_1634, %get3A_1635] {strides = array<i32>} : memref<128x128xf32, #tpu.memory_space<vmem>>, vector<1x16xf32>,
        %get3A_1637 = vector.shape_cast %get3A_1636 : vector<1x16xf32> to vector<16xf32>
        %mul3A_1638 = arith.mulf %get3A_1637, %broadcast_in_dim3A_1521 : vector<16xf32>
        %mul3A_1639 = arith.constant 16 : i32
        %mul3A_1640 = arith.muli %scan3A_631, %mul3A_1639 : i32
        %add3A_1641 = arith.constant 6 : i32
        %add3A_1642 = arith.addi %mul3A_1640, %add3A_1641 : i32
        %swap3A_1643 = arith.index_cast %add3A_1642 : i32 to index
        %swap3A_1644 = arith.constant 96 : index
        %swap3A_1645 = tpu.vector_load %arg8[%swap3A_1643, %swap3A_1644] {strides = array<i32>} : memref<128x128xf32, #tpu.memory_space<vmem>>, vector<1x16xf32>,
        %swap3A_1646 = vector.shape_cast %swap3A_1645 : vector<1x16xf32> to vector<16xf32>
        %swap3A_1647 = vector.shape_cast %mul3A_1638 : vector<16xf32> to vector<1x16xf32>
        tpu.vector_store %arg8[%swap3A_1643, %swap3A_1644], %swap3A_1647 {strides = array<i32>} : memref<128x128xf32, #tpu.memory_space<vmem>>, vector<1x16xf32>,
        %mul3A_1648 = arith.constant 16 : i32
        %mul3A_1649 = arith.muli %scan3A_631, %mul3A_1648 : i32
        %add3A_1650 = arith.constant 6 : i32
        %add3A_1651 = arith.addi %mul3A_1649, %add3A_1650 : i32
        %get3A_1652 = arith.index_cast %add3A_1651 : i32 to index
        %get3A_1653 = arith.constant 112 : index
        %get3A_1654 = tpu.vector_load %arg8[%get3A_1652, %get3A_1653] {strides = array<i32>} : memref<128x128xf32, #tpu.memory_space<vmem>>, vector<1x16xf32>,
        %get3A_1655 = vector.shape_cast %get3A_1654 : vector<1x16xf32> to vector<16xf32>
        %mul3A_1656 = arith.mulf %get3A_1655, %broadcast_in_dim3A_1521 : vector<16xf32>
        %mul3A_1657 = arith.constant 16 : i32
        %mul3A_1658 = arith.muli %scan3A_631, %mul3A_1657 : i32
        %add3A_1659 = arith.constant 6 : i32
        %add3A_1660 = arith.addi %mul3A_1658, %add3A_1659 : i32
        %swap3A_1661 = arith.index_cast %add3A_1660 : i32 to index
        %swap3A_1662 = arith.constant 112 : index
        %swap3A_1663 = tpu.vector_load %arg8[%swap3A_1661, %swap3A_1662] {strides = array<i32>} : memref<128x128xf32, #tpu.memory_space<vmem>>, vector<1x16xf32>,
        %swap3A_1664 = vector.shape_cast %swap3A_1663 : vector<1x16xf32> to vector<16xf32>
        %swap3A_1665 = vector.shape_cast %mul3A_1656 : vector<16xf32> to vector<1x16xf32>
        tpu.vector_store %arg8[%swap3A_1661, %swap3A_1662], %swap3A_1665 {strides = array<i32>} : memref<128x128xf32, #tpu.memory_space<vmem>>, vector<1x16xf32>,
        %slice3A_1666 = vector.extract_strided_slice %get3A_638 {offsets = [7], sizes = [1], strides = [1]} : vector<16xf32> to vector<1xf32>
        %squeeze3A_1667 = vector.extract %slice3A_1666[0] : f32 from vector<1xf32>
        %broadcast_in_dim3A_1668 = vector.broadcast %squeeze3A_1667 : f32 to vector<16xf32>
        %mul3A_1669 = arith.constant 16 : i32
        %mul3A_1670 = arith.muli %scan3A_631, %mul3A_1669 : i32
        %add3A_1671 = arith.constant 7 : i32
        %add3A_1672 = arith.addi %mul3A_1670, %add3A_1671 : i32
        %get3A_1673 = arith.index_cast %add3A_1672 : i32 to index
        %get3A_1674 = arith.constant 0 : index
        %get3A_1675 = tpu.vector_load %arg8[%get3A_1673, %get3A_1674] {strides = array<i32>} : memref<128x128xf32, #tpu.memory_space<vmem>>, vector<1x16xf32>,
        %get3A_1676 = vector.shape_cast %get3A_1675 : vector<1x16xf32> to vector<16xf32>
        %mul3A_1677 = arith.mulf %get3A_1676, %broadcast_in_dim3A_1668 : vector<16xf32>
        %mul3A_1678 = arith.constant 16 : i32
        %mul3A_1679 = arith.muli %scan3A_631, %mul3A_1678 : i32
        %add3A_1680 = arith.constant 7 : i32
        %add3A_1681 = arith.addi %mul3A_1679, %add3A_1680 : i32
        %swap3A_1682 = arith.index_cast %add3A_1681 : i32 to index
        %swap3A_1683 = arith.constant 0 : index
        %swap3A_1684 = tpu.vector_load %arg8[%swap3A_1682, %swap3A_1683] {strides = array<i32>} : memref<128x128xf32, #tpu.memory_space<vmem>>, vector<1x16xf32>,
        %swap3A_1685 = vector.shape_cast %swap3A_1684 : vector<1x16xf32> to vector<16xf32>
        %swap3A_1686 = vector.shape_cast %mul3A_1677 : vector<16xf32> to vector<1x16xf32>
        tpu.vector_store %arg8[%swap3A_1682, %swap3A_1683], %swap3A_1686 {strides = array<i32>} : memref<128x128xf32, #tpu.memory_space<vmem>>, vector<1x16xf32>,
        %mul3A_1687 = arith.constant 16 : i32
        %mul3A_1688 = arith.muli %scan3A_631, %mul3A_1687 : i32
        %add3A_1689 = arith.constant 7 : i32
        %add3A_1690 = arith.addi %mul3A_1688, %add3A_1689 : i32
        %get3A_1691 = arith.index_cast %add3A_1690 : i32 to index
        %get3A_1692 = arith.constant 16 : index
        %get3A_1693 = tpu.vector_load %arg8[%get3A_1691, %get3A_1692] {strides = array<i32>} : memref<128x128xf32, #tpu.memory_space<vmem>>, vector<1x16xf32>,
        %get3A_1694 = vector.shape_cast %get3A_1693 : vector<1x16xf32> to vector<16xf32>
        %mul3A_1695 = arith.mulf %get3A_1694, %broadcast_in_dim3A_1668 : vector<16xf32>
        %mul3A_1696 = arith.constant 16 : i32
        %mul3A_1697 = arith.muli %scan3A_631, %mul3A_1696 : i32
        %add3A_1698 = arith.constant 7 : i32
        %add3A_1699 = arith.addi %mul3A_1697, %add3A_1698 : i32
        %swap3A_1700 = arith.index_cast %add3A_1699 : i32 to index
        %swap3A_1701 = arith.constant 16 : index
        %swap3A_1702 = tpu.vector_load %arg8[%swap3A_1700, %swap3A_1701] {strides = array<i32>} : memref<128x128xf32, #tpu.memory_space<vmem>>, vector<1x16xf32>,
        %swap3A_1703 = vector.shape_cast %swap3A_1702 : vector<1x16xf32> to vector<16xf32>
        %swap3A_1704 = vector.shape_cast %mul3A_1695 : vector<16xf32> to vector<1x16xf32>
        tpu.vector_store %arg8[%swap3A_1700, %swap3A_1701], %swap3A_1704 {strides = array<i32>} : memref<128x128xf32, #tpu.memory_space<vmem>>, vector<1x16xf32>,
        %mul3A_1705 = arith.constant 16 : i32
        %mul3A_1706 = arith.muli %scan3A_631, %mul3A_1705 : i32
        %add3A_1707 = arith.constant 7 : i32
        %add3A_1708 = arith.addi %mul3A_1706, %add3A_1707 : i32
        %get3A_1709 = arith.index_cast %add3A_1708 : i32 to index
        %get3A_1710 = arith.constant 32 : index
        %get3A_1711 = tpu.vector_load %arg8[%get3A_1709, %get3A_1710] {strides = array<i32>} : memref<128x128xf32, #tpu.memory_space<vmem>>, vector<1x16xf32>,
        %get3A_1712 = vector.shape_cast %get3A_1711 : vector<1x16xf32> to vector<16xf32>
        %mul3A_1713 = arith.mulf %get3A_1712, %broadcast_in_dim3A_1668 : vector<16xf32>
        %mul3A_1714 = arith.constant 16 : i32
        %mul3A_1715 = arith.muli %scan3A_631, %mul3A_1714 : i32
        %add3A_1716 = arith.constant 7 : i32
        %add3A_1717 = arith.addi %mul3A_1715, %add3A_1716 : i32
        %swap3A_1718 = arith.index_cast %add3A_1717 : i32 to index
        %swap3A_1719 = arith.constant 32 : index
        %swap3A_1720 = tpu.vector_load %arg8[%swap3A_1718, %swap3A_1719] {strides = array<i32>} : memref<128x128xf32, #tpu.memory_space<vmem>>, vector<1x16xf32>,
        %swap3A_1721 = vector.shape_cast %swap3A_1720 : vector<1x16xf32> to vector<16xf32>
        %swap3A_1722 = vector.shape_cast %mul3A_1713 : vector<16xf32> to vector<1x16xf32>
        tpu.vector_store %arg8[%swap3A_1718, %swap3A_1719], %swap3A_1722 {strides = array<i32>} : memref<128x128xf32, #tpu.memory_space<vmem>>, vector<1x16xf32>,
        %mul3A_1723 = arith.constant 16 : i32
        %mul3A_1724 = arith.muli %scan3A_631, %mul3A_1723 : i32
        %add3A_1725 = arith.constant 7 : i32
        %add3A_1726 = arith.addi %mul3A_1724, %add3A_1725 : i32
        %get3A_1727 = arith.index_cast %add3A_1726 : i32 to index
        %get3A_1728 = arith.constant 48 : index
        %get3A_1729 = tpu.vector_load %arg8[%get3A_1727, %get3A_1728] {strides = array<i32>} : memref<128x128xf32, #tpu.memory_space<vmem>>, vector<1x16xf32>,
        %get3A_1730 = vector.shape_cast %get3A_1729 : vector<1x16xf32> to vector<16xf32>
        %mul3A_1731 = arith.mulf %get3A_1730, %broadcast_in_dim3A_1668 : vector<16xf32>
        %mul3A_1732 = arith.constant 16 : i32
        %mul3A_1733 = arith.muli %scan3A_631, %mul3A_1732 : i32
        %add3A_1734 = arith.constant 7 : i32
        %add3A_1735 = arith.addi %mul3A_1733, %add3A_1734 : i32
        %swap3A_1736 = arith.index_cast %add3A_1735 : i32 to index
        %swap3A_1737 = arith.constant 48 : index
        %swap3A_1738 = tpu.vector_load %arg8[%swap3A_1736, %swap3A_1737] {strides = array<i32>} : memref<128x128xf32, #tpu.memory_space<vmem>>, vector<1x16xf32>,
        %swap3A_1739 = vector.shape_cast %swap3A_1738 : vector<1x16xf32> to vector<16xf32>
        %swap3A_1740 = vector.shape_cast %mul3A_1731 : vector<16xf32> to vector<1x16xf32>
        tpu.vector_store %arg8[%swap3A_1736, %swap3A_1737], %swap3A_1740 {strides = array<i32>} : memref<128x128xf32, #tpu.memory_space<vmem>>, vector<1x16xf32>,
        %mul3A_1741 = arith.constant 16 : i32
        %mul3A_1742 = arith.muli %scan3A_631, %mul3A_1741 : i32
        %add3A_1743 = arith.constant 7 : i32
        %add3A_1744 = arith.addi %mul3A_1742, %add3A_1743 : i32
        %get3A_1745 = arith.index_cast %add3A_1744 : i32 to index
        %get3A_1746 = arith.constant 64 : index
        %get3A_1747 = tpu.vector_load %arg8[%get3A_1745, %get3A_1746] {strides = array<i32>} : memref<128x128xf32, #tpu.memory_space<vmem>>, vector<1x16xf32>,
        %get3A_1748 = vector.shape_cast %get3A_1747 : vector<1x16xf32> to vector<16xf32>
        %mul3A_1749 = arith.mulf %get3A_1748, %broadcast_in_dim3A_1668 : vector<16xf32>
        %mul3A_1750 = arith.constant 16 : i32
        %mul3A_1751 = arith.muli %scan3A_631, %mul3A_1750 : i32
        %add3A_1752 = arith.constant 7 : i32
        %add3A_1753 = arith.addi %mul3A_1751, %add3A_1752 : i32
        %swap3A_1754 = arith.index_cast %add3A_1753 : i32 to index
        %swap3A_1755 = arith.constant 64 : index
        %swap3A_1756 = tpu.vector_load %arg8[%swap3A_1754, %swap3A_1755] {strides = array<i32>} : memref<128x128xf32, #tpu.memory_space<vmem>>, vector<1x16xf32>,
        %swap3A_1757 = vector.shape_cast %swap3A_1756 : vector<1x16xf32> to vector<16xf32>
        %swap3A_1758 = vector.shape_cast %mul3A_1749 : vector<16xf32> to vector<1x16xf32>
        tpu.vector_store %arg8[%swap3A_1754, %swap3A_1755], %swap3A_1758 {strides = array<i32>} : memref<128x128xf32, #tpu.memory_space<vmem>>, vector<1x16xf32>,
        %mul3A_1759 = arith.constant 16 : i32
        %mul3A_1760 = arith.muli %scan3A_631, %mul3A_1759 : i32
        %add3A_1761 = arith.constant 7 : i32
        %add3A_1762 = arith.addi %mul3A_1760, %add3A_1761 : i32
        %get3A_1763 = arith.index_cast %add3A_1762 : i32 to index
        %get3A_1764 = arith.constant 80 : index
        %get3A_1765 = tpu.vector_load %arg8[%get3A_1763, %get3A_1764] {strides = array<i32>} : memref<128x128xf32, #tpu.memory_space<vmem>>, vector<1x16xf32>,
        %get3A_1766 = vector.shape_cast %get3A_1765 : vector<1x16xf32> to vector<16xf32>
        %mul3A_1767 = arith.mulf %get3A_1766, %broadcast_in_dim3A_1668 : vector<16xf32>
        %mul3A_1768 = arith.constant 16 : i32
        %mul3A_1769 = arith.muli %scan3A_631, %mul3A_1768 : i32
        %add3A_1770 = arith.constant 7 : i32
        %add3A_1771 = arith.addi %mul3A_1769, %add3A_1770 : i32
        %swap3A_1772 = arith.index_cast %add3A_1771 : i32 to index
        %swap3A_1773 = arith.constant 80 : index
        %swap3A_1774 = tpu.vector_load %arg8[%swap3A_1772, %swap3A_1773] {strides = array<i32>} : memref<128x128xf32, #tpu.memory_space<vmem>>, vector<1x16xf32>,
        %swap3A_1775 = vector.shape_cast %swap3A_1774 : vector<1x16xf32> to vector<16xf32>
        %swap3A_1776 = vector.shape_cast %mul3A_1767 : vector<16xf32> to vector<1x16xf32>
        tpu.vector_store %arg8[%swap3A_1772, %swap3A_1773], %swap3A_1776 {strides = array<i32>} : memref<128x128xf32, #tpu.memory_space<vmem>>, vector<1x16xf32>,
        %mul3A_1777 = arith.constant 16 : i32
        %mul3A_1778 = arith.muli %scan3A_631, %mul3A_1777 : i32
        %add3A_1779 = arith.constant 7 : i32
        %add3A_1780 = arith.addi %mul3A_1778, %add3A_1779 : i32
        %get3A_1781 = arith.index_cast %add3A_1780 : i32 to index
        %get3A_1782 = arith.constant 96 : index
        %get3A_1783 = tpu.vector_load %arg8[%get3A_1781, %get3A_1782] {strides = array<i32>} : memref<128x128xf32, #tpu.memory_space<vmem>>, vector<1x16xf32>,
        %get3A_1784 = vector.shape_cast %get3A_1783 : vector<1x16xf32> to vector<16xf32>
        %mul3A_1785 = arith.mulf %get3A_1784, %broadcast_in_dim3A_1668 : vector<16xf32>
        %mul3A_1786 = arith.constant 16 : i32
        %mul3A_1787 = arith.muli %scan3A_631, %mul3A_1786 : i32
        %add3A_1788 = arith.constant 7 : i32
        %add3A_1789 = arith.addi %mul3A_1787, %add3A_1788 : i32
        %swap3A_1790 = arith.index_cast %add3A_1789 : i32 to index
        %swap3A_1791 = arith.constant 96 : index
        %swap3A_1792 = tpu.vector_load %arg8[%swap3A_1790, %swap3A_1791] {strides = array<i32>} : memref<128x128xf32, #tpu.memory_space<vmem>>, vector<1x16xf32>,
        %swap3A_1793 = vector.shape_cast %swap3A_1792 : vector<1x16xf32> to vector<16xf32>
        %swap3A_1794 = vector.shape_cast %mul3A_1785 : vector<16xf32> to vector<1x16xf32>
        tpu.vector_store %arg8[%swap3A_1790, %swap3A_1791], %swap3A_1794 {strides = array<i32>} : memref<128x128xf32, #tpu.memory_space<vmem>>, vector<1x16xf32>,
        %mul3A_1795 = arith.constant 16 : i32
        %mul3A_1796 = arith.muli %scan3A_631, %mul3A_1795 : i32
        %add3A_1797 = arith.constant 7 : i32
        %add3A_1798 = arith.addi %mul3A_1796, %add3A_1797 : i32
        %get3A_1799 = arith.index_cast %add3A_1798 : i32 to index
        %get3A_1800 = arith.constant 112 : index
        %get3A_1801 = tpu.vector_load %arg8[%get3A_1799, %get3A_1800] {strides = array<i32>} : memref<128x128xf32, #tpu.memory_space<vmem>>, vector<1x16xf32>,
        %get3A_1802 = vector.shape_cast %get3A_1801 : vector<1x16xf32> to vector<16xf32>
        %mul3A_1803 = arith.mulf %get3A_1802, %broadcast_in_dim3A_1668 : vector<16xf32>
        %mul3A_1804 = arith.constant 16 : i32
        %mul3A_1805 = arith.muli %scan3A_631, %mul3A_1804 : i32
        %add3A_1806 = arith.constant 7 : i32
        %add3A_1807 = arith.addi %mul3A_1805, %add3A_1806 : i32
        %swap3A_1808 = arith.index_cast %add3A_1807 : i32 to index
        %swap3A_1809 = arith.constant 112 : index
        %swap3A_1810 = tpu.vector_load %arg8[%swap3A_1808, %swap3A_1809] {strides = array<i32>} : memref<128x128xf32, #tpu.memory_space<vmem>>, vector<1x16xf32>,
        %swap3A_1811 = vector.shape_cast %swap3A_1810 : vector<1x16xf32> to vector<16xf32>
        %swap3A_1812 = vector.shape_cast %mul3A_1803 : vector<16xf32> to vector<1x16xf32>
        tpu.vector_store %arg8[%swap3A_1808, %swap3A_1809], %swap3A_1812 {strides = array<i32>} : memref<128x128xf32, #tpu.memory_space<vmem>>, vector<1x16xf32>,
        %slice3A_1813 = vector.extract_strided_slice %get3A_638 {offsets = [8], sizes = [1], strides = [1]} : vector<16xf32> to vector<1xf32>
        %squeeze3A_1814 = vector.extract %slice3A_1813[0] : f32 from vector<1xf32>
        %broadcast_in_dim3A_1815 = vector.broadcast %squeeze3A_1814 : f32 to vector<16xf32>
        %mul3A_1816 = arith.constant 16 : i32
        %mul3A_1817 = arith.muli %scan3A_631, %mul3A_1816 : i32
        %add3A_1818 = arith.constant 8 : i32
        %add3A_1819 = arith.addi %mul3A_1817, %add3A_1818 : i32
        %get3A_1820 = arith.index_cast %add3A_1819 : i32 to index
        %get3A_1821 = arith.constant 0 : index
        %get3A_1822 = tpu.vector_load %arg8[%get3A_1820, %get3A_1821] {strides = array<i32>} : memref<128x128xf32, #tpu.memory_space<vmem>>, vector<1x16xf32>,
        %get3A_1823 = vector.shape_cast %get3A_1822 : vector<1x16xf32> to vector<16xf32>
        %mul3A_1824 = arith.mulf %get3A_1823, %broadcast_in_dim3A_1815 : vector<16xf32>
        %mul3A_1825 = arith.constant 16 : i32
        %mul3A_1826 = arith.muli %scan3A_631, %mul3A_1825 : i32
        %add3A_1827 = arith.constant 8 : i32
        %add3A_1828 = arith.addi %mul3A_1826, %add3A_1827 : i32
        %swap3A_1829 = arith.index_cast %add3A_1828 : i32 to index
        %swap3A_1830 = arith.constant 0 : index
        %swap3A_1831 = tpu.vector_load %arg8[%swap3A_1829, %swap3A_1830] {strides = array<i32>} : memref<128x128xf32, #tpu.memory_space<vmem>>, vector<1x16xf32>,
        %swap3A_1832 = vector.shape_cast %swap3A_1831 : vector<1x16xf32> to vector<16xf32>
        %swap3A_1833 = vector.shape_cast %mul3A_1824 : vector<16xf32> to vector<1x16xf32>
        tpu.vector_store %arg8[%swap3A_1829, %swap3A_1830], %swap3A_1833 {strides = array<i32>} : memref<128x128xf32, #tpu.memory_space<vmem>>, vector<1x16xf32>,
        %mul3A_1834 = arith.constant 16 : i32
        %mul3A_1835 = arith.muli %scan3A_631, %mul3A_1834 : i32
        %add3A_1836 = arith.constant 8 : i32
        %add3A_1837 = arith.addi %mul3A_1835, %add3A_1836 : i32
        %get3A_1838 = arith.index_cast %add3A_1837 : i32 to index
        %get3A_1839 = arith.constant 16 : index
        %get3A_1840 = tpu.vector_load %arg8[%get3A_1838, %get3A_1839] {strides = array<i32>} : memref<128x128xf32, #tpu.memory_space<vmem>>, vector<1x16xf32>,
        %get3A_1841 = vector.shape_cast %get3A_1840 : vector<1x16xf32> to vector<16xf32>
        %mul3A_1842 = arith.mulf %get3A_1841, %broadcast_in_dim3A_1815 : vector<16xf32>
        %mul3A_1843 = arith.constant 16 : i32
        %mul3A_1844 = arith.muli %scan3A_631, %mul3A_1843 : i32
        %add3A_1845 = arith.constant 8 : i32
        %add3A_1846 = arith.addi %mul3A_1844, %add3A_1845 : i32
        %swap3A_1847 = arith.index_cast %add3A_1846 : i32 to index
        %swap3A_1848 = arith.constant 16 : index
        %swap3A_1849 = tpu.vector_load %arg8[%swap3A_1847, %swap3A_1848] {strides = array<i32>} : memref<128x128xf32, #tpu.memory_space<vmem>>, vector<1x16xf32>,
        %swap3A_1850 = vector.shape_cast %swap3A_1849 : vector<1x16xf32> to vector<16xf32>
        %swap3A_1851 = vector.shape_cast %mul3A_1842 : vector<16xf32> to vector<1x16xf32>
        tpu.vector_store %arg8[%swap3A_1847, %swap3A_1848], %swap3A_1851 {strides = array<i32>} : memref<128x128xf32, #tpu.memory_space<vmem>>, vector<1x16xf32>,
        %mul3A_1852 = arith.constant 16 : i32
        %mul3A_1853 = arith.muli %scan3A_631, %mul3A_1852 : i32
        %add3A_1854 = arith.constant 8 : i32
        %add3A_1855 = arith.addi %mul3A_1853, %add3A_1854 : i32
        %get3A_1856 = arith.index_cast %add3A_1855 : i32 to index
        %get3A_1857 = arith.constant 32 : index
        %get3A_1858 = tpu.vector_load %arg8[%get3A_1856, %get3A_1857] {strides = array<i32>} : memref<128x128xf32, #tpu.memory_space<vmem>>, vector<1x16xf32>,
        %get3A_1859 = vector.shape_cast %get3A_1858 : vector<1x16xf32> to vector<16xf32>
        %mul3A_1860 = arith.mulf %get3A_1859, %broadcast_in_dim3A_1815 : vector<16xf32>
        %mul3A_1861 = arith.constant 16 : i32
        %mul3A_1862 = arith.muli %scan3A_631, %mul3A_1861 : i32
        %add3A_1863 = arith.constant 8 : i32
        %add3A_1864 = arith.addi %mul3A_1862, %add3A_1863 : i32
        %swap3A_1865 = arith.index_cast %add3A_1864 : i32 to index
        %swap3A_1866 = arith.constant 32 : index
        %swap3A_1867 = tpu.vector_load %arg8[%swap3A_1865, %swap3A_1866] {strides = array<i32>} : memref<128x128xf32, #tpu.memory_space<vmem>>, vector<1x16xf32>,
        %swap3A_1868 = vector.shape_cast %swap3A_1867 : vector<1x16xf32> to vector<16xf32>
        %swap3A_1869 = vector.shape_cast %mul3A_1860 : vector<16xf32> to vector<1x16xf32>
        tpu.vector_store %arg8[%swap3A_1865, %swap3A_1866], %swap3A_1869 {strides = array<i32>} : memref<128x128xf32, #tpu.memory_space<vmem>>, vector<1x16xf32>,
        %mul3A_1870 = arith.constant 16 : i32
        %mul3A_1871 = arith.muli %scan3A_631, %mul3A_1870 : i32
        %add3A_1872 = arith.constant 8 : i32
        %add3A_1873 = arith.addi %mul3A_1871, %add3A_1872 : i32
        %get3A_1874 = arith.index_cast %add3A_1873 : i32 to index
        %get3A_1875 = arith.constant 48 : index
        %get3A_1876 = tpu.vector_load %arg8[%get3A_1874, %get3A_1875] {strides = array<i32>} : memref<128x128xf32, #tpu.memory_space<vmem>>, vector<1x16xf32>,
        %get3A_1877 = vector.shape_cast %get3A_1876 : vector<1x16xf32> to vector<16xf32>
        %mul3A_1878 = arith.mulf %get3A_1877, %broadcast_in_dim3A_1815 : vector<16xf32>
        %mul3A_1879 = arith.constant 16 : i32
        %mul3A_1880 = arith.muli %scan3A_631, %mul3A_1879 : i32
        %add3A_1881 = arith.constant 8 : i32
        %add3A_1882 = arith.addi %mul3A_1880, %add3A_1881 : i32
        %swap3A_1883 = arith.index_cast %add3A_1882 : i32 to index
        %swap3A_1884 = arith.constant 48 : index
        %swap3A_1885 = tpu.vector_load %arg8[%swap3A_1883, %swap3A_1884] {strides = array<i32>} : memref<128x128xf32, #tpu.memory_space<vmem>>, vector<1x16xf32>,
        %swap3A_1886 = vector.shape_cast %swap3A_1885 : vector<1x16xf32> to vector<16xf32>
        %swap3A_1887 = vector.shape_cast %mul3A_1878 : vector<16xf32> to vector<1x16xf32>
        tpu.vector_store %arg8[%swap3A_1883, %swap3A_1884], %swap3A_1887 {strides = array<i32>} : memref<128x128xf32, #tpu.memory_space<vmem>>, vector<1x16xf32>,
        %mul3A_1888 = arith.constant 16 : i32
        %mul3A_1889 = arith.muli %scan3A_631, %mul3A_1888 : i32
        %add3A_1890 = arith.constant 8 : i32
        %add3A_1891 = arith.addi %mul3A_1889, %add3A_1890 : i32
        %get3A_1892 = arith.index_cast %add3A_1891 : i32 to index
        %get3A_1893 = arith.constant 64 : index
        %get3A_1894 = tpu.vector_load %arg8[%get3A_1892, %get3A_1893] {strides = array<i32>} : memref<128x128xf32, #tpu.memory_space<vmem>>, vector<1x16xf32>,
        %get3A_1895 = vector.shape_cast %get3A_1894 : vector<1x16xf32> to vector<16xf32>
        %mul3A_1896 = arith.mulf %get3A_1895, %broadcast_in_dim3A_1815 : vector<16xf32>
        %mul3A_1897 = arith.constant 16 : i32
        %mul3A_1898 = arith.muli %scan3A_631, %mul3A_1897 : i32
        %add3A_1899 = arith.constant 8 : i32
        %add3A_1900 = arith.addi %mul3A_1898, %add3A_1899 : i32
        %swap3A_1901 = arith.index_cast %add3A_1900 : i32 to index
        %swap3A_1902 = arith.constant 64 : index
        %swap3A_1903 = tpu.vector_load %arg8[%swap3A_1901, %swap3A_1902] {strides = array<i32>} : memref<128x128xf32, #tpu.memory_space<vmem>>, vector<1x16xf32>,
        %swap3A_1904 = vector.shape_cast %swap3A_1903 : vector<1x16xf32> to vector<16xf32>
        %swap3A_1905 = vector.shape_cast %mul3A_1896 : vector<16xf32> to vector<1x16xf32>
        tpu.vector_store %arg8[%swap3A_1901, %swap3A_1902], %swap3A_1905 {strides = array<i32>} : memref<128x128xf32, #tpu.memory_space<vmem>>, vector<1x16xf32>,
        %mul3A_1906 = arith.constant 16 : i32
        %mul3A_1907 = arith.muli %scan3A_631, %mul3A_1906 : i32
        %add3A_1908 = arith.constant 8 : i32
        %add3A_1909 = arith.addi %mul3A_1907, %add3A_1908 : i32
        %get3A_1910 = arith.index_cast %add3A_1909 : i32 to index
        %get3A_1911 = arith.constant 80 : index
        %get3A_1912 = tpu.vector_load %arg8[%get3A_1910, %get3A_1911] {strides = array<i32>} : memref<128x128xf32, #tpu.memory_space<vmem>>, vector<1x16xf32>,
        %get3A_1913 = vector.shape_cast %get3A_1912 : vector<1x16xf32> to vector<16xf32>
        %mul3A_1914 = arith.mulf %get3A_1913, %broadcast_in_dim3A_1815 : vector<16xf32>
        %mul3A_1915 = arith.constant 16 : i32
        %mul3A_1916 = arith.muli %scan3A_631, %mul3A_1915 : i32
        %add3A_1917 = arith.constant 8 : i32
        %add3A_1918 = arith.addi %mul3A_1916, %add3A_1917 : i32
        %swap3A_1919 = arith.index_cast %add3A_1918 : i32 to index
        %swap3A_1920 = arith.constant 80 : index
        %swap3A_1921 = tpu.vector_load %arg8[%swap3A_1919, %swap3A_1920] {strides = array<i32>} : memref<128x128xf32, #tpu.memory_space<vmem>>, vector<1x16xf32>,
        %swap3A_1922 = vector.shape_cast %swap3A_1921 : vector<1x16xf32> to vector<16xf32>
        %swap3A_1923 = vector.shape_cast %mul3A_1914 : vector<16xf32> to vector<1x16xf32>
        tpu.vector_store %arg8[%swap3A_1919, %swap3A_1920], %swap3A_1923 {strides = array<i32>} : memref<128x128xf32, #tpu.memory_space<vmem>>, vector<1x16xf32>,
        %mul3A_1924 = arith.constant 16 : i32
        %mul3A_1925 = arith.muli %scan3A_631, %mul3A_1924 : i32
        %add3A_1926 = arith.constant 8 : i32
        %add3A_1927 = arith.addi %mul3A_1925, %add3A_1926 : i32
        %get3A_1928 = arith.index_cast %add3A_1927 : i32 to index
        %get3A_1929 = arith.constant 96 : index
        %get3A_1930 = tpu.vector_load %arg8[%get3A_1928, %get3A_1929] {strides = array<i32>} : memref<128x128xf32, #tpu.memory_space<vmem>>, vector<1x16xf32>,
        %get3A_1931 = vector.shape_cast %get3A_1930 : vector<1x16xf32> to vector<16xf32>
        %mul3A_1932 = arith.mulf %get3A_1931, %broadcast_in_dim3A_1815 : vector<16xf32>
        %mul3A_1933 = arith.constant 16 : i32
        %mul3A_1934 = arith.muli %scan3A_631, %mul3A_1933 : i32
        %add3A_1935 = arith.constant 8 : i32
        %add3A_1936 = arith.addi %mul3A_1934, %add3A_1935 : i32
        %swap3A_1937 = arith.index_cast %add3A_1936 : i32 to index
        %swap3A_1938 = arith.constant 96 : index
        %swap3A_1939 = tpu.vector_load %arg8[%swap3A_1937, %swap3A_1938] {strides = array<i32>} : memref<128x128xf32, #tpu.memory_space<vmem>>, vector<1x16xf32>,
        %swap3A_1940 = vector.shape_cast %swap3A_1939 : vector<1x16xf32> to vector<16xf32>
        %swap3A_1941 = vector.shape_cast %mul3A_1932 : vector<16xf32> to vector<1x16xf32>
        tpu.vector_store %arg8[%swap3A_1937, %swap3A_1938], %swap3A_1941 {strides = array<i32>} : memref<128x128xf32, #tpu.memory_space<vmem>>, vector<1x16xf32>,
        %mul3A_1942 = arith.constant 16 : i32
        %mul3A_1943 = arith.muli %scan3A_631, %mul3A_1942 : i32
        %add3A_1944 = arith.constant 8 : i32
        %add3A_1945 = arith.addi %mul3A_1943, %add3A_1944 : i32
        %get3A_1946 = arith.index_cast %add3A_1945 : i32 to index
        %get3A_1947 = arith.constant 112 : index
        %get3A_1948 = tpu.vector_load %arg8[%get3A_1946, %get3A_1947] {strides = array<i32>} : memref<128x128xf32, #tpu.memory_space<vmem>>, vector<1x16xf32>,
        %get3A_1949 = vector.shape_cast %get3A_1948 : vector<1x16xf32> to vector<16xf32>
        %mul3A_1950 = arith.mulf %get3A_1949, %broadcast_in_dim3A_1815 : vector<16xf32>
        %mul3A_1951 = arith.constant 16 : i32
        %mul3A_1952 = arith.muli %scan3A_631, %mul3A_1951 : i32
        %add3A_1953 = arith.constant 8 : i32
        %add3A_1954 = arith.addi %mul3A_1952, %add3A_1953 : i32
        %swap3A_1955 = arith.index_cast %add3A_1954 : i32 to index
        %swap3A_1956 = arith.constant 112 : index
        %swap3A_1957 = tpu.vector_load %arg8[%swap3A_1955, %swap3A_1956] {strides = array<i32>} : memref<128x128xf32, #tpu.memory_space<vmem>>, vector<1x16xf32>,
        %swap3A_1958 = vector.shape_cast %swap3A_1957 : vector<1x16xf32> to vector<16xf32>
        %swap3A_1959 = vector.shape_cast %mul3A_1950 : vector<16xf32> to vector<1x16xf32>
        tpu.vector_store %arg8[%swap3A_1955, %swap3A_1956], %swap3A_1959 {strides = array<i32>} : memref<128x128xf32, #tpu.memory_space<vmem>>, vector<1x16xf32>,
        %slice3A_1960 = vector.extract_strided_slice %get3A_638 {offsets = [9], sizes = [1], strides = [1]} : vector<16xf32> to vector<1xf32>
        %squeeze3A_1961 = vector.extract %slice3A_1960[0] : f32 from vector<1xf32>
        %broadcast_in_dim3A_1962 = vector.broadcast %squeeze3A_1961 : f32 to vector<16xf32>
        %mul3A_1963 = arith.constant 16 : i32
        %mul3A_1964 = arith.muli %scan3A_631, %mul3A_1963 : i32
        %add3A_1965 = arith.constant 9 : i32
        %add3A_1966 = arith.addi %mul3A_1964, %add3A_1965 : i32
        %get3A_1967 = arith.index_cast %add3A_1966 : i32 to index
        %get3A_1968 = arith.constant 0 : index
        %get3A_1969 = tpu.vector_load %arg8[%get3A_1967, %get3A_1968] {strides = array<i32>} : memref<128x128xf32, #tpu.memory_space<vmem>>, vector<1x16xf32>,
        %get3A_1970 = vector.shape_cast %get3A_1969 : vector<1x16xf32> to vector<16xf32>
        %mul3A_1971 = arith.mulf %get3A_1970, %broadcast_in_dim3A_1962 : vector<16xf32>
        %mul3A_1972 = arith.constant 16 : i32
        %mul3A_1973 = arith.muli %scan3A_631, %mul3A_1972 : i32
        %add3A_1974 = arith.constant 9 : i32
        %add3A_1975 = arith.addi %mul3A_1973, %add3A_1974 : i32
        %swap3A_1976 = arith.index_cast %add3A_1975 : i32 to index
        %swap3A_1977 = arith.constant 0 : index
        %swap3A_1978 = tpu.vector_load %arg8[%swap3A_1976, %swap3A_1977] {strides = array<i32>} : memref<128x128xf32, #tpu.memory_space<vmem>>, vector<1x16xf32>,
        %swap3A_1979 = vector.shape_cast %swap3A_1978 : vector<1x16xf32> to vector<16xf32>
        %swap3A_1980 = vector.shape_cast %mul3A_1971 : vector<16xf32> to vector<1x16xf32>
        tpu.vector_store %arg8[%swap3A_1976, %swap3A_1977], %swap3A_1980 {strides = array<i32>} : memref<128x128xf32, #tpu.memory_space<vmem>>, vector<1x16xf32>,
        %mul3A_1981 = arith.constant 16 : i32
        %mul3A_1982 = arith.muli %scan3A_631, %mul3A_1981 : i32
        %add3A_1983 = arith.constant 9 : i32
        %add3A_1984 = arith.addi %mul3A_1982, %add3A_1983 : i32
        %get3A_1985 = arith.index_cast %add3A_1984 : i32 to index
        %get3A_1986 = arith.constant 16 : index
        %get3A_1987 = tpu.vector_load %arg8[%get3A_1985, %get3A_1986] {strides = array<i32>} : memref<128x128xf32, #tpu.memory_space<vmem>>, vector<1x16xf32>,
        %get3A_1988 = vector.shape_cast %get3A_1987 : vector<1x16xf32> to vector<16xf32>
        %mul3A_1989 = arith.mulf %get3A_1988, %broadcast_in_dim3A_1962 : vector<16xf32>
        %mul3A_1990 = arith.constant 16 : i32
        %mul3A_1991 = arith.muli %scan3A_631, %mul3A_1990 : i32
        %add3A_1992 = arith.constant 9 : i32
        %add3A_1993 = arith.addi %mul3A_1991, %add3A_1992 : i32
        %swap3A_1994 = arith.index_cast %add3A_1993 : i32 to index
        %swap3A_1995 = arith.constant 16 : index
        %swap3A_1996 = tpu.vector_load %arg8[%swap3A_1994, %swap3A_1995] {strides = array<i32>} : memref<128x128xf32, #tpu.memory_space<vmem>>, vector<1x16xf32>,
        %swap3A_1997 = vector.shape_cast %swap3A_1996 : vector<1x16xf32> to vector<16xf32>
        %swap3A_1998 = vector.shape_cast %mul3A_1989 : vector<16xf32> to vector<1x16xf32>
        tpu.vector_store %arg8[%swap3A_1994, %swap3A_1995], %swap3A_1998 {strides = array<i32>} : memref<128x128xf32, #tpu.memory_space<vmem>>, vector<1x16xf32>,
        %mul3A_1999 = arith.constant 16 : i32
        %mul3A_2000 = arith.muli %scan3A_631, %mul3A_1999 : i32
        %add3A_2001 = arith.constant 9 : i32
        %add3A_2002 = arith.addi %mul3A_2000, %add3A_2001 : i32
        %get3A_2003 = arith.index_cast %add3A_2002 : i32 to index
        %get3A_2004 = arith.constant 32 : index
        %get3A_2005 = tpu.vector_load %arg8[%get3A_2003, %get3A_2004] {strides = array<i32>} : memref<128x128xf32, #tpu.memory_space<vmem>>, vector<1x16xf32>,
        %get3A_2006 = vector.shape_cast %get3A_2005 : vector<1x16xf32> to vector<16xf32>
        %mul3A_2007 = arith.mulf %get3A_2006, %broadcast_in_dim3A_1962 : vector<16xf32>
        %mul3A_2008 = arith.constant 16 : i32
        %mul3A_2009 = arith.muli %scan3A_631, %mul3A_2008 : i32
        %add3A_2010 = arith.constant 9 : i32
        %add3A_2011 = arith.addi %mul3A_2009, %add3A_2010 : i32
        %swap3A_2012 = arith.index_cast %add3A_2011 : i32 to index
        %swap3A_2013 = arith.constant 32 : index
        %swap3A_2014 = tpu.vector_load %arg8[%swap3A_2012, %swap3A_2013] {strides = array<i32>} : memref<128x128xf32, #tpu.memory_space<vmem>>, vector<1x16xf32>,
        %swap3A_2015 = vector.shape_cast %swap3A_2014 : vector<1x16xf32> to vector<16xf32>
        %swap3A_2016 = vector.shape_cast %mul3A_2007 : vector<16xf32> to vector<1x16xf32>
        tpu.vector_store %arg8[%swap3A_2012, %swap3A_2013], %swap3A_2016 {strides = array<i32>} : memref<128x128xf32, #tpu.memory_space<vmem>>, vector<1x16xf32>,
        %mul3A_2017 = arith.constant 16 : i32
        %mul3A_2018 = arith.muli %scan3A_631, %mul3A_2017 : i32
        %add3A_2019 = arith.constant 9 : i32
        %add3A_2020 = arith.addi %mul3A_2018, %add3A_2019 : i32
        %get3A_2021 = arith.index_cast %add3A_2020 : i32 to index
        %get3A_2022 = arith.constant 48 : index
        %get3A_2023 = tpu.vector_load %arg8[%get3A_2021, %get3A_2022] {strides = array<i32>} : memref<128x128xf32, #tpu.memory_space<vmem>>, vector<1x16xf32>,
        %get3A_2024 = vector.shape_cast %get3A_2023 : vector<1x16xf32> to vector<16xf32>
        %mul3A_2025 = arith.mulf %get3A_2024, %broadcast_in_dim3A_1962 : vector<16xf32>
        %mul3A_2026 = arith.constant 16 : i32
        %mul3A_2027 = arith.muli %scan3A_631, %mul3A_2026 : i32
        %add3A_2028 = arith.constant 9 : i32
        %add3A_2029 = arith.addi %mul3A_2027, %add3A_2028 : i32
        %swap3A_2030 = arith.index_cast %add3A_2029 : i32 to index
        %swap3A_2031 = arith.constant 48 : index
        %swap3A_2032 = tpu.vector_load %arg8[%swap3A_2030, %swap3A_2031] {strides = array<i32>} : memref<128x128xf32, #tpu.memory_space<vmem>>, vector<1x16xf32>,
        %swap3A_2033 = vector.shape_cast %swap3A_2032 : vector<1x16xf32> to vector<16xf32>
        %swap3A_2034 = vector.shape_cast %mul3A_2025 : vector<16xf32> to vector<1x16xf32>
        tpu.vector_store %arg8[%swap3A_2030, %swap3A_2031], %swap3A_2034 {strides = array<i32>} : memref<128x128xf32, #tpu.memory_space<vmem>>, vector<1x16xf32>,
        %mul3A_2035 = arith.constant 16 : i32
        %mul3A_2036 = arith.muli %scan3A_631, %mul3A_2035 : i32
        %add3A_2037 = arith.constant 9 : i32
        %add3A_2038 = arith.addi %mul3A_2036, %add3A_2037 : i32
        %get3A_2039 = arith.index_cast %add3A_2038 : i32 to index
        %get3A_2040 = arith.constant 64 : index
        %get3A_2041 = tpu.vector_load %arg8[%get3A_2039, %get3A_2040] {strides = array<i32>} : memref<128x128xf32, #tpu.memory_space<vmem>>, vector<1x16xf32>,
        %get3A_2042 = vector.shape_cast %get3A_2041 : vector<1x16xf32> to vector<16xf32>
        %mul3A_2043 = arith.mulf %get3A_2042, %broadcast_in_dim3A_1962 : vector<16xf32>
        %mul3A_2044 = arith.constant 16 : i32
        %mul3A_2045 = arith.muli %scan3A_631, %mul3A_2044 : i32
        %add3A_2046 = arith.constant 9 : i32
        %add3A_2047 = arith.addi %mul3A_2045, %add3A_2046 : i32
        %swap3A_2048 = arith.index_cast %add3A_2047 : i32 to index
        %swap3A_2049 = arith.constant 64 : index
        %swap3A_2050 = tpu.vector_load %arg8[%swap3A_2048, %swap3A_2049] {strides = array<i32>} : memref<128x128xf32, #tpu.memory_space<vmem>>, vector<1x16xf32>,
        %swap3A_2051 = vector.shape_cast %swap3A_2050 : vector<1x16xf32> to vector<16xf32>
        %swap3A_2052 = vector.shape_cast %mul3A_2043 : vector<16xf32> to vector<1x16xf32>
        tpu.vector_store %arg8[%swap3A_2048, %swap3A_2049], %swap3A_2052 {strides = array<i32>} : memref<128x128xf32, #tpu.memory_space<vmem>>, vector<1x16xf32>,
        %mul3A_2053 = arith.constant 16 : i32
        %mul3A_2054 = arith.muli %scan3A_631, %mul3A_2053 : i32
        %add3A_2055 = arith.constant 9 : i32
        %add3A_2056 = arith.addi %mul3A_2054, %add3A_2055 : i32
        %get3A_2057 = arith.index_cast %add3A_2056 : i32 to index
        %get3A_2058 = arith.constant 80 : index
        %get3A_2059 = tpu.vector_load %arg8[%get3A_2057, %get3A_2058] {strides = array<i32>} : memref<128x128xf32, #tpu.memory_space<vmem>>, vector<1x16xf32>,
        %get3A_2060 = vector.shape_cast %get3A_2059 : vector<1x16xf32> to vector<16xf32>
        %mul3A_2061 = arith.mulf %get3A_2060, %broadcast_in_dim3A_1962 : vector<16xf32>
        %mul3A_2062 = arith.constant 16 : i32
        %mul3A_2063 = arith.muli %scan3A_631, %mul3A_2062 : i32
        %add3A_2064 = arith.constant 9 : i32
        %add3A_2065 = arith.addi %mul3A_2063, %add3A_2064 : i32
        %swap3A_2066 = arith.index_cast %add3A_2065 : i32 to index
        %swap3A_2067 = arith.constant 80 : index
        %swap3A_2068 = tpu.vector_load %arg8[%swap3A_2066, %swap3A_2067] {strides = array<i32>} : memref<128x128xf32, #tpu.memory_space<vmem>>, vector<1x16xf32>,
        %swap3A_2069 = vector.shape_cast %swap3A_2068 : vector<1x16xf32> to vector<16xf32>
        %swap3A_2070 = vector.shape_cast %mul3A_2061 : vector<16xf32> to vector<1x16xf32>
        tpu.vector_store %arg8[%swap3A_2066, %swap3A_2067], %swap3A_2070 {strides = array<i32>} : memref<128x128xf32, #tpu.memory_space<vmem>>, vector<1x16xf32>,
        %mul3A_2071 = arith.constant 16 : i32
        %mul3A_2072 = arith.muli %scan3A_631, %mul3A_2071 : i32
        %add3A_2073 = arith.constant 9 : i32
        %add3A_2074 = arith.addi %mul3A_2072, %add3A_2073 : i32
        %get3A_2075 = arith.index_cast %add3A_2074 : i32 to index
        %get3A_2076 = arith.constant 96 : index
        %get3A_2077 = tpu.vector_load %arg8[%get3A_2075, %get3A_2076] {strides = array<i32>} : memref<128x128xf32, #tpu.memory_space<vmem>>, vector<1x16xf32>,
        %get3A_2078 = vector.shape_cast %get3A_2077 : vector<1x16xf32> to vector<16xf32>
        %mul3A_2079 = arith.mulf %get3A_2078, %broadcast_in_dim3A_1962 : vector<16xf32>
        %mul3A_2080 = arith.constant 16 : i32
        %mul3A_2081 = arith.muli %scan3A_631, %mul3A_2080 : i32
        %add3A_2082 = arith.constant 9 : i32
        %add3A_2083 = arith.addi %mul3A_2081, %add3A_2082 : i32
        %swap3A_2084 = arith.index_cast %add3A_2083 : i32 to index
        %swap3A_2085 = arith.constant 96 : index
        %swap3A_2086 = tpu.vector_load %arg8[%swap3A_2084, %swap3A_2085] {strides = array<i32>} : memref<128x128xf32, #tpu.memory_space<vmem>>, vector<1x16xf32>,
        %swap3A_2087 = vector.shape_cast %swap3A_2086 : vector<1x16xf32> to vector<16xf32>
        %swap3A_2088 = vector.shape_cast %mul3A_2079 : vector<16xf32> to vector<1x16xf32>
        tpu.vector_store %arg8[%swap3A_2084, %swap3A_2085], %swap3A_2088 {strides = array<i32>} : memref<128x128xf32, #tpu.memory_space<vmem>>, vector<1x16xf32>,
        %mul3A_2089 = arith.constant 16 : i32
        %mul3A_2090 = arith.muli %scan3A_631, %mul3A_2089 : i32
        %add3A_2091 = arith.constant 9 : i32
        %add3A_2092 = arith.addi %mul3A_2090, %add3A_2091 : i32
        %get3A_2093 = arith.index_cast %add3A_2092 : i32 to index
        %get3A_2094 = arith.constant 112 : index
        %get3A_2095 = tpu.vector_load %arg8[%get3A_2093, %get3A_2094] {strides = array<i32>} : memref<128x128xf32, #tpu.memory_space<vmem>>, vector<1x16xf32>,
        %get3A_2096 = vector.shape_cast %get3A_2095 : vector<1x16xf32> to vector<16xf32>
        %mul3A_2097 = arith.mulf %get3A_2096, %broadcast_in_dim3A_1962 : vector<16xf32>
        %mul3A_2098 = arith.constant 16 : i32
        %mul3A_2099 = arith.muli %scan3A_631, %mul3A_2098 : i32
        %add3A_2100 = arith.constant 9 : i32
        %add3A_2101 = arith.addi %mul3A_2099, %add3A_2100 : i32
        %swap3A_2102 = arith.index_cast %add3A_2101 : i32 to index
        %swap3A_2103 = arith.constant 112 : index
        %swap3A_2104 = tpu.vector_load %arg8[%swap3A_2102, %swap3A_2103] {strides = array<i32>} : memref<128x128xf32, #tpu.memory_space<vmem>>, vector<1x16xf32>,
        %swap3A_2105 = vector.shape_cast %swap3A_2104 : vector<1x16xf32> to vector<16xf32>
        %swap3A_2106 = vector.shape_cast %mul3A_2097 : vector<16xf32> to vector<1x16xf32>
        tpu.vector_store %arg8[%swap3A_2102, %swap3A_2103], %swap3A_2106 {strides = array<i32>} : memref<128x128xf32, #tpu.memory_space<vmem>>, vector<1x16xf32>,
        %slice3A_2107 = vector.extract_strided_slice %get3A_638 {offsets = [10], sizes = [1], strides = [1]} : vector<16xf32> to vector<1xf32>
        %squeeze3A_2108 = vector.extract %slice3A_2107[0] : f32 from vector<1xf32>
        %broadcast_in_dim3A_2109 = vector.broadcast %squeeze3A_2108 : f32 to vector<16xf32>
        %mul3A_2110 = arith.constant 16 : i32
        %mul3A_2111 = arith.muli %scan3A_631, %mul3A_2110 : i32
        %add3A_2112 = arith.constant 10 : i32
        %add3A_2113 = arith.addi %mul3A_2111, %add3A_2112 : i32
        %get3A_2114 = arith.index_cast %add3A_2113 : i32 to index
        %get3A_2115 = arith.constant 0 : index
        %get3A_2116 = tpu.vector_load %arg8[%get3A_2114, %get3A_2115] {strides = array<i32>} : memref<128x128xf32, #tpu.memory_space<vmem>>, vector<1x16xf32>,
        %get3A_2117 = vector.shape_cast %get3A_2116 : vector<1x16xf32> to vector<16xf32>
        %mul3A_2118 = arith.mulf %get3A_2117, %broadcast_in_dim3A_2109 : vector<16xf32>
        %mul3A_2119 = arith.constant 16 : i32
        %mul3A_2120 = arith.muli %scan3A_631, %mul3A_2119 : i32
        %add3A_2121 = arith.constant 10 : i32
        %add3A_2122 = arith.addi %mul3A_2120, %add3A_2121 : i32
        %swap3A_2123 = arith.index_cast %add3A_2122 : i32 to index
        %swap3A_2124 = arith.constant 0 : index
        %swap3A_2125 = tpu.vector_load %arg8[%swap3A_2123, %swap3A_2124] {strides = array<i32>} : memref<128x128xf32, #tpu.memory_space<vmem>>, vector<1x16xf32>,
        %swap3A_2126 = vector.shape_cast %swap3A_2125 : vector<1x16xf32> to vector<16xf32>
        %swap3A_2127 = vector.shape_cast %mul3A_2118 : vector<16xf32> to vector<1x16xf32>
        tpu.vector_store %arg8[%swap3A_2123, %swap3A_2124], %swap3A_2127 {strides = array<i32>} : memref<128x128xf32, #tpu.memory_space<vmem>>, vector<1x16xf32>,
        %mul3A_2128 = arith.constant 16 : i32
        %mul3A_2129 = arith.muli %scan3A_631, %mul3A_2128 : i32
        %add3A_2130 = arith.constant 10 : i32
        %add3A_2131 = arith.addi %mul3A_2129, %add3A_2130 : i32
        %get3A_2132 = arith.index_cast %add3A_2131 : i32 to index
        %get3A_2133 = arith.constant 16 : index
        %get3A_2134 = tpu.vector_load %arg8[%get3A_2132, %get3A_2133] {strides = array<i32>} : memref<128x128xf32, #tpu.memory_space<vmem>>, vector<1x16xf32>,
        %get3A_2135 = vector.shape_cast %get3A_2134 : vector<1x16xf32> to vector<16xf32>
        %mul3A_2136 = arith.mulf %get3A_2135, %broadcast_in_dim3A_2109 : vector<16xf32>
        %mul3A_2137 = arith.constant 16 : i32
        %mul3A_2138 = arith.muli %scan3A_631, %mul3A_2137 : i32
        %add3A_2139 = arith.constant 10 : i32
        %add3A_2140 = arith.addi %mul3A_2138, %add3A_2139 : i32
        %swap3A_2141 = arith.index_cast %add3A_2140 : i32 to index
        %swap3A_2142 = arith.constant 16 : index
        %swap3A_2143 = tpu.vector_load %arg8[%swap3A_2141, %swap3A_2142] {strides = array<i32>} : memref<128x128xf32, #tpu.memory_space<vmem>>, vector<1x16xf32>,
        %swap3A_2144 = vector.shape_cast %swap3A_2143 : vector<1x16xf32> to vector<16xf32>
        %swap3A_2145 = vector.shape_cast %mul3A_2136 : vector<16xf32> to vector<1x16xf32>
        tpu.vector_store %arg8[%swap3A_2141, %swap3A_2142], %swap3A_2145 {strides = array<i32>} : memref<128x128xf32, #tpu.memory_space<vmem>>, vector<1x16xf32>,
        %mul3A_2146 = arith.constant 16 : i32
        %mul3A_2147 = arith.muli %scan3A_631, %mul3A_2146 : i32
        %add3A_2148 = arith.constant 10 : i32
        %add3A_2149 = arith.addi %mul3A_2147, %add3A_2148 : i32
        %get3A_2150 = arith.index_cast %add3A_2149 : i32 to index
        %get3A_2151 = arith.constant 32 : index
        %get3A_2152 = tpu.vector_load %arg8[%get3A_2150, %get3A_2151] {strides = array<i32>} : memref<128x128xf32, #tpu.memory_space<vmem>>, vector<1x16xf32>,
        %get3A_2153 = vector.shape_cast %get3A_2152 : vector<1x16xf32> to vector<16xf32>
        %mul3A_2154 = arith.mulf %get3A_2153, %broadcast_in_dim3A_2109 : vector<16xf32>
        %mul3A_2155 = arith.constant 16 : i32
        %mul3A_2156 = arith.muli %scan3A_631, %mul3A_2155 : i32
        %add3A_2157 = arith.constant 10 : i32
        %add3A_2158 = arith.addi %mul3A_2156, %add3A_2157 : i32
        %swap3A_2159 = arith.index_cast %add3A_2158 : i32 to index
        %swap3A_2160 = arith.constant 32 : index
        %swap3A_2161 = tpu.vector_load %arg8[%swap3A_2159, %swap3A_2160] {strides = array<i32>} : memref<128x128xf32, #tpu.memory_space<vmem>>, vector<1x16xf32>,
        %swap3A_2162 = vector.shape_cast %swap3A_2161 : vector<1x16xf32> to vector<16xf32>
        %swap3A_2163 = vector.shape_cast %mul3A_2154 : vector<16xf32> to vector<1x16xf32>
        tpu.vector_store %arg8[%swap3A_2159, %swap3A_2160], %swap3A_2163 {strides = array<i32>} : memref<128x128xf32, #tpu.memory_space<vmem>>, vector<1x16xf32>,
        %mul3A_2164 = arith.constant 16 : i32
        %mul3A_2165 = arith.muli %scan3A_631, %mul3A_2164 : i32
        %add3A_2166 = arith.constant 10 : i32
        %add3A_2167 = arith.addi %mul3A_2165, %add3A_2166 : i32
        %get3A_2168 = arith.index_cast %add3A_2167 : i32 to index
        %get3A_2169 = arith.constant 48 : index
        %get3A_2170 = tpu.vector_load %arg8[%get3A_2168, %get3A_2169] {strides = array<i32>} : memref<128x128xf32, #tpu.memory_space<vmem>>, vector<1x16xf32>,
        %get3A_2171 = vector.shape_cast %get3A_2170 : vector<1x16xf32> to vector<16xf32>
        %mul3A_2172 = arith.mulf %get3A_2171, %broadcast_in_dim3A_2109 : vector<16xf32>
        %mul3A_2173 = arith.constant 16 : i32
        %mul3A_2174 = arith.muli %scan3A_631, %mul3A_2173 : i32
        %add3A_2175 = arith.constant 10 : i32
        %add3A_2176 = arith.addi %mul3A_2174, %add3A_2175 : i32
        %swap3A_2177 = arith.index_cast %add3A_2176 : i32 to index
        %swap3A_2178 = arith.constant 48 : index
        %swap3A_2179 = tpu.vector_load %arg8[%swap3A_2177, %swap3A_2178] {strides = array<i32>} : memref<128x128xf32, #tpu.memory_space<vmem>>, vector<1x16xf32>,
        %swap3A_2180 = vector.shape_cast %swap3A_2179 : vector<1x16xf32> to vector<16xf32>
        %swap3A_2181 = vector.shape_cast %mul3A_2172 : vector<16xf32> to vector<1x16xf32>
        tpu.vector_store %arg8[%swap3A_2177, %swap3A_2178], %swap3A_2181 {strides = array<i32>} : memref<128x128xf32, #tpu.memory_space<vmem>>, vector<1x16xf32>,
        %mul3A_2182 = arith.constant 16 : i32
        %mul3A_2183 = arith.muli %scan3A_631, %mul3A_2182 : i32
        %add3A_2184 = arith.constant 10 : i32
        %add3A_2185 = arith.addi %mul3A_2183, %add3A_2184 : i32
        %get3A_2186 = arith.index_cast %add3A_2185 : i32 to index
        %get3A_2187 = arith.constant 64 : index
        %get3A_2188 = tpu.vector_load %arg8[%get3A_2186, %get3A_2187] {strides = array<i32>} : memref<128x128xf32, #tpu.memory_space<vmem>>, vector<1x16xf32>,
        %get3A_2189 = vector.shape_cast %get3A_2188 : vector<1x16xf32> to vector<16xf32>
        %mul3A_2190 = arith.mulf %get3A_2189, %broadcast_in_dim3A_2109 : vector<16xf32>
        %mul3A_2191 = arith.constant 16 : i32
        %mul3A_2192 = arith.muli %scan3A_631, %mul3A_2191 : i32
        %add3A_2193 = arith.constant 10 : i32
        %add3A_2194 = arith.addi %mul3A_2192, %add3A_2193 : i32
        %swap3A_2195 = arith.index_cast %add3A_2194 : i32 to index
        %swap3A_2196 = arith.constant 64 : index
        %swap3A_2197 = tpu.vector_load %arg8[%swap3A_2195, %swap3A_2196] {strides = array<i32>} : memref<128x128xf32, #tpu.memory_space<vmem>>, vector<1x16xf32>,
        %swap3A_2198 = vector.shape_cast %swap3A_2197 : vector<1x16xf32> to vector<16xf32>
        %swap3A_2199 = vector.shape_cast %mul3A_2190 : vector<16xf32> to vector<1x16xf32>
        tpu.vector_store %arg8[%swap3A_2195, %swap3A_2196], %swap3A_2199 {strides = array<i32>} : memref<128x128xf32, #tpu.memory_space<vmem>>, vector<1x16xf32>,
        %mul3A_2200 = arith.constant 16 : i32
        %mul3A_2201 = arith.muli %scan3A_631, %mul3A_2200 : i32
        %add3A_2202 = arith.constant 10 : i32
        %add3A_2203 = arith.addi %mul3A_2201, %add3A_2202 : i32
        %get3A_2204 = arith.index_cast %add3A_2203 : i32 to index
        %get3A_2205 = arith.constant 80 : index
        %get3A_2206 = tpu.vector_load %arg8[%get3A_2204, %get3A_2205] {strides = array<i32>} : memref<128x128xf32, #tpu.memory_space<vmem>>, vector<1x16xf32>,
        %get3A_2207 = vector.shape_cast %get3A_2206 : vector<1x16xf32> to vector<16xf32>
        %mul3A_2208 = arith.mulf %get3A_2207, %broadcast_in_dim3A_2109 : vector<16xf32>
        %mul3A_2209 = arith.constant 16 : i32
        %mul3A_2210 = arith.muli %scan3A_631, %mul3A_2209 : i32
        %add3A_2211 = arith.constant 10 : i32
        %add3A_2212 = arith.addi %mul3A_2210, %add3A_2211 : i32
        %swap3A_2213 = arith.index_cast %add3A_2212 : i32 to index
        %swap3A_2214 = arith.constant 80 : index
        %swap3A_2215 = tpu.vector_load %arg8[%swap3A_2213, %swap3A_2214] {strides = array<i32>} : memref<128x128xf32, #tpu.memory_space<vmem>>, vector<1x16xf32>,
        %swap3A_2216 = vector.shape_cast %swap3A_2215 : vector<1x16xf32> to vector<16xf32>
        %swap3A_2217 = vector.shape_cast %mul3A_2208 : vector<16xf32> to vector<1x16xf32>
        tpu.vector_store %arg8[%swap3A_2213, %swap3A_2214], %swap3A_2217 {strides = array<i32>} : memref<128x128xf32, #tpu.memory_space<vmem>>, vector<1x16xf32>,
        %mul3A_2218 = arith.constant 16 : i32
        %mul3A_2219 = arith.muli %scan3A_631, %mul3A_2218 : i32
        %add3A_2220 = arith.constant 10 : i32
        %add3A_2221 = arith.addi %mul3A_2219, %add3A_2220 : i32
        %get3A_2222 = arith.index_cast %add3A_2221 : i32 to index
        %get3A_2223 = arith.constant 96 : index
        %get3A_2224 = tpu.vector_load %arg8[%get3A_2222, %get3A_2223] {strides = array<i32>} : memref<128x128xf32, #tpu.memory_space<vmem>>, vector<1x16xf32>,
        %get3A_2225 = vector.shape_cast %get3A_2224 : vector<1x16xf32> to vector<16xf32>
        %mul3A_2226 = arith.mulf %get3A_2225, %broadcast_in_dim3A_2109 : vector<16xf32>
        %mul3A_2227 = arith.constant 16 : i32
        %mul3A_2228 = arith.muli %scan3A_631, %mul3A_2227 : i32
        %add3A_2229 = arith.constant 10 : i32
        %add3A_2230 = arith.addi %mul3A_2228, %add3A_2229 : i32
        %swap3A_2231 = arith.index_cast %add3A_2230 : i32 to index
        %swap3A_2232 = arith.constant 96 : index
        %swap3A_2233 = tpu.vector_load %arg8[%swap3A_2231, %swap3A_2232] {strides = array<i32>} : memref<128x128xf32, #tpu.memory_space<vmem>>, vector<1x16xf32>,
        %swap3A_2234 = vector.shape_cast %swap3A_2233 : vector<1x16xf32> to vector<16xf32>
        %swap3A_2235 = vector.shape_cast %mul3A_2226 : vector<16xf32> to vector<1x16xf32>
        tpu.vector_store %arg8[%swap3A_2231, %swap3A_2232], %swap3A_2235 {strides = array<i32>} : memref<128x128xf32, #tpu.memory_space<vmem>>, vector<1x16xf32>,
        %mul3A_2236 = arith.constant 16 : i32
        %mul3A_2237 = arith.muli %scan3A_631, %mul3A_2236 : i32
        %add3A_2238 = arith.constant 10 : i32
        %add3A_2239 = arith.addi %mul3A_2237, %add3A_2238 : i32
        %get3A_2240 = arith.index_cast %add3A_2239 : i32 to index
        %get3A_2241 = arith.constant 112 : index
        %get3A_2242 = tpu.vector_load %arg8[%get3A_2240, %get3A_2241] {strides = array<i32>} : memref<128x128xf32, #tpu.memory_space<vmem>>, vector<1x16xf32>,
        %get3A_2243 = vector.shape_cast %get3A_2242 : vector<1x16xf32> to vector<16xf32>
        %mul3A_2244 = arith.mulf %get3A_2243, %broadcast_in_dim3A_2109 : vector<16xf32>
        %mul3A_2245 = arith.constant 16 : i32
        %mul3A_2246 = arith.muli %scan3A_631, %mul3A_2245 : i32
        %add3A_2247 = arith.constant 10 : i32
        %add3A_2248 = arith.addi %mul3A_2246, %add3A_2247 : i32
        %swap3A_2249 = arith.index_cast %add3A_2248 : i32 to index
        %swap3A_2250 = arith.constant 112 : index
        %swap3A_2251 = tpu.vector_load %arg8[%swap3A_2249, %swap3A_2250] {strides = array<i32>} : memref<128x128xf32, #tpu.memory_space<vmem>>, vector<1x16xf32>,
        %swap3A_2252 = vector.shape_cast %swap3A_2251 : vector<1x16xf32> to vector<16xf32>
        %swap3A_2253 = vector.shape_cast %mul3A_2244 : vector<16xf32> to vector<1x16xf32>
        tpu.vector_store %arg8[%swap3A_2249, %swap3A_2250], %swap3A_2253 {strides = array<i32>} : memref<128x128xf32, #tpu.memory_space<vmem>>, vector<1x16xf32>,
        %slice3A_2254 = vector.extract_strided_slice %get3A_638 {offsets = [11], sizes = [1], strides = [1]} : vector<16xf32> to vector<1xf32>
        %squeeze3A_2255 = vector.extract %slice3A_2254[0] : f32 from vector<1xf32>
        %broadcast_in_dim3A_2256 = vector.broadcast %squeeze3A_2255 : f32 to vector<16xf32>
        %mul3A_2257 = arith.constant 16 : i32
        %mul3A_2258 = arith.muli %scan3A_631, %mul3A_2257 : i32
        %add3A_2259 = arith.constant 11 : i32
        %add3A_2260 = arith.addi %mul3A_2258, %add3A_2259 : i32
        %get3A_2261 = arith.index_cast %add3A_2260 : i32 to index
        %get3A_2262 = arith.constant 0 : index
        %get3A_2263 = tpu.vector_load %arg8[%get3A_2261, %get3A_2262] {strides = array<i32>} : memref<128x128xf32, #tpu.memory_space<vmem>>, vector<1x16xf32>,
        %get3A_2264 = vector.shape_cast %get3A_2263 : vector<1x16xf32> to vector<16xf32>
        %mul3A_2265 = arith.mulf %get3A_2264, %broadcast_in_dim3A_2256 : vector<16xf32>
        %mul3A_2266 = arith.constant 16 : i32
        %mul3A_2267 = arith.muli %scan3A_631, %mul3A_2266 : i32
        %add3A_2268 = arith.constant 11 : i32
        %add3A_2269 = arith.addi %mul3A_2267, %add3A_2268 : i32
        %swap3A_2270 = arith.index_cast %add3A_2269 : i32 to index
        %swap3A_2271 = arith.constant 0 : index
        %swap3A_2272 = tpu.vector_load %arg8[%swap3A_2270, %swap3A_2271] {strides = array<i32>} : memref<128x128xf32, #tpu.memory_space<vmem>>, vector<1x16xf32>,
        %swap3A_2273 = vector.shape_cast %swap3A_2272 : vector<1x16xf32> to vector<16xf32>
        %swap3A_2274 = vector.shape_cast %mul3A_2265 : vector<16xf32> to vector<1x16xf32>
        tpu.vector_store %arg8[%swap3A_2270, %swap3A_2271], %swap3A_2274 {strides = array<i32>} : memref<128x128xf32, #tpu.memory_space<vmem>>, vector<1x16xf32>,
        %mul3A_2275 = arith.constant 16 : i32
        %mul3A_2276 = arith.muli %scan3A_631, %mul3A_2275 : i32
        %add3A_2277 = arith.constant 11 : i32
        %add3A_2278 = arith.addi %mul3A_2276, %add3A_2277 : i32
        %get3A_2279 = arith.index_cast %add3A_2278 : i32 to index
        %get3A_2280 = arith.constant 16 : index
        %get3A_2281 = tpu.vector_load %arg8[%get3A_2279, %get3A_2280] {strides = array<i32>} : memref<128x128xf32, #tpu.memory_space<vmem>>, vector<1x16xf32>,
        %get3A_2282 = vector.shape_cast %get3A_2281 : vector<1x16xf32> to vector<16xf32>
        %mul3A_2283 = arith.mulf %get3A_2282, %broadcast_in_dim3A_2256 : vector<16xf32>
        %mul3A_2284 = arith.constant 16 : i32
        %mul3A_2285 = arith.muli %scan3A_631, %mul3A_2284 : i32
        %add3A_2286 = arith.constant 11 : i32
        %add3A_2287 = arith.addi %mul3A_2285, %add3A_2286 : i32
        %swap3A_2288 = arith.index_cast %add3A_2287 : i32 to index
        %swap3A_2289 = arith.constant 16 : index
        %swap3A_2290 = tpu.vector_load %arg8[%swap3A_2288, %swap3A_2289] {strides = array<i32>} : memref<128x128xf32, #tpu.memory_space<vmem>>, vector<1x16xf32>,
        %swap3A_2291 = vector.shape_cast %swap3A_2290 : vector<1x16xf32> to vector<16xf32>
        %swap3A_2292 = vector.shape_cast %mul3A_2283 : vector<16xf32> to vector<1x16xf32>
        tpu.vector_store %arg8[%swap3A_2288, %swap3A_2289], %swap3A_2292 {strides = array<i32>} : memref<128x128xf32, #tpu.memory_space<vmem>>, vector<1x16xf32>,
        %mul3A_2293 = arith.constant 16 : i32
        %mul3A_2294 = arith.muli %scan3A_631, %mul3A_2293 : i32
        %add3A_2295 = arith.constant 11 : i32
        %add3A_2296 = arith.addi %mul3A_2294, %add3A_2295 : i32
        %get3A_2297 = arith.index_cast %add3A_2296 : i32 to index
        %get3A_2298 = arith.constant 32 : index
        %get3A_2299 = tpu.vector_load %arg8[%get3A_2297, %get3A_2298] {strides = array<i32>} : memref<128x128xf32, #tpu.memory_space<vmem>>, vector<1x16xf32>,
        %get3A_2300 = vector.shape_cast %get3A_2299 : vector<1x16xf32> to vector<16xf32>
        %mul3A_2301 = arith.mulf %get3A_2300, %broadcast_in_dim3A_2256 : vector<16xf32>
        %mul3A_2302 = arith.constant 16 : i32
        %mul3A_2303 = arith.muli %scan3A_631, %mul3A_2302 : i32
        %add3A_2304 = arith.constant 11 : i32
        %add3A_2305 = arith.addi %mul3A_2303, %add3A_2304 : i32
        %swap3A_2306 = arith.index_cast %add3A_2305 : i32 to index
        %swap3A_2307 = arith.constant 32 : index
        %swap3A_2308 = tpu.vector_load %arg8[%swap3A_2306, %swap3A_2307] {strides = array<i32>} : memref<128x128xf32, #tpu.memory_space<vmem>>, vector<1x16xf32>,
        %swap3A_2309 = vector.shape_cast %swap3A_2308 : vector<1x16xf32> to vector<16xf32>
        %swap3A_2310 = vector.shape_cast %mul3A_2301 : vector<16xf32> to vector<1x16xf32>
        tpu.vector_store %arg8[%swap3A_2306, %swap3A_2307], %swap3A_2310 {strides = array<i32>} : memref<128x128xf32, #tpu.memory_space<vmem>>, vector<1x16xf32>,
        %mul3A_2311 = arith.constant 16 : i32
        %mul3A_2312 = arith.muli %scan3A_631, %mul3A_2311 : i32
        %add3A_2313 = arith.constant 11 : i32
        %add3A_2314 = arith.addi %mul3A_2312, %add3A_2313 : i32
        %get3A_2315 = arith.index_cast %add3A_2314 : i32 to index
        %get3A_2316 = arith.constant 48 : index
        %get3A_2317 = tpu.vector_load %arg8[%get3A_2315, %get3A_2316] {strides = array<i32>} : memref<128x128xf32, #tpu.memory_space<vmem>>, vector<1x16xf32>,
        %get3A_2318 = vector.shape_cast %get3A_2317 : vector<1x16xf32> to vector<16xf32>
        %mul3A_2319 = arith.mulf %get3A_2318, %broadcast_in_dim3A_2256 : vector<16xf32>
        %mul3A_2320 = arith.constant 16 : i32
        %mul3A_2321 = arith.muli %scan3A_631, %mul3A_2320 : i32
        %add3A_2322 = arith.constant 11 : i32
        %add3A_2323 = arith.addi %mul3A_2321, %add3A_2322 : i32
        %swap3A_2324 = arith.index_cast %add3A_2323 : i32 to index
        %swap3A_2325 = arith.constant 48 : index
        %swap3A_2326 = tpu.vector_load %arg8[%swap3A_2324, %swap3A_2325] {strides = array<i32>} : memref<128x128xf32, #tpu.memory_space<vmem>>, vector<1x16xf32>,
        %swap3A_2327 = vector.shape_cast %swap3A_2326 : vector<1x16xf32> to vector<16xf32>
        %swap3A_2328 = vector.shape_cast %mul3A_2319 : vector<16xf32> to vector<1x16xf32>
        tpu.vector_store %arg8[%swap3A_2324, %swap3A_2325], %swap3A_2328 {strides = array<i32>} : memref<128x128xf32, #tpu.memory_space<vmem>>, vector<1x16xf32>,
        %mul3A_2329 = arith.constant 16 : i32
        %mul3A_2330 = arith.muli %scan3A_631, %mul3A_2329 : i32
        %add3A_2331 = arith.constant 11 : i32
        %add3A_2332 = arith.addi %mul3A_2330, %add3A_2331 : i32
        %get3A_2333 = arith.index_cast %add3A_2332 : i32 to index
        %get3A_2334 = arith.constant 64 : index
        %get3A_2335 = tpu.vector_load %arg8[%get3A_2333, %get3A_2334] {strides = array<i32>} : memref<128x128xf32, #tpu.memory_space<vmem>>, vector<1x16xf32>,
        %get3A_2336 = vector.shape_cast %get3A_2335 : vector<1x16xf32> to vector<16xf32>
        %mul3A_2337 = arith.mulf %get3A_2336, %broadcast_in_dim3A_2256 : vector<16xf32>
        %mul3A_2338 = arith.constant 16 : i32
        %mul3A_2339 = arith.muli %scan3A_631, %mul3A_2338 : i32
        %add3A_2340 = arith.constant 11 : i32
        %add3A_2341 = arith.addi %mul3A_2339, %add3A_2340 : i32
        %swap3A_2342 = arith.index_cast %add3A_2341 : i32 to index
        %swap3A_2343 = arith.constant 64 : index
        %swap3A_2344 = tpu.vector_load %arg8[%swap3A_2342, %swap3A_2343] {strides = array<i32>} : memref<128x128xf32, #tpu.memory_space<vmem>>, vector<1x16xf32>,
        %swap3A_2345 = vector.shape_cast %swap3A_2344 : vector<1x16xf32> to vector<16xf32>
        %swap3A_2346 = vector.shape_cast %mul3A_2337 : vector<16xf32> to vector<1x16xf32>
        tpu.vector_store %arg8[%swap3A_2342, %swap3A_2343], %swap3A_2346 {strides = array<i32>} : memref<128x128xf32, #tpu.memory_space<vmem>>, vector<1x16xf32>,
        %mul3A_2347 = arith.constant 16 : i32
        %mul3A_2348 = arith.muli %scan3A_631, %mul3A_2347 : i32
        %add3A_2349 = arith.constant 11 : i32
        %add3A_2350 = arith.addi %mul3A_2348, %add3A_2349 : i32
        %get3A_2351 = arith.index_cast %add3A_2350 : i32 to index
        %get3A_2352 = arith.constant 80 : index
        %get3A_2353 = tpu.vector_load %arg8[%get3A_2351, %get3A_2352] {strides = array<i32>} : memref<128x128xf32, #tpu.memory_space<vmem>>, vector<1x16xf32>,
        %get3A_2354 = vector.shape_cast %get3A_2353 : vector<1x16xf32> to vector<16xf32>
        %mul3A_2355 = arith.mulf %get3A_2354, %broadcast_in_dim3A_2256 : vector<16xf32>
        %mul3A_2356 = arith.constant 16 : i32
        %mul3A_2357 = arith.muli %scan3A_631, %mul3A_2356 : i32
        %add3A_2358 = arith.constant 11 : i32
        %add3A_2359 = arith.addi %mul3A_2357, %add3A_2358 : i32
        %swap3A_2360 = arith.index_cast %add3A_2359 : i32 to index
        %swap3A_2361 = arith.constant 80 : index
        %swap3A_2362 = tpu.vector_load %arg8[%swap3A_2360, %swap3A_2361] {strides = array<i32>} : memref<128x128xf32, #tpu.memory_space<vmem>>, vector<1x16xf32>,
        %swap3A_2363 = vector.shape_cast %swap3A_2362 : vector<1x16xf32> to vector<16xf32>
        %swap3A_2364 = vector.shape_cast %mul3A_2355 : vector<16xf32> to vector<1x16xf32>
        tpu.vector_store %arg8[%swap3A_2360, %swap3A_2361], %swap3A_2364 {strides = array<i32>} : memref<128x128xf32, #tpu.memory_space<vmem>>, vector<1x16xf32>,
        %mul3A_2365 = arith.constant 16 : i32
        %mul3A_2366 = arith.muli %scan3A_631, %mul3A_2365 : i32
        %add3A_2367 = arith.constant 11 : i32
        %add3A_2368 = arith.addi %mul3A_2366, %add3A_2367 : i32
        %get3A_2369 = arith.index_cast %add3A_2368 : i32 to index
        %get3A_2370 = arith.constant 96 : index
        %get3A_2371 = tpu.vector_load %arg8[%get3A_2369, %get3A_2370] {strides = array<i32>} : memref<128x128xf32, #tpu.memory_space<vmem>>, vector<1x16xf32>,
        %get3A_2372 = vector.shape_cast %get3A_2371 : vector<1x16xf32> to vector<16xf32>
        %mul3A_2373 = arith.mulf %get3A_2372, %broadcast_in_dim3A_2256 : vector<16xf32>
        %mul3A_2374 = arith.constant 16 : i32
        %mul3A_2375 = arith.muli %scan3A_631, %mul3A_2374 : i32
        %add3A_2376 = arith.constant 11 : i32
        %add3A_2377 = arith.addi %mul3A_2375, %add3A_2376 : i32
        %swap3A_2378 = arith.index_cast %add3A_2377 : i32 to index
        %swap3A_2379 = arith.constant 96 : index
        %swap3A_2380 = tpu.vector_load %arg8[%swap3A_2378, %swap3A_2379] {strides = array<i32>} : memref<128x128xf32, #tpu.memory_space<vmem>>, vector<1x16xf32>,
        %swap3A_2381 = vector.shape_cast %swap3A_2380 : vector<1x16xf32> to vector<16xf32>
        %swap3A_2382 = vector.shape_cast %mul3A_2373 : vector<16xf32> to vector<1x16xf32>
        tpu.vector_store %arg8[%swap3A_2378, %swap3A_2379], %swap3A_2382 {strides = array<i32>} : memref<128x128xf32, #tpu.memory_space<vmem>>, vector<1x16xf32>,
        %mul3A_2383 = arith.constant 16 : i32
        %mul3A_2384 = arith.muli %scan3A_631, %mul3A_2383 : i32
        %add3A_2385 = arith.constant 11 : i32
        %add3A_2386 = arith.addi %mul3A_2384, %add3A_2385 : i32
        %get3A_2387 = arith.index_cast %add3A_2386 : i32 to index
        %get3A_2388 = arith.constant 112 : index
        %get3A_2389 = tpu.vector_load %arg8[%get3A_2387, %get3A_2388] {strides = array<i32>} : memref<128x128xf32, #tpu.memory_space<vmem>>, vector<1x16xf32>,
        %get3A_2390 = vector.shape_cast %get3A_2389 : vector<1x16xf32> to vector<16xf32>
        %mul3A_2391 = arith.mulf %get3A_2390, %broadcast_in_dim3A_2256 : vector<16xf32>
        %mul3A_2392 = arith.constant 16 : i32
        %mul3A_2393 = arith.muli %scan3A_631, %mul3A_2392 : i32
        %add3A_2394 = arith.constant 11 : i32
        %add3A_2395 = arith.addi %mul3A_2393, %add3A_2394 : i32
        %swap3A_2396 = arith.index_cast %add3A_2395 : i32 to index
        %swap3A_2397 = arith.constant 112 : index
        %swap3A_2398 = tpu.vector_load %arg8[%swap3A_2396, %swap3A_2397] {strides = array<i32>} : memref<128x128xf32, #tpu.memory_space<vmem>>, vector<1x16xf32>,
        %swap3A_2399 = vector.shape_cast %swap3A_2398 : vector<1x16xf32> to vector<16xf32>
        %swap3A_2400 = vector.shape_cast %mul3A_2391 : vector<16xf32> to vector<1x16xf32>
        tpu.vector_store %arg8[%swap3A_2396, %swap3A_2397], %swap3A_2400 {strides = array<i32>} : memref<128x128xf32, #tpu.memory_space<vmem>>, vector<1x16xf32>,
        %slice3A_2401 = vector.extract_strided_slice %get3A_638 {offsets = [12], sizes = [1], strides = [1]} : vector<16xf32> to vector<1xf32>
        %squeeze3A_2402 = vector.extract %slice3A_2401[0] : f32 from vector<1xf32>
        %broadcast_in_dim3A_2403 = vector.broadcast %squeeze3A_2402 : f32 to vector<16xf32>
        %mul3A_2404 = arith.constant 16 : i32
        %mul3A_2405 = arith.muli %scan3A_631, %mul3A_2404 : i32
        %add3A_2406 = arith.constant 12 : i32
        %add3A_2407 = arith.addi %mul3A_2405, %add3A_2406 : i32
        %get3A_2408 = arith.index_cast %add3A_2407 : i32 to index
        %get3A_2409 = arith.constant 0 : index
        %get3A_2410 = tpu.vector_load %arg8[%get3A_2408, %get3A_2409] {strides = array<i32>} : memref<128x128xf32, #tpu.memory_space<vmem>>, vector<1x16xf32>,
        %get3A_2411 = vector.shape_cast %get3A_2410 : vector<1x16xf32> to vector<16xf32>
        %mul3A_2412 = arith.mulf %get3A_2411, %broadcast_in_dim3A_2403 : vector<16xf32>
        %mul3A_2413 = arith.constant 16 : i32
        %mul3A_2414 = arith.muli %scan3A_631, %mul3A_2413 : i32
        %add3A_2415 = arith.constant 12 : i32
        %add3A_2416 = arith.addi %mul3A_2414, %add3A_2415 : i32
        %swap3A_2417 = arith.index_cast %add3A_2416 : i32 to index
        %swap3A_2418 = arith.constant 0 : index
        %swap3A_2419 = tpu.vector_load %arg8[%swap3A_2417, %swap3A_2418] {strides = array<i32>} : memref<128x128xf32, #tpu.memory_space<vmem>>, vector<1x16xf32>,
        %swap3A_2420 = vector.shape_cast %swap3A_2419 : vector<1x16xf32> to vector<16xf32>
        %swap3A_2421 = vector.shape_cast %mul3A_2412 : vector<16xf32> to vector<1x16xf32>
        tpu.vector_store %arg8[%swap3A_2417, %swap3A_2418], %swap3A_2421 {strides = array<i32>} : memref<128x128xf32, #tpu.memory_space<vmem>>, vector<1x16xf32>,
        %mul3A_2422 = arith.constant 16 : i32
        %mul3A_2423 = arith.muli %scan3A_631, %mul3A_2422 : i32
        %add3A_2424 = arith.constant 12 : i32
        %add3A_2425 = arith.addi %mul3A_2423, %add3A_2424 : i32
        %get3A_2426 = arith.index_cast %add3A_2425 : i32 to index
        %get3A_2427 = arith.constant 16 : index
        %get3A_2428 = tpu.vector_load %arg8[%get3A_2426, %get3A_2427] {strides = array<i32>} : memref<128x128xf32, #tpu.memory_space<vmem>>, vector<1x16xf32>,
        %get3A_2429 = vector.shape_cast %get3A_2428 : vector<1x16xf32> to vector<16xf32>
        %mul3A_2430 = arith.mulf %get3A_2429, %broadcast_in_dim3A_2403 : vector<16xf32>
        %mul3A_2431 = arith.constant 16 : i32
        %mul3A_2432 = arith.muli %scan3A_631, %mul3A_2431 : i32
        %add3A_2433 = arith.constant 12 : i32
        %add3A_2434 = arith.addi %mul3A_2432, %add3A_2433 : i32
        %swap3A_2435 = arith.index_cast %add3A_2434 : i32 to index
        %swap3A_2436 = arith.constant 16 : index
        %swap3A_2437 = tpu.vector_load %arg8[%swap3A_2435, %swap3A_2436] {strides = array<i32>} : memref<128x128xf32, #tpu.memory_space<vmem>>, vector<1x16xf32>,
        %swap3A_2438 = vector.shape_cast %swap3A_2437 : vector<1x16xf32> to vector<16xf32>
        %swap3A_2439 = vector.shape_cast %mul3A_2430 : vector<16xf32> to vector<1x16xf32>
        tpu.vector_store %arg8[%swap3A_2435, %swap3A_2436], %swap3A_2439 {strides = array<i32>} : memref<128x128xf32, #tpu.memory_space<vmem>>, vector<1x16xf32>,
        %mul3A_2440 = arith.constant 16 : i32
        %mul3A_2441 = arith.muli %scan3A_631, %mul3A_2440 : i32
        %add3A_2442 = arith.constant 12 : i32
        %add3A_2443 = arith.addi %mul3A_2441, %add3A_2442 : i32
        %get3A_2444 = arith.index_cast %add3A_2443 : i32 to index
        %get3A_2445 = arith.constant 32 : index
        %get3A_2446 = tpu.vector_load %arg8[%get3A_2444, %get3A_2445] {strides = array<i32>} : memref<128x128xf32, #tpu.memory_space<vmem>>, vector<1x16xf32>,
        %get3A_2447 = vector.shape_cast %get3A_2446 : vector<1x16xf32> to vector<16xf32>
        %mul3A_2448 = arith.mulf %get3A_2447, %broadcast_in_dim3A_2403 : vector<16xf32>
        %mul3A_2449 = arith.constant 16 : i32
        %mul3A_2450 = arith.muli %scan3A_631, %mul3A_2449 : i32
        %add3A_2451 = arith.constant 12 : i32
        %add3A_2452 = arith.addi %mul3A_2450, %add3A_2451 : i32
        %swap3A_2453 = arith.index_cast %add3A_2452 : i32 to index
        %swap3A_2454 = arith.constant 32 : index
        %swap3A_2455 = tpu.vector_load %arg8[%swap3A_2453, %swap3A_2454] {strides = array<i32>} : memref<128x128xf32, #tpu.memory_space<vmem>>, vector<1x16xf32>,
        %swap3A_2456 = vector.shape_cast %swap3A_2455 : vector<1x16xf32> to vector<16xf32>
        %swap3A_2457 = vector.shape_cast %mul3A_2448 : vector<16xf32> to vector<1x16xf32>
        tpu.vector_store %arg8[%swap3A_2453, %swap3A_2454], %swap3A_2457 {strides = array<i32>} : memref<128x128xf32, #tpu.memory_space<vmem>>, vector<1x16xf32>,
        %mul3A_2458 = arith.constant 16 : i32
        %mul3A_2459 = arith.muli %scan3A_631, %mul3A_2458 : i32
        %add3A_2460 = arith.constant 12 : i32
        %add3A_2461 = arith.addi %mul3A_2459, %add3A_2460 : i32
        %get3A_2462 = arith.index_cast %add3A_2461 : i32 to index
        %get3A_2463 = arith.constant 48 : index
        %get3A_2464 = tpu.vector_load %arg8[%get3A_2462, %get3A_2463] {strides = array<i32>} : memref<128x128xf32, #tpu.memory_space<vmem>>, vector<1x16xf32>,
        %get3A_2465 = vector.shape_cast %get3A_2464 : vector<1x16xf32> to vector<16xf32>
        %mul3A_2466 = arith.mulf %get3A_2465, %broadcast_in_dim3A_2403 : vector<16xf32>
        %mul3A_2467 = arith.constant 16 : i32
        %mul3A_2468 = arith.muli %scan3A_631, %mul3A_2467 : i32
        %add3A_2469 = arith.constant 12 : i32
        %add3A_2470 = arith.addi %mul3A_2468, %add3A_2469 : i32
        %swap3A_2471 = arith.index_cast %add3A_2470 : i32 to index
        %swap3A_2472 = arith.constant 48 : index
        %swap3A_2473 = tpu.vector_load %arg8[%swap3A_2471, %swap3A_2472] {strides = array<i32>} : memref<128x128xf32, #tpu.memory_space<vmem>>, vector<1x16xf32>,
        %swap3A_2474 = vector.shape_cast %swap3A_2473 : vector<1x16xf32> to vector<16xf32>
        %swap3A_2475 = vector.shape_cast %mul3A_2466 : vector<16xf32> to vector<1x16xf32>
        tpu.vector_store %arg8[%swap3A_2471, %swap3A_2472], %swap3A_2475 {strides = array<i32>} : memref<128x128xf32, #tpu.memory_space<vmem>>, vector<1x16xf32>,
        %mul3A_2476 = arith.constant 16 : i32
        %mul3A_2477 = arith.muli %scan3A_631, %mul3A_2476 : i32
        %add3A_2478 = arith.constant 12 : i32
        %add3A_2479 = arith.addi %mul3A_2477, %add3A_2478 : i32
        %get3A_2480 = arith.index_cast %add3A_2479 : i32 to index
        %get3A_2481 = arith.constant 64 : index
        %get3A_2482 = tpu.vector_load %arg8[%get3A_2480, %get3A_2481] {strides = array<i32>} : memref<128x128xf32, #tpu.memory_space<vmem>>, vector<1x16xf32>,
        %get3A_2483 = vector.shape_cast %get3A_2482 : vector<1x16xf32> to vector<16xf32>
        %mul3A_2484 = arith.mulf %get3A_2483, %broadcast_in_dim3A_2403 : vector<16xf32>
        %mul3A_2485 = arith.constant 16 : i32
        %mul3A_2486 = arith.muli %scan3A_631, %mul3A_2485 : i32
        %add3A_2487 = arith.constant 12 : i32
        %add3A_2488 = arith.addi %mul3A_2486, %add3A_2487 : i32
        %swap3A_2489 = arith.index_cast %add3A_2488 : i32 to index
        %swap3A_2490 = arith.constant 64 : index
        %swap3A_2491 = tpu.vector_load %arg8[%swap3A_2489, %swap3A_2490] {strides = array<i32>} : memref<128x128xf32, #tpu.memory_space<vmem>>, vector<1x16xf32>,
        %swap3A_2492 = vector.shape_cast %swap3A_2491 : vector<1x16xf32> to vector<16xf32>
        %swap3A_2493 = vector.shape_cast %mul3A_2484 : vector<16xf32> to vector<1x16xf32>
        tpu.vector_store %arg8[%swap3A_2489, %swap3A_2490], %swap3A_2493 {strides = array<i32>} : memref<128x128xf32, #tpu.memory_space<vmem>>, vector<1x16xf32>,
        %mul3A_2494 = arith.constant 16 : i32
        %mul3A_2495 = arith.muli %scan3A_631, %mul3A_2494 : i32
        %add3A_2496 = arith.constant 12 : i32
        %add3A_2497 = arith.addi %mul3A_2495, %add3A_2496 : i32
        %get3A_2498 = arith.index_cast %add3A_2497 : i32 to index
        %get3A_2499 = arith.constant 80 : index
        %get3A_2500 = tpu.vector_load %arg8[%get3A_2498, %get3A_2499] {strides = array<i32>} : memref<128x128xf32, #tpu.memory_space<vmem>>, vector<1x16xf32>,
        %get3A_2501 = vector.shape_cast %get3A_2500 : vector<1x16xf32> to vector<16xf32>
        %mul3A_2502 = arith.mulf %get3A_2501, %broadcast_in_dim3A_2403 : vector<16xf32>
        %mul3A_2503 = arith.constant 16 : i32
        %mul3A_2504 = arith.muli %scan3A_631, %mul3A_2503 : i32
        %add3A_2505 = arith.constant 12 : i32
        %add3A_2506 = arith.addi %mul3A_2504, %add3A_2505 : i32
        %swap3A_2507 = arith.index_cast %add3A_2506 : i32 to index
        %swap3A_2508 = arith.constant 80 : index
        %swap3A_2509 = tpu.vector_load %arg8[%swap3A_2507, %swap3A_2508] {strides = array<i32>} : memref<128x128xf32, #tpu.memory_space<vmem>>, vector<1x16xf32>,
        %swap3A_2510 = vector.shape_cast %swap3A_2509 : vector<1x16xf32> to vector<16xf32>
        %swap3A_2511 = vector.shape_cast %mul3A_2502 : vector<16xf32> to vector<1x16xf32>
        tpu.vector_store %arg8[%swap3A_2507, %swap3A_2508], %swap3A_2511 {strides = array<i32>} : memref<128x128xf32, #tpu.memory_space<vmem>>, vector<1x16xf32>,
        %mul3A_2512 = arith.constant 16 : i32
        %mul3A_2513 = arith.muli %scan3A_631, %mul3A_2512 : i32
        %add3A_2514 = arith.constant 12 : i32
        %add3A_2515 = arith.addi %mul3A_2513, %add3A_2514 : i32
        %get3A_2516 = arith.index_cast %add3A_2515 : i32 to index
        %get3A_2517 = arith.constant 96 : index
        %get3A_2518 = tpu.vector_load %arg8[%get3A_2516, %get3A_2517] {strides = array<i32>} : memref<128x128xf32, #tpu.memory_space<vmem>>, vector<1x16xf32>,
        %get3A_2519 = vector.shape_cast %get3A_2518 : vector<1x16xf32> to vector<16xf32>
        %mul3A_2520 = arith.mulf %get3A_2519, %broadcast_in_dim3A_2403 : vector<16xf32>
        %mul3A_2521 = arith.constant 16 : i32
        %mul3A_2522 = arith.muli %scan3A_631, %mul3A_2521 : i32
        %add3A_2523 = arith.constant 12 : i32
        %add3A_2524 = arith.addi %mul3A_2522, %add3A_2523 : i32
        %swap3A_2525 = arith.index_cast %add3A_2524 : i32 to index
        %swap3A_2526 = arith.constant 96 : index
        %swap3A_2527 = tpu.vector_load %arg8[%swap3A_2525, %swap3A_2526] {strides = array<i32>} : memref<128x128xf32, #tpu.memory_space<vmem>>, vector<1x16xf32>,
        %swap3A_2528 = vector.shape_cast %swap3A_2527 : vector<1x16xf32> to vector<16xf32>
        %swap3A_2529 = vector.shape_cast %mul3A_2520 : vector<16xf32> to vector<1x16xf32>
        tpu.vector_store %arg8[%swap3A_2525, %swap3A_2526], %swap3A_2529 {strides = array<i32>} : memref<128x128xf32, #tpu.memory_space<vmem>>, vector<1x16xf32>,
        %mul3A_2530 = arith.constant 16 : i32
        %mul3A_2531 = arith.muli %scan3A_631, %mul3A_2530 : i32
        %add3A_2532 = arith.constant 12 : i32
        %add3A_2533 = arith.addi %mul3A_2531, %add3A_2532 : i32
        %get3A_2534 = arith.index_cast %add3A_2533 : i32 to index
        %get3A_2535 = arith.constant 112 : index
        %get3A_2536 = tpu.vector_load %arg8[%get3A_2534, %get3A_2535] {strides = array<i32>} : memref<128x128xf32, #tpu.memory_space<vmem>>, vector<1x16xf32>,
        %get3A_2537 = vector.shape_cast %get3A_2536 : vector<1x16xf32> to vector<16xf32>
        %mul3A_2538 = arith.mulf %get3A_2537, %broadcast_in_dim3A_2403 : vector<16xf32>
        %mul3A_2539 = arith.constant 16 : i32
        %mul3A_2540 = arith.muli %scan3A_631, %mul3A_2539 : i32
        %add3A_2541 = arith.constant 12 : i32
        %add3A_2542 = arith.addi %mul3A_2540, %add3A_2541 : i32
        %swap3A_2543 = arith.index_cast %add3A_2542 : i32 to index
        %swap3A_2544 = arith.constant 112 : index
        %swap3A_2545 = tpu.vector_load %arg8[%swap3A_2543, %swap3A_2544] {strides = array<i32>} : memref<128x128xf32, #tpu.memory_space<vmem>>, vector<1x16xf32>,
        %swap3A_2546 = vector.shape_cast %swap3A_2545 : vector<1x16xf32> to vector<16xf32>
        %swap3A_2547 = vector.shape_cast %mul3A_2538 : vector<16xf32> to vector<1x16xf32>
        tpu.vector_store %arg8[%swap3A_2543, %swap3A_2544], %swap3A_2547 {strides = array<i32>} : memref<128x128xf32, #tpu.memory_space<vmem>>, vector<1x16xf32>,
        %slice3A_2548 = vector.extract_strided_slice %get3A_638 {offsets = [13], sizes = [1], strides = [1]} : vector<16xf32> to vector<1xf32>
        %squeeze3A_2549 = vector.extract %slice3A_2548[0] : f32 from vector<1xf32>
        %broadcast_in_dim3A_2550 = vector.broadcast %squeeze3A_2549 : f32 to vector<16xf32>
        %mul3A_2551 = arith.constant 16 : i32
        %mul3A_2552 = arith.muli %scan3A_631, %mul3A_2551 : i32
        %add3A_2553 = arith.constant 13 : i32
        %add3A_2554 = arith.addi %mul3A_2552, %add3A_2553 : i32
        %get3A_2555 = arith.index_cast %add3A_2554 : i32 to index
        %get3A_2556 = arith.constant 0 : index
        %get3A_2557 = tpu.vector_load %arg8[%get3A_2555, %get3A_2556] {strides = array<i32>} : memref<128x128xf32, #tpu.memory_space<vmem>>, vector<1x16xf32>,
        %get3A_2558 = vector.shape_cast %get3A_2557 : vector<1x16xf32> to vector<16xf32>
        %mul3A_2559 = arith.mulf %get3A_2558, %broadcast_in_dim3A_2550 : vector<16xf32>
        %mul3A_2560 = arith.constant 16 : i32
        %mul3A_2561 = arith.muli %scan3A_631, %mul3A_2560 : i32
        %add3A_2562 = arith.constant 13 : i32
        %add3A_2563 = arith.addi %mul3A_2561, %add3A_2562 : i32
        %swap3A_2564 = arith.index_cast %add3A_2563 : i32 to index
        %swap3A_2565 = arith.constant 0 : index
        %swap3A_2566 = tpu.vector_load %arg8[%swap3A_2564, %swap3A_2565] {strides = array<i32>} : memref<128x128xf32, #tpu.memory_space<vmem>>, vector<1x16xf32>,
        %swap3A_2567 = vector.shape_cast %swap3A_2566 : vector<1x16xf32> to vector<16xf32>
        %swap3A_2568 = vector.shape_cast %mul3A_2559 : vector<16xf32> to vector<1x16xf32>
        tpu.vector_store %arg8[%swap3A_2564, %swap3A_2565], %swap3A_2568 {strides = array<i32>} : memref<128x128xf32, #tpu.memory_space<vmem>>, vector<1x16xf32>,
        %mul3A_2569 = arith.constant 16 : i32
        %mul3A_2570 = arith.muli %scan3A_631, %mul3A_2569 : i32
        %add3A_2571 = arith.constant 13 : i32
        %add3A_2572 = arith.addi %mul3A_2570, %add3A_2571 : i32
        %get3A_2573 = arith.index_cast %add3A_2572 : i32 to index
        %get3A_2574 = arith.constant 16 : index
        %get3A_2575 = tpu.vector_load %arg8[%get3A_2573, %get3A_2574] {strides = array<i32>} : memref<128x128xf32, #tpu.memory_space<vmem>>, vector<1x16xf32>,
        %get3A_2576 = vector.shape_cast %get3A_2575 : vector<1x16xf32> to vector<16xf32>
        %mul3A_2577 = arith.mulf %get3A_2576, %broadcast_in_dim3A_2550 : vector<16xf32>
        %mul3A_2578 = arith.constant 16 : i32
        %mul3A_2579 = arith.muli %scan3A_631, %mul3A_2578 : i32
        %add3A_2580 = arith.constant 13 : i32
        %add3A_2581 = arith.addi %mul3A_2579, %add3A_2580 : i32
        %swap3A_2582 = arith.index_cast %add3A_2581 : i32 to index
        %swap3A_2583 = arith.constant 16 : index
        %swap3A_2584 = tpu.vector_load %arg8[%swap3A_2582, %swap3A_2583] {strides = array<i32>} : memref<128x128xf32, #tpu.memory_space<vmem>>, vector<1x16xf32>,
        %swap3A_2585 = vector.shape_cast %swap3A_2584 : vector<1x16xf32> to vector<16xf32>
        %swap3A_2586 = vector.shape_cast %mul3A_2577 : vector<16xf32> to vector<1x16xf32>
        tpu.vector_store %arg8[%swap3A_2582, %swap3A_2583], %swap3A_2586 {strides = array<i32>} : memref<128x128xf32, #tpu.memory_space<vmem>>, vector<1x16xf32>,
        %mul3A_2587 = arith.constant 16 : i32
        %mul3A_2588 = arith.muli %scan3A_631, %mul3A_2587 : i32
        %add3A_2589 = arith.constant 13 : i32
        %add3A_2590 = arith.addi %mul3A_2588, %add3A_2589 : i32
        %get3A_2591 = arith.index_cast %add3A_2590 : i32 to index
        %get3A_2592 = arith.constant 32 : index
        %get3A_2593 = tpu.vector_load %arg8[%get3A_2591, %get3A_2592] {strides = array<i32>} : memref<128x128xf32, #tpu.memory_space<vmem>>, vector<1x16xf32>,
        %get3A_2594 = vector.shape_cast %get3A_2593 : vector<1x16xf32> to vector<16xf32>
        %mul3A_2595 = arith.mulf %get3A_2594, %broadcast_in_dim3A_2550 : vector<16xf32>
        %mul3A_2596 = arith.constant 16 : i32
        %mul3A_2597 = arith.muli %scan3A_631, %mul3A_2596 : i32
        %add3A_2598 = arith.constant 13 : i32
        %add3A_2599 = arith.addi %mul3A_2597, %add3A_2598 : i32
        %swap3A_2600 = arith.index_cast %add3A_2599 : i32 to index
        %swap3A_2601 = arith.constant 32 : index
        %swap3A_2602 = tpu.vector_load %arg8[%swap3A_2600, %swap3A_2601] {strides = array<i32>} : memref<128x128xf32, #tpu.memory_space<vmem>>, vector<1x16xf32>,
        %swap3A_2603 = vector.shape_cast %swap3A_2602 : vector<1x16xf32> to vector<16xf32>
        %swap3A_2604 = vector.shape_cast %mul3A_2595 : vector<16xf32> to vector<1x16xf32>
        tpu.vector_store %arg8[%swap3A_2600, %swap3A_2601], %swap3A_2604 {strides = array<i32>} : memref<128x128xf32, #tpu.memory_space<vmem>>, vector<1x16xf32>,
        %mul3A_2605 = arith.constant 16 : i32
        %mul3A_2606 = arith.muli %scan3A_631, %mul3A_2605 : i32
        %add3A_2607 = arith.constant 13 : i32
        %add3A_2608 = arith.addi %mul3A_2606, %add3A_2607 : i32
        %get3A_2609 = arith.index_cast %add3A_2608 : i32 to index
        %get3A_2610 = arith.constant 48 : index
        %get3A_2611 = tpu.vector_load %arg8[%get3A_2609, %get3A_2610] {strides = array<i32>} : memref<128x128xf32, #tpu.memory_space<vmem>>, vector<1x16xf32>,
        %get3A_2612 = vector.shape_cast %get3A_2611 : vector<1x16xf32> to vector<16xf32>
        %mul3A_2613 = arith.mulf %get3A_2612, %broadcast_in_dim3A_2550 : vector<16xf32>
        %mul3A_2614 = arith.constant 16 : i32
        %mul3A_2615 = arith.muli %scan3A_631, %mul3A_2614 : i32
        %add3A_2616 = arith.constant 13 : i32
        %add3A_2617 = arith.addi %mul3A_2615, %add3A_2616 : i32
        %swap3A_2618 = arith.index_cast %add3A_2617 : i32 to index
        %swap3A_2619 = arith.constant 48 : index
        %swap3A_2620 = tpu.vector_load %arg8[%swap3A_2618, %swap3A_2619] {strides = array<i32>} : memref<128x128xf32, #tpu.memory_space<vmem>>, vector<1x16xf32>,
        %swap3A_2621 = vector.shape_cast %swap3A_2620 : vector<1x16xf32> to vector<16xf32>
        %swap3A_2622 = vector.shape_cast %mul3A_2613 : vector<16xf32> to vector<1x16xf32>
        tpu.vector_store %arg8[%swap3A_2618, %swap3A_2619], %swap3A_2622 {strides = array<i32>} : memref<128x128xf32, #tpu.memory_space<vmem>>, vector<1x16xf32>,
        %mul3A_2623 = arith.constant 16 : i32
        %mul3A_2624 = arith.muli %scan3A_631, %mul3A_2623 : i32
        %add3A_2625 = arith.constant 13 : i32
        %add3A_2626 = arith.addi %mul3A_2624, %add3A_2625 : i32
        %get3A_2627 = arith.index_cast %add3A_2626 : i32 to index
        %get3A_2628 = arith.constant 64 : index
        %get3A_2629 = tpu.vector_load %arg8[%get3A_2627, %get3A_2628] {strides = array<i32>} : memref<128x128xf32, #tpu.memory_space<vmem>>, vector<1x16xf32>,
        %get3A_2630 = vector.shape_cast %get3A_2629 : vector<1x16xf32> to vector<16xf32>
        %mul3A_2631 = arith.mulf %get3A_2630, %broadcast_in_dim3A_2550 : vector<16xf32>
        %mul3A_2632 = arith.constant 16 : i32
        %mul3A_2633 = arith.muli %scan3A_631, %mul3A_2632 : i32
        %add3A_2634 = arith.constant 13 : i32
        %add3A_2635 = arith.addi %mul3A_2633, %add3A_2634 : i32
        %swap3A_2636 = arith.index_cast %add3A_2635 : i32 to index
        %swap3A_2637 = arith.constant 64 : index
        %swap3A_2638 = tpu.vector_load %arg8[%swap3A_2636, %swap3A_2637] {strides = array<i32>} : memref<128x128xf32, #tpu.memory_space<vmem>>, vector<1x16xf32>,
        %swap3A_2639 = vector.shape_cast %swap3A_2638 : vector<1x16xf32> to vector<16xf32>
        %swap3A_2640 = vector.shape_cast %mul3A_2631 : vector<16xf32> to vector<1x16xf32>
        tpu.vector_store %arg8[%swap3A_2636, %swap3A_2637], %swap3A_2640 {strides = array<i32>} : memref<128x128xf32, #tpu.memory_space<vmem>>, vector<1x16xf32>,
        %mul3A_2641 = arith.constant 16 : i32
        %mul3A_2642 = arith.muli %scan3A_631, %mul3A_2641 : i32
        %add3A_2643 = arith.constant 13 : i32
        %add3A_2644 = arith.addi %mul3A_2642, %add3A_2643 : i32
        %get3A_2645 = arith.index_cast %add3A_2644 : i32 to index
        %get3A_2646 = arith.constant 80 : index
        %get3A_2647 = tpu.vector_load %arg8[%get3A_2645, %get3A_2646] {strides = array<i32>} : memref<128x128xf32, #tpu.memory_space<vmem>>, vector<1x16xf32>,
        %get3A_2648 = vector.shape_cast %get3A_2647 : vector<1x16xf32> to vector<16xf32>
        %mul3A_2649 = arith.mulf %get3A_2648, %broadcast_in_dim3A_2550 : vector<16xf32>
        %mul3A_2650 = arith.constant 16 : i32
        %mul3A_2651 = arith.muli %scan3A_631, %mul3A_2650 : i32
        %add3A_2652 = arith.constant 13 : i32
        %add3A_2653 = arith.addi %mul3A_2651, %add3A_2652 : i32
        %swap3A_2654 = arith.index_cast %add3A_2653 : i32 to index
        %swap3A_2655 = arith.constant 80 : index
        %swap3A_2656 = tpu.vector_load %arg8[%swap3A_2654, %swap3A_2655] {strides = array<i32>} : memref<128x128xf32, #tpu.memory_space<vmem>>, vector<1x16xf32>,
        %swap3A_2657 = vector.shape_cast %swap3A_2656 : vector<1x16xf32> to vector<16xf32>
        %swap3A_2658 = vector.shape_cast %mul3A_2649 : vector<16xf32> to vector<1x16xf32>
        tpu.vector_store %arg8[%swap3A_2654, %swap3A_2655], %swap3A_2658 {strides = array<i32>} : memref<128x128xf32, #tpu.memory_space<vmem>>, vector<1x16xf32>,
        %mul3A_2659 = arith.constant 16 : i32
        %mul3A_2660 = arith.muli %scan3A_631, %mul3A_2659 : i32
        %add3A_2661 = arith.constant 13 : i32
        %add3A_2662 = arith.addi %mul3A_2660, %add3A_2661 : i32
        %get3A_2663 = arith.index_cast %add3A_2662 : i32 to index
        %get3A_2664 = arith.constant 96 : index
        %get3A_2665 = tpu.vector_load %arg8[%get3A_2663, %get3A_2664] {strides = array<i32>} : memref<128x128xf32, #tpu.memory_space<vmem>>, vector<1x16xf32>,
        %get3A_2666 = vector.shape_cast %get3A_2665 : vector<1x16xf32> to vector<16xf32>
        %mul3A_2667 = arith.mulf %get3A_2666, %broadcast_in_dim3A_2550 : vector<16xf32>
        %mul3A_2668 = arith.constant 16 : i32
        %mul3A_2669 = arith.muli %scan3A_631, %mul3A_2668 : i32
        %add3A_2670 = arith.constant 13 : i32
        %add3A_2671 = arith.addi %mul3A_2669, %add3A_2670 : i32
        %swap3A_2672 = arith.index_cast %add3A_2671 : i32 to index
        %swap3A_2673 = arith.constant 96 : index
        %swap3A_2674 = tpu.vector_load %arg8[%swap3A_2672, %swap3A_2673] {strides = array<i32>} : memref<128x128xf32, #tpu.memory_space<vmem>>, vector<1x16xf32>,
        %swap3A_2675 = vector.shape_cast %swap3A_2674 : vector<1x16xf32> to vector<16xf32>
        %swap3A_2676 = vector.shape_cast %mul3A_2667 : vector<16xf32> to vector<1x16xf32>
        tpu.vector_store %arg8[%swap3A_2672, %swap3A_2673], %swap3A_2676 {strides = array<i32>} : memref<128x128xf32, #tpu.memory_space<vmem>>, vector<1x16xf32>,
        %mul3A_2677 = arith.constant 16 : i32
        %mul3A_2678 = arith.muli %scan3A_631, %mul3A_2677 : i32
        %add3A_2679 = arith.constant 13 : i32
        %add3A_2680 = arith.addi %mul3A_2678, %add3A_2679 : i32
        %get3A_2681 = arith.index_cast %add3A_2680 : i32 to index
        %get3A_2682 = arith.constant 112 : index
        %get3A_2683 = tpu.vector_load %arg8[%get3A_2681, %get3A_2682] {strides = array<i32>} : memref<128x128xf32, #tpu.memory_space<vmem>>, vector<1x16xf32>,
        %get3A_2684 = vector.shape_cast %get3A_2683 : vector<1x16xf32> to vector<16xf32>
        %mul3A_2685 = arith.mulf %get3A_2684, %broadcast_in_dim3A_2550 : vector<16xf32>
        %mul3A_2686 = arith.constant 16 : i32
        %mul3A_2687 = arith.muli %scan3A_631, %mul3A_2686 : i32
        %add3A_2688 = arith.constant 13 : i32
        %add3A_2689 = arith.addi %mul3A_2687, %add3A_2688 : i32
        %swap3A_2690 = arith.index_cast %add3A_2689 : i32 to index
        %swap3A_2691 = arith.constant 112 : index
        %swap3A_2692 = tpu.vector_load %arg8[%swap3A_2690, %swap3A_2691] {strides = array<i32>} : memref<128x128xf32, #tpu.memory_space<vmem>>, vector<1x16xf32>,
        %swap3A_2693 = vector.shape_cast %swap3A_2692 : vector<1x16xf32> to vector<16xf32>
        %swap3A_2694 = vector.shape_cast %mul3A_2685 : vector<16xf32> to vector<1x16xf32>
        tpu.vector_store %arg8[%swap3A_2690, %swap3A_2691], %swap3A_2694 {strides = array<i32>} : memref<128x128xf32, #tpu.memory_space<vmem>>, vector<1x16xf32>,
        %slice3A_2695 = vector.extract_strided_slice %get3A_638 {offsets = [14], sizes = [1], strides = [1]} : vector<16xf32> to vector<1xf32>
        %squeeze3A_2696 = vector.extract %slice3A_2695[0] : f32 from vector<1xf32>
        %broadcast_in_dim3A_2697 = vector.broadcast %squeeze3A_2696 : f32 to vector<16xf32>
        %mul3A_2698 = arith.constant 16 : i32
        %mul3A_2699 = arith.muli %scan3A_631, %mul3A_2698 : i32
        %add3A_2700 = arith.constant 14 : i32
        %add3A_2701 = arith.addi %mul3A_2699, %add3A_2700 : i32
        %get3A_2702 = arith.index_cast %add3A_2701 : i32 to index
        %get3A_2703 = arith.constant 0 : index
        %get3A_2704 = tpu.vector_load %arg8[%get3A_2702, %get3A_2703] {strides = array<i32>} : memref<128x128xf32, #tpu.memory_space<vmem>>, vector<1x16xf32>,
        %get3A_2705 = vector.shape_cast %get3A_2704 : vector<1x16xf32> to vector<16xf32>
        %mul3A_2706 = arith.mulf %get3A_2705, %broadcast_in_dim3A_2697 : vector<16xf32>
        %mul3A_2707 = arith.constant 16 : i32
        %mul3A_2708 = arith.muli %scan3A_631, %mul3A_2707 : i32
        %add3A_2709 = arith.constant 14 : i32
        %add3A_2710 = arith.addi %mul3A_2708, %add3A_2709 : i32
        %swap3A_2711 = arith.index_cast %add3A_2710 : i32 to index
        %swap3A_2712 = arith.constant 0 : index
        %swap3A_2713 = tpu.vector_load %arg8[%swap3A_2711, %swap3A_2712] {strides = array<i32>} : memref<128x128xf32, #tpu.memory_space<vmem>>, vector<1x16xf32>,
        %swap3A_2714 = vector.shape_cast %swap3A_2713 : vector<1x16xf32> to vector<16xf32>
        %swap3A_2715 = vector.shape_cast %mul3A_2706 : vector<16xf32> to vector<1x16xf32>
        tpu.vector_store %arg8[%swap3A_2711, %swap3A_2712], %swap3A_2715 {strides = array<i32>} : memref<128x128xf32, #tpu.memory_space<vmem>>, vector<1x16xf32>,
        %mul3A_2716 = arith.constant 16 : i32
        %mul3A_2717 = arith.muli %scan3A_631, %mul3A_2716 : i32
        %add3A_2718 = arith.constant 14 : i32
        %add3A_2719 = arith.addi %mul3A_2717, %add3A_2718 : i32
        %get3A_2720 = arith.index_cast %add3A_2719 : i32 to index
        %get3A_2721 = arith.constant 16 : index
        %get3A_2722 = tpu.vector_load %arg8[%get3A_2720, %get3A_2721] {strides = array<i32>} : memref<128x128xf32, #tpu.memory_space<vmem>>, vector<1x16xf32>,
        %get3A_2723 = vector.shape_cast %get3A_2722 : vector<1x16xf32> to vector<16xf32>
        %mul3A_2724 = arith.mulf %get3A_2723, %broadcast_in_dim3A_2697 : vector<16xf32>
        %mul3A_2725 = arith.constant 16 : i32
        %mul3A_2726 = arith.muli %scan3A_631, %mul3A_2725 : i32
        %add3A_2727 = arith.constant 14 : i32
        %add3A_2728 = arith.addi %mul3A_2726, %add3A_2727 : i32
        %swap3A_2729 = arith.index_cast %add3A_2728 : i32 to index
        %swap3A_2730 = arith.constant 16 : index
        %swap3A_2731 = tpu.vector_load %arg8[%swap3A_2729, %swap3A_2730] {strides = array<i32>} : memref<128x128xf32, #tpu.memory_space<vmem>>, vector<1x16xf32>,
        %swap3A_2732 = vector.shape_cast %swap3A_2731 : vector<1x16xf32> to vector<16xf32>
        %swap3A_2733 = vector.shape_cast %mul3A_2724 : vector<16xf32> to vector<1x16xf32>
        tpu.vector_store %arg8[%swap3A_2729, %swap3A_2730], %swap3A_2733 {strides = array<i32>} : memref<128x128xf32, #tpu.memory_space<vmem>>, vector<1x16xf32>,
        %mul3A_2734 = arith.constant 16 : i32
        %mul3A_2735 = arith.muli %scan3A_631, %mul3A_2734 : i32
        %add3A_2736 = arith.constant 14 : i32
        %add3A_2737 = arith.addi %mul3A_2735, %add3A_2736 : i32
        %get3A_2738 = arith.index_cast %add3A_2737 : i32 to index
        %get3A_2739 = arith.constant 32 : index
        %get3A_2740 = tpu.vector_load %arg8[%get3A_2738, %get3A_2739] {strides = array<i32>} : memref<128x128xf32, #tpu.memory_space<vmem>>, vector<1x16xf32>,
        %get3A_2741 = vector.shape_cast %get3A_2740 : vector<1x16xf32> to vector<16xf32>
        %mul3A_2742 = arith.mulf %get3A_2741, %broadcast_in_dim3A_2697 : vector<16xf32>
        %mul3A_2743 = arith.constant 16 : i32
        %mul3A_2744 = arith.muli %scan3A_631, %mul3A_2743 : i32
        %add3A_2745 = arith.constant 14 : i32
        %add3A_2746 = arith.addi %mul3A_2744, %add3A_2745 : i32
        %swap3A_2747 = arith.index_cast %add3A_2746 : i32 to index
        %swap3A_2748 = arith.constant 32 : index
        %swap3A_2749 = tpu.vector_load %arg8[%swap3A_2747, %swap3A_2748] {strides = array<i32>} : memref<128x128xf32, #tpu.memory_space<vmem>>, vector<1x16xf32>,
        %swap3A_2750 = vector.shape_cast %swap3A_2749 : vector<1x16xf32> to vector<16xf32>
        %swap3A_2751 = vector.shape_cast %mul3A_2742 : vector<16xf32> to vector<1x16xf32>
        tpu.vector_store %arg8[%swap3A_2747, %swap3A_2748], %swap3A_2751 {strides = array<i32>} : memref<128x128xf32, #tpu.memory_space<vmem>>, vector<1x16xf32>,
        %mul3A_2752 = arith.constant 16 : i32
        %mul3A_2753 = arith.muli %scan3A_631, %mul3A_2752 : i32
        %add3A_2754 = arith.constant 14 : i32
        %add3A_2755 = arith.addi %mul3A_2753, %add3A_2754 : i32
        %get3A_2756 = arith.index_cast %add3A_2755 : i32 to index
        %get3A_2757 = arith.constant 48 : index
        %get3A_2758 = tpu.vector_load %arg8[%get3A_2756, %get3A_2757] {strides = array<i32>} : memref<128x128xf32, #tpu.memory_space<vmem>>, vector<1x16xf32>,
        %get3A_2759 = vector.shape_cast %get3A_2758 : vector<1x16xf32> to vector<16xf32>
        %mul3A_2760 = arith.mulf %get3A_2759, %broadcast_in_dim3A_2697 : vector<16xf32>
        %mul3A_2761 = arith.constant 16 : i32
        %mul3A_2762 = arith.muli %scan3A_631, %mul3A_2761 : i32
        %add3A_2763 = arith.constant 14 : i32
        %add3A_2764 = arith.addi %mul3A_2762, %add3A_2763 : i32
        %swap3A_2765 = arith.index_cast %add3A_2764 : i32 to index
        %swap3A_2766 = arith.constant 48 : index
        %swap3A_2767 = tpu.vector_load %arg8[%swap3A_2765, %swap3A_2766] {strides = array<i32>} : memref<128x128xf32, #tpu.memory_space<vmem>>, vector<1x16xf32>,
        %swap3A_2768 = vector.shape_cast %swap3A_2767 : vector<1x16xf32> to vector<16xf32>
        %swap3A_2769 = vector.shape_cast %mul3A_2760 : vector<16xf32> to vector<1x16xf32>
        tpu.vector_store %arg8[%swap3A_2765, %swap3A_2766], %swap3A_2769 {strides = array<i32>} : memref<128x128xf32, #tpu.memory_space<vmem>>, vector<1x16xf32>,
        %mul3A_2770 = arith.constant 16 : i32
        %mul3A_2771 = arith.muli %scan3A_631, %mul3A_2770 : i32
        %add3A_2772 = arith.constant 14 : i32
        %add3A_2773 = arith.addi %mul3A_2771, %add3A_2772 : i32
        %get3A_2774 = arith.index_cast %add3A_2773 : i32 to index
        %get3A_2775 = arith.constant 64 : index
        %get3A_2776 = tpu.vector_load %arg8[%get3A_2774, %get3A_2775] {strides = array<i32>} : memref<128x128xf32, #tpu.memory_space<vmem>>, vector<1x16xf32>,
        %get3A_2777 = vector.shape_cast %get3A_2776 : vector<1x16xf32> to vector<16xf32>
        %mul3A_2778 = arith.mulf %get3A_2777, %broadcast_in_dim3A_2697 : vector<16xf32>
        %mul3A_2779 = arith.constant 16 : i32
        %mul3A_2780 = arith.muli %scan3A_631, %mul3A_2779 : i32
        %add3A_2781 = arith.constant 14 : i32
        %add3A_2782 = arith.addi %mul3A_2780, %add3A_2781 : i32
        %swap3A_2783 = arith.index_cast %add3A_2782 : i32 to index
        %swap3A_2784 = arith.constant 64 : index
        %swap3A_2785 = tpu.vector_load %arg8[%swap3A_2783, %swap3A_2784] {strides = array<i32>} : memref<128x128xf32, #tpu.memory_space<vmem>>, vector<1x16xf32>,
        %swap3A_2786 = vector.shape_cast %swap3A_2785 : vector<1x16xf32> to vector<16xf32>
        %swap3A_2787 = vector.shape_cast %mul3A_2778 : vector<16xf32> to vector<1x16xf32>
        tpu.vector_store %arg8[%swap3A_2783, %swap3A_2784], %swap3A_2787 {strides = array<i32>} : memref<128x128xf32, #tpu.memory_space<vmem>>, vector<1x16xf32>,
        %mul3A_2788 = arith.constant 16 : i32
        %mul3A_2789 = arith.muli %scan3A_631, %mul3A_2788 : i32
        %add3A_2790 = arith.constant 14 : i32
        %add3A_2791 = arith.addi %mul3A_2789, %add3A_2790 : i32
        %get3A_2792 = arith.index_cast %add3A_2791 : i32 to index
        %get3A_2793 = arith.constant 80 : index
        %get3A_2794 = tpu.vector_load %arg8[%get3A_2792, %get3A_2793] {strides = array<i32>} : memref<128x128xf32, #tpu.memory_space<vmem>>, vector<1x16xf32>,
        %get3A_2795 = vector.shape_cast %get3A_2794 : vector<1x16xf32> to vector<16xf32>
        %mul3A_2796 = arith.mulf %get3A_2795, %broadcast_in_dim3A_2697 : vector<16xf32>
        %mul3A_2797 = arith.constant 16 : i32
        %mul3A_2798 = arith.muli %scan3A_631, %mul3A_2797 : i32
        %add3A_2799 = arith.constant 14 : i32
        %add3A_2800 = arith.addi %mul3A_2798, %add3A_2799 : i32
        %swap3A_2801 = arith.index_cast %add3A_2800 : i32 to index
        %swap3A_2802 = arith.constant 80 : index
        %swap3A_2803 = tpu.vector_load %arg8[%swap3A_2801, %swap3A_2802] {strides = array<i32>} : memref<128x128xf32, #tpu.memory_space<vmem>>, vector<1x16xf32>,
        %swap3A_2804 = vector.shape_cast %swap3A_2803 : vector<1x16xf32> to vector<16xf32>
        %swap3A_2805 = vector.shape_cast %mul3A_2796 : vector<16xf32> to vector<1x16xf32>
        tpu.vector_store %arg8[%swap3A_2801, %swap3A_2802], %swap3A_2805 {strides = array<i32>} : memref<128x128xf32, #tpu.memory_space<vmem>>, vector<1x16xf32>,
        %mul3A_2806 = arith.constant 16 : i32
        %mul3A_2807 = arith.muli %scan3A_631, %mul3A_2806 : i32
        %add3A_2808 = arith.constant 14 : i32
        %add3A_2809 = arith.addi %mul3A_2807, %add3A_2808 : i32
        %get3A_2810 = arith.index_cast %add3A_2809 : i32 to index
        %get3A_2811 = arith.constant 96 : index
        %get3A_2812 = tpu.vector_load %arg8[%get3A_2810, %get3A_2811] {strides = array<i32>} : memref<128x128xf32, #tpu.memory_space<vmem>>, vector<1x16xf32>,
        %get3A_2813 = vector.shape_cast %get3A_2812 : vector<1x16xf32> to vector<16xf32>
        %mul3A_2814 = arith.mulf %get3A_2813, %broadcast_in_dim3A_2697 : vector<16xf32>
        %mul3A_2815 = arith.constant 16 : i32
        %mul3A_2816 = arith.muli %scan3A_631, %mul3A_2815 : i32
        %add3A_2817 = arith.constant 14 : i32
        %add3A_2818 = arith.addi %mul3A_2816, %add3A_2817 : i32
        %swap3A_2819 = arith.index_cast %add3A_2818 : i32 to index
        %swap3A_2820 = arith.constant 96 : index
        %swap3A_2821 = tpu.vector_load %arg8[%swap3A_2819, %swap3A_2820] {strides = array<i32>} : memref<128x128xf32, #tpu.memory_space<vmem>>, vector<1x16xf32>,
        %swap3A_2822 = vector.shape_cast %swap3A_2821 : vector<1x16xf32> to vector<16xf32>
        %swap3A_2823 = vector.shape_cast %mul3A_2814 : vector<16xf32> to vector<1x16xf32>
        tpu.vector_store %arg8[%swap3A_2819, %swap3A_2820], %swap3A_2823 {strides = array<i32>} : memref<128x128xf32, #tpu.memory_space<vmem>>, vector<1x16xf32>,
        %mul3A_2824 = arith.constant 16 : i32
        %mul3A_2825 = arith.muli %scan3A_631, %mul3A_2824 : i32
        %add3A_2826 = arith.constant 14 : i32
        %add3A_2827 = arith.addi %mul3A_2825, %add3A_2826 : i32
        %get3A_2828 = arith.index_cast %add3A_2827 : i32 to index
        %get3A_2829 = arith.constant 112 : index
        %get3A_2830 = tpu.vector_load %arg8[%get3A_2828, %get3A_2829] {strides = array<i32>} : memref<128x128xf32, #tpu.memory_space<vmem>>, vector<1x16xf32>,
        %get3A_2831 = vector.shape_cast %get3A_2830 : vector<1x16xf32> to vector<16xf32>
        %mul3A_2832 = arith.mulf %get3A_2831, %broadcast_in_dim3A_2697 : vector<16xf32>
        %mul3A_2833 = arith.constant 16 : i32
        %mul3A_2834 = arith.muli %scan3A_631, %mul3A_2833 : i32
        %add3A_2835 = arith.constant 14 : i32
        %add3A_2836 = arith.addi %mul3A_2834, %add3A_2835 : i32
        %swap3A_2837 = arith.index_cast %add3A_2836 : i32 to index
        %swap3A_2838 = arith.constant 112 : index
        %swap3A_2839 = tpu.vector_load %arg8[%swap3A_2837, %swap3A_2838] {strides = array<i32>} : memref<128x128xf32, #tpu.memory_space<vmem>>, vector<1x16xf32>,
        %swap3A_2840 = vector.shape_cast %swap3A_2839 : vector<1x16xf32> to vector<16xf32>
        %swap3A_2841 = vector.shape_cast %mul3A_2832 : vector<16xf32> to vector<1x16xf32>
        tpu.vector_store %arg8[%swap3A_2837, %swap3A_2838], %swap3A_2841 {strides = array<i32>} : memref<128x128xf32, #tpu.memory_space<vmem>>, vector<1x16xf32>,
        %slice3A_2842 = vector.extract_strided_slice %get3A_638 {offsets = [15], sizes = [1], strides = [1]} : vector<16xf32> to vector<1xf32>
        %squeeze3A_2843 = vector.extract %slice3A_2842[0] : f32 from vector<1xf32>
        %broadcast_in_dim3A_2844 = vector.broadcast %squeeze3A_2843 : f32 to vector<16xf32>
        %mul3A_2845 = arith.constant 16 : i32
        %mul3A_2846 = arith.muli %scan3A_631, %mul3A_2845 : i32
        %add3A_2847 = arith.constant 15 : i32
        %add3A_2848 = arith.addi %mul3A_2846, %add3A_2847 : i32
        %get3A_2849 = arith.index_cast %add3A_2848 : i32 to index
        %get3A_2850 = arith.constant 0 : index
        %get3A_2851 = tpu.vector_load %arg8[%get3A_2849, %get3A_2850] {strides = array<i32>} : memref<128x128xf32, #tpu.memory_space<vmem>>, vector<1x16xf32>,
        %get3A_2852 = vector.shape_cast %get3A_2851 : vector<1x16xf32> to vector<16xf32>
        %mul3A_2853 = arith.mulf %get3A_2852, %broadcast_in_dim3A_2844 : vector<16xf32>
        %mul3A_2854 = arith.constant 16 : i32
        %mul3A_2855 = arith.muli %scan3A_631, %mul3A_2854 : i32
        %add3A_2856 = arith.constant 15 : i32
        %add3A_2857 = arith.addi %mul3A_2855, %add3A_2856 : i32
        %swap3A_2858 = arith.index_cast %add3A_2857 : i32 to index
        %swap3A_2859 = arith.constant 0 : index
        %swap3A_2860 = tpu.vector_load %arg8[%swap3A_2858, %swap3A_2859] {strides = array<i32>} : memref<128x128xf32, #tpu.memory_space<vmem>>, vector<1x16xf32>,
        %swap3A_2861 = vector.shape_cast %swap3A_2860 : vector<1x16xf32> to vector<16xf32>
        %swap3A_2862 = vector.shape_cast %mul3A_2853 : vector<16xf32> to vector<1x16xf32>
        tpu.vector_store %arg8[%swap3A_2858, %swap3A_2859], %swap3A_2862 {strides = array<i32>} : memref<128x128xf32, #tpu.memory_space<vmem>>, vector<1x16xf32>,
        %mul3A_2863 = arith.constant 16 : i32
        %mul3A_2864 = arith.muli %scan3A_631, %mul3A_2863 : i32
        %add3A_2865 = arith.constant 15 : i32
        %add3A_2866 = arith.addi %mul3A_2864, %add3A_2865 : i32
        %get3A_2867 = arith.index_cast %add3A_2866 : i32 to index
        %get3A_2868 = arith.constant 16 : index
        %get3A_2869 = tpu.vector_load %arg8[%get3A_2867, %get3A_2868] {strides = array<i32>} : memref<128x128xf32, #tpu.memory_space<vmem>>, vector<1x16xf32>,
        %get3A_2870 = vector.shape_cast %get3A_2869 : vector<1x16xf32> to vector<16xf32>
        %mul3A_2871 = arith.mulf %get3A_2870, %broadcast_in_dim3A_2844 : vector<16xf32>
        %mul3A_2872 = arith.constant 16 : i32
        %mul3A_2873 = arith.muli %scan3A_631, %mul3A_2872 : i32
        %add3A_2874 = arith.constant 15 : i32
        %add3A_2875 = arith.addi %mul3A_2873, %add3A_2874 : i32
        %swap3A_2876 = arith.index_cast %add3A_2875 : i32 to index
        %swap3A_2877 = arith.constant 16 : index
        %swap3A_2878 = tpu.vector_load %arg8[%swap3A_2876, %swap3A_2877] {strides = array<i32>} : memref<128x128xf32, #tpu.memory_space<vmem>>, vector<1x16xf32>,
        %swap3A_2879 = vector.shape_cast %swap3A_2878 : vector<1x16xf32> to vector<16xf32>
        %swap3A_2880 = vector.shape_cast %mul3A_2871 : vector<16xf32> to vector<1x16xf32>
        tpu.vector_store %arg8[%swap3A_2876, %swap3A_2877], %swap3A_2880 {strides = array<i32>} : memref<128x128xf32, #tpu.memory_space<vmem>>, vector<1x16xf32>,
        %mul3A_2881 = arith.constant 16 : i32
        %mul3A_2882 = arith.muli %scan3A_631, %mul3A_2881 : i32
        %add3A_2883 = arith.constant 15 : i32
        %add3A_2884 = arith.addi %mul3A_2882, %add3A_2883 : i32
        %get3A_2885 = arith.index_cast %add3A_2884 : i32 to index
        %get3A_2886 = arith.constant 32 : index
        %get3A_2887 = tpu.vector_load %arg8[%get3A_2885, %get3A_2886] {strides = array<i32>} : memref<128x128xf32, #tpu.memory_space<vmem>>, vector<1x16xf32>,
        %get3A_2888 = vector.shape_cast %get3A_2887 : vector<1x16xf32> to vector<16xf32>
        %mul3A_2889 = arith.mulf %get3A_2888, %broadcast_in_dim3A_2844 : vector<16xf32>
        %mul3A_2890 = arith.constant 16 : i32
        %mul3A_2891 = arith.muli %scan3A_631, %mul3A_2890 : i32
        %add3A_2892 = arith.constant 15 : i32
        %add3A_2893 = arith.addi %mul3A_2891, %add3A_2892 : i32
        %swap3A_2894 = arith.index_cast %add3A_2893 : i32 to index
        %swap3A_2895 = arith.constant 32 : index
        %swap3A_2896 = tpu.vector_load %arg8[%swap3A_2894, %swap3A_2895] {strides = array<i32>} : memref<128x128xf32, #tpu.memory_space<vmem>>, vector<1x16xf32>,
        %swap3A_2897 = vector.shape_cast %swap3A_2896 : vector<1x16xf32> to vector<16xf32>
        %swap3A_2898 = vector.shape_cast %mul3A_2889 : vector<16xf32> to vector<1x16xf32>
        tpu.vector_store %arg8[%swap3A_2894, %swap3A_2895], %swap3A_2898 {strides = array<i32>} : memref<128x128xf32, #tpu.memory_space<vmem>>, vector<1x16xf32>,
        %mul3A_2899 = arith.constant 16 : i32
        %mul3A_2900 = arith.muli %scan3A_631, %mul3A_2899 : i32
        %add3A_2901 = arith.constant 15 : i32
        %add3A_2902 = arith.addi %mul3A_2900, %add3A_2901 : i32
        %get3A_2903 = arith.index_cast %add3A_2902 : i32 to index
        %get3A_2904 = arith.constant 48 : index
        %get3A_2905 = tpu.vector_load %arg8[%get3A_2903, %get3A_2904] {strides = array<i32>} : memref<128x128xf32, #tpu.memory_space<vmem>>, vector<1x16xf32>,
        %get3A_2906 = vector.shape_cast %get3A_2905 : vector<1x16xf32> to vector<16xf32>
        %mul3A_2907 = arith.mulf %get3A_2906, %broadcast_in_dim3A_2844 : vector<16xf32>
        %mul3A_2908 = arith.constant 16 : i32
        %mul3A_2909 = arith.muli %scan3A_631, %mul3A_2908 : i32
        %add3A_2910 = arith.constant 15 : i32
        %add3A_2911 = arith.addi %mul3A_2909, %add3A_2910 : i32
        %swap3A_2912 = arith.index_cast %add3A_2911 : i32 to index
        %swap3A_2913 = arith.constant 48 : index
        %swap3A_2914 = tpu.vector_load %arg8[%swap3A_2912, %swap3A_2913] {strides = array<i32>} : memref<128x128xf32, #tpu.memory_space<vmem>>, vector<1x16xf32>,
        %swap3A_2915 = vector.shape_cast %swap3A_2914 : vector<1x16xf32> to vector<16xf32>
        %swap3A_2916 = vector.shape_cast %mul3A_2907 : vector<16xf32> to vector<1x16xf32>
        tpu.vector_store %arg8[%swap3A_2912, %swap3A_2913], %swap3A_2916 {strides = array<i32>} : memref<128x128xf32, #tpu.memory_space<vmem>>, vector<1x16xf32>,
        %mul3A_2917 = arith.constant 16 : i32
        %mul3A_2918 = arith.muli %scan3A_631, %mul3A_2917 : i32
        %add3A_2919 = arith.constant 15 : i32
        %add3A_2920 = arith.addi %mul3A_2918, %add3A_2919 : i32
        %get3A_2921 = arith.index_cast %add3A_2920 : i32 to index
        %get3A_2922 = arith.constant 64 : index
        %get3A_2923 = tpu.vector_load %arg8[%get3A_2921, %get3A_2922] {strides = array<i32>} : memref<128x128xf32, #tpu.memory_space<vmem>>, vector<1x16xf32>,
        %get3A_2924 = vector.shape_cast %get3A_2923 : vector<1x16xf32> to vector<16xf32>
        %mul3A_2925 = arith.mulf %get3A_2924, %broadcast_in_dim3A_2844 : vector<16xf32>
        %mul3A_2926 = arith.constant 16 : i32
        %mul3A_2927 = arith.muli %scan3A_631, %mul3A_2926 : i32
        %add3A_2928 = arith.constant 15 : i32
        %add3A_2929 = arith.addi %mul3A_2927, %add3A_2928 : i32
        %swap3A_2930 = arith.index_cast %add3A_2929 : i32 to index
        %swap3A_2931 = arith.constant 64 : index
        %swap3A_2932 = tpu.vector_load %arg8[%swap3A_2930, %swap3A_2931] {strides = array<i32>} : memref<128x128xf32, #tpu.memory_space<vmem>>, vector<1x16xf32>,
        %swap3A_2933 = vector.shape_cast %swap3A_2932 : vector<1x16xf32> to vector<16xf32>
        %swap3A_2934 = vector.shape_cast %mul3A_2925 : vector<16xf32> to vector<1x16xf32>
        tpu.vector_store %arg8[%swap3A_2930, %swap3A_2931], %swap3A_2934 {strides = array<i32>} : memref<128x128xf32, #tpu.memory_space<vmem>>, vector<1x16xf32>,
        %mul3A_2935 = arith.constant 16 : i32
        %mul3A_2936 = arith.muli %scan3A_631, %mul3A_2935 : i32
        %add3A_2937 = arith.constant 15 : i32
        %add3A_2938 = arith.addi %mul3A_2936, %add3A_2937 : i32
        %get3A_2939 = arith.index_cast %add3A_2938 : i32 to index
        %get3A_2940 = arith.constant 80 : index
        %get3A_2941 = tpu.vector_load %arg8[%get3A_2939, %get3A_2940] {strides = array<i32>} : memref<128x128xf32, #tpu.memory_space<vmem>>, vector<1x16xf32>,
        %get3A_2942 = vector.shape_cast %get3A_2941 : vector<1x16xf32> to vector<16xf32>
        %mul3A_2943 = arith.mulf %get3A_2942, %broadcast_in_dim3A_2844 : vector<16xf32>
        %mul3A_2944 = arith.constant 16 : i32
        %mul3A_2945 = arith.muli %scan3A_631, %mul3A_2944 : i32
        %add3A_2946 = arith.constant 15 : i32
        %add3A_2947 = arith.addi %mul3A_2945, %add3A_2946 : i32
        %swap3A_2948 = arith.index_cast %add3A_2947 : i32 to index
        %swap3A_2949 = arith.constant 80 : index
        %swap3A_2950 = tpu.vector_load %arg8[%swap3A_2948, %swap3A_2949] {strides = array<i32>} : memref<128x128xf32, #tpu.memory_space<vmem>>, vector<1x16xf32>,
        %swap3A_2951 = vector.shape_cast %swap3A_2950 : vector<1x16xf32> to vector<16xf32>
        %swap3A_2952 = vector.shape_cast %mul3A_2943 : vector<16xf32> to vector<1x16xf32>
        tpu.vector_store %arg8[%swap3A_2948, %swap3A_2949], %swap3A_2952 {strides = array<i32>} : memref<128x128xf32, #tpu.memory_space<vmem>>, vector<1x16xf32>,
        %mul3A_2953 = arith.constant 16 : i32
        %mul3A_2954 = arith.muli %scan3A_631, %mul3A_2953 : i32
        %add3A_2955 = arith.constant 15 : i32
        %add3A_2956 = arith.addi %mul3A_2954, %add3A_2955 : i32
        %get3A_2957 = arith.index_cast %add3A_2956 : i32 to index
        %get3A_2958 = arith.constant 96 : index
        %get3A_2959 = tpu.vector_load %arg8[%get3A_2957, %get3A_2958] {strides = array<i32>} : memref<128x128xf32, #tpu.memory_space<vmem>>, vector<1x16xf32>,
        %get3A_2960 = vector.shape_cast %get3A_2959 : vector<1x16xf32> to vector<16xf32>
        %mul3A_2961 = arith.mulf %get3A_2960, %broadcast_in_dim3A_2844 : vector<16xf32>
        %mul3A_2962 = arith.constant 16 : i32
        %mul3A_2963 = arith.muli %scan3A_631, %mul3A_2962 : i32
        %add3A_2964 = arith.constant 15 : i32
        %add3A_2965 = arith.addi %mul3A_2963, %add3A_2964 : i32
        %swap3A_2966 = arith.index_cast %add3A_2965 : i32 to index
        %swap3A_2967 = arith.constant 96 : index
        %swap3A_2968 = tpu.vector_load %arg8[%swap3A_2966, %swap3A_2967] {strides = array<i32>} : memref<128x128xf32, #tpu.memory_space<vmem>>, vector<1x16xf32>,
        %swap3A_2969 = vector.shape_cast %swap3A_2968 : vector<1x16xf32> to vector<16xf32>
        %swap3A_2970 = vector.shape_cast %mul3A_2961 : vector<16xf32> to vector<1x16xf32>
        tpu.vector_store %arg8[%swap3A_2966, %swap3A_2967], %swap3A_2970 {strides = array<i32>} : memref<128x128xf32, #tpu.memory_space<vmem>>, vector<1x16xf32>,
        %mul3A_2971 = arith.constant 16 : i32
        %mul3A_2972 = arith.muli %scan3A_631, %mul3A_2971 : i32
        %add3A_2973 = arith.constant 15 : i32
        %add3A_2974 = arith.addi %mul3A_2972, %add3A_2973 : i32
        %get3A_2975 = arith.index_cast %add3A_2974 : i32 to index
        %get3A_2976 = arith.constant 112 : index
        %get3A_2977 = tpu.vector_load %arg8[%get3A_2975, %get3A_2976] {strides = array<i32>} : memref<128x128xf32, #tpu.memory_space<vmem>>, vector<1x16xf32>,
        %get3A_2978 = vector.shape_cast %get3A_2977 : vector<1x16xf32> to vector<16xf32>
        %mul3A_2979 = arith.mulf %get3A_2978, %broadcast_in_dim3A_2844 : vector<16xf32>
        %mul3A_2980 = arith.constant 16 : i32
        %mul3A_2981 = arith.muli %scan3A_631, %mul3A_2980 : i32
        %add3A_2982 = arith.constant 15 : i32
        %add3A_2983 = arith.addi %mul3A_2981, %add3A_2982 : i32
        %swap3A_2984 = arith.index_cast %add3A_2983 : i32 to index
        %swap3A_2985 = arith.constant 112 : index
        %swap3A_2986 = tpu.vector_load %arg8[%swap3A_2984, %swap3A_2985] {strides = array<i32>} : memref<128x128xf32, #tpu.memory_space<vmem>>, vector<1x16xf32>,
        %swap3A_2987 = vector.shape_cast %swap3A_2986 : vector<1x16xf32> to vector<16xf32>
        %swap3A_2988 = vector.shape_cast %mul3A_2979 : vector<16xf32> to vector<1x16xf32>
        tpu.vector_store %arg8[%swap3A_2984, %swap3A_2985], %swap3A_2988 {strides = array<i32>} : memref<128x128xf32, #tpu.memory_space<vmem>>, vector<1x16xf32>,
      }
      %scan3A_441 = arith.constant 8 : i32
      %dma_start3A_442 = arith.constant 0 : i32
      %dma_start3A_443 = arith.constant 0 : i32
      %dma_start3A_444 = tpu.memref_slice %arg6[%dma_start3A_442, %dma_start3A_443] : memref<10240x128xf32, #tpu.memory_space<vmem_shared>> -> memref<10240x128xf32, #tpu.memory_space<vmem_shared>>
      tpu.enqueue_indirect_dma source(%arg8 : memref<128x128xf32, #tpu.memory_space<vmem>>) target(%dma_start3A_444 : memref<10240x128xf32, #tpu.memory_space<vmem_shared>>) offsets(%arg11 : memref<128xi32, #tpu.memory_space<vmem>>) semaphore(%arg16 : memref<!tpu.dma_semaphore, #tpu.memory_space<semaphore_mem>>) {add = true}
      %dma_wait3A_445 = arith.constant 0 : i32
      %dma_wait3A_446 = arith.constant 0 : i32
      %dma_wait3A_447 = tpu.memref_slice %arg6[%dma_wait3A_445, %dma_wait3A_446] : memref<10240x128xf32, #tpu.memory_space<vmem_shared>> -> memref<10240x128xf32, #tpu.memory_space<vmem_shared>>
      tpu.wait_indirect_dma semaphore(%arg16 : memref<!tpu.dma_semaphore, #tpu.memory_space<semaphore_mem>>) src(%arg8 : memref<128x128xf32, #tpu.memory_space<vmem>>) dst(%dma_wait3A_447 : memref<10240x128xf32, #tpu.memory_space<vmem_shared>>)
      %add3A_448 = arith.constant 2 : i32
      %add3A_449 = arith.addi %mul3A_260, %add3A_448 : i32
      %get3A_450 = arith.index_cast %add3A_449 : i32 to index
      %get3A_451 = arith.constant 0 : index
      %get3A_452 = tpu.vector_load %arg7[%get3A_450, %get3A_451] {strides = array<i32>} : memref<88x128xi32, #tpu.memory_space<vmem>>, vector<1x16xi32>,
      %get3A_453 = vector.shape_cast %get3A_452 : vector<1x16xi32> to vector<16xi32>
      %and3A_454 = arith.constant 16383 : i32
      %and3A_455 = vector.broadcast %and3A_454 : i32 to vector<16xi32>
      %and3A_456 = arith.andi %get3A_453, %and3A_455 : vector<16xi32>
      %swap3A_457 = arith.constant 0 : index
      %swap3A_458 = tpu.vector_load %arg10[%swap3A_457] {strides = array<i32>} : memref<128xi32, #tpu.memory_space<vmem>>, vector<16xi32>,
      %swap3A_459 = vector.shape_cast %swap3A_458 : vector<16xi32> to vector<16xi32>
      %swap3A_460 = vector.shape_cast %and3A_456 : vector<16xi32> to vector<16xi32>
      tpu.vector_store %arg10[%swap3A_457], %swap3A_460 {strides = array<i32>} : memref<128xi32, #tpu.memory_space<vmem>>, vector<16xi32>,
      %shift_right_logical3A_461 = arith.constant 14 : i32
      %shift_right_logical3A_462 = vector.broadcast %shift_right_logical3A_461 : i32 to vector<16xi32>
      %shift_right_logical3A_463 = arith.shrui %get3A_453, %shift_right_logical3A_462 : vector<16xi32>
      %swap3A_464 = arith.constant 0 : index
      %swap3A_465 = tpu.vector_load %arg11[%swap3A_464] {strides = array<i32>} : memref<128xi32, #tpu.memory_space<vmem>>, vector<16xi32>,
      %swap3A_466 = vector.shape_cast %swap3A_465 : vector<16xi32> to vector<16xi32>
      %swap3A_467 = vector.shape_cast %shift_right_logical3A_463 : vector<16xi32> to vector<16xi32>
      tpu.vector_store %arg11[%swap3A_464], %swap3A_467 {strides = array<i32>} : memref<128xi32, #tpu.memory_space<vmem>>, vector<16xi32>,
      %get3A_468 = arith.index_cast %add3A_449 : i32 to index
      %get3A_469 = arith.constant 16 : index
      %get3A_470 = tpu.vector_load %arg7[%get3A_468, %get3A_469] {strides = array<i32>} : memref<88x128xi32, #tpu.memory_space<vmem>>, vector<1x16xi32>,
      %get3A_471 = vector.shape_cast %get3A_470 : vector<1x16xi32> to vector<16xi32>
      %and3A_472 = arith.constant 16383 : i32
      %and3A_473 = vector.broadcast %and3A_472 : i32 to vector<16xi32>
      %and3A_474 = arith.andi %get3A_471, %and3A_473 : vector<16xi32>
      %swap3A_475 = arith.constant 16 : index
      %swap3A_476 = tpu.vector_load %arg10[%swap3A_475] {strides = array<i32>} : memref<128xi32, #tpu.memory_space<vmem>>, vector<16xi32>,
      %swap3A_477 = vector.shape_cast %swap3A_476 : vector<16xi32> to vector<16xi32>
      %swap3A_478 = vector.shape_cast %and3A_474 : vector<16xi32> to vector<16xi32>
      tpu.vector_store %arg10[%swap3A_475], %swap3A_478 {strides = array<i32>} : memref<128xi32, #tpu.memory_space<vmem>>, vector<16xi32>,
      %shift_right_logical3A_479 = arith.constant 14 : i32
      %shift_right_logical3A_480 = vector.broadcast %shift_right_logical3A_479 : i32 to vector<16xi32>
      %shift_right_logical3A_481 = arith.shrui %get3A_471, %shift_right_logical3A_480 : vector<16xi32>
      %swap3A_482 = arith.constant 16 : index
      %swap3A_483 = tpu.vector_load %arg11[%swap3A_482] {strides = array<i32>} : memref<128xi32, #tpu.memory_space<vmem>>, vector<16xi32>,
      %swap3A_484 = vector.shape_cast %swap3A_483 : vector<16xi32> to vector<16xi32>
      %swap3A_485 = vector.shape_cast %shift_right_logical3A_481 : vector<16xi32> to vector<16xi32>
      tpu.vector_store %arg11[%swap3A_482], %swap3A_485 {strides = array<i32>} : memref<128xi32, #tpu.memory_space<vmem>>, vector<16xi32>,
      %get3A_486 = arith.index_cast %add3A_449 : i32 to index
      %get3A_487 = arith.constant 32 : index
      %get3A_488 = tpu.vector_load %arg7[%get3A_486, %get3A_487] {strides = array<i32>} : memref<88x128xi32, #tpu.memory_space<vmem>>, vector<1x16xi32>,
      %get3A_489 = vector.shape_cast %get3A_488 : vector<1x16xi32> to vector<16xi32>
      %and3A_490 = arith.constant 16383 : i32
      %and3A_491 = vector.broadcast %and3A_490 : i32 to vector<16xi32>
      %and3A_492 = arith.andi %get3A_489, %and3A_491 : vector<16xi32>
      %swap3A_493 = arith.constant 32 : index
      %swap3A_494 = tpu.vector_load %arg10[%swap3A_493] {strides = array<i32>} : memref<128xi32, #tpu.memory_space<vmem>>, vector<16xi32>,
      %swap3A_495 = vector.shape_cast %swap3A_494 : vector<16xi32> to vector<16xi32>
      %swap3A_496 = vector.shape_cast %and3A_492 : vector<16xi32> to vector<16xi32>
      tpu.vector_store %arg10[%swap3A_493], %swap3A_496 {strides = array<i32>} : memref<128xi32, #tpu.memory_space<vmem>>, vector<16xi32>,
      %shift_right_logical3A_497 = arith.constant 14 : i32
      %shift_right_logical3A_498 = vector.broadcast %shift_right_logical3A_497 : i32 to vector<16xi32>
      %shift_right_logical3A_499 = arith.shrui %get3A_489, %shift_right_logical3A_498 : vector<16xi32>
      %swap3A_500 = arith.constant 32 : index
      %swap3A_501 = tpu.vector_load %arg11[%swap3A_500] {strides = array<i32>} : memref<128xi32, #tpu.memory_space<vmem>>, vector<16xi32>,
      %swap3A_502 = vector.shape_cast %swap3A_501 : vector<16xi32> to vector<16xi32>
      %swap3A_503 = vector.shape_cast %shift_right_logical3A_499 : vector<16xi32> to vector<16xi32>
      tpu.vector_store %arg11[%swap3A_500], %swap3A_503 {strides = array<i32>} : memref<128xi32, #tpu.memory_space<vmem>>, vector<16xi32>,
      %get3A_504 = arith.index_cast %add3A_449 : i32 to index
      %get3A_505 = arith.constant 48 : index
      %get3A_506 = tpu.vector_load %arg7[%get3A_504, %get3A_505] {strides = array<i32>} : memref<88x128xi32, #tpu.memory_space<vmem>>, vector<1x16xi32>,
      %get3A_507 = vector.shape_cast %get3A_506 : vector<1x16xi32> to vector<16xi32>
      %and3A_508 = arith.constant 16383 : i32
      %and3A_509 = vector.broadcast %and3A_508 : i32 to vector<16xi32>
      %and3A_510 = arith.andi %get3A_507, %and3A_509 : vector<16xi32>
      %swap3A_511 = arith.constant 48 : index
      %swap3A_512 = tpu.vector_load %arg10[%swap3A_511] {strides = array<i32>} : memref<128xi32, #tpu.memory_space<vmem>>, vector<16xi32>,
      %swap3A_513 = vector.shape_cast %swap3A_512 : vector<16xi32> to vector<16xi32>
      %swap3A_514 = vector.shape_cast %and3A_510 : vector<16xi32> to vector<16xi32>
      tpu.vector_store %arg10[%swap3A_511], %swap3A_514 {strides = array<i32>} : memref<128xi32, #tpu.memory_space<vmem>>, vector<16xi32>,
      %shift_right_logical3A_515 = arith.constant 14 : i32
      %shift_right_logical3A_516 = vector.broadcast %shift_right_logical3A_515 : i32 to vector<16xi32>
      %shift_right_logical3A_517 = arith.shrui %get3A_507, %shift_right_logical3A_516 : vector<16xi32>
      %swap3A_518 = arith.constant 48 : index
      %swap3A_519 = tpu.vector_load %arg11[%swap3A_518] {strides = array<i32>} : memref<128xi32, #tpu.memory_space<vmem>>, vector<16xi32>,
      %swap3A_520 = vector.shape_cast %swap3A_519 : vector<16xi32> to vector<16xi32>
      %swap3A_521 = vector.shape_cast %shift_right_logical3A_517 : vector<16xi32> to vector<16xi32>
      tpu.vector_store %arg11[%swap3A_518], %swap3A_521 {strides = array<i32>} : memref<128xi32, #tpu.memory_space<vmem>>, vector<16xi32>,
      %get3A_522 = arith.index_cast %add3A_449 : i32 to index
      %get3A_523 = arith.constant 64 : index
      %get3A_524 = tpu.vector_load %arg7[%get3A_522, %get3A_523] {strides = array<i32>} : memref<88x128xi32, #tpu.memory_space<vmem>>, vector<1x16xi32>,
      %get3A_525 = vector.shape_cast %get3A_524 : vector<1x16xi32> to vector<16xi32>
      %and3A_526 = arith.constant 16383 : i32
      %and3A_527 = vector.broadcast %and3A_526 : i32 to vector<16xi32>
      %and3A_528 = arith.andi %get3A_525, %and3A_527 : vector<16xi32>
      %swap3A_529 = arith.constant 64 : index
      %swap3A_530 = tpu.vector_load %arg10[%swap3A_529] {strides = array<i32>} : memref<128xi32, #tpu.memory_space<vmem>>, vector<16xi32>,
      %swap3A_531 = vector.shape_cast %swap3A_530 : vector<16xi32> to vector<16xi32>
      %swap3A_532 = vector.shape_cast %and3A_528 : vector<16xi32> to vector<16xi32>
      tpu.vector_store %arg10[%swap3A_529], %swap3A_532 {strides = array<i32>} : memref<128xi32, #tpu.memory_space<vmem>>, vector<16xi32>,
      %shift_right_logical3A_533 = arith.constant 14 : i32
      %shift_right_logical3A_534 = vector.broadcast %shift_right_logical3A_533 : i32 to vector<16xi32>
      %shift_right_logical3A_535 = arith.shrui %get3A_525, %shift_right_logical3A_534 : vector<16xi32>
      %swap3A_536 = arith.constant 64 : index
      %swap3A_537 = tpu.vector_load %arg11[%swap3A_536] {strides = array<i32>} : memref<128xi32, #tpu.memory_space<vmem>>, vector<16xi32>,
      %swap3A_538 = vector.shape_cast %swap3A_537 : vector<16xi32> to vector<16xi32>
      %swap3A_539 = vector.shape_cast %shift_right_logical3A_535 : vector<16xi32> to vector<16xi32>
      tpu.vector_store %arg11[%swap3A_536], %swap3A_539 {strides = array<i32>} : memref<128xi32, #tpu.memory_space<vmem>>, vector<16xi32>,
      %get3A_540 = arith.index_cast %add3A_449 : i32 to index
      %get3A_541 = arith.constant 80 : index
      %get3A_542 = tpu.vector_load %arg7[%get3A_540, %get3A_541] {strides = array<i32>} : memref<88x128xi32, #tpu.memory_space<vmem>>, vector<1x16xi32>,
      %get3A_543 = vector.shape_cast %get3A_542 : vector<1x16xi32> to vector<16xi32>
      %and3A_544 = arith.constant 16383 : i32
      %and3A_545 = vector.broadcast %and3A_544 : i32 to vector<16xi32>
      %and3A_546 = arith.andi %get3A_543, %and3A_545 : vector<16xi32>
      %swap3A_547 = arith.constant 80 : index
      %swap3A_548 = tpu.vector_load %arg10[%swap3A_547] {strides = array<i32>} : memref<128xi32, #tpu.memory_space<vmem>>, vector<16xi32>,
      %swap3A_549 = vector.shape_cast %swap3A_548 : vector<16xi32> to vector<16xi32>
      %swap3A_550 = vector.shape_cast %and3A_546 : vector<16xi32> to vector<16xi32>
      tpu.vector_store %arg10[%swap3A_547], %swap3A_550 {strides = array<i32>} : memref<128xi32, #tpu.memory_space<vmem>>, vector<16xi32>,
      %shift_right_logical3A_551 = arith.constant 14 : i32
      %shift_right_logical3A_552 = vector.broadcast %shift_right_logical3A_551 : i32 to vector<16xi32>
      %shift_right_logical3A_553 = arith.shrui %get3A_543, %shift_right_logical3A_552 : vector<16xi32>
      %swap3A_554 = arith.constant 80 : index
      %swap3A_555 = tpu.vector_load %arg11[%swap3A_554] {strides = array<i32>} : memref<128xi32, #tpu.memory_space<vmem>>, vector<16xi32>,
      %swap3A_556 = vector.shape_cast %swap3A_555 : vector<16xi32> to vector<16xi32>
      %swap3A_557 = vector.shape_cast %shift_right_logical3A_553 : vector<16xi32> to vector<16xi32>
      tpu.vector_store %arg11[%swap3A_554], %swap3A_557 {strides = array<i32>} : memref<128xi32, #tpu.memory_space<vmem>>, vector<16xi32>,
      %get3A_558 = arith.index_cast %add3A_449 : i32 to index
      %get3A_559 = arith.constant 96 : index
      %get3A_560 = tpu.vector_load %arg7[%get3A_558, %get3A_559] {strides = array<i32>} : memref<88x128xi32, #tpu.memory_space<vmem>>, vector<1x16xi32>,
      %get3A_561 = vector.shape_cast %get3A_560 : vector<1x16xi32> to vector<16xi32>
      %and3A_562 = arith.constant 16383 : i32
      %and3A_563 = vector.broadcast %and3A_562 : i32 to vector<16xi32>
      %and3A_564 = arith.andi %get3A_561, %and3A_563 : vector<16xi32>
      %swap3A_565 = arith.constant 96 : index
      %swap3A_566 = tpu.vector_load %arg10[%swap3A_565] {strides = array<i32>} : memref<128xi32, #tpu.memory_space<vmem>>, vector<16xi32>,
      %swap3A_567 = vector.shape_cast %swap3A_566 : vector<16xi32> to vector<16xi32>
      %swap3A_568 = vector.shape_cast %and3A_564 : vector<16xi32> to vector<16xi32>
      tpu.vector_store %arg10[%swap3A_565], %swap3A_568 {strides = array<i32>} : memref<128xi32, #tpu.memory_space<vmem>>, vector<16xi32>,
      %shift_right_logical3A_569 = arith.constant 14 : i32
      %shift_right_logical3A_570 = vector.broadcast %shift_right_logical3A_569 : i32 to vector<16xi32>
      %shift_right_logical3A_571 = arith.shrui %get3A_561, %shift_right_logical3A_570 : vector<16xi32>
      %swap3A_572 = arith.constant 96 : index
      %swap3A_573 = tpu.vector_load %arg11[%swap3A_572] {strides = array<i32>} : memref<128xi32, #tpu.memory_space<vmem>>, vector<16xi32>,
      %swap3A_574 = vector.shape_cast %swap3A_573 : vector<16xi32> to vector<16xi32>
      %swap3A_575 = vector.shape_cast %shift_right_logical3A_571 : vector<16xi32> to vector<16xi32>
      tpu.vector_store %arg11[%swap3A_572], %swap3A_575 {strides = array<i32>} : memref<128xi32, #tpu.memory_space<vmem>>, vector<16xi32>,
      %get3A_576 = arith.index_cast %add3A_449 : i32 to index
      %get3A_577 = arith.constant 112 : index
      %get3A_578 = tpu.vector_load %arg7[%get3A_576, %get3A_577] {strides = array<i32>} : memref<88x128xi32, #tpu.memory_space<vmem>>, vector<1x16xi32>,
      %get3A_579 = vector.shape_cast %get3A_578 : vector<1x16xi32> to vector<16xi32>
      %and3A_580 = arith.constant 16383 : i32
      %and3A_581 = vector.broadcast %and3A_580 : i32 to vector<16xi32>
      %and3A_582 = arith.andi %get3A_579, %and3A_581 : vector<16xi32>
      %swap3A_583 = arith.constant 112 : index
      %swap3A_584 = tpu.vector_load %arg10[%swap3A_583] {strides = array<i32>} : memref<128xi32, #tpu.memory_space<vmem>>, vector<16xi32>,
      %swap3A_585 = vector.shape_cast %swap3A_584 : vector<16xi32> to vector<16xi32>
      %swap3A_586 = vector.shape_cast %and3A_582 : vector<16xi32> to vector<16xi32>
      tpu.vector_store %arg10[%swap3A_583], %swap3A_586 {strides = array<i32>} : memref<128xi32, #tpu.memory_space<vmem>>, vector<16xi32>,
      %shift_right_logical3A_587 = arith.constant 14 : i32
      %shift_right_logical3A_588 = vector.broadcast %shift_right_logical3A_587 : i32 to vector<16xi32>
      %shift_right_logical3A_589 = arith.shrui %get3A_579, %shift_right_logical3A_588 : vector<16xi32>
      %swap3A_590 = arith.constant 112 : index
      %swap3A_591 = tpu.vector_load %arg11[%swap3A_590] {strides = array<i32>} : memref<128xi32, #tpu.memory_space<vmem>>, vector<16xi32>,
      %swap3A_592 = vector.shape_cast %swap3A_591 : vector<16xi32> to vector<16xi32>
      %swap3A_593 = vector.shape_cast %shift_right_logical3A_589 : vector<16xi32> to vector<16xi32>
      tpu.vector_store %arg11[%swap3A_590], %swap3A_593 {strides = array<i32>} : memref<128xi32, #tpu.memory_space<vmem>>, vector<16xi32>,
      %dma_start3A_594 = arith.constant 0 : i32
      %dma_start3A_595 = arith.constant 0 : i32
      %dma_start3A_596 = tpu.memref_slice %arg2[%dma_start3A_594, %dma_start3A_595] : memref<10000x128xf32, #tpu.memory_space<hbm>> -> memref<10000x128xf32, #tpu.memory_space<hbm>>
      tpu.enqueue_indirect_dma source(%dma_start3A_596 : memref<10000x128xf32, #tpu.memory_space<hbm>>) target(%arg8 : memref<128x128xf32, #tpu.memory_space<vmem>>) offsets(%arg10 : memref<128xi32, #tpu.memory_space<vmem>>) semaphore(%arg16 : memref<!tpu.dma_semaphore, #tpu.memory_space<semaphore_mem>>)
      %add3A_597 = arith.constant 2 : i32
      %add3A_598 = arith.addi %mul3A_260, %add3A_597 : i32
      %add3A_599 = arith.addi %mul3A_71, %add3A_598 : i32
      %dma_start3A_600 = arith.constant 0 : i32
      %dma_start3A_601 = arith.constant 0 : i32
      %dma_start3A_602 = tpu.memref_slice %arg4[%add3A_599, %dma_start3A_600, %dma_start3A_601] : memref<2568x1x128xf32, #tpu.memory_space<hbm>> -> memref<1x1x128xf32, #tpu.memory_space<hbm>>
      %dma_start3A_603 = tpu.memref_squeeze %dma_start3A_602 : memref<1x1x128xf32, #tpu.memory_space<hbm>> -> memref<1x128xf32, #tpu.memory_space<hbm>>
      %dma_start3A_604 = arith.constant 0 : i32
      %dma_start3A_605 = arith.constant 0 : i32
      %dma_start3A_606 = tpu.memref_slice %arg4[%add3A_599, %dma_start3A_604, %dma_start3A_605] : memref<2568x1x128xf32, #tpu.memory_space<hbm>> -> memref<1x1x128xf32, #tpu.memory_space<hbm>>
      %dma_start3A_607 = tpu.memref_squeeze %dma_start3A_606 : memref<1x1x128xf32, #tpu.memory_space<hbm>> -> memref<1x128xf32, #tpu.memory_space<hbm>>
      tpu.enqueue_dma source(%dma_start3A_607 : memref<1x128xf32, #tpu.memory_space<hbm>>) target(%arg14 : memref<1x128xf32, #tpu.memory_space<vmem>>) target_semaphore(%arg18 : memref<!tpu.dma_semaphore, #tpu.memory_space<semaphore_mem>>)
      %dma_wait3A_608 = arith.constant 0 : i32
      %dma_wait3A_609 = arith.constant 0 : i32
      %dma_wait3A_610 = tpu.memref_slice %arg2[%dma_wait3A_608, %dma_wait3A_609] : memref<10000x128xf32, #tpu.memory_space<hbm>> -> memref<10000x128xf32, #tpu.memory_space<hbm>>
      tpu.wait_indirect_dma semaphore(%arg17 : memref<!tpu.dma_semaphore, #tpu.memory_space<semaphore_mem>>) src(%dma_wait3A_610 : memref<10000x128xf32, #tpu.memory_space<hbm>>) dst(%arg9 : memref<128x128xf32, #tpu.memory_space<vmem>>)
      %add3A_611 = arith.constant 1 : i32
      %add3A_612 = arith.addi %mul3A_260, %add3A_611 : i32
      %add3A_613 = arith.addi %mul3A_71, %add3A_612 : i32
      %dma_wait3A_614 = arith.constant 0 : i32
      %dma_wait3A_615 = arith.constant 0 : i32
      %dma_wait3A_616 = tpu.memref_slice %arg4[%add3A_613, %dma_wait3A_614, %dma_wait3A_615] : memref<2568x1x128xf32, #tpu.memory_space<hbm>> -> memref<1x1x128xf32, #tpu.memory_space<hbm>>
      %dma_wait3A_617 = tpu.memref_squeeze %dma_wait3A_616 : memref<1x1x128xf32, #tpu.memory_space<hbm>> -> memref<1x128xf32, #tpu.memory_space<hbm>>
      %dma_wait3A_618 = arith.constant 0 : i32
      %dma_wait3A_619 = arith.constant 0 : i32
      %dma_wait3A_620 = tpu.memref_slice %arg4[%add3A_613, %dma_wait3A_618, %dma_wait3A_619] : memref<2568x1x128xf32, #tpu.memory_space<hbm>> -> memref<1x1x128xf32, #tpu.memory_space<hbm>>
      %dma_wait3A_621 = tpu.memref_squeeze %dma_wait3A_620 : memref<1x1x128xf32, #tpu.memory_space<hbm>> -> memref<1x128xf32, #tpu.memory_space<hbm>>
      tpu.wait_dma2 semaphore(%arg19 : memref<!tpu.dma_semaphore, #tpu.memory_space<semaphore_mem>>) src(%dma_wait3A_621 : memref<1x128xf32, #tpu.memory_space<hbm>>) dst(%arg15 : memref<1x128xf32, #tpu.memory_space<vmem>>)
      %scan3A_622 = arith.constant 0 : i32
      %scan3A_623 = arith.constant 0 : i32
      %scan3A_624 = arith.constant 8 : i32
      %scan3A_625 = arith.addi %scan3A_623, %scan3A_624 : i32
      %scan3A_626 = arith.constant 1 : i32
      scf.for %scan3A_631 = %scan3A_623 to %scan3A_625 step %scan3A_626  : i32 {
        %mul3A_632 = arith.constant 16 : i32
        %mul3A_633 = arith.muli %scan3A_631, %mul3A_632 : i32
        %get3A_634 = arith.constant 0 : i32
        %get3A_635 = arith.index_cast %get3A_634 : i32 to index
        %get3A_636 = arith.index_cast %mul3A_633 : i32 to index
        %get3A_637 = tpu.vector_load %arg15[%get3A_635, %get3A_636] {strides = array<i32>} : memref<1x128xf32, #tpu.memory_space<vmem>>, vector<1x16xf32>,
        %get3A_638 = vector.shape_cast %get3A_637 : vector<1x16xf32> to vector<16xf32>
        %slice3A = vector.extract_strided_slice %get3A_638 {offsets = [0], sizes = [1], strides = [1]} : vector<16xf32> to vector<1xf32>
        %squeeze3A = vector.extract %slice3A[0] : f32 from vector<1xf32>
        %broadcast_in_dim3A_639 = vector.broadcast %squeeze3A : f32 to vector<16xf32>
        %mul3A_640 = arith.constant 16 : i32
        %mul3A_641 = arith.muli %scan3A_631, %mul3A_640 : i32
        %add3A_642 = arith.constant 0 : i32
        %add3A_643 = arith.addi %mul3A_641, %add3A_642 : i32
        %get3A_644 = arith.index_cast %add3A_643 : i32 to index
        %get3A_645 = arith.constant 0 : index
        %get3A_646 = tpu.vector_load %arg9[%get3A_644, %get3A_645] {strides = array<i32>} : memref<128x128xf32, #tpu.memory_space<vmem>>, vector<1x16xf32>,
        %get3A_647 = vector.shape_cast %get3A_646 : vector<1x16xf32> to vector<16xf32>
        %mul3A_648 = arith.mulf %get3A_647, %broadcast_in_dim3A_639 : vector<16xf32>
        %mul3A_649 = arith.constant 16 : i32
        %mul3A_650 = arith.muli %scan3A_631, %mul3A_649 : i32
        %add3A_651 = arith.constant 0 : i32
        %add3A_652 = arith.addi %mul3A_650, %add3A_651 : i32
        %swap3A_653 = arith.index_cast %add3A_652 : i32 to index
        %swap3A_654 = arith.constant 0 : index
        %swap3A_655 = tpu.vector_load %arg9[%swap3A_653, %swap3A_654] {strides = array<i32>} : memref<128x128xf32, #tpu.memory_space<vmem>>, vector<1x16xf32>,
        %swap3A_656 = vector.shape_cast %swap3A_655 : vector<1x16xf32> to vector<16xf32>
        %swap3A_657 = vector.shape_cast %mul3A_648 : vector<16xf32> to vector<1x16xf32>
        tpu.vector_store %arg9[%swap3A_653, %swap3A_654], %swap3A_657 {strides = array<i32>} : memref<128x128xf32, #tpu.memory_space<vmem>>, vector<1x16xf32>,
        %mul3A_658 = arith.constant 16 : i32
        %mul3A_659 = arith.muli %scan3A_631, %mul3A_658 : i32
        %add3A_660 = arith.constant 0 : i32
        %add3A_661 = arith.addi %mul3A_659, %add3A_660 : i32
        %get3A_662 = arith.index_cast %add3A_661 : i32 to index
        %get3A_663 = arith.constant 16 : index
        %get3A_664 = tpu.vector_load %arg9[%get3A_662, %get3A_663] {strides = array<i32>} : memref<128x128xf32, #tpu.memory_space<vmem>>, vector<1x16xf32>,
        %get3A_665 = vector.shape_cast %get3A_664 : vector<1x16xf32> to vector<16xf32>
        %mul3A_666 = arith.mulf %get3A_665, %broadcast_in_dim3A_639 : vector<16xf32>
        %mul3A_667 = arith.constant 16 : i32
        %mul3A_668 = arith.muli %scan3A_631, %mul3A_667 : i32
        %add3A_669 = arith.constant 0 : i32
        %add3A_670 = arith.addi %mul3A_668, %add3A_669 : i32
        %swap3A_671 = arith.index_cast %add3A_670 : i32 to index
        %swap3A_672 = arith.constant 16 : index
        %swap3A_673 = tpu.vector_load %arg9[%swap3A_671, %swap3A_672] {strides = array<i32>} : memref<128x128xf32, #tpu.memory_space<vmem>>, vector<1x16xf32>,
        %swap3A_674 = vector.shape_cast %swap3A_673 : vector<1x16xf32> to vector<16xf32>
        %swap3A_675 = vector.shape_cast %mul3A_666 : vector<16xf32> to vector<1x16xf32>
        tpu.vector_store %arg9[%swap3A_671, %swap3A_672], %swap3A_675 {strides = array<i32>} : memref<128x128xf32, #tpu.memory_space<vmem>>, vector<1x16xf32>,
        %mul3A_676 = arith.constant 16 : i32
        %mul3A_677 = arith.muli %scan3A_631, %mul3A_676 : i32
        %add3A_678 = arith.constant 0 : i32
        %add3A_679 = arith.addi %mul3A_677, %add3A_678 : i32
        %get3A_680 = arith.index_cast %add3A_679 : i32 to index
        %get3A_681 = arith.constant 32 : index
        %get3A_682 = tpu.vector_load %arg9[%get3A_680, %get3A_681] {strides = array<i32>} : memref<128x128xf32, #tpu.memory_space<vmem>>, vector<1x16xf32>,
        %get3A_683 = vector.shape_cast %get3A_682 : vector<1x16xf32> to vector<16xf32>
        %mul3A_684 = arith.mulf %get3A_683, %broadcast_in_dim3A_639 : vector<16xf32>
        %mul3A_685 = arith.constant 16 : i32
        %mul3A_686 = arith.muli %scan3A_631, %mul3A_685 : i32
        %add3A_687 = arith.constant 0 : i32
        %add3A_688 = arith.addi %mul3A_686, %add3A_687 : i32
        %swap3A_689 = arith.index_cast %add3A_688 : i32 to index
        %swap3A_690 = arith.constant 32 : index
        %swap3A_691 = tpu.vector_load %arg9[%swap3A_689, %swap3A_690] {strides = array<i32>} : memref<128x128xf32, #tpu.memory_space<vmem>>, vector<1x16xf32>,
        %swap3A_692 = vector.shape_cast %swap3A_691 : vector<1x16xf32> to vector<16xf32>
        %swap3A_693 = vector.shape_cast %mul3A_684 : vector<16xf32> to vector<1x16xf32>
        tpu.vector_store %arg9[%swap3A_689, %swap3A_690], %swap3A_693 {strides = array<i32>} : memref<128x128xf32, #tpu.memory_space<vmem>>, vector<1x16xf32>,
        %mul3A_694 = arith.constant 16 : i32
        %mul3A_695 = arith.muli %scan3A_631, %mul3A_694 : i32
        %add3A_696 = arith.constant 0 : i32
        %add3A_697 = arith.addi %mul3A_695, %add3A_696 : i32
        %get3A_698 = arith.index_cast %add3A_697 : i32 to index
        %get3A_699 = arith.constant 48 : index
        %get3A_700 = tpu.vector_load %arg9[%get3A_698, %get3A_699] {strides = array<i32>} : memref<128x128xf32, #tpu.memory_space<vmem>>, vector<1x16xf32>,
        %get3A_701 = vector.shape_cast %get3A_700 : vector<1x16xf32> to vector<16xf32>
        %mul3A_702 = arith.mulf %get3A_701, %broadcast_in_dim3A_639 : vector<16xf32>
        %mul3A_703 = arith.constant 16 : i32
        %mul3A_704 = arith.muli %scan3A_631, %mul3A_703 : i32
        %add3A_705 = arith.constant 0 : i32
        %add3A_706 = arith.addi %mul3A_704, %add3A_705 : i32
        %swap3A_707 = arith.index_cast %add3A_706 : i32 to index
        %swap3A_708 = arith.constant 48 : index
        %swap3A_709 = tpu.vector_load %arg9[%swap3A_707, %swap3A_708] {strides = array<i32>} : memref<128x128xf32, #tpu.memory_space<vmem>>, vector<1x16xf32>,
        %swap3A_710 = vector.shape_cast %swap3A_709 : vector<1x16xf32> to vector<16xf32>
        %swap3A_711 = vector.shape_cast %mul3A_702 : vector<16xf32> to vector<1x16xf32>
        tpu.vector_store %arg9[%swap3A_707, %swap3A_708], %swap3A_711 {strides = array<i32>} : memref<128x128xf32, #tpu.memory_space<vmem>>, vector<1x16xf32>,
        %mul3A_712 = arith.constant 16 : i32
        %mul3A_713 = arith.muli %scan3A_631, %mul3A_712 : i32
        %add3A_714 = arith.constant 0 : i32
        %add3A_715 = arith.addi %mul3A_713, %add3A_714 : i32
        %get3A_716 = arith.index_cast %add3A_715 : i32 to index
        %get3A_717 = arith.constant 64 : index
        %get3A_718 = tpu.vector_load %arg9[%get3A_716, %get3A_717] {strides = array<i32>} : memref<128x128xf32, #tpu.memory_space<vmem>>, vector<1x16xf32>,
        %get3A_719 = vector.shape_cast %get3A_718 : vector<1x16xf32> to vector<16xf32>
        %mul3A_720 = arith.mulf %get3A_719, %broadcast_in_dim3A_639 : vector<16xf32>
        %mul3A_721 = arith.constant 16 : i32
        %mul3A_722 = arith.muli %scan3A_631, %mul3A_721 : i32
        %add3A_723 = arith.constant 0 : i32
        %add3A_724 = arith.addi %mul3A_722, %add3A_723 : i32
        %swap3A_725 = arith.index_cast %add3A_724 : i32 to index
        %swap3A_726 = arith.constant 64 : index
        %swap3A_727 = tpu.vector_load %arg9[%swap3A_725, %swap3A_726] {strides = array<i32>} : memref<128x128xf32, #tpu.memory_space<vmem>>, vector<1x16xf32>,
        %swap3A_728 = vector.shape_cast %swap3A_727 : vector<1x16xf32> to vector<16xf32>
        %swap3A_729 = vector.shape_cast %mul3A_720 : vector<16xf32> to vector<1x16xf32>
        tpu.vector_store %arg9[%swap3A_725, %swap3A_726], %swap3A_729 {strides = array<i32>} : memref<128x128xf32, #tpu.memory_space<vmem>>, vector<1x16xf32>,
        %mul3A_730 = arith.constant 16 : i32
        %mul3A_731 = arith.muli %scan3A_631, %mul3A_730 : i32
        %add3A_732 = arith.constant 0 : i32
        %add3A_733 = arith.addi %mul3A_731, %add3A_732 : i32
        %get3A_734 = arith.index_cast %add3A_733 : i32 to index
        %get3A_735 = arith.constant 80 : index
        %get3A_736 = tpu.vector_load %arg9[%get3A_734, %get3A_735] {strides = array<i32>} : memref<128x128xf32, #tpu.memory_space<vmem>>, vector<1x16xf32>,
        %get3A_737 = vector.shape_cast %get3A_736 : vector<1x16xf32> to vector<16xf32>
        %mul3A_738 = arith.mulf %get3A_737, %broadcast_in_dim3A_639 : vector<16xf32>
        %mul3A_739 = arith.constant 16 : i32
        %mul3A_740 = arith.muli %scan3A_631, %mul3A_739 : i32
        %add3A_741 = arith.constant 0 : i32
        %add3A_742 = arith.addi %mul3A_740, %add3A_741 : i32
        %swap3A_743 = arith.index_cast %add3A_742 : i32 to index
        %swap3A_744 = arith.constant 80 : index
        %swap3A_745 = tpu.vector_load %arg9[%swap3A_743, %swap3A_744] {strides = array<i32>} : memref<128x128xf32, #tpu.memory_space<vmem>>, vector<1x16xf32>,
        %swap3A_746 = vector.shape_cast %swap3A_745 : vector<1x16xf32> to vector<16xf32>
        %swap3A_747 = vector.shape_cast %mul3A_738 : vector<16xf32> to vector<1x16xf32>
        tpu.vector_store %arg9[%swap3A_743, %swap3A_744], %swap3A_747 {strides = array<i32>} : memref<128x128xf32, #tpu.memory_space<vmem>>, vector<1x16xf32>,
        %mul3A_748 = arith.constant 16 : i32
        %mul3A_749 = arith.muli %scan3A_631, %mul3A_748 : i32
        %add3A_750 = arith.constant 0 : i32
        %add3A_751 = arith.addi %mul3A_749, %add3A_750 : i32
        %get3A_752 = arith.index_cast %add3A_751 : i32 to index
        %get3A_753 = arith.constant 96 : index
        %get3A_754 = tpu.vector_load %arg9[%get3A_752, %get3A_753] {strides = array<i32>} : memref<128x128xf32, #tpu.memory_space<vmem>>, vector<1x16xf32>,
        %get3A_755 = vector.shape_cast %get3A_754 : vector<1x16xf32> to vector<16xf32>
        %mul3A_756 = arith.mulf %get3A_755, %broadcast_in_dim3A_639 : vector<16xf32>
        %mul3A_757 = arith.constant 16 : i32
        %mul3A_758 = arith.muli %scan3A_631, %mul3A_757 : i32
        %add3A_759 = arith.constant 0 : i32
        %add3A_760 = arith.addi %mul3A_758, %add3A_759 : i32
        %swap3A_761 = arith.index_cast %add3A_760 : i32 to index
        %swap3A_762 = arith.constant 96 : index
        %swap3A_763 = tpu.vector_load %arg9[%swap3A_761, %swap3A_762] {strides = array<i32>} : memref<128x128xf32, #tpu.memory_space<vmem>>, vector<1x16xf32>,
        %swap3A_764 = vector.shape_cast %swap3A_763 : vector<1x16xf32> to vector<16xf32>
        %swap3A_765 = vector.shape_cast %mul3A_756 : vector<16xf32> to vector<1x16xf32>
        tpu.vector_store %arg9[%swap3A_761, %swap3A_762], %swap3A_765 {strides = array<i32>} : memref<128x128xf32, #tpu.memory_space<vmem>>, vector<1x16xf32>,
        %mul3A_766 = arith.constant 16 : i32
        %mul3A_767 = arith.muli %scan3A_631, %mul3A_766 : i32
        %add3A_768 = arith.constant 0 : i32
        %add3A_769 = arith.addi %mul3A_767, %add3A_768 : i32
        %get3A_770 = arith.index_cast %add3A_769 : i32 to index
        %get3A_771 = arith.constant 112 : index
        %get3A_772 = tpu.vector_load %arg9[%get3A_770, %get3A_771] {strides = array<i32>} : memref<128x128xf32, #tpu.memory_space<vmem>>, vector<1x16xf32>,
        %get3A_773 = vector.shape_cast %get3A_772 : vector<1x16xf32> to vector<16xf32>
        %mul3A_774 = arith.mulf %get3A_773, %broadcast_in_dim3A_639 : vector<16xf32>
        %mul3A_775 = arith.constant 16 : i32
        %mul3A_776 = arith.muli %scan3A_631, %mul3A_775 : i32
        %add3A_777 = arith.constant 0 : i32
        %add3A_778 = arith.addi %mul3A_776, %add3A_777 : i32
        %swap3A_779 = arith.index_cast %add3A_778 : i32 to index
        %swap3A_780 = arith.constant 112 : index
        %swap3A_781 = tpu.vector_load %arg9[%swap3A_779, %swap3A_780] {strides = array<i32>} : memref<128x128xf32, #tpu.memory_space<vmem>>, vector<1x16xf32>,
        %swap3A_782 = vector.shape_cast %swap3A_781 : vector<1x16xf32> to vector<16xf32>
        %swap3A_783 = vector.shape_cast %mul3A_774 : vector<16xf32> to vector<1x16xf32>
        tpu.vector_store %arg9[%swap3A_779, %swap3A_780], %swap3A_783 {strides = array<i32>} : memref<128x128xf32, #tpu.memory_space<vmem>>, vector<1x16xf32>,
        %slice3A_784 = vector.extract_strided_slice %get3A_638 {offsets = [1], sizes = [1], strides = [1]} : vector<16xf32> to vector<1xf32>
        %squeeze3A_785 = vector.extract %slice3A_784[0] : f32 from vector<1xf32>
        %broadcast_in_dim3A_786 = vector.broadcast %squeeze3A_785 : f32 to vector<16xf32>
        %mul3A_787 = arith.constant 16 : i32
        %mul3A_788 = arith.muli %scan3A_631, %mul3A_787 : i32
        %add3A_789 = arith.constant 1 : i32
        %add3A_790 = arith.addi %mul3A_788, %add3A_789 : i32
        %get3A_791 = arith.index_cast %add3A_790 : i32 to index
        %get3A_792 = arith.constant 0 : index
        %get3A_793 = tpu.vector_load %arg9[%get3A_791, %get3A_792] {strides = array<i32>} : memref<128x128xf32, #tpu.memory_space<vmem>>, vector<1x16xf32>,
        %get3A_794 = vector.shape_cast %get3A_793 : vector<1x16xf32> to vector<16xf32>
        %mul3A_795 = arith.mulf %get3A_794, %broadcast_in_dim3A_786 : vector<16xf32>
        %mul3A_796 = arith.constant 16 : i32
        %mul3A_797 = arith.muli %scan3A_631, %mul3A_796 : i32
        %add3A_798 = arith.constant 1 : i32
        %add3A_799 = arith.addi %mul3A_797, %add3A_798 : i32
        %swap3A_800 = arith.index_cast %add3A_799 : i32 to index
        %swap3A_801 = arith.constant 0 : index
        %swap3A_802 = tpu.vector_load %arg9[%swap3A_800, %swap3A_801] {strides = array<i32>} : memref<128x128xf32, #tpu.memory_space<vmem>>, vector<1x16xf32>,
        %swap3A_803 = vector.shape_cast %swap3A_802 : vector<1x16xf32> to vector<16xf32>
        %swap3A_804 = vector.shape_cast %mul3A_795 : vector<16xf32> to vector<1x16xf32>
        tpu.vector_store %arg9[%swap3A_800, %swap3A_801], %swap3A_804 {strides = array<i32>} : memref<128x128xf32, #tpu.memory_space<vmem>>, vector<1x16xf32>,
        %mul3A_805 = arith.constant 16 : i32
        %mul3A_806 = arith.muli %scan3A_631, %mul3A_805 : i32
        %add3A_807 = arith.constant 1 : i32
        %add3A_808 = arith.addi %mul3A_806, %add3A_807 : i32
        %get3A_809 = arith.index_cast %add3A_808 : i32 to index
        %get3A_810 = arith.constant 16 : index
        %get3A_811 = tpu.vector_load %arg9[%get3A_809, %get3A_810] {strides = array<i32>} : memref<128x128xf32, #tpu.memory_space<vmem>>, vector<1x16xf32>,
        %get3A_812 = vector.shape_cast %get3A_811 : vector<1x16xf32> to vector<16xf32>
        %mul3A_813 = arith.mulf %get3A_812, %broadcast_in_dim3A_786 : vector<16xf32>
        %mul3A_814 = arith.constant 16 : i32
        %mul3A_815 = arith.muli %scan3A_631, %mul3A_814 : i32
        %add3A_816 = arith.constant 1 : i32
        %add3A_817 = arith.addi %mul3A_815, %add3A_816 : i32
        %swap3A_818 = arith.index_cast %add3A_817 : i32 to index
        %swap3A_819 = arith.constant 16 : index
        %swap3A_820 = tpu.vector_load %arg9[%swap3A_818, %swap3A_819] {strides = array<i32>} : memref<128x128xf32, #tpu.memory_space<vmem>>, vector<1x16xf32>,
        %swap3A_821 = vector.shape_cast %swap3A_820 : vector<1x16xf32> to vector<16xf32>
        %swap3A_822 = vector.shape_cast %mul3A_813 : vector<16xf32> to vector<1x16xf32>
        tpu.vector_store %arg9[%swap3A_818, %swap3A_819], %swap3A_822 {strides = array<i32>} : memref<128x128xf32, #tpu.memory_space<vmem>>, vector<1x16xf32>,
        %mul3A_823 = arith.constant 16 : i32
        %mul3A_824 = arith.muli %scan3A_631, %mul3A_823 : i32
        %add3A_825 = arith.constant 1 : i32
        %add3A_826 = arith.addi %mul3A_824, %add3A_825 : i32
        %get3A_827 = arith.index_cast %add3A_826 : i32 to index
        %get3A_828 = arith.constant 32 : index
        %get3A_829 = tpu.vector_load %arg9[%get3A_827, %get3A_828] {strides = array<i32>} : memref<128x128xf32, #tpu.memory_space<vmem>>, vector<1x16xf32>,
        %get3A_830 = vector.shape_cast %get3A_829 : vector<1x16xf32> to vector<16xf32>
        %mul3A_831 = arith.mulf %get3A_830, %broadcast_in_dim3A_786 : vector<16xf32>
        %mul3A_832 = arith.constant 16 : i32
        %mul3A_833 = arith.muli %scan3A_631, %mul3A_832 : i32
        %add3A_834 = arith.constant 1 : i32
        %add3A_835 = arith.addi %mul3A_833, %add3A_834 : i32
        %swap3A_836 = arith.index_cast %add3A_835 : i32 to index
        %swap3A_837 = arith.constant 32 : index
        %swap3A_838 = tpu.vector_load %arg9[%swap3A_836, %swap3A_837] {strides = array<i32>} : memref<128x128xf32, #tpu.memory_space<vmem>>, vector<1x16xf32>,
        %swap3A_839 = vector.shape_cast %swap3A_838 : vector<1x16xf32> to vector<16xf32>
        %swap3A_840 = vector.shape_cast %mul3A_831 : vector<16xf32> to vector<1x16xf32>
        tpu.vector_store %arg9[%swap3A_836, %swap3A_837], %swap3A_840 {strides = array<i32>} : memref<128x128xf32, #tpu.memory_space<vmem>>, vector<1x16xf32>,
        %mul3A_841 = arith.constant 16 : i32
        %mul3A_842 = arith.muli %scan3A_631, %mul3A_841 : i32
        %add3A_843 = arith.constant 1 : i32
        %add3A_844 = arith.addi %mul3A_842, %add3A_843 : i32
        %get3A_845 = arith.index_cast %add3A_844 : i32 to index
        %get3A_846 = arith.constant 48 : index
        %get3A_847 = tpu.vector_load %arg9[%get3A_845, %get3A_846] {strides = array<i32>} : memref<128x128xf32, #tpu.memory_space<vmem>>, vector<1x16xf32>,
        %get3A_848 = vector.shape_cast %get3A_847 : vector<1x16xf32> to vector<16xf32>
        %mul3A_849 = arith.mulf %get3A_848, %broadcast_in_dim3A_786 : vector<16xf32>
        %mul3A_850 = arith.constant 16 : i32
        %mul3A_851 = arith.muli %scan3A_631, %mul3A_850 : i32
        %add3A_852 = arith.constant 1 : i32
        %add3A_853 = arith.addi %mul3A_851, %add3A_852 : i32
        %swap3A_854 = arith.index_cast %add3A_853 : i32 to index
        %swap3A_855 = arith.constant 48 : index
        %swap3A_856 = tpu.vector_load %arg9[%swap3A_854, %swap3A_855] {strides = array<i32>} : memref<128x128xf32, #tpu.memory_space<vmem>>, vector<1x16xf32>,
        %swap3A_857 = vector.shape_cast %swap3A_856 : vector<1x16xf32> to vector<16xf32>
        %swap3A_858 = vector.shape_cast %mul3A_849 : vector<16xf32> to vector<1x16xf32>
        tpu.vector_store %arg9[%swap3A_854, %swap3A_855], %swap3A_858 {strides = array<i32>} : memref<128x128xf32, #tpu.memory_space<vmem>>, vector<1x16xf32>,
        %mul3A_859 = arith.constant 16 : i32
        %mul3A_860 = arith.muli %scan3A_631, %mul3A_859 : i32
        %add3A_861 = arith.constant 1 : i32
        %add3A_862 = arith.addi %mul3A_860, %add3A_861 : i32
        %get3A_863 = arith.index_cast %add3A_862 : i32 to index
        %get3A_864 = arith.constant 64 : index
        %get3A_865 = tpu.vector_load %arg9[%get3A_863, %get3A_864] {strides = array<i32>} : memref<128x128xf32, #tpu.memory_space<vmem>>, vector<1x16xf32>,
        %get3A_866 = vector.shape_cast %get3A_865 : vector<1x16xf32> to vector<16xf32>
        %mul3A_867 = arith.mulf %get3A_866, %broadcast_in_dim3A_786 : vector<16xf32>
        %mul3A_868 = arith.constant 16 : i32
        %mul3A_869 = arith.muli %scan3A_631, %mul3A_868 : i32
        %add3A_870 = arith.constant 1 : i32
        %add3A_871 = arith.addi %mul3A_869, %add3A_870 : i32
        %swap3A_872 = arith.index_cast %add3A_871 : i32 to index
        %swap3A_873 = arith.constant 64 : index
        %swap3A_874 = tpu.vector_load %arg9[%swap3A_872, %swap3A_873] {strides = array<i32>} : memref<128x128xf32, #tpu.memory_space<vmem>>, vector<1x16xf32>,
        %swap3A_875 = vector.shape_cast %swap3A_874 : vector<1x16xf32> to vector<16xf32>
        %swap3A_876 = vector.shape_cast %mul3A_867 : vector<16xf32> to vector<1x16xf32>
        tpu.vector_store %arg9[%swap3A_872, %swap3A_873], %swap3A_876 {strides = array<i32>} : memref<128x128xf32, #tpu.memory_space<vmem>>, vector<1x16xf32>,
        %mul3A_877 = arith.constant 16 : i32
        %mul3A_878 = arith.muli %scan3A_631, %mul3A_877 : i32
        %add3A_879 = arith.constant 1 : i32
        %add3A_880 = arith.addi %mul3A_878, %add3A_879 : i32
        %get3A_881 = arith.index_cast %add3A_880 : i32 to index
        %get3A_882 = arith.constant 80 : index
        %get3A_883 = tpu.vector_load %arg9[%get3A_881, %get3A_882] {strides = array<i32>} : memref<128x128xf32, #tpu.memory_space<vmem>>, vector<1x16xf32>,
        %get3A_884 = vector.shape_cast %get3A_883 : vector<1x16xf32> to vector<16xf32>
        %mul3A_885 = arith.mulf %get3A_884, %broadcast_in_dim3A_786 : vector<16xf32>
        %mul3A_886 = arith.constant 16 : i32
        %mul3A_887 = arith.muli %scan3A_631, %mul3A_886 : i32
        %add3A_888 = arith.constant 1 : i32
        %add3A_889 = arith.addi %mul3A_887, %add3A_888 : i32
        %swap3A_890 = arith.index_cast %add3A_889 : i32 to index
        %swap3A_891 = arith.constant 80 : index
        %swap3A_892 = tpu.vector_load %arg9[%swap3A_890, %swap3A_891] {strides = array<i32>} : memref<128x128xf32, #tpu.memory_space<vmem>>, vector<1x16xf32>,
        %swap3A_893 = vector.shape_cast %swap3A_892 : vector<1x16xf32> to vector<16xf32>
        %swap3A_894 = vector.shape_cast %mul3A_885 : vector<16xf32> to vector<1x16xf32>
        tpu.vector_store %arg9[%swap3A_890, %swap3A_891], %swap3A_894 {strides = array<i32>} : memref<128x128xf32, #tpu.memory_space<vmem>>, vector<1x16xf32>,
        %mul3A_895 = arith.constant 16 : i32
        %mul3A_896 = arith.muli %scan3A_631, %mul3A_895 : i32
        %add3A_897 = arith.constant 1 : i32
        %add3A_898 = arith.addi %mul3A_896, %add3A_897 : i32
        %get3A_899 = arith.index_cast %add3A_898 : i32 to index
        %get3A_900 = arith.constant 96 : index
        %get3A_901 = tpu.vector_load %arg9[%get3A_899, %get3A_900] {strides = array<i32>} : memref<128x128xf32, #tpu.memory_space<vmem>>, vector<1x16xf32>,
        %get3A_902 = vector.shape_cast %get3A_901 : vector<1x16xf32> to vector<16xf32>
        %mul3A_903 = arith.mulf %get3A_902, %broadcast_in_dim3A_786 : vector<16xf32>
        %mul3A_904 = arith.constant 16 : i32
        %mul3A_905 = arith.muli %scan3A_631, %mul3A_904 : i32
        %add3A_906 = arith.constant 1 : i32
        %add3A_907 = arith.addi %mul3A_905, %add3A_906 : i32
        %swap3A_908 = arith.index_cast %add3A_907 : i32 to index
        %swap3A_909 = arith.constant 96 : index
        %swap3A_910 = tpu.vector_load %arg9[%swap3A_908, %swap3A_909] {strides = array<i32>} : memref<128x128xf32, #tpu.memory_space<vmem>>, vector<1x16xf32>,
        %swap3A_911 = vector.shape_cast %swap3A_910 : vector<1x16xf32> to vector<16xf32>
        %swap3A_912 = vector.shape_cast %mul3A_903 : vector<16xf32> to vector<1x16xf32>
        tpu.vector_store %arg9[%swap3A_908, %swap3A_909], %swap3A_912 {strides = array<i32>} : memref<128x128xf32, #tpu.memory_space<vmem>>, vector<1x16xf32>,
        %mul3A_913 = arith.constant 16 : i32
        %mul3A_914 = arith.muli %scan3A_631, %mul3A_913 : i32
        %add3A_915 = arith.constant 1 : i32
        %add3A_916 = arith.addi %mul3A_914, %add3A_915 : i32
        %get3A_917 = arith.index_cast %add3A_916 : i32 to index
        %get3A_918 = arith.constant 112 : index
        %get3A_919 = tpu.vector_load %arg9[%get3A_917, %get3A_918] {strides = array<i32>} : memref<128x128xf32, #tpu.memory_space<vmem>>, vector<1x16xf32>,
        %get3A_920 = vector.shape_cast %get3A_919 : vector<1x16xf32> to vector<16xf32>
        %mul3A_921 = arith.mulf %get3A_920, %broadcast_in_dim3A_786 : vector<16xf32>
        %mul3A_922 = arith.constant 16 : i32
        %mul3A_923 = arith.muli %scan3A_631, %mul3A_922 : i32
        %add3A_924 = arith.constant 1 : i32
        %add3A_925 = arith.addi %mul3A_923, %add3A_924 : i32
        %swap3A_926 = arith.index_cast %add3A_925 : i32 to index
        %swap3A_927 = arith.constant 112 : index
        %swap3A_928 = tpu.vector_load %arg9[%swap3A_926, %swap3A_927] {strides = array<i32>} : memref<128x128xf32, #tpu.memory_space<vmem>>, vector<1x16xf32>,
        %swap3A_929 = vector.shape_cast %swap3A_928 : vector<1x16xf32> to vector<16xf32>
        %swap3A_930 = vector.shape_cast %mul3A_921 : vector<16xf32> to vector<1x16xf32>
        tpu.vector_store %arg9[%swap3A_926, %swap3A_927], %swap3A_930 {strides = array<i32>} : memref<128x128xf32, #tpu.memory_space<vmem>>, vector<1x16xf32>,
        %slice3A_931 = vector.extract_strided_slice %get3A_638 {offsets = [2], sizes = [1], strides = [1]} : vector<16xf32> to vector<1xf32>
        %squeeze3A_932 = vector.extract %slice3A_931[0] : f32 from vector<1xf32>
        %broadcast_in_dim3A_933 = vector.broadcast %squeeze3A_932 : f32 to vector<16xf32>
        %mul3A_934 = arith.constant 16 : i32
        %mul3A_935 = arith.muli %scan3A_631, %mul3A_934 : i32
        %add3A_936 = arith.constant 2 : i32
        %add3A_937 = arith.addi %mul3A_935, %add3A_936 : i32
        %get3A_938 = arith.index_cast %add3A_937 : i32 to index
        %get3A_939 = arith.constant 0 : index
        %get3A_940 = tpu.vector_load %arg9[%get3A_938, %get3A_939] {strides = array<i32>} : memref<128x128xf32, #tpu.memory_space<vmem>>, vector<1x16xf32>,
        %get3A_941 = vector.shape_cast %get3A_940 : vector<1x16xf32> to vector<16xf32>
        %mul3A_942 = arith.mulf %get3A_941, %broadcast_in_dim3A_933 : vector<16xf32>
        %mul3A_943 = arith.constant 16 : i32
        %mul3A_944 = arith.muli %scan3A_631, %mul3A_943 : i32
        %add3A_945 = arith.constant 2 : i32
        %add3A_946 = arith.addi %mul3A_944, %add3A_945 : i32
        %swap3A_947 = arith.index_cast %add3A_946 : i32 to index
        %swap3A_948 = arith.constant 0 : index
        %swap3A_949 = tpu.vector_load %arg9[%swap3A_947, %swap3A_948] {strides = array<i32>} : memref<128x128xf32, #tpu.memory_space<vmem>>, vector<1x16xf32>,
        %swap3A_950 = vector.shape_cast %swap3A_949 : vector<1x16xf32> to vector<16xf32>
        %swap3A_951 = vector.shape_cast %mul3A_942 : vector<16xf32> to vector<1x16xf32>
        tpu.vector_store %arg9[%swap3A_947, %swap3A_948], %swap3A_951 {strides = array<i32>} : memref<128x128xf32, #tpu.memory_space<vmem>>, vector<1x16xf32>,
        %mul3A_952 = arith.constant 16 : i32
        %mul3A_953 = arith.muli %scan3A_631, %mul3A_952 : i32
        %add3A_954 = arith.constant 2 : i32
        %add3A_955 = arith.addi %mul3A_953, %add3A_954 : i32
        %get3A_956 = arith.index_cast %add3A_955 : i32 to index
        %get3A_957 = arith.constant 16 : index
        %get3A_958 = tpu.vector_load %arg9[%get3A_956, %get3A_957] {strides = array<i32>} : memref<128x128xf32, #tpu.memory_space<vmem>>, vector<1x16xf32>,
        %get3A_959 = vector.shape_cast %get3A_958 : vector<1x16xf32> to vector<16xf32>
        %mul3A_960 = arith.mulf %get3A_959, %broadcast_in_dim3A_933 : vector<16xf32>
        %mul3A_961 = arith.constant 16 : i32
        %mul3A_962 = arith.muli %scan3A_631, %mul3A_961 : i32
        %add3A_963 = arith.constant 2 : i32
        %add3A_964 = arith.addi %mul3A_962, %add3A_963 : i32
        %swap3A_965 = arith.index_cast %add3A_964 : i32 to index
        %swap3A_966 = arith.constant 16 : index
        %swap3A_967 = tpu.vector_load %arg9[%swap3A_965, %swap3A_966] {strides = array<i32>} : memref<128x128xf32, #tpu.memory_space<vmem>>, vector<1x16xf32>,
        %swap3A_968 = vector.shape_cast %swap3A_967 : vector<1x16xf32> to vector<16xf32>
        %swap3A_969 = vector.shape_cast %mul3A_960 : vector<16xf32> to vector<1x16xf32>
        tpu.vector_store %arg9[%swap3A_965, %swap3A_966], %swap3A_969 {strides = array<i32>} : memref<128x128xf32, #tpu.memory_space<vmem>>, vector<1x16xf32>,
        %mul3A_970 = arith.constant 16 : i32
        %mul3A_971 = arith.muli %scan3A_631, %mul3A_970 : i32
        %add3A_972 = arith.constant 2 : i32
        %add3A_973 = arith.addi %mul3A_971, %add3A_972 : i32
        %get3A_974 = arith.index_cast %add3A_973 : i32 to index
        %get3A_975 = arith.constant 32 : index
        %get3A_976 = tpu.vector_load %arg9[%get3A_974, %get3A_975] {strides = array<i32>} : memref<128x128xf32, #tpu.memory_space<vmem>>, vector<1x16xf32>,
        %get3A_977 = vector.shape_cast %get3A_976 : vector<1x16xf32> to vector<16xf32>
        %mul3A_978 = arith.mulf %get3A_977, %broadcast_in_dim3A_933 : vector<16xf32>
        %mul3A_979 = arith.constant 16 : i32
        %mul3A_980 = arith.muli %scan3A_631, %mul3A_979 : i32
        %add3A_981 = arith.constant 2 : i32
        %add3A_982 = arith.addi %mul3A_980, %add3A_981 : i32
        %swap3A_983 = arith.index_cast %add3A_982 : i32 to index
        %swap3A_984 = arith.constant 32 : index
        %swap3A_985 = tpu.vector_load %arg9[%swap3A_983, %swap3A_984] {strides = array<i32>} : memref<128x128xf32, #tpu.memory_space<vmem>>, vector<1x16xf32>,
        %swap3A_986 = vector.shape_cast %swap3A_985 : vector<1x16xf32> to vector<16xf32>
        %swap3A_987 = vector.shape_cast %mul3A_978 : vector<16xf32> to vector<1x16xf32>
        tpu.vector_store %arg9[%swap3A_983, %swap3A_984], %swap3A_987 {strides = array<i32>} : memref<128x128xf32, #tpu.memory_space<vmem>>, vector<1x16xf32>,
        %mul3A_988 = arith.constant 16 : i32
        %mul3A_989 = arith.muli %scan3A_631, %mul3A_988 : i32
        %add3A_990 = arith.constant 2 : i32
        %add3A_991 = arith.addi %mul3A_989, %add3A_990 : i32
        %get3A_992 = arith.index_cast %add3A_991 : i32 to index
        %get3A_993 = arith.constant 48 : index
        %get3A_994 = tpu.vector_load %arg9[%get3A_992, %get3A_993] {strides = array<i32>} : memref<128x128xf32, #tpu.memory_space<vmem>>, vector<1x16xf32>,
        %get3A_995 = vector.shape_cast %get3A_994 : vector<1x16xf32> to vector<16xf32>
        %mul3A_996 = arith.mulf %get3A_995, %broadcast_in_dim3A_933 : vector<16xf32>
        %mul3A_997 = arith.constant 16 : i32
        %mul3A_998 = arith.muli %scan3A_631, %mul3A_997 : i32
        %add3A_999 = arith.constant 2 : i32
        %add3A_1000 = arith.addi %mul3A_998, %add3A_999 : i32
        %swap3A_1001 = arith.index_cast %add3A_1000 : i32 to index
        %swap3A_1002 = arith.constant 48 : index
        %swap3A_1003 = tpu.vector_load %arg9[%swap3A_1001, %swap3A_1002] {strides = array<i32>} : memref<128x128xf32, #tpu.memory_space<vmem>>, vector<1x16xf32>,
        %swap3A_1004 = vector.shape_cast %swap3A_1003 : vector<1x16xf32> to vector<16xf32>
        %swap3A_1005 = vector.shape_cast %mul3A_996 : vector<16xf32> to vector<1x16xf32>
        tpu.vector_store %arg9[%swap3A_1001, %swap3A_1002], %swap3A_1005 {strides = array<i32>} : memref<128x128xf32, #tpu.memory_space<vmem>>, vector<1x16xf32>,
        %mul3A_1006 = arith.constant 16 : i32
        %mul3A_1007 = arith.muli %scan3A_631, %mul3A_1006 : i32
        %add3A_1008 = arith.constant 2 : i32
        %add3A_1009 = arith.addi %mul3A_1007, %add3A_1008 : i32
        %get3A_1010 = arith.index_cast %add3A_1009 : i32 to index
        %get3A_1011 = arith.constant 64 : index
        %get3A_1012 = tpu.vector_load %arg9[%get3A_1010, %get3A_1011] {strides = array<i32>} : memref<128x128xf32, #tpu.memory_space<vmem>>, vector<1x16xf32>,
        %get3A_1013 = vector.shape_cast %get3A_1012 : vector<1x16xf32> to vector<16xf32>
        %mul3A_1014 = arith.mulf %get3A_1013, %broadcast_in_dim3A_933 : vector<16xf32>
        %mul3A_1015 = arith.constant 16 : i32
        %mul3A_1016 = arith.muli %scan3A_631, %mul3A_1015 : i32
        %add3A_1017 = arith.constant 2 : i32
        %add3A_1018 = arith.addi %mul3A_1016, %add3A_1017 : i32
        %swap3A_1019 = arith.index_cast %add3A_1018 : i32 to index
        %swap3A_1020 = arith.constant 64 : index
        %swap3A_1021 = tpu.vector_load %arg9[%swap3A_1019, %swap3A_1020] {strides = array<i32>} : memref<128x128xf32, #tpu.memory_space<vmem>>, vector<1x16xf32>,
        %swap3A_1022 = vector.shape_cast %swap3A_1021 : vector<1x16xf32> to vector<16xf32>
        %swap3A_1023 = vector.shape_cast %mul3A_1014 : vector<16xf32> to vector<1x16xf32>
        tpu.vector_store %arg9[%swap3A_1019, %swap3A_1020], %swap3A_1023 {strides = array<i32>} : memref<128x128xf32, #tpu.memory_space<vmem>>, vector<1x16xf32>,
        %mul3A_1024 = arith.constant 16 : i32
        %mul3A_1025 = arith.muli %scan3A_631, %mul3A_1024 : i32
        %add3A_1026 = arith.constant 2 : i32
        %add3A_1027 = arith.addi %mul3A_1025, %add3A_1026 : i32
        %get3A_1028 = arith.index_cast %add3A_1027 : i32 to index
        %get3A_1029 = arith.constant 80 : index
        %get3A_1030 = tpu.vector_load %arg9[%get3A_1028, %get3A_1029] {strides = array<i32>} : memref<128x128xf32, #tpu.memory_space<vmem>>, vector<1x16xf32>,
        %get3A_1031 = vector.shape_cast %get3A_1030 : vector<1x16xf32> to vector<16xf32>
        %mul3A_1032 = arith.mulf %get3A_1031, %broadcast_in_dim3A_933 : vector<16xf32>
        %mul3A_1033 = arith.constant 16 : i32
        %mul3A_1034 = arith.muli %scan3A_631, %mul3A_1033 : i32
        %add3A_1035 = arith.constant 2 : i32
        %add3A_1036 = arith.addi %mul3A_1034, %add3A_1035 : i32
        %swap3A_1037 = arith.index_cast %add3A_1036 : i32 to index
        %swap3A_1038 = arith.constant 80 : index
        %swap3A_1039 = tpu.vector_load %arg9[%swap3A_1037, %swap3A_1038] {strides = array<i32>} : memref<128x128xf32, #tpu.memory_space<vmem>>, vector<1x16xf32>,
        %swap3A_1040 = vector.shape_cast %swap3A_1039 : vector<1x16xf32> to vector<16xf32>
        %swap3A_1041 = vector.shape_cast %mul3A_1032 : vector<16xf32> to vector<1x16xf32>
        tpu.vector_store %arg9[%swap3A_1037, %swap3A_1038], %swap3A_1041 {strides = array<i32>} : memref<128x128xf32, #tpu.memory_space<vmem>>, vector<1x16xf32>,
        %mul3A_1042 = arith.constant 16 : i32
        %mul3A_1043 = arith.muli %scan3A_631, %mul3A_1042 : i32
        %add3A_1044 = arith.constant 2 : i32
        %add3A_1045 = arith.addi %mul3A_1043, %add3A_1044 : i32
        %get3A_1046 = arith.index_cast %add3A_1045 : i32 to index
        %get3A_1047 = arith.constant 96 : index
        %get3A_1048 = tpu.vector_load %arg9[%get3A_1046, %get3A_1047] {strides = array<i32>} : memref<128x128xf32, #tpu.memory_space<vmem>>, vector<1x16xf32>,
        %get3A_1049 = vector.shape_cast %get3A_1048 : vector<1x16xf32> to vector<16xf32>
        %mul3A_1050 = arith.mulf %get3A_1049, %broadcast_in_dim3A_933 : vector<16xf32>
        %mul3A_1051 = arith.constant 16 : i32
        %mul3A_1052 = arith.muli %scan3A_631, %mul3A_1051 : i32
        %add3A_1053 = arith.constant 2 : i32
        %add3A_1054 = arith.addi %mul3A_1052, %add3A_1053 : i32
        %swap3A_1055 = arith.index_cast %add3A_1054 : i32 to index
        %swap3A_1056 = arith.constant 96 : index
        %swap3A_1057 = tpu.vector_load %arg9[%swap3A_1055, %swap3A_1056] {strides = array<i32>} : memref<128x128xf32, #tpu.memory_space<vmem>>, vector<1x16xf32>,
        %swap3A_1058 = vector.shape_cast %swap3A_1057 : vector<1x16xf32> to vector<16xf32>
        %swap3A_1059 = vector.shape_cast %mul3A_1050 : vector<16xf32> to vector<1x16xf32>
        tpu.vector_store %arg9[%swap3A_1055, %swap3A_1056], %swap3A_1059 {strides = array<i32>} : memref<128x128xf32, #tpu.memory_space<vmem>>, vector<1x16xf32>,
        %mul3A_1060 = arith.constant 16 : i32
        %mul3A_1061 = arith.muli %scan3A_631, %mul3A_1060 : i32
        %add3A_1062 = arith.constant 2 : i32
        %add3A_1063 = arith.addi %mul3A_1061, %add3A_1062 : i32
        %get3A_1064 = arith.index_cast %add3A_1063 : i32 to index
        %get3A_1065 = arith.constant 112 : index
        %get3A_1066 = tpu.vector_load %arg9[%get3A_1064, %get3A_1065] {strides = array<i32>} : memref<128x128xf32, #tpu.memory_space<vmem>>, vector<1x16xf32>,
        %get3A_1067 = vector.shape_cast %get3A_1066 : vector<1x16xf32> to vector<16xf32>
        %mul3A_1068 = arith.mulf %get3A_1067, %broadcast_in_dim3A_933 : vector<16xf32>
        %mul3A_1069 = arith.constant 16 : i32
        %mul3A_1070 = arith.muli %scan3A_631, %mul3A_1069 : i32
        %add3A_1071 = arith.constant 2 : i32
        %add3A_1072 = arith.addi %mul3A_1070, %add3A_1071 : i32
        %swap3A_1073 = arith.index_cast %add3A_1072 : i32 to index
        %swap3A_1074 = arith.constant 112 : index
        %swap3A_1075 = tpu.vector_load %arg9[%swap3A_1073, %swap3A_1074] {strides = array<i32>} : memref<128x128xf32, #tpu.memory_space<vmem>>, vector<1x16xf32>,
        %swap3A_1076 = vector.shape_cast %swap3A_1075 : vector<1x16xf32> to vector<16xf32>
        %swap3A_1077 = vector.shape_cast %mul3A_1068 : vector<16xf32> to vector<1x16xf32>
        tpu.vector_store %arg9[%swap3A_1073, %swap3A_1074], %swap3A_1077 {strides = array<i32>} : memref<128x128xf32, #tpu.memory_space<vmem>>, vector<1x16xf32>,
        %slice3A_1078 = vector.extract_strided_slice %get3A_638 {offsets = [3], sizes = [1], strides = [1]} : vector<16xf32> to vector<1xf32>
        %squeeze3A_1079 = vector.extract %slice3A_1078[0] : f32 from vector<1xf32>
        %broadcast_in_dim3A_1080 = vector.broadcast %squeeze3A_1079 : f32 to vector<16xf32>
        %mul3A_1081 = arith.constant 16 : i32
        %mul3A_1082 = arith.muli %scan3A_631, %mul3A_1081 : i32
        %add3A_1083 = arith.constant 3 : i32
        %add3A_1084 = arith.addi %mul3A_1082, %add3A_1083 : i32
        %get3A_1085 = arith.index_cast %add3A_1084 : i32 to index
        %get3A_1086 = arith.constant 0 : index
        %get3A_1087 = tpu.vector_load %arg9[%get3A_1085, %get3A_1086] {strides = array<i32>} : memref<128x128xf32, #tpu.memory_space<vmem>>, vector<1x16xf32>,
        %get3A_1088 = vector.shape_cast %get3A_1087 : vector<1x16xf32> to vector<16xf32>
        %mul3A_1089 = arith.mulf %get3A_1088, %broadcast_in_dim3A_1080 : vector<16xf32>
        %mul3A_1090 = arith.constant 16 : i32
        %mul3A_1091 = arith.muli %scan3A_631, %mul3A_1090 : i32
        %add3A_1092 = arith.constant 3 : i32
        %add3A_1093 = arith.addi %mul3A_1091, %add3A_1092 : i32
        %swap3A_1094 = arith.index_cast %add3A_1093 : i32 to index
        %swap3A_1095 = arith.constant 0 : index
        %swap3A_1096 = tpu.vector_load %arg9[%swap3A_1094, %swap3A_1095] {strides = array<i32>} : memref<128x128xf32, #tpu.memory_space<vmem>>, vector<1x16xf32>,
        %swap3A_1097 = vector.shape_cast %swap3A_1096 : vector<1x16xf32> to vector<16xf32>
        %swap3A_1098 = vector.shape_cast %mul3A_1089 : vector<16xf32> to vector<1x16xf32>
        tpu.vector_store %arg9[%swap3A_1094, %swap3A_1095], %swap3A_1098 {strides = array<i32>} : memref<128x128xf32, #tpu.memory_space<vmem>>, vector<1x16xf32>,
        %mul3A_1099 = arith.constant 16 : i32
        %mul3A_1100 = arith.muli %scan3A_631, %mul3A_1099 : i32
        %add3A_1101 = arith.constant 3 : i32
        %add3A_1102 = arith.addi %mul3A_1100, %add3A_1101 : i32
        %get3A_1103 = arith.index_cast %add3A_1102 : i32 to index
        %get3A_1104 = arith.constant 16 : index
        %get3A_1105 = tpu.vector_load %arg9[%get3A_1103, %get3A_1104] {strides = array<i32>} : memref<128x128xf32, #tpu.memory_space<vmem>>, vector<1x16xf32>,
        %get3A_1106 = vector.shape_cast %get3A_1105 : vector<1x16xf32> to vector<16xf32>
        %mul3A_1107 = arith.mulf %get3A_1106, %broadcast_in_dim3A_1080 : vector<16xf32>
        %mul3A_1108 = arith.constant 16 : i32
        %mul3A_1109 = arith.muli %scan3A_631, %mul3A_1108 : i32
        %add3A_1110 = arith.constant 3 : i32
        %add3A_1111 = arith.addi %mul3A_1109, %add3A_1110 : i32
        %swap3A_1112 = arith.index_cast %add3A_1111 : i32 to index
        %swap3A_1113 = arith.constant 16 : index
        %swap3A_1114 = tpu.vector_load %arg9[%swap3A_1112, %swap3A_1113] {strides = array<i32>} : memref<128x128xf32, #tpu.memory_space<vmem>>, vector<1x16xf32>,
        %swap3A_1115 = vector.shape_cast %swap3A_1114 : vector<1x16xf32> to vector<16xf32>
        %swap3A_1116 = vector.shape_cast %mul3A_1107 : vector<16xf32> to vector<1x16xf32>
        tpu.vector_store %arg9[%swap3A_1112, %swap3A_1113], %swap3A_1116 {strides = array<i32>} : memref<128x128xf32, #tpu.memory_space<vmem>>, vector<1x16xf32>,
        %mul3A_1117 = arith.constant 16 : i32
        %mul3A_1118 = arith.muli %scan3A_631, %mul3A_1117 : i32
        %add3A_1119 = arith.constant 3 : i32
        %add3A_1120 = arith.addi %mul3A_1118, %add3A_1119 : i32
        %get3A_1121 = arith.index_cast %add3A_1120 : i32 to index
        %get3A_1122 = arith.constant 32 : index
        %get3A_1123 = tpu.vector_load %arg9[%get3A_1121, %get3A_1122] {strides = array<i32>} : memref<128x128xf32, #tpu.memory_space<vmem>>, vector<1x16xf32>,
        %get3A_1124 = vector.shape_cast %get3A_1123 : vector<1x16xf32> to vector<16xf32>
        %mul3A_1125 = arith.mulf %get3A_1124, %broadcast_in_dim3A_1080 : vector<16xf32>
        %mul3A_1126 = arith.constant 16 : i32
        %mul3A_1127 = arith.muli %scan3A_631, %mul3A_1126 : i32
        %add3A_1128 = arith.constant 3 : i32
        %add3A_1129 = arith.addi %mul3A_1127, %add3A_1128 : i32
        %swap3A_1130 = arith.index_cast %add3A_1129 : i32 to index
        %swap3A_1131 = arith.constant 32 : index
        %swap3A_1132 = tpu.vector_load %arg9[%swap3A_1130, %swap3A_1131] {strides = array<i32>} : memref<128x128xf32, #tpu.memory_space<vmem>>, vector<1x16xf32>,
        %swap3A_1133 = vector.shape_cast %swap3A_1132 : vector<1x16xf32> to vector<16xf32>
        %swap3A_1134 = vector.shape_cast %mul3A_1125 : vector<16xf32> to vector<1x16xf32>
        tpu.vector_store %arg9[%swap3A_1130, %swap3A_1131], %swap3A_1134 {strides = array<i32>} : memref<128x128xf32, #tpu.memory_space<vmem>>, vector<1x16xf32>,
        %mul3A_1135 = arith.constant 16 : i32
        %mul3A_1136 = arith.muli %scan3A_631, %mul3A_1135 : i32
        %add3A_1137 = arith.constant 3 : i32
        %add3A_1138 = arith.addi %mul3A_1136, %add3A_1137 : i32
        %get3A_1139 = arith.index_cast %add3A_1138 : i32 to index
        %get3A_1140 = arith.constant 48 : index
        %get3A_1141 = tpu.vector_load %arg9[%get3A_1139, %get3A_1140] {strides = array<i32>} : memref<128x128xf32, #tpu.memory_space<vmem>>, vector<1x16xf32>,
        %get3A_1142 = vector.shape_cast %get3A_1141 : vector<1x16xf32> to vector<16xf32>
        %mul3A_1143 = arith.mulf %get3A_1142, %broadcast_in_dim3A_1080 : vector<16xf32>
        %mul3A_1144 = arith.constant 16 : i32
        %mul3A_1145 = arith.muli %scan3A_631, %mul3A_1144 : i32
        %add3A_1146 = arith.constant 3 : i32
        %add3A_1147 = arith.addi %mul3A_1145, %add3A_1146 : i32
        %swap3A_1148 = arith.index_cast %add3A_1147 : i32 to index
        %swap3A_1149 = arith.constant 48 : index
        %swap3A_1150 = tpu.vector_load %arg9[%swap3A_1148, %swap3A_1149] {strides = array<i32>} : memref<128x128xf32, #tpu.memory_space<vmem>>, vector<1x16xf32>,
        %swap3A_1151 = vector.shape_cast %swap3A_1150 : vector<1x16xf32> to vector<16xf32>
        %swap3A_1152 = vector.shape_cast %mul3A_1143 : vector<16xf32> to vector<1x16xf32>
        tpu.vector_store %arg9[%swap3A_1148, %swap3A_1149], %swap3A_1152 {strides = array<i32>} : memref<128x128xf32, #tpu.memory_space<vmem>>, vector<1x16xf32>,
        %mul3A_1153 = arith.constant 16 : i32
        %mul3A_1154 = arith.muli %scan3A_631, %mul3A_1153 : i32
        %add3A_1155 = arith.constant 3 : i32
        %add3A_1156 = arith.addi %mul3A_1154, %add3A_1155 : i32
        %get3A_1157 = arith.index_cast %add3A_1156 : i32 to index
        %get3A_1158 = arith.constant 64 : index
        %get3A_1159 = tpu.vector_load %arg9[%get3A_1157, %get3A_1158] {strides = array<i32>} : memref<128x128xf32, #tpu.memory_space<vmem>>, vector<1x16xf32>,
        %get3A_1160 = vector.shape_cast %get3A_1159 : vector<1x16xf32> to vector<16xf32>
        %mul3A_1161 = arith.mulf %get3A_1160, %broadcast_in_dim3A_1080 : vector<16xf32>
        %mul3A_1162 = arith.constant 16 : i32
        %mul3A_1163 = arith.muli %scan3A_631, %mul3A_1162 : i32
        %add3A_1164 = arith.constant 3 : i32
        %add3A_1165 = arith.addi %mul3A_1163, %add3A_1164 : i32
        %swap3A_1166 = arith.index_cast %add3A_1165 : i32 to index
        %swap3A_1167 = arith.constant 64 : index
        %swap3A_1168 = tpu.vector_load %arg9[%swap3A_1166, %swap3A_1167] {strides = array<i32>} : memref<128x128xf32, #tpu.memory_space<vmem>>, vector<1x16xf32>,
        %swap3A_1169 = vector.shape_cast %swap3A_1168 : vector<1x16xf32> to vector<16xf32>
        %swap3A_1170 = vector.shape_cast %mul3A_1161 : vector<16xf32> to vector<1x16xf32>
        tpu.vector_store %arg9[%swap3A_1166, %swap3A_1167], %swap3A_1170 {strides = array<i32>} : memref<128x128xf32, #tpu.memory_space<vmem>>, vector<1x16xf32>,
        %mul3A_1171 = arith.constant 16 : i32
        %mul3A_1172 = arith.muli %scan3A_631, %mul3A_1171 : i32
        %add3A_1173 = arith.constant 3 : i32
        %add3A_1174 = arith.addi %mul3A_1172, %add3A_1173 : i32
        %get3A_1175 = arith.index_cast %add3A_1174 : i32 to index
        %get3A_1176 = arith.constant 80 : index
        %get3A_1177 = tpu.vector_load %arg9[%get3A_1175, %get3A_1176] {strides = array<i32>} : memref<128x128xf32, #tpu.memory_space<vmem>>, vector<1x16xf32>,
        %get3A_1178 = vector.shape_cast %get3A_1177 : vector<1x16xf32> to vector<16xf32>
        %mul3A_1179 = arith.mulf %get3A_1178, %broadcast_in_dim3A_1080 : vector<16xf32>
        %mul3A_1180 = arith.constant 16 : i32
        %mul3A_1181 = arith.muli %scan3A_631, %mul3A_1180 : i32
        %add3A_1182 = arith.constant 3 : i32
        %add3A_1183 = arith.addi %mul3A_1181, %add3A_1182 : i32
        %swap3A_1184 = arith.index_cast %add3A_1183 : i32 to index
        %swap3A_1185 = arith.constant 80 : index
        %swap3A_1186 = tpu.vector_load %arg9[%swap3A_1184, %swap3A_1185] {strides = array<i32>} : memref<128x128xf32, #tpu.memory_space<vmem>>, vector<1x16xf32>,
        %swap3A_1187 = vector.shape_cast %swap3A_1186 : vector<1x16xf32> to vector<16xf32>
        %swap3A_1188 = vector.shape_cast %mul3A_1179 : vector<16xf32> to vector<1x16xf32>
        tpu.vector_store %arg9[%swap3A_1184, %swap3A_1185], %swap3A_1188 {strides = array<i32>} : memref<128x128xf32, #tpu.memory_space<vmem>>, vector<1x16xf32>,
        %mul3A_1189 = arith.constant 16 : i32
        %mul3A_1190 = arith.muli %scan3A_631, %mul3A_1189 : i32
        %add3A_1191 = arith.constant 3 : i32
        %add3A_1192 = arith.addi %mul3A_1190, %add3A_1191 : i32
        %get3A_1193 = arith.index_cast %add3A_1192 : i32 to index
        %get3A_1194 = arith.constant 96 : index
        %get3A_1195 = tpu.vector_load %arg9[%get3A_1193, %get3A_1194] {strides = array<i32>} : memref<128x128xf32, #tpu.memory_space<vmem>>, vector<1x16xf32>,
        %get3A_1196 = vector.shape_cast %get3A_1195 : vector<1x16xf32> to vector<16xf32>
        %mul3A_1197 = arith.mulf %get3A_1196, %broadcast_in_dim3A_1080 : vector<16xf32>
        %mul3A_1198 = arith.constant 16 : i32
        %mul3A_1199 = arith.muli %scan3A_631, %mul3A_1198 : i32
        %add3A_1200 = arith.constant 3 : i32
        %add3A_1201 = arith.addi %mul3A_1199, %add3A_1200 : i32
        %swap3A_1202 = arith.index_cast %add3A_1201 : i32 to index
        %swap3A_1203 = arith.constant 96 : index
        %swap3A_1204 = tpu.vector_load %arg9[%swap3A_1202, %swap3A_1203] {strides = array<i32>} : memref<128x128xf32, #tpu.memory_space<vmem>>, vector<1x16xf32>,
        %swap3A_1205 = vector.shape_cast %swap3A_1204 : vector<1x16xf32> to vector<16xf32>
        %swap3A_1206 = vector.shape_cast %mul3A_1197 : vector<16xf32> to vector<1x16xf32>
        tpu.vector_store %arg9[%swap3A_1202, %swap3A_1203], %swap3A_1206 {strides = array<i32>} : memref<128x128xf32, #tpu.memory_space<vmem>>, vector<1x16xf32>,
        %mul3A_1207 = arith.constant 16 : i32
        %mul3A_1208 = arith.muli %scan3A_631, %mul3A_1207 : i32
        %add3A_1209 = arith.constant 3 : i32
        %add3A_1210 = arith.addi %mul3A_1208, %add3A_1209 : i32
        %get3A_1211 = arith.index_cast %add3A_1210 : i32 to index
        %get3A_1212 = arith.constant 112 : index
        %get3A_1213 = tpu.vector_load %arg9[%get3A_1211, %get3A_1212] {strides = array<i32>} : memref<128x128xf32, #tpu.memory_space<vmem>>, vector<1x16xf32>,
        %get3A_1214 = vector.shape_cast %get3A_1213 : vector<1x16xf32> to vector<16xf32>
        %mul3A_1215 = arith.mulf %get3A_1214, %broadcast_in_dim3A_1080 : vector<16xf32>
        %mul3A_1216 = arith.constant 16 : i32
        %mul3A_1217 = arith.muli %scan3A_631, %mul3A_1216 : i32
        %add3A_1218 = arith.constant 3 : i32
        %add3A_1219 = arith.addi %mul3A_1217, %add3A_1218 : i32
        %swap3A_1220 = arith.index_cast %add3A_1219 : i32 to index
        %swap3A_1221 = arith.constant 112 : index
        %swap3A_1222 = tpu.vector_load %arg9[%swap3A_1220, %swap3A_1221] {strides = array<i32>} : memref<128x128xf32, #tpu.memory_space<vmem>>, vector<1x16xf32>,
        %swap3A_1223 = vector.shape_cast %swap3A_1222 : vector<1x16xf32> to vector<16xf32>
        %swap3A_1224 = vector.shape_cast %mul3A_1215 : vector<16xf32> to vector<1x16xf32>
        tpu.vector_store %arg9[%swap3A_1220, %swap3A_1221], %swap3A_1224 {strides = array<i32>} : memref<128x128xf32, #tpu.memory_space<vmem>>, vector<1x16xf32>,
        %slice3A_1225 = vector.extract_strided_slice %get3A_638 {offsets = [4], sizes = [1], strides = [1]} : vector<16xf32> to vector<1xf32>
        %squeeze3A_1226 = vector.extract %slice3A_1225[0] : f32 from vector<1xf32>
        %broadcast_in_dim3A_1227 = vector.broadcast %squeeze3A_1226 : f32 to vector<16xf32>
        %mul3A_1228 = arith.constant 16 : i32
        %mul3A_1229 = arith.muli %scan3A_631, %mul3A_1228 : i32
        %add3A_1230 = arith.constant 4 : i32
        %add3A_1231 = arith.addi %mul3A_1229, %add3A_1230 : i32
        %get3A_1232 = arith.index_cast %add3A_1231 : i32 to index
        %get3A_1233 = arith.constant 0 : index
        %get3A_1234 = tpu.vector_load %arg9[%get3A_1232, %get3A_1233] {strides = array<i32>} : memref<128x128xf32, #tpu.memory_space<vmem>>, vector<1x16xf32>,
        %get3A_1235 = vector.shape_cast %get3A_1234 : vector<1x16xf32> to vector<16xf32>
        %mul3A_1236 = arith.mulf %get3A_1235, %broadcast_in_dim3A_1227 : vector<16xf32>
        %mul3A_1237 = arith.constant 16 : i32
        %mul3A_1238 = arith.muli %scan3A_631, %mul3A_1237 : i32
        %add3A_1239 = arith.constant 4 : i32
        %add3A_1240 = arith.addi %mul3A_1238, %add3A_1239 : i32
        %swap3A_1241 = arith.index_cast %add3A_1240 : i32 to index
        %swap3A_1242 = arith.constant 0 : index
        %swap3A_1243 = tpu.vector_load %arg9[%swap3A_1241, %swap3A_1242] {strides = array<i32>} : memref<128x128xf32, #tpu.memory_space<vmem>>, vector<1x16xf32>,
        %swap3A_1244 = vector.shape_cast %swap3A_1243 : vector<1x16xf32> to vector<16xf32>
        %swap3A_1245 = vector.shape_cast %mul3A_1236 : vector<16xf32> to vector<1x16xf32>
        tpu.vector_store %arg9[%swap3A_1241, %swap3A_1242], %swap3A_1245 {strides = array<i32>} : memref<128x128xf32, #tpu.memory_space<vmem>>, vector<1x16xf32>,
        %mul3A_1246 = arith.constant 16 : i32
        %mul3A_1247 = arith.muli %scan3A_631, %mul3A_1246 : i32
        %add3A_1248 = arith.constant 4 : i32
        %add3A_1249 = arith.addi %mul3A_1247, %add3A_1248 : i32
        %get3A_1250 = arith.index_cast %add3A_1249 : i32 to index
        %get3A_1251 = arith.constant 16 : index
        %get3A_1252 = tpu.vector_load %arg9[%get3A_1250, %get3A_1251] {strides = array<i32>} : memref<128x128xf32, #tpu.memory_space<vmem>>, vector<1x16xf32>,
        %get3A_1253 = vector.shape_cast %get3A_1252 : vector<1x16xf32> to vector<16xf32>
        %mul3A_1254 = arith.mulf %get3A_1253, %broadcast_in_dim3A_1227 : vector<16xf32>
        %mul3A_1255 = arith.constant 16 : i32
        %mul3A_1256 = arith.muli %scan3A_631, %mul3A_1255 : i32
        %add3A_1257 = arith.constant 4 : i32
        %add3A_1258 = arith.addi %mul3A_1256, %add3A_1257 : i32
        %swap3A_1259 = arith.index_cast %add3A_1258 : i32 to index
        %swap3A_1260 = arith.constant 16 : index
        %swap3A_1261 = tpu.vector_load %arg9[%swap3A_1259, %swap3A_1260] {strides = array<i32>} : memref<128x128xf32, #tpu.memory_space<vmem>>, vector<1x16xf32>,
        %swap3A_1262 = vector.shape_cast %swap3A_1261 : vector<1x16xf32> to vector<16xf32>
        %swap3A_1263 = vector.shape_cast %mul3A_1254 : vector<16xf32> to vector<1x16xf32>
        tpu.vector_store %arg9[%swap3A_1259, %swap3A_1260], %swap3A_1263 {strides = array<i32>} : memref<128x128xf32, #tpu.memory_space<vmem>>, vector<1x16xf32>,
        %mul3A_1264 = arith.constant 16 : i32
        %mul3A_1265 = arith.muli %scan3A_631, %mul3A_1264 : i32
        %add3A_1266 = arith.constant 4 : i32
        %add3A_1267 = arith.addi %mul3A_1265, %add3A_1266 : i32
        %get3A_1268 = arith.index_cast %add3A_1267 : i32 to index
        %get3A_1269 = arith.constant 32 : index
        %get3A_1270 = tpu.vector_load %arg9[%get3A_1268, %get3A_1269] {strides = array<i32>} : memref<128x128xf32, #tpu.memory_space<vmem>>, vector<1x16xf32>,
        %get3A_1271 = vector.shape_cast %get3A_1270 : vector<1x16xf32> to vector<16xf32>
        %mul3A_1272 = arith.mulf %get3A_1271, %broadcast_in_dim3A_1227 : vector<16xf32>
        %mul3A_1273 = arith.constant 16 : i32
        %mul3A_1274 = arith.muli %scan3A_631, %mul3A_1273 : i32
        %add3A_1275 = arith.constant 4 : i32
        %add3A_1276 = arith.addi %mul3A_1274, %add3A_1275 : i32
        %swap3A_1277 = arith.index_cast %add3A_1276 : i32 to index
        %swap3A_1278 = arith.constant 32 : index
        %swap3A_1279 = tpu.vector_load %arg9[%swap3A_1277, %swap3A_1278] {strides = array<i32>} : memref<128x128xf32, #tpu.memory_space<vmem>>, vector<1x16xf32>,
        %swap3A_1280 = vector.shape_cast %swap3A_1279 : vector<1x16xf32> to vector<16xf32>
        %swap3A_1281 = vector.shape_cast %mul3A_1272 : vector<16xf32> to vector<1x16xf32>
        tpu.vector_store %arg9[%swap3A_1277, %swap3A_1278], %swap3A_1281 {strides = array<i32>} : memref<128x128xf32, #tpu.memory_space<vmem>>, vector<1x16xf32>,
        %mul3A_1282 = arith.constant 16 : i32
        %mul3A_1283 = arith.muli %scan3A_631, %mul3A_1282 : i32
        %add3A_1284 = arith.constant 4 : i32
        %add3A_1285 = arith.addi %mul3A_1283, %add3A_1284 : i32
        %get3A_1286 = arith.index_cast %add3A_1285 : i32 to index
        %get3A_1287 = arith.constant 48 : index
        %get3A_1288 = tpu.vector_load %arg9[%get3A_1286, %get3A_1287] {strides = array<i32>} : memref<128x128xf32, #tpu.memory_space<vmem>>, vector<1x16xf32>,
        %get3A_1289 = vector.shape_cast %get3A_1288 : vector<1x16xf32> to vector<16xf32>
        %mul3A_1290 = arith.mulf %get3A_1289, %broadcast_in_dim3A_1227 : vector<16xf32>
        %mul3A_1291 = arith.constant 16 : i32
        %mul3A_1292 = arith.muli %scan3A_631, %mul3A_1291 : i32
        %add3A_1293 = arith.constant 4 : i32
        %add3A_1294 = arith.addi %mul3A_1292, %add3A_1293 : i32
        %swap3A_1295 = arith.index_cast %add3A_1294 : i32 to index
        %swap3A_1296 = arith.constant 48 : index
        %swap3A_1297 = tpu.vector_load %arg9[%swap3A_1295, %swap3A_1296] {strides = array<i32>} : memref<128x128xf32, #tpu.memory_space<vmem>>, vector<1x16xf32>,
        %swap3A_1298 = vector.shape_cast %swap3A_1297 : vector<1x16xf32> to vector<16xf32>
        %swap3A_1299 = vector.shape_cast %mul3A_1290 : vector<16xf32> to vector<1x16xf32>
        tpu.vector_store %arg9[%swap3A_1295, %swap3A_1296], %swap3A_1299 {strides = array<i32>} : memref<128x128xf32, #tpu.memory_space<vmem>>, vector<1x16xf32>,
        %mul3A_1300 = arith.constant 16 : i32
        %mul3A_1301 = arith.muli %scan3A_631, %mul3A_1300 : i32
        %add3A_1302 = arith.constant 4 : i32
        %add3A_1303 = arith.addi %mul3A_1301, %add3A_1302 : i32
        %get3A_1304 = arith.index_cast %add3A_1303 : i32 to index
        %get3A_1305 = arith.constant 64 : index
        %get3A_1306 = tpu.vector_load %arg9[%get3A_1304, %get3A_1305] {strides = array<i32>} : memref<128x128xf32, #tpu.memory_space<vmem>>, vector<1x16xf32>,
        %get3A_1307 = vector.shape_cast %get3A_1306 : vector<1x16xf32> to vector<16xf32>
        %mul3A_1308 = arith.mulf %get3A_1307, %broadcast_in_dim3A_1227 : vector<16xf32>
        %mul3A_1309 = arith.constant 16 : i32
        %mul3A_1310 = arith.muli %scan3A_631, %mul3A_1309 : i32
        %add3A_1311 = arith.constant 4 : i32
        %add3A_1312 = arith.addi %mul3A_1310, %add3A_1311 : i32
        %swap3A_1313 = arith.index_cast %add3A_1312 : i32 to index
        %swap3A_1314 = arith.constant 64 : index
        %swap3A_1315 = tpu.vector_load %arg9[%swap3A_1313, %swap3A_1314] {strides = array<i32>} : memref<128x128xf32, #tpu.memory_space<vmem>>, vector<1x16xf32>,
        %swap3A_1316 = vector.shape_cast %swap3A_1315 : vector<1x16xf32> to vector<16xf32>
        %swap3A_1317 = vector.shape_cast %mul3A_1308 : vector<16xf32> to vector<1x16xf32>
        tpu.vector_store %arg9[%swap3A_1313, %swap3A_1314], %swap3A_1317 {strides = array<i32>} : memref<128x128xf32, #tpu.memory_space<vmem>>, vector<1x16xf32>,
        %mul3A_1318 = arith.constant 16 : i32
        %mul3A_1319 = arith.muli %scan3A_631, %mul3A_1318 : i32
        %add3A_1320 = arith.constant 4 : i32
        %add3A_1321 = arith.addi %mul3A_1319, %add3A_1320 : i32
        %get3A_1322 = arith.index_cast %add3A_1321 : i32 to index
        %get3A_1323 = arith.constant 80 : index
        %get3A_1324 = tpu.vector_load %arg9[%get3A_1322, %get3A_1323] {strides = array<i32>} : memref<128x128xf32, #tpu.memory_space<vmem>>, vector<1x16xf32>,
        %get3A_1325 = vector.shape_cast %get3A_1324 : vector<1x16xf32> to vector<16xf32>
        %mul3A_1326 = arith.mulf %get3A_1325, %broadcast_in_dim3A_1227 : vector<16xf32>
        %mul3A_1327 = arith.constant 16 : i32
        %mul3A_1328 = arith.muli %scan3A_631, %mul3A_1327 : i32
        %add3A_1329 = arith.constant 4 : i32
        %add3A_1330 = arith.addi %mul3A_1328, %add3A_1329 : i32
        %swap3A_1331 = arith.index_cast %add3A_1330 : i32 to index
        %swap3A_1332 = arith.constant 80 : index
        %swap3A_1333 = tpu.vector_load %arg9[%swap3A_1331, %swap3A_1332] {strides = array<i32>} : memref<128x128xf32, #tpu.memory_space<vmem>>, vector<1x16xf32>,
        %swap3A_1334 = vector.shape_cast %swap3A_1333 : vector<1x16xf32> to vector<16xf32>
        %swap3A_1335 = vector.shape_cast %mul3A_1326 : vector<16xf32> to vector<1x16xf32>
        tpu.vector_store %arg9[%swap3A_1331, %swap3A_1332], %swap3A_1335 {strides = array<i32>} : memref<128x128xf32, #tpu.memory_space<vmem>>, vector<1x16xf32>,
        %mul3A_1336 = arith.constant 16 : i32
        %mul3A_1337 = arith.muli %scan3A_631, %mul3A_1336 : i32
        %add3A_1338 = arith.constant 4 : i32
        %add3A_1339 = arith.addi %mul3A_1337, %add3A_1338 : i32
        %get3A_1340 = arith.index_cast %add3A_1339 : i32 to index
        %get3A_1341 = arith.constant 96 : index
        %get3A_1342 = tpu.vector_load %arg9[%get3A_1340, %get3A_1341] {strides = array<i32>} : memref<128x128xf32, #tpu.memory_space<vmem>>, vector<1x16xf32>,
        %get3A_1343 = vector.shape_cast %get3A_1342 : vector<1x16xf32> to vector<16xf32>
        %mul3A_1344 = arith.mulf %get3A_1343, %broadcast_in_dim3A_1227 : vector<16xf32>
        %mul3A_1345 = arith.constant 16 : i32
        %mul3A_1346 = arith.muli %scan3A_631, %mul3A_1345 : i32
        %add3A_1347 = arith.constant 4 : i32
        %add3A_1348 = arith.addi %mul3A_1346, %add3A_1347 : i32
        %swap3A_1349 = arith.index_cast %add3A_1348 : i32 to index
        %swap3A_1350 = arith.constant 96 : index
        %swap3A_1351 = tpu.vector_load %arg9[%swap3A_1349, %swap3A_1350] {strides = array<i32>} : memref<128x128xf32, #tpu.memory_space<vmem>>, vector<1x16xf32>,
        %swap3A_1352 = vector.shape_cast %swap3A_1351 : vector<1x16xf32> to vector<16xf32>
        %swap3A_1353 = vector.shape_cast %mul3A_1344 : vector<16xf32> to vector<1x16xf32>
        tpu.vector_store %arg9[%swap3A_1349, %swap3A_1350], %swap3A_1353 {strides = array<i32>} : memref<128x128xf32, #tpu.memory_space<vmem>>, vector<1x16xf32>,
        %mul3A_1354 = arith.constant 16 : i32
        %mul3A_1355 = arith.muli %scan3A_631, %mul3A_1354 : i32
        %add3A_1356 = arith.constant 4 : i32
        %add3A_1357 = arith.addi %mul3A_1355, %add3A_1356 : i32
        %get3A_1358 = arith.index_cast %add3A_1357 : i32 to index
        %get3A_1359 = arith.constant 112 : index
        %get3A_1360 = tpu.vector_load %arg9[%get3A_1358, %get3A_1359] {strides = array<i32>} : memref<128x128xf32, #tpu.memory_space<vmem>>, vector<1x16xf32>,
        %get3A_1361 = vector.shape_cast %get3A_1360 : vector<1x16xf32> to vector<16xf32>
        %mul3A_1362 = arith.mulf %get3A_1361, %broadcast_in_dim3A_1227 : vector<16xf32>
        %mul3A_1363 = arith.constant 16 : i32
        %mul3A_1364 = arith.muli %scan3A_631, %mul3A_1363 : i32
        %add3A_1365 = arith.constant 4 : i32
        %add3A_1366 = arith.addi %mul3A_1364, %add3A_1365 : i32
        %swap3A_1367 = arith.index_cast %add3A_1366 : i32 to index
        %swap3A_1368 = arith.constant 112 : index
        %swap3A_1369 = tpu.vector_load %arg9[%swap3A_1367, %swap3A_1368] {strides = array<i32>} : memref<128x128xf32, #tpu.memory_space<vmem>>, vector<1x16xf32>,
        %swap3A_1370 = vector.shape_cast %swap3A_1369 : vector<1x16xf32> to vector<16xf32>
        %swap3A_1371 = vector.shape_cast %mul3A_1362 : vector<16xf32> to vector<1x16xf32>
        tpu.vector_store %arg9[%swap3A_1367, %swap3A_1368], %swap3A_1371 {strides = array<i32>} : memref<128x128xf32, #tpu.memory_space<vmem>>, vector<1x16xf32>,
        %slice3A_1372 = vector.extract_strided_slice %get3A_638 {offsets = [5], sizes = [1], strides = [1]} : vector<16xf32> to vector<1xf32>
        %squeeze3A_1373 = vector.extract %slice3A_1372[0] : f32 from vector<1xf32>
        %broadcast_in_dim3A_1374 = vector.broadcast %squeeze3A_1373 : f32 to vector<16xf32>
        %mul3A_1375 = arith.constant 16 : i32
        %mul3A_1376 = arith.muli %scan3A_631, %mul3A_1375 : i32
        %add3A_1377 = arith.constant 5 : i32
        %add3A_1378 = arith.addi %mul3A_1376, %add3A_1377 : i32
        %get3A_1379 = arith.index_cast %add3A_1378 : i32 to index
        %get3A_1380 = arith.constant 0 : index
        %get3A_1381 = tpu.vector_load %arg9[%get3A_1379, %get3A_1380] {strides = array<i32>} : memref<128x128xf32, #tpu.memory_space<vmem>>, vector<1x16xf32>,
        %get3A_1382 = vector.shape_cast %get3A_1381 : vector<1x16xf32> to vector<16xf32>
        %mul3A_1383 = arith.mulf %get3A_1382, %broadcast_in_dim3A_1374 : vector<16xf32>
        %mul3A_1384 = arith.constant 16 : i32
        %mul3A_1385 = arith.muli %scan3A_631, %mul3A_1384 : i32
        %add3A_1386 = arith.constant 5 : i32
        %add3A_1387 = arith.addi %mul3A_1385, %add3A_1386 : i32
        %swap3A_1388 = arith.index_cast %add3A_1387 : i32 to index
        %swap3A_1389 = arith.constant 0 : index
        %swap3A_1390 = tpu.vector_load %arg9[%swap3A_1388, %swap3A_1389] {strides = array<i32>} : memref<128x128xf32, #tpu.memory_space<vmem>>, vector<1x16xf32>,
        %swap3A_1391 = vector.shape_cast %swap3A_1390 : vector<1x16xf32> to vector<16xf32>
        %swap3A_1392 = vector.shape_cast %mul3A_1383 : vector<16xf32> to vector<1x16xf32>
        tpu.vector_store %arg9[%swap3A_1388, %swap3A_1389], %swap3A_1392 {strides = array<i32>} : memref<128x128xf32, #tpu.memory_space<vmem>>, vector<1x16xf32>,
        %mul3A_1393 = arith.constant 16 : i32
        %mul3A_1394 = arith.muli %scan3A_631, %mul3A_1393 : i32
        %add3A_1395 = arith.constant 5 : i32
        %add3A_1396 = arith.addi %mul3A_1394, %add3A_1395 : i32
        %get3A_1397 = arith.index_cast %add3A_1396 : i32 to index
        %get3A_1398 = arith.constant 16 : index
        %get3A_1399 = tpu.vector_load %arg9[%get3A_1397, %get3A_1398] {strides = array<i32>} : memref<128x128xf32, #tpu.memory_space<vmem>>, vector<1x16xf32>,
        %get3A_1400 = vector.shape_cast %get3A_1399 : vector<1x16xf32> to vector<16xf32>
        %mul3A_1401 = arith.mulf %get3A_1400, %broadcast_in_dim3A_1374 : vector<16xf32>
        %mul3A_1402 = arith.constant 16 : i32
        %mul3A_1403 = arith.muli %scan3A_631, %mul3A_1402 : i32
        %add3A_1404 = arith.constant 5 : i32
        %add3A_1405 = arith.addi %mul3A_1403, %add3A_1404 : i32
        %swap3A_1406 = arith.index_cast %add3A_1405 : i32 to index
        %swap3A_1407 = arith.constant 16 : index
        %swap3A_1408 = tpu.vector_load %arg9[%swap3A_1406, %swap3A_1407] {strides = array<i32>} : memref<128x128xf32, #tpu.memory_space<vmem>>, vector<1x16xf32>,
        %swap3A_1409 = vector.shape_cast %swap3A_1408 : vector<1x16xf32> to vector<16xf32>
        %swap3A_1410 = vector.shape_cast %mul3A_1401 : vector<16xf32> to vector<1x16xf32>
        tpu.vector_store %arg9[%swap3A_1406, %swap3A_1407], %swap3A_1410 {strides = array<i32>} : memref<128x128xf32, #tpu.memory_space<vmem>>, vector<1x16xf32>,
        %mul3A_1411 = arith.constant 16 : i32
        %mul3A_1412 = arith.muli %scan3A_631, %mul3A_1411 : i32
        %add3A_1413 = arith.constant 5 : i32
        %add3A_1414 = arith.addi %mul3A_1412, %add3A_1413 : i32
        %get3A_1415 = arith.index_cast %add3A_1414 : i32 to index
        %get3A_1416 = arith.constant 32 : index
        %get3A_1417 = tpu.vector_load %arg9[%get3A_1415, %get3A_1416] {strides = array<i32>} : memref<128x128xf32, #tpu.memory_space<vmem>>, vector<1x16xf32>,
        %get3A_1418 = vector.shape_cast %get3A_1417 : vector<1x16xf32> to vector<16xf32>
        %mul3A_1419 = arith.mulf %get3A_1418, %broadcast_in_dim3A_1374 : vector<16xf32>
        %mul3A_1420 = arith.constant 16 : i32
        %mul3A_1421 = arith.muli %scan3A_631, %mul3A_1420 : i32
        %add3A_1422 = arith.constant 5 : i32
        %add3A_1423 = arith.addi %mul3A_1421, %add3A_1422 : i32
        %swap3A_1424 = arith.index_cast %add3A_1423 : i32 to index
        %swap3A_1425 = arith.constant 32 : index
        %swap3A_1426 = tpu.vector_load %arg9[%swap3A_1424, %swap3A_1425] {strides = array<i32>} : memref<128x128xf32, #tpu.memory_space<vmem>>, vector<1x16xf32>,
        %swap3A_1427 = vector.shape_cast %swap3A_1426 : vector<1x16xf32> to vector<16xf32>
        %swap3A_1428 = vector.shape_cast %mul3A_1419 : vector<16xf32> to vector<1x16xf32>
        tpu.vector_store %arg9[%swap3A_1424, %swap3A_1425], %swap3A_1428 {strides = array<i32>} : memref<128x128xf32, #tpu.memory_space<vmem>>, vector<1x16xf32>,
        %mul3A_1429 = arith.constant 16 : i32
        %mul3A_1430 = arith.muli %scan3A_631, %mul3A_1429 : i32
        %add3A_1431 = arith.constant 5 : i32
        %add3A_1432 = arith.addi %mul3A_1430, %add3A_1431 : i32
        %get3A_1433 = arith.index_cast %add3A_1432 : i32 to index
        %get3A_1434 = arith.constant 48 : index
        %get3A_1435 = tpu.vector_load %arg9[%get3A_1433, %get3A_1434] {strides = array<i32>} : memref<128x128xf32, #tpu.memory_space<vmem>>, vector<1x16xf32>,
        %get3A_1436 = vector.shape_cast %get3A_1435 : vector<1x16xf32> to vector<16xf32>
        %mul3A_1437 = arith.mulf %get3A_1436, %broadcast_in_dim3A_1374 : vector<16xf32>
        %mul3A_1438 = arith.constant 16 : i32
        %mul3A_1439 = arith.muli %scan3A_631, %mul3A_1438 : i32
        %add3A_1440 = arith.constant 5 : i32
        %add3A_1441 = arith.addi %mul3A_1439, %add3A_1440 : i32
        %swap3A_1442 = arith.index_cast %add3A_1441 : i32 to index
        %swap3A_1443 = arith.constant 48 : index
        %swap3A_1444 = tpu.vector_load %arg9[%swap3A_1442, %swap3A_1443] {strides = array<i32>} : memref<128x128xf32, #tpu.memory_space<vmem>>, vector<1x16xf32>,
        %swap3A_1445 = vector.shape_cast %swap3A_1444 : vector<1x16xf32> to vector<16xf32>
        %swap3A_1446 = vector.shape_cast %mul3A_1437 : vector<16xf32> to vector<1x16xf32>
        tpu.vector_store %arg9[%swap3A_1442, %swap3A_1443], %swap3A_1446 {strides = array<i32>} : memref<128x128xf32, #tpu.memory_space<vmem>>, vector<1x16xf32>,
        %mul3A_1447 = arith.constant 16 : i32
        %mul3A_1448 = arith.muli %scan3A_631, %mul3A_1447 : i32
        %add3A_1449 = arith.constant 5 : i32
        %add3A_1450 = arith.addi %mul3A_1448, %add3A_1449 : i32
        %get3A_1451 = arith.index_cast %add3A_1450 : i32 to index
        %get3A_1452 = arith.constant 64 : index
        %get3A_1453 = tpu.vector_load %arg9[%get3A_1451, %get3A_1452] {strides = array<i32>} : memref<128x128xf32, #tpu.memory_space<vmem>>, vector<1x16xf32>,
        %get3A_1454 = vector.shape_cast %get3A_1453 : vector<1x16xf32> to vector<16xf32>
        %mul3A_1455 = arith.mulf %get3A_1454, %broadcast_in_dim3A_1374 : vector<16xf32>
        %mul3A_1456 = arith.constant 16 : i32
        %mul3A_1457 = arith.muli %scan3A_631, %mul3A_1456 : i32
        %add3A_1458 = arith.constant 5 : i32
        %add3A_1459 = arith.addi %mul3A_1457, %add3A_1458 : i32
        %swap3A_1460 = arith.index_cast %add3A_1459 : i32 to index
        %swap3A_1461 = arith.constant 64 : index
        %swap3A_1462 = tpu.vector_load %arg9[%swap3A_1460, %swap3A_1461] {strides = array<i32>} : memref<128x128xf32, #tpu.memory_space<vmem>>, vector<1x16xf32>,
        %swap3A_1463 = vector.shape_cast %swap3A_1462 : vector<1x16xf32> to vector<16xf32>
        %swap3A_1464 = vector.shape_cast %mul3A_1455 : vector<16xf32> to vector<1x16xf32>
        tpu.vector_store %arg9[%swap3A_1460, %swap3A_1461], %swap3A_1464 {strides = array<i32>} : memref<128x128xf32, #tpu.memory_space<vmem>>, vector<1x16xf32>,
        %mul3A_1465 = arith.constant 16 : i32
        %mul3A_1466 = arith.muli %scan3A_631, %mul3A_1465 : i32
        %add3A_1467 = arith.constant 5 : i32
        %add3A_1468 = arith.addi %mul3A_1466, %add3A_1467 : i32
        %get3A_1469 = arith.index_cast %add3A_1468 : i32 to index
        %get3A_1470 = arith.constant 80 : index
        %get3A_1471 = tpu.vector_load %arg9[%get3A_1469, %get3A_1470] {strides = array<i32>} : memref<128x128xf32, #tpu.memory_space<vmem>>, vector<1x16xf32>,
        %get3A_1472 = vector.shape_cast %get3A_1471 : vector<1x16xf32> to vector<16xf32>
        %mul3A_1473 = arith.mulf %get3A_1472, %broadcast_in_dim3A_1374 : vector<16xf32>
        %mul3A_1474 = arith.constant 16 : i32
        %mul3A_1475 = arith.muli %scan3A_631, %mul3A_1474 : i32
        %add3A_1476 = arith.constant 5 : i32
        %add3A_1477 = arith.addi %mul3A_1475, %add3A_1476 : i32
        %swap3A_1478 = arith.index_cast %add3A_1477 : i32 to index
        %swap3A_1479 = arith.constant 80 : index
        %swap3A_1480 = tpu.vector_load %arg9[%swap3A_1478, %swap3A_1479] {strides = array<i32>} : memref<128x128xf32, #tpu.memory_space<vmem>>, vector<1x16xf32>,
        %swap3A_1481 = vector.shape_cast %swap3A_1480 : vector<1x16xf32> to vector<16xf32>
        %swap3A_1482 = vector.shape_cast %mul3A_1473 : vector<16xf32> to vector<1x16xf32>
        tpu.vector_store %arg9[%swap3A_1478, %swap3A_1479], %swap3A_1482 {strides = array<i32>} : memref<128x128xf32, #tpu.memory_space<vmem>>, vector<1x16xf32>,
        %mul3A_1483 = arith.constant 16 : i32
        %mul3A_1484 = arith.muli %scan3A_631, %mul3A_1483 : i32
        %add3A_1485 = arith.constant 5 : i32
        %add3A_1486 = arith.addi %mul3A_1484, %add3A_1485 : i32
        %get3A_1487 = arith.index_cast %add3A_1486 : i32 to index
        %get3A_1488 = arith.constant 96 : index
        %get3A_1489 = tpu.vector_load %arg9[%get3A_1487, %get3A_1488] {strides = array<i32>} : memref<128x128xf32, #tpu.memory_space<vmem>>, vector<1x16xf32>,
        %get3A_1490 = vector.shape_cast %get3A_1489 : vector<1x16xf32> to vector<16xf32>
        %mul3A_1491 = arith.mulf %get3A_1490, %broadcast_in_dim3A_1374 : vector<16xf32>
        %mul3A_1492 = arith.constant 16 : i32
        %mul3A_1493 = arith.muli %scan3A_631, %mul3A_1492 : i32
        %add3A_1494 = arith.constant 5 : i32
        %add3A_1495 = arith.addi %mul3A_1493, %add3A_1494 : i32
        %swap3A_1496 = arith.index_cast %add3A_1495 : i32 to index
        %swap3A_1497 = arith.constant 96 : index
        %swap3A_1498 = tpu.vector_load %arg9[%swap3A_1496, %swap3A_1497] {strides = array<i32>} : memref<128x128xf32, #tpu.memory_space<vmem>>, vector<1x16xf32>,
        %swap3A_1499 = vector.shape_cast %swap3A_1498 : vector<1x16xf32> to vector<16xf32>
        %swap3A_1500 = vector.shape_cast %mul3A_1491 : vector<16xf32> to vector<1x16xf32>
        tpu.vector_store %arg9[%swap3A_1496, %swap3A_1497], %swap3A_1500 {strides = array<i32>} : memref<128x128xf32, #tpu.memory_space<vmem>>, vector<1x16xf32>,
        %mul3A_1501 = arith.constant 16 : i32
        %mul3A_1502 = arith.muli %scan3A_631, %mul3A_1501 : i32
        %add3A_1503 = arith.constant 5 : i32
        %add3A_1504 = arith.addi %mul3A_1502, %add3A_1503 : i32
        %get3A_1505 = arith.index_cast %add3A_1504 : i32 to index
        %get3A_1506 = arith.constant 112 : index
        %get3A_1507 = tpu.vector_load %arg9[%get3A_1505, %get3A_1506] {strides = array<i32>} : memref<128x128xf32, #tpu.memory_space<vmem>>, vector<1x16xf32>,
        %get3A_1508 = vector.shape_cast %get3A_1507 : vector<1x16xf32> to vector<16xf32>
        %mul3A_1509 = arith.mulf %get3A_1508, %broadcast_in_dim3A_1374 : vector<16xf32>
        %mul3A_1510 = arith.constant 16 : i32
        %mul3A_1511 = arith.muli %scan3A_631, %mul3A_1510 : i32
        %add3A_1512 = arith.constant 5 : i32
        %add3A_1513 = arith.addi %mul3A_1511, %add3A_1512 : i32
        %swap3A_1514 = arith.index_cast %add3A_1513 : i32 to index
        %swap3A_1515 = arith.constant 112 : index
        %swap3A_1516 = tpu.vector_load %arg9[%swap3A_1514, %swap3A_1515] {strides = array<i32>} : memref<128x128xf32, #tpu.memory_space<vmem>>, vector<1x16xf32>,
        %swap3A_1517 = vector.shape_cast %swap3A_1516 : vector<1x16xf32> to vector<16xf32>
        %swap3A_1518 = vector.shape_cast %mul3A_1509 : vector<16xf32> to vector<1x16xf32>
        tpu.vector_store %arg9[%swap3A_1514, %swap3A_1515], %swap3A_1518 {strides = array<i32>} : memref<128x128xf32, #tpu.memory_space<vmem>>, vector<1x16xf32>,
        %slice3A_1519 = vector.extract_strided_slice %get3A_638 {offsets = [6], sizes = [1], strides = [1]} : vector<16xf32> to vector<1xf32>
        %squeeze3A_1520 = vector.extract %slice3A_1519[0] : f32 from vector<1xf32>
        %broadcast_in_dim3A_1521 = vector.broadcast %squeeze3A_1520 : f32 to vector<16xf32>
        %mul3A_1522 = arith.constant 16 : i32
        %mul3A_1523 = arith.muli %scan3A_631, %mul3A_1522 : i32
        %add3A_1524 = arith.constant 6 : i32
        %add3A_1525 = arith.addi %mul3A_1523, %add3A_1524 : i32
        %get3A_1526 = arith.index_cast %add3A_1525 : i32 to index
        %get3A_1527 = arith.constant 0 : index
        %get3A_1528 = tpu.vector_load %arg9[%get3A_1526, %get3A_1527] {strides = array<i32>} : memref<128x128xf32, #tpu.memory_space<vmem>>, vector<1x16xf32>,
        %get3A_1529 = vector.shape_cast %get3A_1528 : vector<1x16xf32> to vector<16xf32>
        %mul3A_1530 = arith.mulf %get3A_1529, %broadcast_in_dim3A_1521 : vector<16xf32>
        %mul3A_1531 = arith.constant 16 : i32
        %mul3A_1532 = arith.muli %scan3A_631, %mul3A_1531 : i32
        %add3A_1533 = arith.constant 6 : i32
        %add3A_1534 = arith.addi %mul3A_1532, %add3A_1533 : i32
        %swap3A_1535 = arith.index_cast %add3A_1534 : i32 to index
        %swap3A_1536 = arith.constant 0 : index
        %swap3A_1537 = tpu.vector_load %arg9[%swap3A_1535, %swap3A_1536] {strides = array<i32>} : memref<128x128xf32, #tpu.memory_space<vmem>>, vector<1x16xf32>,
        %swap3A_1538 = vector.shape_cast %swap3A_1537 : vector<1x16xf32> to vector<16xf32>
        %swap3A_1539 = vector.shape_cast %mul3A_1530 : vector<16xf32> to vector<1x16xf32>
        tpu.vector_store %arg9[%swap3A_1535, %swap3A_1536], %swap3A_1539 {strides = array<i32>} : memref<128x128xf32, #tpu.memory_space<vmem>>, vector<1x16xf32>,
        %mul3A_1540 = arith.constant 16 : i32
        %mul3A_1541 = arith.muli %scan3A_631, %mul3A_1540 : i32
        %add3A_1542 = arith.constant 6 : i32
        %add3A_1543 = arith.addi %mul3A_1541, %add3A_1542 : i32
        %get3A_1544 = arith.index_cast %add3A_1543 : i32 to index
        %get3A_1545 = arith.constant 16 : index
        %get3A_1546 = tpu.vector_load %arg9[%get3A_1544, %get3A_1545] {strides = array<i32>} : memref<128x128xf32, #tpu.memory_space<vmem>>, vector<1x16xf32>,
        %get3A_1547 = vector.shape_cast %get3A_1546 : vector<1x16xf32> to vector<16xf32>
        %mul3A_1548 = arith.mulf %get3A_1547, %broadcast_in_dim3A_1521 : vector<16xf32>
        %mul3A_1549 = arith.constant 16 : i32
        %mul3A_1550 = arith.muli %scan3A_631, %mul3A_1549 : i32
        %add3A_1551 = arith.constant 6 : i32
        %add3A_1552 = arith.addi %mul3A_1550, %add3A_1551 : i32
        %swap3A_1553 = arith.index_cast %add3A_1552 : i32 to index
        %swap3A_1554 = arith.constant 16 : index
        %swap3A_1555 = tpu.vector_load %arg9[%swap3A_1553, %swap3A_1554] {strides = array<i32>} : memref<128x128xf32, #tpu.memory_space<vmem>>, vector<1x16xf32>,
        %swap3A_1556 = vector.shape_cast %swap3A_1555 : vector<1x16xf32> to vector<16xf32>
        %swap3A_1557 = vector.shape_cast %mul3A_1548 : vector<16xf32> to vector<1x16xf32>
        tpu.vector_store %arg9[%swap3A_1553, %swap3A_1554], %swap3A_1557 {strides = array<i32>} : memref<128x128xf32, #tpu.memory_space<vmem>>, vector<1x16xf32>,
        %mul3A_1558 = arith.constant 16 : i32
        %mul3A_1559 = arith.muli %scan3A_631, %mul3A_1558 : i32
        %add3A_1560 = arith.constant 6 : i32
        %add3A_1561 = arith.addi %mul3A_1559, %add3A_1560 : i32
        %get3A_1562 = arith.index_cast %add3A_1561 : i32 to index
        %get3A_1563 = arith.constant 32 : index
        %get3A_1564 = tpu.vector_load %arg9[%get3A_1562, %get3A_1563] {strides = array<i32>} : memref<128x128xf32, #tpu.memory_space<vmem>>, vector<1x16xf32>,
        %get3A_1565 = vector.shape_cast %get3A_1564 : vector<1x16xf32> to vector<16xf32>
        %mul3A_1566 = arith.mulf %get3A_1565, %broadcast_in_dim3A_1521 : vector<16xf32>
        %mul3A_1567 = arith.constant 16 : i32
        %mul3A_1568 = arith.muli %scan3A_631, %mul3A_1567 : i32
        %add3A_1569 = arith.constant 6 : i32
        %add3A_1570 = arith.addi %mul3A_1568, %add3A_1569 : i32
        %swap3A_1571 = arith.index_cast %add3A_1570 : i32 to index
        %swap3A_1572 = arith.constant 32 : index
        %swap3A_1573 = tpu.vector_load %arg9[%swap3A_1571, %swap3A_1572] {strides = array<i32>} : memref<128x128xf32, #tpu.memory_space<vmem>>, vector<1x16xf32>,
        %swap3A_1574 = vector.shape_cast %swap3A_1573 : vector<1x16xf32> to vector<16xf32>
        %swap3A_1575 = vector.shape_cast %mul3A_1566 : vector<16xf32> to vector<1x16xf32>
        tpu.vector_store %arg9[%swap3A_1571, %swap3A_1572], %swap3A_1575 {strides = array<i32>} : memref<128x128xf32, #tpu.memory_space<vmem>>, vector<1x16xf32>,
        %mul3A_1576 = arith.constant 16 : i32
        %mul3A_1577 = arith.muli %scan3A_631, %mul3A_1576 : i32
        %add3A_1578 = arith.constant 6 : i32
        %add3A_1579 = arith.addi %mul3A_1577, %add3A_1578 : i32
        %get3A_1580 = arith.index_cast %add3A_1579 : i32 to index
        %get3A_1581 = arith.constant 48 : index
        %get3A_1582 = tpu.vector_load %arg9[%get3A_1580, %get3A_1581] {strides = array<i32>} : memref<128x128xf32, #tpu.memory_space<vmem>>, vector<1x16xf32>,
        %get3A_1583 = vector.shape_cast %get3A_1582 : vector<1x16xf32> to vector<16xf32>
        %mul3A_1584 = arith.mulf %get3A_1583, %broadcast_in_dim3A_1521 : vector<16xf32>
        %mul3A_1585 = arith.constant 16 : i32
        %mul3A_1586 = arith.muli %scan3A_631, %mul3A_1585 : i32
        %add3A_1587 = arith.constant 6 : i32
        %add3A_1588 = arith.addi %mul3A_1586, %add3A_1587 : i32
        %swap3A_1589 = arith.index_cast %add3A_1588 : i32 to index
        %swap3A_1590 = arith.constant 48 : index
        %swap3A_1591 = tpu.vector_load %arg9[%swap3A_1589, %swap3A_1590] {strides = array<i32>} : memref<128x128xf32, #tpu.memory_space<vmem>>, vector<1x16xf32>,
        %swap3A_1592 = vector.shape_cast %swap3A_1591 : vector<1x16xf32> to vector<16xf32>
        %swap3A_1593 = vector.shape_cast %mul3A_1584 : vector<16xf32> to vector<1x16xf32>
        tpu.vector_store %arg9[%swap3A_1589, %swap3A_1590], %swap3A_1593 {strides = array<i32>} : memref<128x128xf32, #tpu.memory_space<vmem>>, vector<1x16xf32>,
        %mul3A_1594 = arith.constant 16 : i32
        %mul3A_1595 = arith.muli %scan3A_631, %mul3A_1594 : i32
        %add3A_1596 = arith.constant 6 : i32
        %add3A_1597 = arith.addi %mul3A_1595, %add3A_1596 : i32
        %get3A_1598 = arith.index_cast %add3A_1597 : i32 to index
        %get3A_1599 = arith.constant 64 : index
        %get3A_1600 = tpu.vector_load %arg9[%get3A_1598, %get3A_1599] {strides = array<i32>} : memref<128x128xf32, #tpu.memory_space<vmem>>, vector<1x16xf32>,
        %get3A_1601 = vector.shape_cast %get3A_1600 : vector<1x16xf32> to vector<16xf32>
        %mul3A_1602 = arith.mulf %get3A_1601, %broadcast_in_dim3A_1521 : vector<16xf32>
        %mul3A_1603 = arith.constant 16 : i32
        %mul3A_1604 = arith.muli %scan3A_631, %mul3A_1603 : i32
        %add3A_1605 = arith.constant 6 : i32
        %add3A_1606 = arith.addi %mul3A_1604, %add3A_1605 : i32
        %swap3A_1607 = arith.index_cast %add3A_1606 : i32 to index
        %swap3A_1608 = arith.constant 64 : index
        %swap3A_1609 = tpu.vector_load %arg9[%swap3A_1607, %swap3A_1608] {strides = array<i32>} : memref<128x128xf32, #tpu.memory_space<vmem>>, vector<1x16xf32>,
        %swap3A_1610 = vector.shape_cast %swap3A_1609 : vector<1x16xf32> to vector<16xf32>
        %swap3A_1611 = vector.shape_cast %mul3A_1602 : vector<16xf32> to vector<1x16xf32>
        tpu.vector_store %arg9[%swap3A_1607, %swap3A_1608], %swap3A_1611 {strides = array<i32>} : memref<128x128xf32, #tpu.memory_space<vmem>>, vector<1x16xf32>,
        %mul3A_1612 = arith.constant 16 : i32
        %mul3A_1613 = arith.muli %scan3A_631, %mul3A_1612 : i32
        %add3A_1614 = arith.constant 6 : i32
        %add3A_1615 = arith.addi %mul3A_1613, %add3A_1614 : i32
        %get3A_1616 = arith.index_cast %add3A_1615 : i32 to index
        %get3A_1617 = arith.constant 80 : index
        %get3A_1618 = tpu.vector_load %arg9[%get3A_1616, %get3A_1617] {strides = array<i32>} : memref<128x128xf32, #tpu.memory_space<vmem>>, vector<1x16xf32>,
        %get3A_1619 = vector.shape_cast %get3A_1618 : vector<1x16xf32> to vector<16xf32>
        %mul3A_1620 = arith.mulf %get3A_1619, %broadcast_in_dim3A_1521 : vector<16xf32>
        %mul3A_1621 = arith.constant 16 : i32
        %mul3A_1622 = arith.muli %scan3A_631, %mul3A_1621 : i32
        %add3A_1623 = arith.constant 6 : i32
        %add3A_1624 = arith.addi %mul3A_1622, %add3A_1623 : i32
        %swap3A_1625 = arith.index_cast %add3A_1624 : i32 to index
        %swap3A_1626 = arith.constant 80 : index
        %swap3A_1627 = tpu.vector_load %arg9[%swap3A_1625, %swap3A_1626] {strides = array<i32>} : memref<128x128xf32, #tpu.memory_space<vmem>>, vector<1x16xf32>,
        %swap3A_1628 = vector.shape_cast %swap3A_1627 : vector<1x16xf32> to vector<16xf32>
        %swap3A_1629 = vector.shape_cast %mul3A_1620 : vector<16xf32> to vector<1x16xf32>
        tpu.vector_store %arg9[%swap3A_1625, %swap3A_1626], %swap3A_1629 {strides = array<i32>} : memref<128x128xf32, #tpu.memory_space<vmem>>, vector<1x16xf32>,
        %mul3A_1630 = arith.constant 16 : i32
        %mul3A_1631 = arith.muli %scan3A_631, %mul3A_1630 : i32
        %add3A_1632 = arith.constant 6 : i32
        %add3A_1633 = arith.addi %mul3A_1631, %add3A_1632 : i32
        %get3A_1634 = arith.index_cast %add3A_1633 : i32 to index
        %get3A_1635 = arith.constant 96 : index
        %get3A_1636 = tpu.vector_load %arg9[%get3A_1634, %get3A_1635] {strides = array<i32>} : memref<128x128xf32, #tpu.memory_space<vmem>>, vector<1x16xf32>,
        %get3A_1637 = vector.shape_cast %get3A_1636 : vector<1x16xf32> to vector<16xf32>
        %mul3A_1638 = arith.mulf %get3A_1637, %broadcast_in_dim3A_1521 : vector<16xf32>
        %mul3A_1639 = arith.constant 16 : i32
        %mul3A_1640 = arith.muli %scan3A_631, %mul3A_1639 : i32
        %add3A_1641 = arith.constant 6 : i32
        %add3A_1642 = arith.addi %mul3A_1640, %add3A_1641 : i32
        %swap3A_1643 = arith.index_cast %add3A_1642 : i32 to index
        %swap3A_1644 = arith.constant 96 : index
        %swap3A_1645 = tpu.vector_load %arg9[%swap3A_1643, %swap3A_1644] {strides = array<i32>} : memref<128x128xf32, #tpu.memory_space<vmem>>, vector<1x16xf32>,
        %swap3A_1646 = vector.shape_cast %swap3A_1645 : vector<1x16xf32> to vector<16xf32>
        %swap3A_1647 = vector.shape_cast %mul3A_1638 : vector<16xf32> to vector<1x16xf32>
        tpu.vector_store %arg9[%swap3A_1643, %swap3A_1644], %swap3A_1647 {strides = array<i32>} : memref<128x128xf32, #tpu.memory_space<vmem>>, vector<1x16xf32>,
        %mul3A_1648 = arith.constant 16 : i32
        %mul3A_1649 = arith.muli %scan3A_631, %mul3A_1648 : i32
        %add3A_1650 = arith.constant 6 : i32
        %add3A_1651 = arith.addi %mul3A_1649, %add3A_1650 : i32
        %get3A_1652 = arith.index_cast %add3A_1651 : i32 to index
        %get3A_1653 = arith.constant 112 : index
        %get3A_1654 = tpu.vector_load %arg9[%get3A_1652, %get3A_1653] {strides = array<i32>} : memref<128x128xf32, #tpu.memory_space<vmem>>, vector<1x16xf32>,
        %get3A_1655 = vector.shape_cast %get3A_1654 : vector<1x16xf32> to vector<16xf32>
        %mul3A_1656 = arith.mulf %get3A_1655, %broadcast_in_dim3A_1521 : vector<16xf32>
        %mul3A_1657 = arith.constant 16 : i32
        %mul3A_1658 = arith.muli %scan3A_631, %mul3A_1657 : i32
        %add3A_1659 = arith.constant 6 : i32
        %add3A_1660 = arith.addi %mul3A_1658, %add3A_1659 : i32
        %swap3A_1661 = arith.index_cast %add3A_1660 : i32 to index
        %swap3A_1662 = arith.constant 112 : index
        %swap3A_1663 = tpu.vector_load %arg9[%swap3A_1661, %swap3A_1662] {strides = array<i32>} : memref<128x128xf32, #tpu.memory_space<vmem>>, vector<1x16xf32>,
        %swap3A_1664 = vector.shape_cast %swap3A_1663 : vector<1x16xf32> to vector<16xf32>
        %swap3A_1665 = vector.shape_cast %mul3A_1656 : vector<16xf32> to vector<1x16xf32>
        tpu.vector_store %arg9[%swap3A_1661, %swap3A_1662], %swap3A_1665 {strides = array<i32>} : memref<128x128xf32, #tpu.memory_space<vmem>>, vector<1x16xf32>,
        %slice3A_1666 = vector.extract_strided_slice %get3A_638 {offsets = [7], sizes = [1], strides = [1]} : vector<16xf32> to vector<1xf32>
        %squeeze3A_1667 = vector.extract %slice3A_1666[0] : f32 from vector<1xf32>
        %broadcast_in_dim3A_1668 = vector.broadcast %squeeze3A_1667 : f32 to vector<16xf32>
        %mul3A_1669 = arith.constant 16 : i32
        %mul3A_1670 = arith.muli %scan3A_631, %mul3A_1669 : i32
        %add3A_1671 = arith.constant 7 : i32
        %add3A_1672 = arith.addi %mul3A_1670, %add3A_1671 : i32
        %get3A_1673 = arith.index_cast %add3A_1672 : i32 to index
        %get3A_1674 = arith.constant 0 : index
        %get3A_1675 = tpu.vector_load %arg9[%get3A_1673, %get3A_1674] {strides = array<i32>} : memref<128x128xf32, #tpu.memory_space<vmem>>, vector<1x16xf32>,
        %get3A_1676 = vector.shape_cast %get3A_1675 : vector<1x16xf32> to vector<16xf32>
        %mul3A_1677 = arith.mulf %get3A_1676, %broadcast_in_dim3A_1668 : vector<16xf32>
        %mul3A_1678 = arith.constant 16 : i32
        %mul3A_1679 = arith.muli %scan3A_631, %mul3A_1678 : i32
        %add3A_1680 = arith.constant 7 : i32
        %add3A_1681 = arith.addi %mul3A_1679, %add3A_1680 : i32
        %swap3A_1682 = arith.index_cast %add3A_1681 : i32 to index
        %swap3A_1683 = arith.constant 0 : index
        %swap3A_1684 = tpu.vector_load %arg9[%swap3A_1682, %swap3A_1683] {strides = array<i32>} : memref<128x128xf32, #tpu.memory_space<vmem>>, vector<1x16xf32>,
        %swap3A_1685 = vector.shape_cast %swap3A_1684 : vector<1x16xf32> to vector<16xf32>
        %swap3A_1686 = vector.shape_cast %mul3A_1677 : vector<16xf32> to vector<1x16xf32>
        tpu.vector_store %arg9[%swap3A_1682, %swap3A_1683], %swap3A_1686 {strides = array<i32>} : memref<128x128xf32, #tpu.memory_space<vmem>>, vector<1x16xf32>,
        %mul3A_1687 = arith.constant 16 : i32
        %mul3A_1688 = arith.muli %scan3A_631, %mul3A_1687 : i32
        %add3A_1689 = arith.constant 7 : i32
        %add3A_1690 = arith.addi %mul3A_1688, %add3A_1689 : i32
        %get3A_1691 = arith.index_cast %add3A_1690 : i32 to index
        %get3A_1692 = arith.constant 16 : index
        %get3A_1693 = tpu.vector_load %arg9[%get3A_1691, %get3A_1692] {strides = array<i32>} : memref<128x128xf32, #tpu.memory_space<vmem>>, vector<1x16xf32>,
        %get3A_1694 = vector.shape_cast %get3A_1693 : vector<1x16xf32> to vector<16xf32>
        %mul3A_1695 = arith.mulf %get3A_1694, %broadcast_in_dim3A_1668 : vector<16xf32>
        %mul3A_1696 = arith.constant 16 : i32
        %mul3A_1697 = arith.muli %scan3A_631, %mul3A_1696 : i32
        %add3A_1698 = arith.constant 7 : i32
        %add3A_1699 = arith.addi %mul3A_1697, %add3A_1698 : i32
        %swap3A_1700 = arith.index_cast %add3A_1699 : i32 to index
        %swap3A_1701 = arith.constant 16 : index
        %swap3A_1702 = tpu.vector_load %arg9[%swap3A_1700, %swap3A_1701] {strides = array<i32>} : memref<128x128xf32, #tpu.memory_space<vmem>>, vector<1x16xf32>,
        %swap3A_1703 = vector.shape_cast %swap3A_1702 : vector<1x16xf32> to vector<16xf32>
        %swap3A_1704 = vector.shape_cast %mul3A_1695 : vector<16xf32> to vector<1x16xf32>
        tpu.vector_store %arg9[%swap3A_1700, %swap3A_1701], %swap3A_1704 {strides = array<i32>} : memref<128x128xf32, #tpu.memory_space<vmem>>, vector<1x16xf32>,
        %mul3A_1705 = arith.constant 16 : i32
        %mul3A_1706 = arith.muli %scan3A_631, %mul3A_1705 : i32
        %add3A_1707 = arith.constant 7 : i32
        %add3A_1708 = arith.addi %mul3A_1706, %add3A_1707 : i32
        %get3A_1709 = arith.index_cast %add3A_1708 : i32 to index
        %get3A_1710 = arith.constant 32 : index
        %get3A_1711 = tpu.vector_load %arg9[%get3A_1709, %get3A_1710] {strides = array<i32>} : memref<128x128xf32, #tpu.memory_space<vmem>>, vector<1x16xf32>,
        %get3A_1712 = vector.shape_cast %get3A_1711 : vector<1x16xf32> to vector<16xf32>
        %mul3A_1713 = arith.mulf %get3A_1712, %broadcast_in_dim3A_1668 : vector<16xf32>
        %mul3A_1714 = arith.constant 16 : i32
        %mul3A_1715 = arith.muli %scan3A_631, %mul3A_1714 : i32
        %add3A_1716 = arith.constant 7 : i32
        %add3A_1717 = arith.addi %mul3A_1715, %add3A_1716 : i32
        %swap3A_1718 = arith.index_cast %add3A_1717 : i32 to index
        %swap3A_1719 = arith.constant 32 : index
        %swap3A_1720 = tpu.vector_load %arg9[%swap3A_1718, %swap3A_1719] {strides = array<i32>} : memref<128x128xf32, #tpu.memory_space<vmem>>, vector<1x16xf32>,
        %swap3A_1721 = vector.shape_cast %swap3A_1720 : vector<1x16xf32> to vector<16xf32>
        %swap3A_1722 = vector.shape_cast %mul3A_1713 : vector<16xf32> to vector<1x16xf32>
        tpu.vector_store %arg9[%swap3A_1718, %swap3A_1719], %swap3A_1722 {strides = array<i32>} : memref<128x128xf32, #tpu.memory_space<vmem>>, vector<1x16xf32>,
        %mul3A_1723 = arith.constant 16 : i32
        %mul3A_1724 = arith.muli %scan3A_631, %mul3A_1723 : i32
        %add3A_1725 = arith.constant 7 : i32
        %add3A_1726 = arith.addi %mul3A_1724, %add3A_1725 : i32
        %get3A_1727 = arith.index_cast %add3A_1726 : i32 to index
        %get3A_1728 = arith.constant 48 : index
        %get3A_1729 = tpu.vector_load %arg9[%get3A_1727, %get3A_1728] {strides = array<i32>} : memref<128x128xf32, #tpu.memory_space<vmem>>, vector<1x16xf32>,
        %get3A_1730 = vector.shape_cast %get3A_1729 : vector<1x16xf32> to vector<16xf32>
        %mul3A_1731 = arith.mulf %get3A_1730, %broadcast_in_dim3A_1668 : vector<16xf32>
        %mul3A_1732 = arith.constant 16 : i32
        %mul3A_1733 = arith.muli %scan3A_631, %mul3A_1732 : i32
        %add3A_1734 = arith.constant 7 : i32
        %add3A_1735 = arith.addi %mul3A_1733, %add3A_1734 : i32
        %swap3A_1736 = arith.index_cast %add3A_1735 : i32 to index
        %swap3A_1737 = arith.constant 48 : index
        %swap3A_1738 = tpu.vector_load %arg9[%swap3A_1736, %swap3A_1737] {strides = array<i32>} : memref<128x128xf32, #tpu.memory_space<vmem>>, vector<1x16xf32>,
        %swap3A_1739 = vector.shape_cast %swap3A_1738 : vector<1x16xf32> to vector<16xf32>
        %swap3A_1740 = vector.shape_cast %mul3A_1731 : vector<16xf32> to vector<1x16xf32>
        tpu.vector_store %arg9[%swap3A_1736, %swap3A_1737], %swap3A_1740 {strides = array<i32>} : memref<128x128xf32, #tpu.memory_space<vmem>>, vector<1x16xf32>,
        %mul3A_1741 = arith.constant 16 : i32
        %mul3A_1742 = arith.muli %scan3A_631, %mul3A_1741 : i32
        %add3A_1743 = arith.constant 7 : i32
        %add3A_1744 = arith.addi %mul3A_1742, %add3A_1743 : i32
        %get3A_1745 = arith.index_cast %add3A_1744 : i32 to index
        %get3A_1746 = arith.constant 64 : index
        %get3A_1747 = tpu.vector_load %arg9[%get3A_1745, %get3A_1746] {strides = array<i32>} : memref<128x128xf32, #tpu.memory_space<vmem>>, vector<1x16xf32>,
        %get3A_1748 = vector.shape_cast %get3A_1747 : vector<1x16xf32> to vector<16xf32>
        %mul3A_1749 = arith.mulf %get3A_1748, %broadcast_in_dim3A_1668 : vector<16xf32>
        %mul3A_1750 = arith.constant 16 : i32
        %mul3A_1751 = arith.muli %scan3A_631, %mul3A_1750 : i32
        %add3A_1752 = arith.constant 7 : i32
        %add3A_1753 = arith.addi %mul3A_1751, %add3A_1752 : i32
        %swap3A_1754 = arith.index_cast %add3A_1753 : i32 to index
        %swap3A_1755 = arith.constant 64 : index
        %swap3A_1756 = tpu.vector_load %arg9[%swap3A_1754, %swap3A_1755] {strides = array<i32>} : memref<128x128xf32, #tpu.memory_space<vmem>>, vector<1x16xf32>,
        %swap3A_1757 = vector.shape_cast %swap3A_1756 : vector<1x16xf32> to vector<16xf32>
        %swap3A_1758 = vector.shape_cast %mul3A_1749 : vector<16xf32> to vector<1x16xf32>
        tpu.vector_store %arg9[%swap3A_1754, %swap3A_1755], %swap3A_1758 {strides = array<i32>} : memref<128x128xf32, #tpu.memory_space<vmem>>, vector<1x16xf32>,
        %mul3A_1759 = arith.constant 16 : i32
        %mul3A_1760 = arith.muli %scan3A_631, %mul3A_1759 : i32
        %add3A_1761 = arith.constant 7 : i32
        %add3A_1762 = arith.addi %mul3A_1760, %add3A_1761 : i32
        %get3A_1763 = arith.index_cast %add3A_1762 : i32 to index
        %get3A_1764 = arith.constant 80 : index
        %get3A_1765 = tpu.vector_load %arg9[%get3A_1763, %get3A_1764] {strides = array<i32>} : memref<128x128xf32, #tpu.memory_space<vmem>>, vector<1x16xf32>,
        %get3A_1766 = vector.shape_cast %get3A_1765 : vector<1x16xf32> to vector<16xf32>
        %mul3A_1767 = arith.mulf %get3A_1766, %broadcast_in_dim3A_1668 : vector<16xf32>
        %mul3A_1768 = arith.constant 16 : i32
        %mul3A_1769 = arith.muli %scan3A_631, %mul3A_1768 : i32
        %add3A_1770 = arith.constant 7 : i32
        %add3A_1771 = arith.addi %mul3A_1769, %add3A_1770 : i32
        %swap3A_1772 = arith.index_cast %add3A_1771 : i32 to index
        %swap3A_1773 = arith.constant 80 : index
        %swap3A_1774 = tpu.vector_load %arg9[%swap3A_1772, %swap3A_1773] {strides = array<i32>} : memref<128x128xf32, #tpu.memory_space<vmem>>, vector<1x16xf32>,
        %swap3A_1775 = vector.shape_cast %swap3A_1774 : vector<1x16xf32> to vector<16xf32>
        %swap3A_1776 = vector.shape_cast %mul3A_1767 : vector<16xf32> to vector<1x16xf32>
        tpu.vector_store %arg9[%swap3A_1772, %swap3A_1773], %swap3A_1776 {strides = array<i32>} : memref<128x128xf32, #tpu.memory_space<vmem>>, vector<1x16xf32>,
        %mul3A_1777 = arith.constant 16 : i32
        %mul3A_1778 = arith.muli %scan3A_631, %mul3A_1777 : i32
        %add3A_1779 = arith.constant 7 : i32
        %add3A_1780 = arith.addi %mul3A_1778, %add3A_1779 : i32
        %get3A_1781 = arith.index_cast %add3A_1780 : i32 to index
        %get3A_1782 = arith.constant 96 : index
        %get3A_1783 = tpu.vector_load %arg9[%get3A_1781, %get3A_1782] {strides = array<i32>} : memref<128x128xf32, #tpu.memory_space<vmem>>, vector<1x16xf32>,
        %get3A_1784 = vector.shape_cast %get3A_1783 : vector<1x16xf32> to vector<16xf32>
        %mul3A_1785 = arith.mulf %get3A_1784, %broadcast_in_dim3A_1668 : vector<16xf32>
        %mul3A_1786 = arith.constant 16 : i32
        %mul3A_1787 = arith.muli %scan3A_631, %mul3A_1786 : i32
        %add3A_1788 = arith.constant 7 : i32
        %add3A_1789 = arith.addi %mul3A_1787, %add3A_1788 : i32
        %swap3A_1790 = arith.index_cast %add3A_1789 : i32 to index
        %swap3A_1791 = arith.constant 96 : index
        %swap3A_1792 = tpu.vector_load %arg9[%swap3A_1790, %swap3A_1791] {strides = array<i32>} : memref<128x128xf32, #tpu.memory_space<vmem>>, vector<1x16xf32>,
        %swap3A_1793 = vector.shape_cast %swap3A_1792 : vector<1x16xf32> to vector<16xf32>
        %swap3A_1794 = vector.shape_cast %mul3A_1785 : vector<16xf32> to vector<1x16xf32>
        tpu.vector_store %arg9[%swap3A_1790, %swap3A_1791], %swap3A_1794 {strides = array<i32>} : memref<128x128xf32, #tpu.memory_space<vmem>>, vector<1x16xf32>,
        %mul3A_1795 = arith.constant 16 : i32
        %mul3A_1796 = arith.muli %scan3A_631, %mul3A_1795 : i32
        %add3A_1797 = arith.constant 7 : i32
        %add3A_1798 = arith.addi %mul3A_1796, %add3A_1797 : i32
        %get3A_1799 = arith.index_cast %add3A_1798 : i32 to index
        %get3A_1800 = arith.constant 112 : index
        %get3A_1801 = tpu.vector_load %arg9[%get3A_1799, %get3A_1800] {strides = array<i32>} : memref<128x128xf32, #tpu.memory_space<vmem>>, vector<1x16xf32>,
        %get3A_1802 = vector.shape_cast %get3A_1801 : vector<1x16xf32> to vector<16xf32>
        %mul3A_1803 = arith.mulf %get3A_1802, %broadcast_in_dim3A_1668 : vector<16xf32>
        %mul3A_1804 = arith.constant 16 : i32
        %mul3A_1805 = arith.muli %scan3A_631, %mul3A_1804 : i32
        %add3A_1806 = arith.constant 7 : i32
        %add3A_1807 = arith.addi %mul3A_1805, %add3A_1806 : i32
        %swap3A_1808 = arith.index_cast %add3A_1807 : i32 to index
        %swap3A_1809 = arith.constant 112 : index
        %swap3A_1810 = tpu.vector_load %arg9[%swap3A_1808, %swap3A_1809] {strides = array<i32>} : memref<128x128xf32, #tpu.memory_space<vmem>>, vector<1x16xf32>,
        %swap3A_1811 = vector.shape_cast %swap3A_1810 : vector<1x16xf32> to vector<16xf32>
        %swap3A_1812 = vector.shape_cast %mul3A_1803 : vector<16xf32> to vector<1x16xf32>
        tpu.vector_store %arg9[%swap3A_1808, %swap3A_1809], %swap3A_1812 {strides = array<i32>} : memref<128x128xf32, #tpu.memory_space<vmem>>, vector<1x16xf32>,
        %slice3A_1813 = vector.extract_strided_slice %get3A_638 {offsets = [8], sizes = [1], strides = [1]} : vector<16xf32> to vector<1xf32>
        %squeeze3A_1814 = vector.extract %slice3A_1813[0] : f32 from vector<1xf32>
        %broadcast_in_dim3A_1815 = vector.broadcast %squeeze3A_1814 : f32 to vector<16xf32>
        %mul3A_1816 = arith.constant 16 : i32
        %mul3A_1817 = arith.muli %scan3A_631, %mul3A_1816 : i32
        %add3A_1818 = arith.constant 8 : i32
        %add3A_1819 = arith.addi %mul3A_1817, %add3A_1818 : i32
        %get3A_1820 = arith.index_cast %add3A_1819 : i32 to index
        %get3A_1821 = arith.constant 0 : index
        %get3A_1822 = tpu.vector_load %arg9[%get3A_1820, %get3A_1821] {strides = array<i32>} : memref<128x128xf32, #tpu.memory_space<vmem>>, vector<1x16xf32>,
        %get3A_1823 = vector.shape_cast %get3A_1822 : vector<1x16xf32> to vector<16xf32>
        %mul3A_1824 = arith.mulf %get3A_1823, %broadcast_in_dim3A_1815 : vector<16xf32>
        %mul3A_1825 = arith.constant 16 : i32
        %mul3A_1826 = arith.muli %scan3A_631, %mul3A_1825 : i32
        %add3A_1827 = arith.constant 8 : i32
        %add3A_1828 = arith.addi %mul3A_1826, %add3A_1827 : i32
        %swap3A_1829 = arith.index_cast %add3A_1828 : i32 to index
        %swap3A_1830 = arith.constant 0 : index
        %swap3A_1831 = tpu.vector_load %arg9[%swap3A_1829, %swap3A_1830] {strides = array<i32>} : memref<128x128xf32, #tpu.memory_space<vmem>>, vector<1x16xf32>,
        %swap3A_1832 = vector.shape_cast %swap3A_1831 : vector<1x16xf32> to vector<16xf32>
        %swap3A_1833 = vector.shape_cast %mul3A_1824 : vector<16xf32> to vector<1x16xf32>
        tpu.vector_store %arg9[%swap3A_1829, %swap3A_1830], %swap3A_1833 {strides = array<i32>} : memref<128x128xf32, #tpu.memory_space<vmem>>, vector<1x16xf32>,
        %mul3A_1834 = arith.constant 16 : i32
        %mul3A_1835 = arith.muli %scan3A_631, %mul3A_1834 : i32
        %add3A_1836 = arith.constant 8 : i32
        %add3A_1837 = arith.addi %mul3A_1835, %add3A_1836 : i32
        %get3A_1838 = arith.index_cast %add3A_1837 : i32 to index
        %get3A_1839 = arith.constant 16 : index
        %get3A_1840 = tpu.vector_load %arg9[%get3A_1838, %get3A_1839] {strides = array<i32>} : memref<128x128xf32, #tpu.memory_space<vmem>>, vector<1x16xf32>,
        %get3A_1841 = vector.shape_cast %get3A_1840 : vector<1x16xf32> to vector<16xf32>
        %mul3A_1842 = arith.mulf %get3A_1841, %broadcast_in_dim3A_1815 : vector<16xf32>
        %mul3A_1843 = arith.constant 16 : i32
        %mul3A_1844 = arith.muli %scan3A_631, %mul3A_1843 : i32
        %add3A_1845 = arith.constant 8 : i32
        %add3A_1846 = arith.addi %mul3A_1844, %add3A_1845 : i32
        %swap3A_1847 = arith.index_cast %add3A_1846 : i32 to index
        %swap3A_1848 = arith.constant 16 : index
        %swap3A_1849 = tpu.vector_load %arg9[%swap3A_1847, %swap3A_1848] {strides = array<i32>} : memref<128x128xf32, #tpu.memory_space<vmem>>, vector<1x16xf32>,
        %swap3A_1850 = vector.shape_cast %swap3A_1849 : vector<1x16xf32> to vector<16xf32>
        %swap3A_1851 = vector.shape_cast %mul3A_1842 : vector<16xf32> to vector<1x16xf32>
        tpu.vector_store %arg9[%swap3A_1847, %swap3A_1848], %swap3A_1851 {strides = array<i32>} : memref<128x128xf32, #tpu.memory_space<vmem>>, vector<1x16xf32>,
        %mul3A_1852 = arith.constant 16 : i32
        %mul3A_1853 = arith.muli %scan3A_631, %mul3A_1852 : i32
        %add3A_1854 = arith.constant 8 : i32
        %add3A_1855 = arith.addi %mul3A_1853, %add3A_1854 : i32
        %get3A_1856 = arith.index_cast %add3A_1855 : i32 to index
        %get3A_1857 = arith.constant 32 : index
        %get3A_1858 = tpu.vector_load %arg9[%get3A_1856, %get3A_1857] {strides = array<i32>} : memref<128x128xf32, #tpu.memory_space<vmem>>, vector<1x16xf32>,
        %get3A_1859 = vector.shape_cast %get3A_1858 : vector<1x16xf32> to vector<16xf32>
        %mul3A_1860 = arith.mulf %get3A_1859, %broadcast_in_dim3A_1815 : vector<16xf32>
        %mul3A_1861 = arith.constant 16 : i32
        %mul3A_1862 = arith.muli %scan3A_631, %mul3A_1861 : i32
        %add3A_1863 = arith.constant 8 : i32
        %add3A_1864 = arith.addi %mul3A_1862, %add3A_1863 : i32
        %swap3A_1865 = arith.index_cast %add3A_1864 : i32 to index
        %swap3A_1866 = arith.constant 32 : index
        %swap3A_1867 = tpu.vector_load %arg9[%swap3A_1865, %swap3A_1866] {strides = array<i32>} : memref<128x128xf32, #tpu.memory_space<vmem>>, vector<1x16xf32>,
        %swap3A_1868 = vector.shape_cast %swap3A_1867 : vector<1x16xf32> to vector<16xf32>
        %swap3A_1869 = vector.shape_cast %mul3A_1860 : vector<16xf32> to vector<1x16xf32>
        tpu.vector_store %arg9[%swap3A_1865, %swap3A_1866], %swap3A_1869 {strides = array<i32>} : memref<128x128xf32, #tpu.memory_space<vmem>>, vector<1x16xf32>,
        %mul3A_1870 = arith.constant 16 : i32
        %mul3A_1871 = arith.muli %scan3A_631, %mul3A_1870 : i32
        %add3A_1872 = arith.constant 8 : i32
        %add3A_1873 = arith.addi %mul3A_1871, %add3A_1872 : i32
        %get3A_1874 = arith.index_cast %add3A_1873 : i32 to index
        %get3A_1875 = arith.constant 48 : index
        %get3A_1876 = tpu.vector_load %arg9[%get3A_1874, %get3A_1875] {strides = array<i32>} : memref<128x128xf32, #tpu.memory_space<vmem>>, vector<1x16xf32>,
        %get3A_1877 = vector.shape_cast %get3A_1876 : vector<1x16xf32> to vector<16xf32>
        %mul3A_1878 = arith.mulf %get3A_1877, %broadcast_in_dim3A_1815 : vector<16xf32>
        %mul3A_1879 = arith.constant 16 : i32
        %mul3A_1880 = arith.muli %scan3A_631, %mul3A_1879 : i32
        %add3A_1881 = arith.constant 8 : i32
        %add3A_1882 = arith.addi %mul3A_1880, %add3A_1881 : i32
        %swap3A_1883 = arith.index_cast %add3A_1882 : i32 to index
        %swap3A_1884 = arith.constant 48 : index
        %swap3A_1885 = tpu.vector_load %arg9[%swap3A_1883, %swap3A_1884] {strides = array<i32>} : memref<128x128xf32, #tpu.memory_space<vmem>>, vector<1x16xf32>,
        %swap3A_1886 = vector.shape_cast %swap3A_1885 : vector<1x16xf32> to vector<16xf32>
        %swap3A_1887 = vector.shape_cast %mul3A_1878 : vector<16xf32> to vector<1x16xf32>
        tpu.vector_store %arg9[%swap3A_1883, %swap3A_1884], %swap3A_1887 {strides = array<i32>} : memref<128x128xf32, #tpu.memory_space<vmem>>, vector<1x16xf32>,
        %mul3A_1888 = arith.constant 16 : i32
        %mul3A_1889 = arith.muli %scan3A_631, %mul3A_1888 : i32
        %add3A_1890 = arith.constant 8 : i32
        %add3A_1891 = arith.addi %mul3A_1889, %add3A_1890 : i32
        %get3A_1892 = arith.index_cast %add3A_1891 : i32 to index
        %get3A_1893 = arith.constant 64 : index
        %get3A_1894 = tpu.vector_load %arg9[%get3A_1892, %get3A_1893] {strides = array<i32>} : memref<128x128xf32, #tpu.memory_space<vmem>>, vector<1x16xf32>,
        %get3A_1895 = vector.shape_cast %get3A_1894 : vector<1x16xf32> to vector<16xf32>
        %mul3A_1896 = arith.mulf %get3A_1895, %broadcast_in_dim3A_1815 : vector<16xf32>
        %mul3A_1897 = arith.constant 16 : i32
        %mul3A_1898 = arith.muli %scan3A_631, %mul3A_1897 : i32
        %add3A_1899 = arith.constant 8 : i32
        %add3A_1900 = arith.addi %mul3A_1898, %add3A_1899 : i32
        %swap3A_1901 = arith.index_cast %add3A_1900 : i32 to index
        %swap3A_1902 = arith.constant 64 : index
        %swap3A_1903 = tpu.vector_load %arg9[%swap3A_1901, %swap3A_1902] {strides = array<i32>} : memref<128x128xf32, #tpu.memory_space<vmem>>, vector<1x16xf32>,
        %swap3A_1904 = vector.shape_cast %swap3A_1903 : vector<1x16xf32> to vector<16xf32>
        %swap3A_1905 = vector.shape_cast %mul3A_1896 : vector<16xf32> to vector<1x16xf32>
        tpu.vector_store %arg9[%swap3A_1901, %swap3A_1902], %swap3A_1905 {strides = array<i32>} : memref<128x128xf32, #tpu.memory_space<vmem>>, vector<1x16xf32>,
        %mul3A_1906 = arith.constant 16 : i32
        %mul3A_1907 = arith.muli %scan3A_631, %mul3A_1906 : i32
        %add3A_1908 = arith.constant 8 : i32
        %add3A_1909 = arith.addi %mul3A_1907, %add3A_1908 : i32
        %get3A_1910 = arith.index_cast %add3A_1909 : i32 to index
        %get3A_1911 = arith.constant 80 : index
        %get3A_1912 = tpu.vector_load %arg9[%get3A_1910, %get3A_1911] {strides = array<i32>} : memref<128x128xf32, #tpu.memory_space<vmem>>, vector<1x16xf32>,
        %get3A_1913 = vector.shape_cast %get3A_1912 : vector<1x16xf32> to vector<16xf32>
        %mul3A_1914 = arith.mulf %get3A_1913, %broadcast_in_dim3A_1815 : vector<16xf32>
        %mul3A_1915 = arith.constant 16 : i32
        %mul3A_1916 = arith.muli %scan3A_631, %mul3A_1915 : i32
        %add3A_1917 = arith.constant 8 : i32
        %add3A_1918 = arith.addi %mul3A_1916, %add3A_1917 : i32
        %swap3A_1919 = arith.index_cast %add3A_1918 : i32 to index
        %swap3A_1920 = arith.constant 80 : index
        %swap3A_1921 = tpu.vector_load %arg9[%swap3A_1919, %swap3A_1920] {strides = array<i32>} : memref<128x128xf32, #tpu.memory_space<vmem>>, vector<1x16xf32>,
        %swap3A_1922 = vector.shape_cast %swap3A_1921 : vector<1x16xf32> to vector<16xf32>
        %swap3A_1923 = vector.shape_cast %mul3A_1914 : vector<16xf32> to vector<1x16xf32>
        tpu.vector_store %arg9[%swap3A_1919, %swap3A_1920], %swap3A_1923 {strides = array<i32>} : memref<128x128xf32, #tpu.memory_space<vmem>>, vector<1x16xf32>,
        %mul3A_1924 = arith.constant 16 : i32
        %mul3A_1925 = arith.muli %scan3A_631, %mul3A_1924 : i32
        %add3A_1926 = arith.constant 8 : i32
        %add3A_1927 = arith.addi %mul3A_1925, %add3A_1926 : i32
        %get3A_1928 = arith.index_cast %add3A_1927 : i32 to index
        %get3A_1929 = arith.constant 96 : index
        %get3A_1930 = tpu.vector_load %arg9[%get3A_1928, %get3A_1929] {strides = array<i32>} : memref<128x128xf32, #tpu.memory_space<vmem>>, vector<1x16xf32>,
        %get3A_1931 = vector.shape_cast %get3A_1930 : vector<1x16xf32> to vector<16xf32>
        %mul3A_1932 = arith.mulf %get3A_1931, %broadcast_in_dim3A_1815 : vector<16xf32>
        %mul3A_1933 = arith.constant 16 : i32
        %mul3A_1934 = arith.muli %scan3A_631, %mul3A_1933 : i32
        %add3A_1935 = arith.constant 8 : i32
        %add3A_1936 = arith.addi %mul3A_1934, %add3A_1935 : i32
        %swap3A_1937 = arith.index_cast %add3A_1936 : i32 to index
        %swap3A_1938 = arith.constant 96 : index
        %swap3A_1939 = tpu.vector_load %arg9[%swap3A_1937, %swap3A_1938] {strides = array<i32>} : memref<128x128xf32, #tpu.memory_space<vmem>>, vector<1x16xf32>,
        %swap3A_1940 = vector.shape_cast %swap3A_1939 : vector<1x16xf32> to vector<16xf32>
        %swap3A_1941 = vector.shape_cast %mul3A_1932 : vector<16xf32> to vector<1x16xf32>
        tpu.vector_store %arg9[%swap3A_1937, %swap3A_1938], %swap3A_1941 {strides = array<i32>} : memref<128x128xf32, #tpu.memory_space<vmem>>, vector<1x16xf32>,
        %mul3A_1942 = arith.constant 16 : i32
        %mul3A_1943 = arith.muli %scan3A_631, %mul3A_1942 : i32
        %add3A_1944 = arith.constant 8 : i32
        %add3A_1945 = arith.addi %mul3A_1943, %add3A_1944 : i32
        %get3A_1946 = arith.index_cast %add3A_1945 : i32 to index
        %get3A_1947 = arith.constant 112 : index
        %get3A_1948 = tpu.vector_load %arg9[%get3A_1946, %get3A_1947] {strides = array<i32>} : memref<128x128xf32, #tpu.memory_space<vmem>>, vector<1x16xf32>,
        %get3A_1949 = vector.shape_cast %get3A_1948 : vector<1x16xf32> to vector<16xf32>
        %mul3A_1950 = arith.mulf %get3A_1949, %broadcast_in_dim3A_1815 : vector<16xf32>
        %mul3A_1951 = arith.constant 16 : i32
        %mul3A_1952 = arith.muli %scan3A_631, %mul3A_1951 : i32
        %add3A_1953 = arith.constant 8 : i32
        %add3A_1954 = arith.addi %mul3A_1952, %add3A_1953 : i32
        %swap3A_1955 = arith.index_cast %add3A_1954 : i32 to index
        %swap3A_1956 = arith.constant 112 : index
        %swap3A_1957 = tpu.vector_load %arg9[%swap3A_1955, %swap3A_1956] {strides = array<i32>} : memref<128x128xf32, #tpu.memory_space<vmem>>, vector<1x16xf32>,
        %swap3A_1958 = vector.shape_cast %swap3A_1957 : vector<1x16xf32> to vector<16xf32>
        %swap3A_1959 = vector.shape_cast %mul3A_1950 : vector<16xf32> to vector<1x16xf32>
        tpu.vector_store %arg9[%swap3A_1955, %swap3A_1956], %swap3A_1959 {strides = array<i32>} : memref<128x128xf32, #tpu.memory_space<vmem>>, vector<1x16xf32>,
        %slice3A_1960 = vector.extract_strided_slice %get3A_638 {offsets = [9], sizes = [1], strides = [1]} : vector<16xf32> to vector<1xf32>
        %squeeze3A_1961 = vector.extract %slice3A_1960[0] : f32 from vector<1xf32>
        %broadcast_in_dim3A_1962 = vector.broadcast %squeeze3A_1961 : f32 to vector<16xf32>
        %mul3A_1963 = arith.constant 16 : i32
        %mul3A_1964 = arith.muli %scan3A_631, %mul3A_1963 : i32
        %add3A_1965 = arith.constant 9 : i32
        %add3A_1966 = arith.addi %mul3A_1964, %add3A_1965 : i32
        %get3A_1967 = arith.index_cast %add3A_1966 : i32 to index
        %get3A_1968 = arith.constant 0 : index
        %get3A_1969 = tpu.vector_load %arg9[%get3A_1967, %get3A_1968] {strides = array<i32>} : memref<128x128xf32, #tpu.memory_space<vmem>>, vector<1x16xf32>,
        %get3A_1970 = vector.shape_cast %get3A_1969 : vector<1x16xf32> to vector<16xf32>
        %mul3A_1971 = arith.mulf %get3A_1970, %broadcast_in_dim3A_1962 : vector<16xf32>
        %mul3A_1972 = arith.constant 16 : i32
        %mul3A_1973 = arith.muli %scan3A_631, %mul3A_1972 : i32
        %add3A_1974 = arith.constant 9 : i32
        %add3A_1975 = arith.addi %mul3A_1973, %add3A_1974 : i32
        %swap3A_1976 = arith.index_cast %add3A_1975 : i32 to index
        %swap3A_1977 = arith.constant 0 : index
        %swap3A_1978 = tpu.vector_load %arg9[%swap3A_1976, %swap3A_1977] {strides = array<i32>} : memref<128x128xf32, #tpu.memory_space<vmem>>, vector<1x16xf32>,
        %swap3A_1979 = vector.shape_cast %swap3A_1978 : vector<1x16xf32> to vector<16xf32>
        %swap3A_1980 = vector.shape_cast %mul3A_1971 : vector<16xf32> to vector<1x16xf32>
        tpu.vector_store %arg9[%swap3A_1976, %swap3A_1977], %swap3A_1980 {strides = array<i32>} : memref<128x128xf32, #tpu.memory_space<vmem>>, vector<1x16xf32>,
        %mul3A_1981 = arith.constant 16 : i32
        %mul3A_1982 = arith.muli %scan3A_631, %mul3A_1981 : i32
        %add3A_1983 = arith.constant 9 : i32
        %add3A_1984 = arith.addi %mul3A_1982, %add3A_1983 : i32
        %get3A_1985 = arith.index_cast %add3A_1984 : i32 to index
        %get3A_1986 = arith.constant 16 : index
        %get3A_1987 = tpu.vector_load %arg9[%get3A_1985, %get3A_1986] {strides = array<i32>} : memref<128x128xf32, #tpu.memory_space<vmem>>, vector<1x16xf32>,
        %get3A_1988 = vector.shape_cast %get3A_1987 : vector<1x16xf32> to vector<16xf32>
        %mul3A_1989 = arith.mulf %get3A_1988, %broadcast_in_dim3A_1962 : vector<16xf32>
        %mul3A_1990 = arith.constant 16 : i32
        %mul3A_1991 = arith.muli %scan3A_631, %mul3A_1990 : i32
        %add3A_1992 = arith.constant 9 : i32
        %add3A_1993 = arith.addi %mul3A_1991, %add3A_1992 : i32
        %swap3A_1994 = arith.index_cast %add3A_1993 : i32 to index
        %swap3A_1995 = arith.constant 16 : index
        %swap3A_1996 = tpu.vector_load %arg9[%swap3A_1994, %swap3A_1995] {strides = array<i32>} : memref<128x128xf32, #tpu.memory_space<vmem>>, vector<1x16xf32>,
        %swap3A_1997 = vector.shape_cast %swap3A_1996 : vector<1x16xf32> to vector<16xf32>
        %swap3A_1998 = vector.shape_cast %mul3A_1989 : vector<16xf32> to vector<1x16xf32>
        tpu.vector_store %arg9[%swap3A_1994, %swap3A_1995], %swap3A_1998 {strides = array<i32>} : memref<128x128xf32, #tpu.memory_space<vmem>>, vector<1x16xf32>,
        %mul3A_1999 = arith.constant 16 : i32
        %mul3A_2000 = arith.muli %scan3A_631, %mul3A_1999 : i32
        %add3A_2001 = arith.constant 9 : i32
        %add3A_2002 = arith.addi %mul3A_2000, %add3A_2001 : i32
        %get3A_2003 = arith.index_cast %add3A_2002 : i32 to index
        %get3A_2004 = arith.constant 32 : index
        %get3A_2005 = tpu.vector_load %arg9[%get3A_2003, %get3A_2004] {strides = array<i32>} : memref<128x128xf32, #tpu.memory_space<vmem>>, vector<1x16xf32>,
        %get3A_2006 = vector.shape_cast %get3A_2005 : vector<1x16xf32> to vector<16xf32>
        %mul3A_2007 = arith.mulf %get3A_2006, %broadcast_in_dim3A_1962 : vector<16xf32>
        %mul3A_2008 = arith.constant 16 : i32
        %mul3A_2009 = arith.muli %scan3A_631, %mul3A_2008 : i32
        %add3A_2010 = arith.constant 9 : i32
        %add3A_2011 = arith.addi %mul3A_2009, %add3A_2010 : i32
        %swap3A_2012 = arith.index_cast %add3A_2011 : i32 to index
        %swap3A_2013 = arith.constant 32 : index
        %swap3A_2014 = tpu.vector_load %arg9[%swap3A_2012, %swap3A_2013] {strides = array<i32>} : memref<128x128xf32, #tpu.memory_space<vmem>>, vector<1x16xf32>,
        %swap3A_2015 = vector.shape_cast %swap3A_2014 : vector<1x16xf32> to vector<16xf32>
        %swap3A_2016 = vector.shape_cast %mul3A_2007 : vector<16xf32> to vector<1x16xf32>
        tpu.vector_store %arg9[%swap3A_2012, %swap3A_2013], %swap3A_2016 {strides = array<i32>} : memref<128x128xf32, #tpu.memory_space<vmem>>, vector<1x16xf32>,
        %mul3A_2017 = arith.constant 16 : i32
        %mul3A_2018 = arith.muli %scan3A_631, %mul3A_2017 : i32
        %add3A_2019 = arith.constant 9 : i32
        %add3A_2020 = arith.addi %mul3A_2018, %add3A_2019 : i32
        %get3A_2021 = arith.index_cast %add3A_2020 : i32 to index
        %get3A_2022 = arith.constant 48 : index
        %get3A_2023 = tpu.vector_load %arg9[%get3A_2021, %get3A_2022] {strides = array<i32>} : memref<128x128xf32, #tpu.memory_space<vmem>>, vector<1x16xf32>,
        %get3A_2024 = vector.shape_cast %get3A_2023 : vector<1x16xf32> to vector<16xf32>
        %mul3A_2025 = arith.mulf %get3A_2024, %broadcast_in_dim3A_1962 : vector<16xf32>
        %mul3A_2026 = arith.constant 16 : i32
        %mul3A_2027 = arith.muli %scan3A_631, %mul3A_2026 : i32
        %add3A_2028 = arith.constant 9 : i32
        %add3A_2029 = arith.addi %mul3A_2027, %add3A_2028 : i32
        %swap3A_2030 = arith.index_cast %add3A_2029 : i32 to index
        %swap3A_2031 = arith.constant 48 : index
        %swap3A_2032 = tpu.vector_load %arg9[%swap3A_2030, %swap3A_2031] {strides = array<i32>} : memref<128x128xf32, #tpu.memory_space<vmem>>, vector<1x16xf32>,
        %swap3A_2033 = vector.shape_cast %swap3A_2032 : vector<1x16xf32> to vector<16xf32>
        %swap3A_2034 = vector.shape_cast %mul3A_2025 : vector<16xf32> to vector<1x16xf32>
        tpu.vector_store %arg9[%swap3A_2030, %swap3A_2031], %swap3A_2034 {strides = array<i32>} : memref<128x128xf32, #tpu.memory_space<vmem>>, vector<1x16xf32>,
        %mul3A_2035 = arith.constant 16 : i32
        %mul3A_2036 = arith.muli %scan3A_631, %mul3A_2035 : i32
        %add3A_2037 = arith.constant 9 : i32
        %add3A_2038 = arith.addi %mul3A_2036, %add3A_2037 : i32
        %get3A_2039 = arith.index_cast %add3A_2038 : i32 to index
        %get3A_2040 = arith.constant 64 : index
        %get3A_2041 = tpu.vector_load %arg9[%get3A_2039, %get3A_2040] {strides = array<i32>} : memref<128x128xf32, #tpu.memory_space<vmem>>, vector<1x16xf32>,
        %get3A_2042 = vector.shape_cast %get3A_2041 : vector<1x16xf32> to vector<16xf32>
        %mul3A_2043 = arith.mulf %get3A_2042, %broadcast_in_dim3A_1962 : vector<16xf32>
        %mul3A_2044 = arith.constant 16 : i32
        %mul3A_2045 = arith.muli %scan3A_631, %mul3A_2044 : i32
        %add3A_2046 = arith.constant 9 : i32
        %add3A_2047 = arith.addi %mul3A_2045, %add3A_2046 : i32
        %swap3A_2048 = arith.index_cast %add3A_2047 : i32 to index
        %swap3A_2049 = arith.constant 64 : index
        %swap3A_2050 = tpu.vector_load %arg9[%swap3A_2048, %swap3A_2049] {strides = array<i32>} : memref<128x128xf32, #tpu.memory_space<vmem>>, vector<1x16xf32>,
        %swap3A_2051 = vector.shape_cast %swap3A_2050 : vector<1x16xf32> to vector<16xf32>
        %swap3A_2052 = vector.shape_cast %mul3A_2043 : vector<16xf32> to vector<1x16xf32>
        tpu.vector_store %arg9[%swap3A_2048, %swap3A_2049], %swap3A_2052 {strides = array<i32>} : memref<128x128xf32, #tpu.memory_space<vmem>>, vector<1x16xf32>,
        %mul3A_2053 = arith.constant 16 : i32
        %mul3A_2054 = arith.muli %scan3A_631, %mul3A_2053 : i32
        %add3A_2055 = arith.constant 9 : i32
        %add3A_2056 = arith.addi %mul3A_2054, %add3A_2055 : i32
        %get3A_2057 = arith.index_cast %add3A_2056 : i32 to index
        %get3A_2058 = arith.constant 80 : index
        %get3A_2059 = tpu.vector_load %arg9[%get3A_2057, %get3A_2058] {strides = array<i32>} : memref<128x128xf32, #tpu.memory_space<vmem>>, vector<1x16xf32>,
        %get3A_2060 = vector.shape_cast %get3A_2059 : vector<1x16xf32> to vector<16xf32>
        %mul3A_2061 = arith.mulf %get3A_2060, %broadcast_in_dim3A_1962 : vector<16xf32>
        %mul3A_2062 = arith.constant 16 : i32
        %mul3A_2063 = arith.muli %scan3A_631, %mul3A_2062 : i32
        %add3A_2064 = arith.constant 9 : i32
        %add3A_2065 = arith.addi %mul3A_2063, %add3A_2064 : i32
        %swap3A_2066 = arith.index_cast %add3A_2065 : i32 to index
        %swap3A_2067 = arith.constant 80 : index
        %swap3A_2068 = tpu.vector_load %arg9[%swap3A_2066, %swap3A_2067] {strides = array<i32>} : memref<128x128xf32, #tpu.memory_space<vmem>>, vector<1x16xf32>,
        %swap3A_2069 = vector.shape_cast %swap3A_2068 : vector<1x16xf32> to vector<16xf32>
        %swap3A_2070 = vector.shape_cast %mul3A_2061 : vector<16xf32> to vector<1x16xf32>
        tpu.vector_store %arg9[%swap3A_2066, %swap3A_2067], %swap3A_2070 {strides = array<i32>} : memref<128x128xf32, #tpu.memory_space<vmem>>, vector<1x16xf32>,
        %mul3A_2071 = arith.constant 16 : i32
        %mul3A_2072 = arith.muli %scan3A_631, %mul3A_2071 : i32
        %add3A_2073 = arith.constant 9 : i32
        %add3A_2074 = arith.addi %mul3A_2072, %add3A_2073 : i32
        %get3A_2075 = arith.index_cast %add3A_2074 : i32 to index
        %get3A_2076 = arith.constant 96 : index
        %get3A_2077 = tpu.vector_load %arg9[%get3A_2075, %get3A_2076] {strides = array<i32>} : memref<128x128xf32, #tpu.memory_space<vmem>>, vector<1x16xf32>,
        %get3A_2078 = vector.shape_cast %get3A_2077 : vector<1x16xf32> to vector<16xf32>
        %mul3A_2079 = arith.mulf %get3A_2078, %broadcast_in_dim3A_1962 : vector<16xf32>
        %mul3A_2080 = arith.constant 16 : i32
        %mul3A_2081 = arith.muli %scan3A_631, %mul3A_2080 : i32
        %add3A_2082 = arith.constant 9 : i32
        %add3A_2083 = arith.addi %mul3A_2081, %add3A_2082 : i32
        %swap3A_2084 = arith.index_cast %add3A_2083 : i32 to index
        %swap3A_2085 = arith.constant 96 : index
        %swap3A_2086 = tpu.vector_load %arg9[%swap3A_2084, %swap3A_2085] {strides = array<i32>} : memref<128x128xf32, #tpu.memory_space<vmem>>, vector<1x16xf32>,
        %swap3A_2087 = vector.shape_cast %swap3A_2086 : vector<1x16xf32> to vector<16xf32>
        %swap3A_2088 = vector.shape_cast %mul3A_2079 : vector<16xf32> to vector<1x16xf32>
        tpu.vector_store %arg9[%swap3A_2084, %swap3A_2085], %swap3A_2088 {strides = array<i32>} : memref<128x128xf32, #tpu.memory_space<vmem>>, vector<1x16xf32>,
        %mul3A_2089 = arith.constant 16 : i32
        %mul3A_2090 = arith.muli %scan3A_631, %mul3A_2089 : i32
        %add3A_2091 = arith.constant 9 : i32
        %add3A_2092 = arith.addi %mul3A_2090, %add3A_2091 : i32
        %get3A_2093 = arith.index_cast %add3A_2092 : i32 to index
        %get3A_2094 = arith.constant 112 : index
        %get3A_2095 = tpu.vector_load %arg9[%get3A_2093, %get3A_2094] {strides = array<i32>} : memref<128x128xf32, #tpu.memory_space<vmem>>, vector<1x16xf32>,
        %get3A_2096 = vector.shape_cast %get3A_2095 : vector<1x16xf32> to vector<16xf32>
        %mul3A_2097 = arith.mulf %get3A_2096, %broadcast_in_dim3A_1962 : vector<16xf32>
        %mul3A_2098 = arith.constant 16 : i32
        %mul3A_2099 = arith.muli %scan3A_631, %mul3A_2098 : i32
        %add3A_2100 = arith.constant 9 : i32
        %add3A_2101 = arith.addi %mul3A_2099, %add3A_2100 : i32
        %swap3A_2102 = arith.index_cast %add3A_2101 : i32 to index
        %swap3A_2103 = arith.constant 112 : index
        %swap3A_2104 = tpu.vector_load %arg9[%swap3A_2102, %swap3A_2103] {strides = array<i32>} : memref<128x128xf32, #tpu.memory_space<vmem>>, vector<1x16xf32>,
        %swap3A_2105 = vector.shape_cast %swap3A_2104 : vector<1x16xf32> to vector<16xf32>
        %swap3A_2106 = vector.shape_cast %mul3A_2097 : vector<16xf32> to vector<1x16xf32>
        tpu.vector_store %arg9[%swap3A_2102, %swap3A_2103], %swap3A_2106 {strides = array<i32>} : memref<128x128xf32, #tpu.memory_space<vmem>>, vector<1x16xf32>,
        %slice3A_2107 = vector.extract_strided_slice %get3A_638 {offsets = [10], sizes = [1], strides = [1]} : vector<16xf32> to vector<1xf32>
        %squeeze3A_2108 = vector.extract %slice3A_2107[0] : f32 from vector<1xf32>
        %broadcast_in_dim3A_2109 = vector.broadcast %squeeze3A_2108 : f32 to vector<16xf32>
        %mul3A_2110 = arith.constant 16 : i32
        %mul3A_2111 = arith.muli %scan3A_631, %mul3A_2110 : i32
        %add3A_2112 = arith.constant 10 : i32
        %add3A_2113 = arith.addi %mul3A_2111, %add3A_2112 : i32
        %get3A_2114 = arith.index_cast %add3A_2113 : i32 to index
        %get3A_2115 = arith.constant 0 : index
        %get3A_2116 = tpu.vector_load %arg9[%get3A_2114, %get3A_2115] {strides = array<i32>} : memref<128x128xf32, #tpu.memory_space<vmem>>, vector<1x16xf32>,
        %get3A_2117 = vector.shape_cast %get3A_2116 : vector<1x16xf32> to vector<16xf32>
        %mul3A_2118 = arith.mulf %get3A_2117, %broadcast_in_dim3A_2109 : vector<16xf32>
        %mul3A_2119 = arith.constant 16 : i32
        %mul3A_2120 = arith.muli %scan3A_631, %mul3A_2119 : i32
        %add3A_2121 = arith.constant 10 : i32
        %add3A_2122 = arith.addi %mul3A_2120, %add3A_2121 : i32
        %swap3A_2123 = arith.index_cast %add3A_2122 : i32 to index
        %swap3A_2124 = arith.constant 0 : index
        %swap3A_2125 = tpu.vector_load %arg9[%swap3A_2123, %swap3A_2124] {strides = array<i32>} : memref<128x128xf32, #tpu.memory_space<vmem>>, vector<1x16xf32>,
        %swap3A_2126 = vector.shape_cast %swap3A_2125 : vector<1x16xf32> to vector<16xf32>
        %swap3A_2127 = vector.shape_cast %mul3A_2118 : vector<16xf32> to vector<1x16xf32>
        tpu.vector_store %arg9[%swap3A_2123, %swap3A_2124], %swap3A_2127 {strides = array<i32>} : memref<128x128xf32, #tpu.memory_space<vmem>>, vector<1x16xf32>,
        %mul3A_2128 = arith.constant 16 : i32
        %mul3A_2129 = arith.muli %scan3A_631, %mul3A_2128 : i32
        %add3A_2130 = arith.constant 10 : i32
        %add3A_2131 = arith.addi %mul3A_2129, %add3A_2130 : i32
        %get3A_2132 = arith.index_cast %add3A_2131 : i32 to index
        %get3A_2133 = arith.constant 16 : index
        %get3A_2134 = tpu.vector_load %arg9[%get3A_2132, %get3A_2133] {strides = array<i32>} : memref<128x128xf32, #tpu.memory_space<vmem>>, vector<1x16xf32>,
        %get3A_2135 = vector.shape_cast %get3A_2134 : vector<1x16xf32> to vector<16xf32>
        %mul3A_2136 = arith.mulf %get3A_2135, %broadcast_in_dim3A_2109 : vector<16xf32>
        %mul3A_2137 = arith.constant 16 : i32
        %mul3A_2138 = arith.muli %scan3A_631, %mul3A_2137 : i32
        %add3A_2139 = arith.constant 10 : i32
        %add3A_2140 = arith.addi %mul3A_2138, %add3A_2139 : i32
        %swap3A_2141 = arith.index_cast %add3A_2140 : i32 to index
        %swap3A_2142 = arith.constant 16 : index
        %swap3A_2143 = tpu.vector_load %arg9[%swap3A_2141, %swap3A_2142] {strides = array<i32>} : memref<128x128xf32, #tpu.memory_space<vmem>>, vector<1x16xf32>,
        %swap3A_2144 = vector.shape_cast %swap3A_2143 : vector<1x16xf32> to vector<16xf32>
        %swap3A_2145 = vector.shape_cast %mul3A_2136 : vector<16xf32> to vector<1x16xf32>
        tpu.vector_store %arg9[%swap3A_2141, %swap3A_2142], %swap3A_2145 {strides = array<i32>} : memref<128x128xf32, #tpu.memory_space<vmem>>, vector<1x16xf32>,
        %mul3A_2146 = arith.constant 16 : i32
        %mul3A_2147 = arith.muli %scan3A_631, %mul3A_2146 : i32
        %add3A_2148 = arith.constant 10 : i32
        %add3A_2149 = arith.addi %mul3A_2147, %add3A_2148 : i32
        %get3A_2150 = arith.index_cast %add3A_2149 : i32 to index
        %get3A_2151 = arith.constant 32 : index
        %get3A_2152 = tpu.vector_load %arg9[%get3A_2150, %get3A_2151] {strides = array<i32>} : memref<128x128xf32, #tpu.memory_space<vmem>>, vector<1x16xf32>,
        %get3A_2153 = vector.shape_cast %get3A_2152 : vector<1x16xf32> to vector<16xf32>
        %mul3A_2154 = arith.mulf %get3A_2153, %broadcast_in_dim3A_2109 : vector<16xf32>
        %mul3A_2155 = arith.constant 16 : i32
        %mul3A_2156 = arith.muli %scan3A_631, %mul3A_2155 : i32
        %add3A_2157 = arith.constant 10 : i32
        %add3A_2158 = arith.addi %mul3A_2156, %add3A_2157 : i32
        %swap3A_2159 = arith.index_cast %add3A_2158 : i32 to index
        %swap3A_2160 = arith.constant 32 : index
        %swap3A_2161 = tpu.vector_load %arg9[%swap3A_2159, %swap3A_2160] {strides = array<i32>} : memref<128x128xf32, #tpu.memory_space<vmem>>, vector<1x16xf32>,
        %swap3A_2162 = vector.shape_cast %swap3A_2161 : vector<1x16xf32> to vector<16xf32>
        %swap3A_2163 = vector.shape_cast %mul3A_2154 : vector<16xf32> to vector<1x16xf32>
        tpu.vector_store %arg9[%swap3A_2159, %swap3A_2160], %swap3A_2163 {strides = array<i32>} : memref<128x128xf32, #tpu.memory_space<vmem>>, vector<1x16xf32>,
        %mul3A_2164 = arith.constant 16 : i32
        %mul3A_2165 = arith.muli %scan3A_631, %mul3A_2164 : i32
        %add3A_2166 = arith.constant 10 : i32
        %add3A_2167 = arith.addi %mul3A_2165, %add3A_2166 : i32
        %get3A_2168 = arith.index_cast %add3A_2167 : i32 to index
        %get3A_2169 = arith.constant 48 : index
        %get3A_2170 = tpu.vector_load %arg9[%get3A_2168, %get3A_2169] {strides = array<i32>} : memref<128x128xf32, #tpu.memory_space<vmem>>, vector<1x16xf32>,
        %get3A_2171 = vector.shape_cast %get3A_2170 : vector<1x16xf32> to vector<16xf32>
        %mul3A_2172 = arith.mulf %get3A_2171, %broadcast_in_dim3A_2109 : vector<16xf32>
        %mul3A_2173 = arith.constant 16 : i32
        %mul3A_2174 = arith.muli %scan3A_631, %mul3A_2173 : i32
        %add3A_2175 = arith.constant 10 : i32
        %add3A_2176 = arith.addi %mul3A_2174, %add3A_2175 : i32
        %swap3A_2177 = arith.index_cast %add3A_2176 : i32 to index
        %swap3A_2178 = arith.constant 48 : index
        %swap3A_2179 = tpu.vector_load %arg9[%swap3A_2177, %swap3A_2178] {strides = array<i32>} : memref<128x128xf32, #tpu.memory_space<vmem>>, vector<1x16xf32>,
        %swap3A_2180 = vector.shape_cast %swap3A_2179 : vector<1x16xf32> to vector<16xf32>
        %swap3A_2181 = vector.shape_cast %mul3A_2172 : vector<16xf32> to vector<1x16xf32>
        tpu.vector_store %arg9[%swap3A_2177, %swap3A_2178], %swap3A_2181 {strides = array<i32>} : memref<128x128xf32, #tpu.memory_space<vmem>>, vector<1x16xf32>,
        %mul3A_2182 = arith.constant 16 : i32
        %mul3A_2183 = arith.muli %scan3A_631, %mul3A_2182 : i32
        %add3A_2184 = arith.constant 10 : i32
        %add3A_2185 = arith.addi %mul3A_2183, %add3A_2184 : i32
        %get3A_2186 = arith.index_cast %add3A_2185 : i32 to index
        %get3A_2187 = arith.constant 64 : index
        %get3A_2188 = tpu.vector_load %arg9[%get3A_2186, %get3A_2187] {strides = array<i32>} : memref<128x128xf32, #tpu.memory_space<vmem>>, vector<1x16xf32>,
        %get3A_2189 = vector.shape_cast %get3A_2188 : vector<1x16xf32> to vector<16xf32>
        %mul3A_2190 = arith.mulf %get3A_2189, %broadcast_in_dim3A_2109 : vector<16xf32>
        %mul3A_2191 = arith.constant 16 : i32
        %mul3A_2192 = arith.muli %scan3A_631, %mul3A_2191 : i32
        %add3A_2193 = arith.constant 10 : i32
        %add3A_2194 = arith.addi %mul3A_2192, %add3A_2193 : i32
        %swap3A_2195 = arith.index_cast %add3A_2194 : i32 to index
        %swap3A_2196 = arith.constant 64 : index
        %swap3A_2197 = tpu.vector_load %arg9[%swap3A_2195, %swap3A_2196] {strides = array<i32>} : memref<128x128xf32, #tpu.memory_space<vmem>>, vector<1x16xf32>,
        %swap3A_2198 = vector.shape_cast %swap3A_2197 : vector<1x16xf32> to vector<16xf32>
        %swap3A_2199 = vector.shape_cast %mul3A_2190 : vector<16xf32> to vector<1x16xf32>
        tpu.vector_store %arg9[%swap3A_2195, %swap3A_2196], %swap3A_2199 {strides = array<i32>} : memref<128x128xf32, #tpu.memory_space<vmem>>, vector<1x16xf32>,
        %mul3A_2200 = arith.constant 16 : i32
        %mul3A_2201 = arith.muli %scan3A_631, %mul3A_2200 : i32
        %add3A_2202 = arith.constant 10 : i32
        %add3A_2203 = arith.addi %mul3A_2201, %add3A_2202 : i32
        %get3A_2204 = arith.index_cast %add3A_2203 : i32 to index
        %get3A_2205 = arith.constant 80 : index
        %get3A_2206 = tpu.vector_load %arg9[%get3A_2204, %get3A_2205] {strides = array<i32>} : memref<128x128xf32, #tpu.memory_space<vmem>>, vector<1x16xf32>,
        %get3A_2207 = vector.shape_cast %get3A_2206 : vector<1x16xf32> to vector<16xf32>
        %mul3A_2208 = arith.mulf %get3A_2207, %broadcast_in_dim3A_2109 : vector<16xf32>
        %mul3A_2209 = arith.constant 16 : i32
        %mul3A_2210 = arith.muli %scan3A_631, %mul3A_2209 : i32
        %add3A_2211 = arith.constant 10 : i32
        %add3A_2212 = arith.addi %mul3A_2210, %add3A_2211 : i32
        %swap3A_2213 = arith.index_cast %add3A_2212 : i32 to index
        %swap3A_2214 = arith.constant 80 : index
        %swap3A_2215 = tpu.vector_load %arg9[%swap3A_2213, %swap3A_2214] {strides = array<i32>} : memref<128x128xf32, #tpu.memory_space<vmem>>, vector<1x16xf32>,
        %swap3A_2216 = vector.shape_cast %swap3A_2215 : vector<1x16xf32> to vector<16xf32>
        %swap3A_2217 = vector.shape_cast %mul3A_2208 : vector<16xf32> to vector<1x16xf32>
        tpu.vector_store %arg9[%swap3A_2213, %swap3A_2214], %swap3A_2217 {strides = array<i32>} : memref<128x128xf32, #tpu.memory_space<vmem>>, vector<1x16xf32>,
        %mul3A_2218 = arith.constant 16 : i32
        %mul3A_2219 = arith.muli %scan3A_631, %mul3A_2218 : i32
        %add3A_2220 = arith.constant 10 : i32
        %add3A_2221 = arith.addi %mul3A_2219, %add3A_2220 : i32
        %get3A_2222 = arith.index_cast %add3A_2221 : i32 to index
        %get3A_2223 = arith.constant 96 : index
        %get3A_2224 = tpu.vector_load %arg9[%get3A_2222, %get3A_2223] {strides = array<i32>} : memref<128x128xf32, #tpu.memory_space<vmem>>, vector<1x16xf32>,
        %get3A_2225 = vector.shape_cast %get3A_2224 : vector<1x16xf32> to vector<16xf32>
        %mul3A_2226 = arith.mulf %get3A_2225, %broadcast_in_dim3A_2109 : vector<16xf32>
        %mul3A_2227 = arith.constant 16 : i32
        %mul3A_2228 = arith.muli %scan3A_631, %mul3A_2227 : i32
        %add3A_2229 = arith.constant 10 : i32
        %add3A_2230 = arith.addi %mul3A_2228, %add3A_2229 : i32
        %swap3A_2231 = arith.index_cast %add3A_2230 : i32 to index
        %swap3A_2232 = arith.constant 96 : index
        %swap3A_2233 = tpu.vector_load %arg9[%swap3A_2231, %swap3A_2232] {strides = array<i32>} : memref<128x128xf32, #tpu.memory_space<vmem>>, vector<1x16xf32>,
        %swap3A_2234 = vector.shape_cast %swap3A_2233 : vector<1x16xf32> to vector<16xf32>
        %swap3A_2235 = vector.shape_cast %mul3A_2226 : vector<16xf32> to vector<1x16xf32>
        tpu.vector_store %arg9[%swap3A_2231, %swap3A_2232], %swap3A_2235 {strides = array<i32>} : memref<128x128xf32, #tpu.memory_space<vmem>>, vector<1x16xf32>,
        %mul3A_2236 = arith.constant 16 : i32
        %mul3A_2237 = arith.muli %scan3A_631, %mul3A_2236 : i32
        %add3A_2238 = arith.constant 10 : i32
        %add3A_2239 = arith.addi %mul3A_2237, %add3A_2238 : i32
        %get3A_2240 = arith.index_cast %add3A_2239 : i32 to index
        %get3A_2241 = arith.constant 112 : index
        %get3A_2242 = tpu.vector_load %arg9[%get3A_2240, %get3A_2241] {strides = array<i32>} : memref<128x128xf32, #tpu.memory_space<vmem>>, vector<1x16xf32>,
        %get3A_2243 = vector.shape_cast %get3A_2242 : vector<1x16xf32> to vector<16xf32>
        %mul3A_2244 = arith.mulf %get3A_2243, %broadcast_in_dim3A_2109 : vector<16xf32>
        %mul3A_2245 = arith.constant 16 : i32
        %mul3A_2246 = arith.muli %scan3A_631, %mul3A_2245 : i32
        %add3A_2247 = arith.constant 10 : i32
        %add3A_2248 = arith.addi %mul3A_2246, %add3A_2247 : i32
        %swap3A_2249 = arith.index_cast %add3A_2248 : i32 to index
        %swap3A_2250 = arith.constant 112 : index
        %swap3A_2251 = tpu.vector_load %arg9[%swap3A_2249, %swap3A_2250] {strides = array<i32>} : memref<128x128xf32, #tpu.memory_space<vmem>>, vector<1x16xf32>,
        %swap3A_2252 = vector.shape_cast %swap3A_2251 : vector<1x16xf32> to vector<16xf32>
        %swap3A_2253 = vector.shape_cast %mul3A_2244 : vector<16xf32> to vector<1x16xf32>
        tpu.vector_store %arg9[%swap3A_2249, %swap3A_2250], %swap3A_2253 {strides = array<i32>} : memref<128x128xf32, #tpu.memory_space<vmem>>, vector<1x16xf32>,
        %slice3A_2254 = vector.extract_strided_slice %get3A_638 {offsets = [11], sizes = [1], strides = [1]} : vector<16xf32> to vector<1xf32>
        %squeeze3A_2255 = vector.extract %slice3A_2254[0] : f32 from vector<1xf32>
        %broadcast_in_dim3A_2256 = vector.broadcast %squeeze3A_2255 : f32 to vector<16xf32>
        %mul3A_2257 = arith.constant 16 : i32
        %mul3A_2258 = arith.muli %scan3A_631, %mul3A_2257 : i32
        %add3A_2259 = arith.constant 11 : i32
        %add3A_2260 = arith.addi %mul3A_2258, %add3A_2259 : i32
        %get3A_2261 = arith.index_cast %add3A_2260 : i32 to index
        %get3A_2262 = arith.constant 0 : index
        %get3A_2263 = tpu.vector_load %arg9[%get3A_2261, %get3A_2262] {strides = array<i32>} : memref<128x128xf32, #tpu.memory_space<vmem>>, vector<1x16xf32>,
        %get3A_2264 = vector.shape_cast %get3A_2263 : vector<1x16xf32> to vector<16xf32>
        %mul3A_2265 = arith.mulf %get3A_2264, %broadcast_in_dim3A_2256 : vector<16xf32>
        %mul3A_2266 = arith.constant 16 : i32
        %mul3A_2267 = arith.muli %scan3A_631, %mul3A_2266 : i32
        %add3A_2268 = arith.constant 11 : i32
        %add3A_2269 = arith.addi %mul3A_2267, %add3A_2268 : i32
        %swap3A_2270 = arith.index_cast %add3A_2269 : i32 to index
        %swap3A_2271 = arith.constant 0 : index
        %swap3A_2272 = tpu.vector_load %arg9[%swap3A_2270, %swap3A_2271] {strides = array<i32>} : memref<128x128xf32, #tpu.memory_space<vmem>>, vector<1x16xf32>,
        %swap3A_2273 = vector.shape_cast %swap3A_2272 : vector<1x16xf32> to vector<16xf32>
        %swap3A_2274 = vector.shape_cast %mul3A_2265 : vector<16xf32> to vector<1x16xf32>
        tpu.vector_store %arg9[%swap3A_2270, %swap3A_2271], %swap3A_2274 {strides = array<i32>} : memref<128x128xf32, #tpu.memory_space<vmem>>, vector<1x16xf32>,
        %mul3A_2275 = arith.constant 16 : i32
        %mul3A_2276 = arith.muli %scan3A_631, %mul3A_2275 : i32
        %add3A_2277 = arith.constant 11 : i32
        %add3A_2278 = arith.addi %mul3A_2276, %add3A_2277 : i32
        %get3A_2279 = arith.index_cast %add3A_2278 : i32 to index
        %get3A_2280 = arith.constant 16 : index
        %get3A_2281 = tpu.vector_load %arg9[%get3A_2279, %get3A_2280] {strides = array<i32>} : memref<128x128xf32, #tpu.memory_space<vmem>>, vector<1x16xf32>,
        %get3A_2282 = vector.shape_cast %get3A_2281 : vector<1x16xf32> to vector<16xf32>
        %mul3A_2283 = arith.mulf %get3A_2282, %broadcast_in_dim3A_2256 : vector<16xf32>
        %mul3A_2284 = arith.constant 16 : i32
        %mul3A_2285 = arith.muli %scan3A_631, %mul3A_2284 : i32
        %add3A_2286 = arith.constant 11 : i32
        %add3A_2287 = arith.addi %mul3A_2285, %add3A_2286 : i32
        %swap3A_2288 = arith.index_cast %add3A_2287 : i32 to index
        %swap3A_2289 = arith.constant 16 : index
        %swap3A_2290 = tpu.vector_load %arg9[%swap3A_2288, %swap3A_2289] {strides = array<i32>} : memref<128x128xf32, #tpu.memory_space<vmem>>, vector<1x16xf32>,
        %swap3A_2291 = vector.shape_cast %swap3A_2290 : vector<1x16xf32> to vector<16xf32>
        %swap3A_2292 = vector.shape_cast %mul3A_2283 : vector<16xf32> to vector<1x16xf32>
        tpu.vector_store %arg9[%swap3A_2288, %swap3A_2289], %swap3A_2292 {strides = array<i32>} : memref<128x128xf32, #tpu.memory_space<vmem>>, vector<1x16xf32>,
        %mul3A_2293 = arith.constant 16 : i32
        %mul3A_2294 = arith.muli %scan3A_631, %mul3A_2293 : i32
        %add3A_2295 = arith.constant 11 : i32
        %add3A_2296 = arith.addi %mul3A_2294, %add3A_2295 : i32
        %get3A_2297 = arith.index_cast %add3A_2296 : i32 to index
        %get3A_2298 = arith.constant 32 : index
        %get3A_2299 = tpu.vector_load %arg9[%get3A_2297, %get3A_2298] {strides = array<i32>} : memref<128x128xf32, #tpu.memory_space<vmem>>, vector<1x16xf32>,
        %get3A_2300 = vector.shape_cast %get3A_2299 : vector<1x16xf32> to vector<16xf32>
        %mul3A_2301 = arith.mulf %get3A_2300, %broadcast_in_dim3A_2256 : vector<16xf32>
        %mul3A_2302 = arith.constant 16 : i32
        %mul3A_2303 = arith.muli %scan3A_631, %mul3A_2302 : i32
        %add3A_2304 = arith.constant 11 : i32
        %add3A_2305 = arith.addi %mul3A_2303, %add3A_2304 : i32
        %swap3A_2306 = arith.index_cast %add3A_2305 : i32 to index
        %swap3A_2307 = arith.constant 32 : index
        %swap3A_2308 = tpu.vector_load %arg9[%swap3A_2306, %swap3A_2307] {strides = array<i32>} : memref<128x128xf32, #tpu.memory_space<vmem>>, vector<1x16xf32>,
        %swap3A_2309 = vector.shape_cast %swap3A_2308 : vector<1x16xf32> to vector<16xf32>
        %swap3A_2310 = vector.shape_cast %mul3A_2301 : vector<16xf32> to vector<1x16xf32>
        tpu.vector_store %arg9[%swap3A_2306, %swap3A_2307], %swap3A_2310 {strides = array<i32>} : memref<128x128xf32, #tpu.memory_space<vmem>>, vector<1x16xf32>,
        %mul3A_2311 = arith.constant 16 : i32
        %mul3A_2312 = arith.muli %scan3A_631, %mul3A_2311 : i32
        %add3A_2313 = arith.constant 11 : i32
        %add3A_2314 = arith.addi %mul3A_2312, %add3A_2313 : i32
        %get3A_2315 = arith.index_cast %add3A_2314 : i32 to index
        %get3A_2316 = arith.constant 48 : index
        %get3A_2317 = tpu.vector_load %arg9[%get3A_2315, %get3A_2316] {strides = array<i32>} : memref<128x128xf32, #tpu.memory_space<vmem>>, vector<1x16xf32>,
        %get3A_2318 = vector.shape_cast %get3A_2317 : vector<1x16xf32> to vector<16xf32>
        %mul3A_2319 = arith.mulf %get3A_2318, %broadcast_in_dim3A_2256 : vector<16xf32>
        %mul3A_2320 = arith.constant 16 : i32
        %mul3A_2321 = arith.muli %scan3A_631, %mul3A_2320 : i32
        %add3A_2322 = arith.constant 11 : i32
        %add3A_2323 = arith.addi %mul3A_2321, %add3A_2322 : i32
        %swap3A_2324 = arith.index_cast %add3A_2323 : i32 to index
        %swap3A_2325 = arith.constant 48 : index
        %swap3A_2326 = tpu.vector_load %arg9[%swap3A_2324, %swap3A_2325] {strides = array<i32>} : memref<128x128xf32, #tpu.memory_space<vmem>>, vector<1x16xf32>,
        %swap3A_2327 = vector.shape_cast %swap3A_2326 : vector<1x16xf32> to vector<16xf32>
        %swap3A_2328 = vector.shape_cast %mul3A_2319 : vector<16xf32> to vector<1x16xf32>
        tpu.vector_store %arg9[%swap3A_2324, %swap3A_2325], %swap3A_2328 {strides = array<i32>} : memref<128x128xf32, #tpu.memory_space<vmem>>, vector<1x16xf32>,
        %mul3A_2329 = arith.constant 16 : i32
        %mul3A_2330 = arith.muli %scan3A_631, %mul3A_2329 : i32
        %add3A_2331 = arith.constant 11 : i32
        %add3A_2332 = arith.addi %mul3A_2330, %add3A_2331 : i32
        %get3A_2333 = arith.index_cast %add3A_2332 : i32 to index
        %get3A_2334 = arith.constant 64 : index
        %get3A_2335 = tpu.vector_load %arg9[%get3A_2333, %get3A_2334] {strides = array<i32>} : memref<128x128xf32, #tpu.memory_space<vmem>>, vector<1x16xf32>,
        %get3A_2336 = vector.shape_cast %get3A_2335 : vector<1x16xf32> to vector<16xf32>
        %mul3A_2337 = arith.mulf %get3A_2336, %broadcast_in_dim3A_2256 : vector<16xf32>
        %mul3A_2338 = arith.constant 16 : i32
        %mul3A_2339 = arith.muli %scan3A_631, %mul3A_2338 : i32
        %add3A_2340 = arith.constant 11 : i32
        %add3A_2341 = arith.addi %mul3A_2339, %add3A_2340 : i32
        %swap3A_2342 = arith.index_cast %add3A_2341 : i32 to index
        %swap3A_2343 = arith.constant 64 : index
        %swap3A_2344 = tpu.vector_load %arg9[%swap3A_2342, %swap3A_2343] {strides = array<i32>} : memref<128x128xf32, #tpu.memory_space<vmem>>, vector<1x16xf32>,
        %swap3A_2345 = vector.shape_cast %swap3A_2344 : vector<1x16xf32> to vector<16xf32>
        %swap3A_2346 = vector.shape_cast %mul3A_2337 : vector<16xf32> to vector<1x16xf32>
        tpu.vector_store %arg9[%swap3A_2342, %swap3A_2343], %swap3A_2346 {strides = array<i32>} : memref<128x128xf32, #tpu.memory_space<vmem>>, vector<1x16xf32>,
        %mul3A_2347 = arith.constant 16 : i32
        %mul3A_2348 = arith.muli %scan3A_631, %mul3A_2347 : i32
        %add3A_2349 = arith.constant 11 : i32
        %add3A_2350 = arith.addi %mul3A_2348, %add3A_2349 : i32
        %get3A_2351 = arith.index_cast %add3A_2350 : i32 to index
        %get3A_2352 = arith.constant 80 : index
        %get3A_2353 = tpu.vector_load %arg9[%get3A_2351, %get3A_2352] {strides = array<i32>} : memref<128x128xf32, #tpu.memory_space<vmem>>, vector<1x16xf32>,
        %get3A_2354 = vector.shape_cast %get3A_2353 : vector<1x16xf32> to vector<16xf32>
        %mul3A_2355 = arith.mulf %get3A_2354, %broadcast_in_dim3A_2256 : vector<16xf32>
        %mul3A_2356 = arith.constant 16 : i32
        %mul3A_2357 = arith.muli %scan3A_631, %mul3A_2356 : i32
        %add3A_2358 = arith.constant 11 : i32
        %add3A_2359 = arith.addi %mul3A_2357, %add3A_2358 : i32
        %swap3A_2360 = arith.index_cast %add3A_2359 : i32 to index
        %swap3A_2361 = arith.constant 80 : index
        %swap3A_2362 = tpu.vector_load %arg9[%swap3A_2360, %swap3A_2361] {strides = array<i32>} : memref<128x128xf32, #tpu.memory_space<vmem>>, vector<1x16xf32>,
        %swap3A_2363 = vector.shape_cast %swap3A_2362 : vector<1x16xf32> to vector<16xf32>
        %swap3A_2364 = vector.shape_cast %mul3A_2355 : vector<16xf32> to vector<1x16xf32>
        tpu.vector_store %arg9[%swap3A_2360, %swap3A_2361], %swap3A_2364 {strides = array<i32>} : memref<128x128xf32, #tpu.memory_space<vmem>>, vector<1x16xf32>,
        %mul3A_2365 = arith.constant 16 : i32
        %mul3A_2366 = arith.muli %scan3A_631, %mul3A_2365 : i32
        %add3A_2367 = arith.constant 11 : i32
        %add3A_2368 = arith.addi %mul3A_2366, %add3A_2367 : i32
        %get3A_2369 = arith.index_cast %add3A_2368 : i32 to index
        %get3A_2370 = arith.constant 96 : index
        %get3A_2371 = tpu.vector_load %arg9[%get3A_2369, %get3A_2370] {strides = array<i32>} : memref<128x128xf32, #tpu.memory_space<vmem>>, vector<1x16xf32>,
        %get3A_2372 = vector.shape_cast %get3A_2371 : vector<1x16xf32> to vector<16xf32>
        %mul3A_2373 = arith.mulf %get3A_2372, %broadcast_in_dim3A_2256 : vector<16xf32>
        %mul3A_2374 = arith.constant 16 : i32
        %mul3A_2375 = arith.muli %scan3A_631, %mul3A_2374 : i32
        %add3A_2376 = arith.constant 11 : i32
        %add3A_2377 = arith.addi %mul3A_2375, %add3A_2376 : i32
        %swap3A_2378 = arith.index_cast %add3A_2377 : i32 to index
        %swap3A_2379 = arith.constant 96 : index
        %swap3A_2380 = tpu.vector_load %arg9[%swap3A_2378, %swap3A_2379] {strides = array<i32>} : memref<128x128xf32, #tpu.memory_space<vmem>>, vector<1x16xf32>,
        %swap3A_2381 = vector.shape_cast %swap3A_2380 : vector<1x16xf32> to vector<16xf32>
        %swap3A_2382 = vector.shape_cast %mul3A_2373 : vector<16xf32> to vector<1x16xf32>
        tpu.vector_store %arg9[%swap3A_2378, %swap3A_2379], %swap3A_2382 {strides = array<i32>} : memref<128x128xf32, #tpu.memory_space<vmem>>, vector<1x16xf32>,
        %mul3A_2383 = arith.constant 16 : i32
        %mul3A_2384 = arith.muli %scan3A_631, %mul3A_2383 : i32
        %add3A_2385 = arith.constant 11 : i32
        %add3A_2386 = arith.addi %mul3A_2384, %add3A_2385 : i32
        %get3A_2387 = arith.index_cast %add3A_2386 : i32 to index
        %get3A_2388 = arith.constant 112 : index
        %get3A_2389 = tpu.vector_load %arg9[%get3A_2387, %get3A_2388] {strides = array<i32>} : memref<128x128xf32, #tpu.memory_space<vmem>>, vector<1x16xf32>,
        %get3A_2390 = vector.shape_cast %get3A_2389 : vector<1x16xf32> to vector<16xf32>
        %mul3A_2391 = arith.mulf %get3A_2390, %broadcast_in_dim3A_2256 : vector<16xf32>
        %mul3A_2392 = arith.constant 16 : i32
        %mul3A_2393 = arith.muli %scan3A_631, %mul3A_2392 : i32
        %add3A_2394 = arith.constant 11 : i32
        %add3A_2395 = arith.addi %mul3A_2393, %add3A_2394 : i32
        %swap3A_2396 = arith.index_cast %add3A_2395 : i32 to index
        %swap3A_2397 = arith.constant 112 : index
        %swap3A_2398 = tpu.vector_load %arg9[%swap3A_2396, %swap3A_2397] {strides = array<i32>} : memref<128x128xf32, #tpu.memory_space<vmem>>, vector<1x16xf32>,
        %swap3A_2399 = vector.shape_cast %swap3A_2398 : vector<1x16xf32> to vector<16xf32>
        %swap3A_2400 = vector.shape_cast %mul3A_2391 : vector<16xf32> to vector<1x16xf32>
        tpu.vector_store %arg9[%swap3A_2396, %swap3A_2397], %swap3A_2400 {strides = array<i32>} : memref<128x128xf32, #tpu.memory_space<vmem>>, vector<1x16xf32>,
        %slice3A_2401 = vector.extract_strided_slice %get3A_638 {offsets = [12], sizes = [1], strides = [1]} : vector<16xf32> to vector<1xf32>
        %squeeze3A_2402 = vector.extract %slice3A_2401[0] : f32 from vector<1xf32>
        %broadcast_in_dim3A_2403 = vector.broadcast %squeeze3A_2402 : f32 to vector<16xf32>
        %mul3A_2404 = arith.constant 16 : i32
        %mul3A_2405 = arith.muli %scan3A_631, %mul3A_2404 : i32
        %add3A_2406 = arith.constant 12 : i32
        %add3A_2407 = arith.addi %mul3A_2405, %add3A_2406 : i32
        %get3A_2408 = arith.index_cast %add3A_2407 : i32 to index
        %get3A_2409 = arith.constant 0 : index
        %get3A_2410 = tpu.vector_load %arg9[%get3A_2408, %get3A_2409] {strides = array<i32>} : memref<128x128xf32, #tpu.memory_space<vmem>>, vector<1x16xf32>,
        %get3A_2411 = vector.shape_cast %get3A_2410 : vector<1x16xf32> to vector<16xf32>
        %mul3A_2412 = arith.mulf %get3A_2411, %broadcast_in_dim3A_2403 : vector<16xf32>
        %mul3A_2413 = arith.constant 16 : i32
        %mul3A_2414 = arith.muli %scan3A_631, %mul3A_2413 : i32
        %add3A_2415 = arith.constant 12 : i32
        %add3A_2416 = arith.addi %mul3A_2414, %add3A_2415 : i32
        %swap3A_2417 = arith.index_cast %add3A_2416 : i32 to index
        %swap3A_2418 = arith.constant 0 : index
        %swap3A_2419 = tpu.vector_load %arg9[%swap3A_2417, %swap3A_2418] {strides = array<i32>} : memref<128x128xf32, #tpu.memory_space<vmem>>, vector<1x16xf32>,
        %swap3A_2420 = vector.shape_cast %swap3A_2419 : vector<1x16xf32> to vector<16xf32>
        %swap3A_2421 = vector.shape_cast %mul3A_2412 : vector<16xf32> to vector<1x16xf32>
        tpu.vector_store %arg9[%swap3A_2417, %swap3A_2418], %swap3A_2421 {strides = array<i32>} : memref<128x128xf32, #tpu.memory_space<vmem>>, vector<1x16xf32>,
        %mul3A_2422 = arith.constant 16 : i32
        %mul3A_2423 = arith.muli %scan3A_631, %mul3A_2422 : i32
        %add3A_2424 = arith.constant 12 : i32
        %add3A_2425 = arith.addi %mul3A_2423, %add3A_2424 : i32
        %get3A_2426 = arith.index_cast %add3A_2425 : i32 to index
        %get3A_2427 = arith.constant 16 : index
        %get3A_2428 = tpu.vector_load %arg9[%get3A_2426, %get3A_2427] {strides = array<i32>} : memref<128x128xf32, #tpu.memory_space<vmem>>, vector<1x16xf32>,
        %get3A_2429 = vector.shape_cast %get3A_2428 : vector<1x16xf32> to vector<16xf32>
        %mul3A_2430 = arith.mulf %get3A_2429, %broadcast_in_dim3A_2403 : vector<16xf32>
        %mul3A_2431 = arith.constant 16 : i32
        %mul3A_2432 = arith.muli %scan3A_631, %mul3A_2431 : i32
        %add3A_2433 = arith.constant 12 : i32
        %add3A_2434 = arith.addi %mul3A_2432, %add3A_2433 : i32
        %swap3A_2435 = arith.index_cast %add3A_2434 : i32 to index
        %swap3A_2436 = arith.constant 16 : index
        %swap3A_2437 = tpu.vector_load %arg9[%swap3A_2435, %swap3A_2436] {strides = array<i32>} : memref<128x128xf32, #tpu.memory_space<vmem>>, vector<1x16xf32>,
        %swap3A_2438 = vector.shape_cast %swap3A_2437 : vector<1x16xf32> to vector<16xf32>
        %swap3A_2439 = vector.shape_cast %mul3A_2430 : vector<16xf32> to vector<1x16xf32>
        tpu.vector_store %arg9[%swap3A_2435, %swap3A_2436], %swap3A_2439 {strides = array<i32>} : memref<128x128xf32, #tpu.memory_space<vmem>>, vector<1x16xf32>,
        %mul3A_2440 = arith.constant 16 : i32
        %mul3A_2441 = arith.muli %scan3A_631, %mul3A_2440 : i32
        %add3A_2442 = arith.constant 12 : i32
        %add3A_2443 = arith.addi %mul3A_2441, %add3A_2442 : i32
        %get3A_2444 = arith.index_cast %add3A_2443 : i32 to index
        %get3A_2445 = arith.constant 32 : index
        %get3A_2446 = tpu.vector_load %arg9[%get3A_2444, %get3A_2445] {strides = array<i32>} : memref<128x128xf32, #tpu.memory_space<vmem>>, vector<1x16xf32>,
        %get3A_2447 = vector.shape_cast %get3A_2446 : vector<1x16xf32> to vector<16xf32>
        %mul3A_2448 = arith.mulf %get3A_2447, %broadcast_in_dim3A_2403 : vector<16xf32>
        %mul3A_2449 = arith.constant 16 : i32
        %mul3A_2450 = arith.muli %scan3A_631, %mul3A_2449 : i32
        %add3A_2451 = arith.constant 12 : i32
        %add3A_2452 = arith.addi %mul3A_2450, %add3A_2451 : i32
        %swap3A_2453 = arith.index_cast %add3A_2452 : i32 to index
        %swap3A_2454 = arith.constant 32 : index
        %swap3A_2455 = tpu.vector_load %arg9[%swap3A_2453, %swap3A_2454] {strides = array<i32>} : memref<128x128xf32, #tpu.memory_space<vmem>>, vector<1x16xf32>,
        %swap3A_2456 = vector.shape_cast %swap3A_2455 : vector<1x16xf32> to vector<16xf32>
        %swap3A_2457 = vector.shape_cast %mul3A_2448 : vector<16xf32> to vector<1x16xf32>
        tpu.vector_store %arg9[%swap3A_2453, %swap3A_2454], %swap3A_2457 {strides = array<i32>} : memref<128x128xf32, #tpu.memory_space<vmem>>, vector<1x16xf32>,
        %mul3A_2458 = arith.constant 16 : i32
        %mul3A_2459 = arith.muli %scan3A_631, %mul3A_2458 : i32
        %add3A_2460 = arith.constant 12 : i32
        %add3A_2461 = arith.addi %mul3A_2459, %add3A_2460 : i32
        %get3A_2462 = arith.index_cast %add3A_2461 : i32 to index
        %get3A_2463 = arith.constant 48 : index
        %get3A_2464 = tpu.vector_load %arg9[%get3A_2462, %get3A_2463] {strides = array<i32>} : memref<128x128xf32, #tpu.memory_space<vmem>>, vector<1x16xf32>,
        %get3A_2465 = vector.shape_cast %get3A_2464 : vector<1x16xf32> to vector<16xf32>
        %mul3A_2466 = arith.mulf %get3A_2465, %broadcast_in_dim3A_2403 : vector<16xf32>
        %mul3A_2467 = arith.constant 16 : i32
        %mul3A_2468 = arith.muli %scan3A_631, %mul3A_2467 : i32
        %add3A_2469 = arith.constant 12 : i32
        %add3A_2470 = arith.addi %mul3A_2468, %add3A_2469 : i32
        %swap3A_2471 = arith.index_cast %add3A_2470 : i32 to index
        %swap3A_2472 = arith.constant 48 : index
        %swap3A_2473 = tpu.vector_load %arg9[%swap3A_2471, %swap3A_2472] {strides = array<i32>} : memref<128x128xf32, #tpu.memory_space<vmem>>, vector<1x16xf32>,
        %swap3A_2474 = vector.shape_cast %swap3A_2473 : vector<1x16xf32> to vector<16xf32>
        %swap3A_2475 = vector.shape_cast %mul3A_2466 : vector<16xf32> to vector<1x16xf32>
        tpu.vector_store %arg9[%swap3A_2471, %swap3A_2472], %swap3A_2475 {strides = array<i32>} : memref<128x128xf32, #tpu.memory_space<vmem>>, vector<1x16xf32>,
        %mul3A_2476 = arith.constant 16 : i32
        %mul3A_2477 = arith.muli %scan3A_631, %mul3A_2476 : i32
        %add3A_2478 = arith.constant 12 : i32
        %add3A_2479 = arith.addi %mul3A_2477, %add3A_2478 : i32
        %get3A_2480 = arith.index_cast %add3A_2479 : i32 to index
        %get3A_2481 = arith.constant 64 : index
        %get3A_2482 = tpu.vector_load %arg9[%get3A_2480, %get3A_2481] {strides = array<i32>} : memref<128x128xf32, #tpu.memory_space<vmem>>, vector<1x16xf32>,
        %get3A_2483 = vector.shape_cast %get3A_2482 : vector<1x16xf32> to vector<16xf32>
        %mul3A_2484 = arith.mulf %get3A_2483, %broadcast_in_dim3A_2403 : vector<16xf32>
        %mul3A_2485 = arith.constant 16 : i32
        %mul3A_2486 = arith.muli %scan3A_631, %mul3A_2485 : i32
        %add3A_2487 = arith.constant 12 : i32
        %add3A_2488 = arith.addi %mul3A_2486, %add3A_2487 : i32
        %swap3A_2489 = arith.index_cast %add3A_2488 : i32 to index
        %swap3A_2490 = arith.constant 64 : index
        %swap3A_2491 = tpu.vector_load %arg9[%swap3A_2489, %swap3A_2490] {strides = array<i32>} : memref<128x128xf32, #tpu.memory_space<vmem>>, vector<1x16xf32>,
        %swap3A_2492 = vector.shape_cast %swap3A_2491 : vector<1x16xf32> to vector<16xf32>
        %swap3A_2493 = vector.shape_cast %mul3A_2484 : vector<16xf32> to vector<1x16xf32>
        tpu.vector_store %arg9[%swap3A_2489, %swap3A_2490], %swap3A_2493 {strides = array<i32>} : memref<128x128xf32, #tpu.memory_space<vmem>>, vector<1x16xf32>,
        %mul3A_2494 = arith.constant 16 : i32
        %mul3A_2495 = arith.muli %scan3A_631, %mul3A_2494 : i32
        %add3A_2496 = arith.constant 12 : i32
        %add3A_2497 = arith.addi %mul3A_2495, %add3A_2496 : i32
        %get3A_2498 = arith.index_cast %add3A_2497 : i32 to index
        %get3A_2499 = arith.constant 80 : index
        %get3A_2500 = tpu.vector_load %arg9[%get3A_2498, %get3A_2499] {strides = array<i32>} : memref<128x128xf32, #tpu.memory_space<vmem>>, vector<1x16xf32>,
        %get3A_2501 = vector.shape_cast %get3A_2500 : vector<1x16xf32> to vector<16xf32>
        %mul3A_2502 = arith.mulf %get3A_2501, %broadcast_in_dim3A_2403 : vector<16xf32>
        %mul3A_2503 = arith.constant 16 : i32
        %mul3A_2504 = arith.muli %scan3A_631, %mul3A_2503 : i32
        %add3A_2505 = arith.constant 12 : i32
        %add3A_2506 = arith.addi %mul3A_2504, %add3A_2505 : i32
        %swap3A_2507 = arith.index_cast %add3A_2506 : i32 to index
        %swap3A_2508 = arith.constant 80 : index
        %swap3A_2509 = tpu.vector_load %arg9[%swap3A_2507, %swap3A_2508] {strides = array<i32>} : memref<128x128xf32, #tpu.memory_space<vmem>>, vector<1x16xf32>,
        %swap3A_2510 = vector.shape_cast %swap3A_2509 : vector<1x16xf32> to vector<16xf32>
        %swap3A_2511 = vector.shape_cast %mul3A_2502 : vector<16xf32> to vector<1x16xf32>
        tpu.vector_store %arg9[%swap3A_2507, %swap3A_2508], %swap3A_2511 {strides = array<i32>} : memref<128x128xf32, #tpu.memory_space<vmem>>, vector<1x16xf32>,
        %mul3A_2512 = arith.constant 16 : i32
        %mul3A_2513 = arith.muli %scan3A_631, %mul3A_2512 : i32
        %add3A_2514 = arith.constant 12 : i32
        %add3A_2515 = arith.addi %mul3A_2513, %add3A_2514 : i32
        %get3A_2516 = arith.index_cast %add3A_2515 : i32 to index
        %get3A_2517 = arith.constant 96 : index
        %get3A_2518 = tpu.vector_load %arg9[%get3A_2516, %get3A_2517] {strides = array<i32>} : memref<128x128xf32, #tpu.memory_space<vmem>>, vector<1x16xf32>,
        %get3A_2519 = vector.shape_cast %get3A_2518 : vector<1x16xf32> to vector<16xf32>
        %mul3A_2520 = arith.mulf %get3A_2519, %broadcast_in_dim3A_2403 : vector<16xf32>
        %mul3A_2521 = arith.constant 16 : i32
        %mul3A_2522 = arith.muli %scan3A_631, %mul3A_2521 : i32
        %add3A_2523 = arith.constant 12 : i32
        %add3A_2524 = arith.addi %mul3A_2522, %add3A_2523 : i32
        %swap3A_2525 = arith.index_cast %add3A_2524 : i32 to index
        %swap3A_2526 = arith.constant 96 : index
        %swap3A_2527 = tpu.vector_load %arg9[%swap3A_2525, %swap3A_2526] {strides = array<i32>} : memref<128x128xf32, #tpu.memory_space<vmem>>, vector<1x16xf32>,
        %swap3A_2528 = vector.shape_cast %swap3A_2527 : vector<1x16xf32> to vector<16xf32>
        %swap3A_2529 = vector.shape_cast %mul3A_2520 : vector<16xf32> to vector<1x16xf32>
        tpu.vector_store %arg9[%swap3A_2525, %swap3A_2526], %swap3A_2529 {strides = array<i32>} : memref<128x128xf32, #tpu.memory_space<vmem>>, vector<1x16xf32>,
        %mul3A_2530 = arith.constant 16 : i32
        %mul3A_2531 = arith.muli %scan3A_631, %mul3A_2530 : i32
        %add3A_2532 = arith.constant 12 : i32
        %add3A_2533 = arith.addi %mul3A_2531, %add3A_2532 : i32
        %get3A_2534 = arith.index_cast %add3A_2533 : i32 to index
        %get3A_2535 = arith.constant 112 : index
        %get3A_2536 = tpu.vector_load %arg9[%get3A_2534, %get3A_2535] {strides = array<i32>} : memref<128x128xf32, #tpu.memory_space<vmem>>, vector<1x16xf32>,
        %get3A_2537 = vector.shape_cast %get3A_2536 : vector<1x16xf32> to vector<16xf32>
        %mul3A_2538 = arith.mulf %get3A_2537, %broadcast_in_dim3A_2403 : vector<16xf32>
        %mul3A_2539 = arith.constant 16 : i32
        %mul3A_2540 = arith.muli %scan3A_631, %mul3A_2539 : i32
        %add3A_2541 = arith.constant 12 : i32
        %add3A_2542 = arith.addi %mul3A_2540, %add3A_2541 : i32
        %swap3A_2543 = arith.index_cast %add3A_2542 : i32 to index
        %swap3A_2544 = arith.constant 112 : index
        %swap3A_2545 = tpu.vector_load %arg9[%swap3A_2543, %swap3A_2544] {strides = array<i32>} : memref<128x128xf32, #tpu.memory_space<vmem>>, vector<1x16xf32>,
        %swap3A_2546 = vector.shape_cast %swap3A_2545 : vector<1x16xf32> to vector<16xf32>
        %swap3A_2547 = vector.shape_cast %mul3A_2538 : vector<16xf32> to vector<1x16xf32>
        tpu.vector_store %arg9[%swap3A_2543, %swap3A_2544], %swap3A_2547 {strides = array<i32>} : memref<128x128xf32, #tpu.memory_space<vmem>>, vector<1x16xf32>,
        %slice3A_2548 = vector.extract_strided_slice %get3A_638 {offsets = [13], sizes = [1], strides = [1]} : vector<16xf32> to vector<1xf32>
        %squeeze3A_2549 = vector.extract %slice3A_2548[0] : f32 from vector<1xf32>
        %broadcast_in_dim3A_2550 = vector.broadcast %squeeze3A_2549 : f32 to vector<16xf32>
        %mul3A_2551 = arith.constant 16 : i32
        %mul3A_2552 = arith.muli %scan3A_631, %mul3A_2551 : i32
        %add3A_2553 = arith.constant 13 : i32
        %add3A_2554 = arith.addi %mul3A_2552, %add3A_2553 : i32
        %get3A_2555 = arith.index_cast %add3A_2554 : i32 to index
        %get3A_2556 = arith.constant 0 : index
        %get3A_2557 = tpu.vector_load %arg9[%get3A_2555, %get3A_2556] {strides = array<i32>} : memref<128x128xf32, #tpu.memory_space<vmem>>, vector<1x16xf32>,
        %get3A_2558 = vector.shape_cast %get3A_2557 : vector<1x16xf32> to vector<16xf32>
        %mul3A_2559 = arith.mulf %get3A_2558, %broadcast_in_dim3A_2550 : vector<16xf32>
        %mul3A_2560 = arith.constant 16 : i32
        %mul3A_2561 = arith.muli %scan3A_631, %mul3A_2560 : i32
        %add3A_2562 = arith.constant 13 : i32
        %add3A_2563 = arith.addi %mul3A_2561, %add3A_2562 : i32
        %swap3A_2564 = arith.index_cast %add3A_2563 : i32 to index
        %swap3A_2565 = arith.constant 0 : index
        %swap3A_2566 = tpu.vector_load %arg9[%swap3A_2564, %swap3A_2565] {strides = array<i32>} : memref<128x128xf32, #tpu.memory_space<vmem>>, vector<1x16xf32>,
        %swap3A_2567 = vector.shape_cast %swap3A_2566 : vector<1x16xf32> to vector<16xf32>
        %swap3A_2568 = vector.shape_cast %mul3A_2559 : vector<16xf32> to vector<1x16xf32>
        tpu.vector_store %arg9[%swap3A_2564, %swap3A_2565], %swap3A_2568 {strides = array<i32>} : memref<128x128xf32, #tpu.memory_space<vmem>>, vector<1x16xf32>,
        %mul3A_2569 = arith.constant 16 : i32
        %mul3A_2570 = arith.muli %scan3A_631, %mul3A_2569 : i32
        %add3A_2571 = arith.constant 13 : i32
        %add3A_2572 = arith.addi %mul3A_2570, %add3A_2571 : i32
        %get3A_2573 = arith.index_cast %add3A_2572 : i32 to index
        %get3A_2574 = arith.constant 16 : index
        %get3A_2575 = tpu.vector_load %arg9[%get3A_2573, %get3A_2574] {strides = array<i32>} : memref<128x128xf32, #tpu.memory_space<vmem>>, vector<1x16xf32>,
        %get3A_2576 = vector.shape_cast %get3A_2575 : vector<1x16xf32> to vector<16xf32>
        %mul3A_2577 = arith.mulf %get3A_2576, %broadcast_in_dim3A_2550 : vector<16xf32>
        %mul3A_2578 = arith.constant 16 : i32
        %mul3A_2579 = arith.muli %scan3A_631, %mul3A_2578 : i32
        %add3A_2580 = arith.constant 13 : i32
        %add3A_2581 = arith.addi %mul3A_2579, %add3A_2580 : i32
        %swap3A_2582 = arith.index_cast %add3A_2581 : i32 to index
        %swap3A_2583 = arith.constant 16 : index
        %swap3A_2584 = tpu.vector_load %arg9[%swap3A_2582, %swap3A_2583] {strides = array<i32>} : memref<128x128xf32, #tpu.memory_space<vmem>>, vector<1x16xf32>,
        %swap3A_2585 = vector.shape_cast %swap3A_2584 : vector<1x16xf32> to vector<16xf32>
        %swap3A_2586 = vector.shape_cast %mul3A_2577 : vector<16xf32> to vector<1x16xf32>
        tpu.vector_store %arg9[%swap3A_2582, %swap3A_2583], %swap3A_2586 {strides = array<i32>} : memref<128x128xf32, #tpu.memory_space<vmem>>, vector<1x16xf32>,
        %mul3A_2587 = arith.constant 16 : i32
        %mul3A_2588 = arith.muli %scan3A_631, %mul3A_2587 : i32
        %add3A_2589 = arith.constant 13 : i32
        %add3A_2590 = arith.addi %mul3A_2588, %add3A_2589 : i32
        %get3A_2591 = arith.index_cast %add3A_2590 : i32 to index
        %get3A_2592 = arith.constant 32 : index
        %get3A_2593 = tpu.vector_load %arg9[%get3A_2591, %get3A_2592] {strides = array<i32>} : memref<128x128xf32, #tpu.memory_space<vmem>>, vector<1x16xf32>,
        %get3A_2594 = vector.shape_cast %get3A_2593 : vector<1x16xf32> to vector<16xf32>
        %mul3A_2595 = arith.mulf %get3A_2594, %broadcast_in_dim3A_2550 : vector<16xf32>
        %mul3A_2596 = arith.constant 16 : i32
        %mul3A_2597 = arith.muli %scan3A_631, %mul3A_2596 : i32
        %add3A_2598 = arith.constant 13 : i32
        %add3A_2599 = arith.addi %mul3A_2597, %add3A_2598 : i32
        %swap3A_2600 = arith.index_cast %add3A_2599 : i32 to index
        %swap3A_2601 = arith.constant 32 : index
        %swap3A_2602 = tpu.vector_load %arg9[%swap3A_2600, %swap3A_2601] {strides = array<i32>} : memref<128x128xf32, #tpu.memory_space<vmem>>, vector<1x16xf32>,
        %swap3A_2603 = vector.shape_cast %swap3A_2602 : vector<1x16xf32> to vector<16xf32>
        %swap3A_2604 = vector.shape_cast %mul3A_2595 : vector<16xf32> to vector<1x16xf32>
        tpu.vector_store %arg9[%swap3A_2600, %swap3A_2601], %swap3A_2604 {strides = array<i32>} : memref<128x128xf32, #tpu.memory_space<vmem>>, vector<1x16xf32>,
        %mul3A_2605 = arith.constant 16 : i32
        %mul3A_2606 = arith.muli %scan3A_631, %mul3A_2605 : i32
        %add3A_2607 = arith.constant 13 : i32
        %add3A_2608 = arith.addi %mul3A_2606, %add3A_2607 : i32
        %get3A_2609 = arith.index_cast %add3A_2608 : i32 to index
        %get3A_2610 = arith.constant 48 : index
        %get3A_2611 = tpu.vector_load %arg9[%get3A_2609, %get3A_2610] {strides = array<i32>} : memref<128x128xf32, #tpu.memory_space<vmem>>, vector<1x16xf32>,
        %get3A_2612 = vector.shape_cast %get3A_2611 : vector<1x16xf32> to vector<16xf32>
        %mul3A_2613 = arith.mulf %get3A_2612, %broadcast_in_dim3A_2550 : vector<16xf32>
        %mul3A_2614 = arith.constant 16 : i32
        %mul3A_2615 = arith.muli %scan3A_631, %mul3A_2614 : i32
        %add3A_2616 = arith.constant 13 : i32
        %add3A_2617 = arith.addi %mul3A_2615, %add3A_2616 : i32
        %swap3A_2618 = arith.index_cast %add3A_2617 : i32 to index
        %swap3A_2619 = arith.constant 48 : index
        %swap3A_2620 = tpu.vector_load %arg9[%swap3A_2618, %swap3A_2619] {strides = array<i32>} : memref<128x128xf32, #tpu.memory_space<vmem>>, vector<1x16xf32>,
        %swap3A_2621 = vector.shape_cast %swap3A_2620 : vector<1x16xf32> to vector<16xf32>
        %swap3A_2622 = vector.shape_cast %mul3A_2613 : vector<16xf32> to vector<1x16xf32>
        tpu.vector_store %arg9[%swap3A_2618, %swap3A_2619], %swap3A_2622 {strides = array<i32>} : memref<128x128xf32, #tpu.memory_space<vmem>>, vector<1x16xf32>,
        %mul3A_2623 = arith.constant 16 : i32
        %mul3A_2624 = arith.muli %scan3A_631, %mul3A_2623 : i32
        %add3A_2625 = arith.constant 13 : i32
        %add3A_2626 = arith.addi %mul3A_2624, %add3A_2625 : i32
        %get3A_2627 = arith.index_cast %add3A_2626 : i32 to index
        %get3A_2628 = arith.constant 64 : index
        %get3A_2629 = tpu.vector_load %arg9[%get3A_2627, %get3A_2628] {strides = array<i32>} : memref<128x128xf32, #tpu.memory_space<vmem>>, vector<1x16xf32>,
        %get3A_2630 = vector.shape_cast %get3A_2629 : vector<1x16xf32> to vector<16xf32>
        %mul3A_2631 = arith.mulf %get3A_2630, %broadcast_in_dim3A_2550 : vector<16xf32>
        %mul3A_2632 = arith.constant 16 : i32
        %mul3A_2633 = arith.muli %scan3A_631, %mul3A_2632 : i32
        %add3A_2634 = arith.constant 13 : i32
        %add3A_2635 = arith.addi %mul3A_2633, %add3A_2634 : i32
        %swap3A_2636 = arith.index_cast %add3A_2635 : i32 to index
        %swap3A_2637 = arith.constant 64 : index
        %swap3A_2638 = tpu.vector_load %arg9[%swap3A_2636, %swap3A_2637] {strides = array<i32>} : memref<128x128xf32, #tpu.memory_space<vmem>>, vector<1x16xf32>,
        %swap3A_2639 = vector.shape_cast %swap3A_2638 : vector<1x16xf32> to vector<16xf32>
        %swap3A_2640 = vector.shape_cast %mul3A_2631 : vector<16xf32> to vector<1x16xf32>
        tpu.vector_store %arg9[%swap3A_2636, %swap3A_2637], %swap3A_2640 {strides = array<i32>} : memref<128x128xf32, #tpu.memory_space<vmem>>, vector<1x16xf32>,
        %mul3A_2641 = arith.constant 16 : i32
        %mul3A_2642 = arith.muli %scan3A_631, %mul3A_2641 : i32
        %add3A_2643 = arith.constant 13 : i32
        %add3A_2644 = arith.addi %mul3A_2642, %add3A_2643 : i32
        %get3A_2645 = arith.index_cast %add3A_2644 : i32 to index
        %get3A_2646 = arith.constant 80 : index
        %get3A_2647 = tpu.vector_load %arg9[%get3A_2645, %get3A_2646] {strides = array<i32>} : memref<128x128xf32, #tpu.memory_space<vmem>>, vector<1x16xf32>,
        %get3A_2648 = vector.shape_cast %get3A_2647 : vector<1x16xf32> to vector<16xf32>
        %mul3A_2649 = arith.mulf %get3A_2648, %broadcast_in_dim3A_2550 : vector<16xf32>
        %mul3A_2650 = arith.constant 16 : i32
        %mul3A_2651 = arith.muli %scan3A_631, %mul3A_2650 : i32
        %add3A_2652 = arith.constant 13 : i32
        %add3A_2653 = arith.addi %mul3A_2651, %add3A_2652 : i32
        %swap3A_2654 = arith.index_cast %add3A_2653 : i32 to index
        %swap3A_2655 = arith.constant 80 : index
        %swap3A_2656 = tpu.vector_load %arg9[%swap3A_2654, %swap3A_2655] {strides = array<i32>} : memref<128x128xf32, #tpu.memory_space<vmem>>, vector<1x16xf32>,
        %swap3A_2657 = vector.shape_cast %swap3A_2656 : vector<1x16xf32> to vector<16xf32>
        %swap3A_2658 = vector.shape_cast %mul3A_2649 : vector<16xf32> to vector<1x16xf32>
        tpu.vector_store %arg9[%swap3A_2654, %swap3A_2655], %swap3A_2658 {strides = array<i32>} : memref<128x128xf32, #tpu.memory_space<vmem>>, vector<1x16xf32>,
        %mul3A_2659 = arith.constant 16 : i32
        %mul3A_2660 = arith.muli %scan3A_631, %mul3A_2659 : i32
        %add3A_2661 = arith.constant 13 : i32
        %add3A_2662 = arith.addi %mul3A_2660, %add3A_2661 : i32
        %get3A_2663 = arith.index_cast %add3A_2662 : i32 to index
        %get3A_2664 = arith.constant 96 : index
        %get3A_2665 = tpu.vector_load %arg9[%get3A_2663, %get3A_2664] {strides = array<i32>} : memref<128x128xf32, #tpu.memory_space<vmem>>, vector<1x16xf32>,
        %get3A_2666 = vector.shape_cast %get3A_2665 : vector<1x16xf32> to vector<16xf32>
        %mul3A_2667 = arith.mulf %get3A_2666, %broadcast_in_dim3A_2550 : vector<16xf32>
        %mul3A_2668 = arith.constant 16 : i32
        %mul3A_2669 = arith.muli %scan3A_631, %mul3A_2668 : i32
        %add3A_2670 = arith.constant 13 : i32
        %add3A_2671 = arith.addi %mul3A_2669, %add3A_2670 : i32
        %swap3A_2672 = arith.index_cast %add3A_2671 : i32 to index
        %swap3A_2673 = arith.constant 96 : index
        %swap3A_2674 = tpu.vector_load %arg9[%swap3A_2672, %swap3A_2673] {strides = array<i32>} : memref<128x128xf32, #tpu.memory_space<vmem>>, vector<1x16xf32>,
        %swap3A_2675 = vector.shape_cast %swap3A_2674 : vector<1x16xf32> to vector<16xf32>
        %swap3A_2676 = vector.shape_cast %mul3A_2667 : vector<16xf32> to vector<1x16xf32>
        tpu.vector_store %arg9[%swap3A_2672, %swap3A_2673], %swap3A_2676 {strides = array<i32>} : memref<128x128xf32, #tpu.memory_space<vmem>>, vector<1x16xf32>,
        %mul3A_2677 = arith.constant 16 : i32
        %mul3A_2678 = arith.muli %scan3A_631, %mul3A_2677 : i32
        %add3A_2679 = arith.constant 13 : i32
        %add3A_2680 = arith.addi %mul3A_2678, %add3A_2679 : i32
        %get3A_2681 = arith.index_cast %add3A_2680 : i32 to index
        %get3A_2682 = arith.constant 112 : index
        %get3A_2683 = tpu.vector_load %arg9[%get3A_2681, %get3A_2682] {strides = array<i32>} : memref<128x128xf32, #tpu.memory_space<vmem>>, vector<1x16xf32>,
        %get3A_2684 = vector.shape_cast %get3A_2683 : vector<1x16xf32> to vector<16xf32>
        %mul3A_2685 = arith.mulf %get3A_2684, %broadcast_in_dim3A_2550 : vector<16xf32>
        %mul3A_2686 = arith.constant 16 : i32
        %mul3A_2687 = arith.muli %scan3A_631, %mul3A_2686 : i32
        %add3A_2688 = arith.constant 13 : i32
        %add3A_2689 = arith.addi %mul3A_2687, %add3A_2688 : i32
        %swap3A_2690 = arith.index_cast %add3A_2689 : i32 to index
        %swap3A_2691 = arith.constant 112 : index
        %swap3A_2692 = tpu.vector_load %arg9[%swap3A_2690, %swap3A_2691] {strides = array<i32>} : memref<128x128xf32, #tpu.memory_space<vmem>>, vector<1x16xf32>,
        %swap3A_2693 = vector.shape_cast %swap3A_2692 : vector<1x16xf32> to vector<16xf32>
        %swap3A_2694 = vector.shape_cast %mul3A_2685 : vector<16xf32> to vector<1x16xf32>
        tpu.vector_store %arg9[%swap3A_2690, %swap3A_2691], %swap3A_2694 {strides = array<i32>} : memref<128x128xf32, #tpu.memory_space<vmem>>, vector<1x16xf32>,
        %slice3A_2695 = vector.extract_strided_slice %get3A_638 {offsets = [14], sizes = [1], strides = [1]} : vector<16xf32> to vector<1xf32>
        %squeeze3A_2696 = vector.extract %slice3A_2695[0] : f32 from vector<1xf32>
        %broadcast_in_dim3A_2697 = vector.broadcast %squeeze3A_2696 : f32 to vector<16xf32>
        %mul3A_2698 = arith.constant 16 : i32
        %mul3A_2699 = arith.muli %scan3A_631, %mul3A_2698 : i32
        %add3A_2700 = arith.constant 14 : i32
        %add3A_2701 = arith.addi %mul3A_2699, %add3A_2700 : i32
        %get3A_2702 = arith.index_cast %add3A_2701 : i32 to index
        %get3A_2703 = arith.constant 0 : index
        %get3A_2704 = tpu.vector_load %arg9[%get3A_2702, %get3A_2703] {strides = array<i32>} : memref<128x128xf32, #tpu.memory_space<vmem>>, vector<1x16xf32>,
        %get3A_2705 = vector.shape_cast %get3A_2704 : vector<1x16xf32> to vector<16xf32>
        %mul3A_2706 = arith.mulf %get3A_2705, %broadcast_in_dim3A_2697 : vector<16xf32>
        %mul3A_2707 = arith.constant 16 : i32
        %mul3A_2708 = arith.muli %scan3A_631, %mul3A_2707 : i32
        %add3A_2709 = arith.constant 14 : i32
        %add3A_2710 = arith.addi %mul3A_2708, %add3A_2709 : i32
        %swap3A_2711 = arith.index_cast %add3A_2710 : i32 to index
        %swap3A_2712 = arith.constant 0 : index
        %swap3A_2713 = tpu.vector_load %arg9[%swap3A_2711, %swap3A_2712] {strides = array<i32>} : memref<128x128xf32, #tpu.memory_space<vmem>>, vector<1x16xf32>,
        %swap3A_2714 = vector.shape_cast %swap3A_2713 : vector<1x16xf32> to vector<16xf32>
        %swap3A_2715 = vector.shape_cast %mul3A_2706 : vector<16xf32> to vector<1x16xf32>
        tpu.vector_store %arg9[%swap3A_2711, %swap3A_2712], %swap3A_2715 {strides = array<i32>} : memref<128x128xf32, #tpu.memory_space<vmem>>, vector<1x16xf32>,
        %mul3A_2716 = arith.constant 16 : i32
        %mul3A_2717 = arith.muli %scan3A_631, %mul3A_2716 : i32
        %add3A_2718 = arith.constant 14 : i32
        %add3A_2719 = arith.addi %mul3A_2717, %add3A_2718 : i32
        %get3A_2720 = arith.index_cast %add3A_2719 : i32 to index
        %get3A_2721 = arith.constant 16 : index
        %get3A_2722 = tpu.vector_load %arg9[%get3A_2720, %get3A_2721] {strides = array<i32>} : memref<128x128xf32, #tpu.memory_space<vmem>>, vector<1x16xf32>,
        %get3A_2723 = vector.shape_cast %get3A_2722 : vector<1x16xf32> to vector<16xf32>
        %mul3A_2724 = arith.mulf %get3A_2723, %broadcast_in_dim3A_2697 : vector<16xf32>
        %mul3A_2725 = arith.constant 16 : i32
        %mul3A_2726 = arith.muli %scan3A_631, %mul3A_2725 : i32
        %add3A_2727 = arith.constant 14 : i32
        %add3A_2728 = arith.addi %mul3A_2726, %add3A_2727 : i32
        %swap3A_2729 = arith.index_cast %add3A_2728 : i32 to index
        %swap3A_2730 = arith.constant 16 : index
        %swap3A_2731 = tpu.vector_load %arg9[%swap3A_2729, %swap3A_2730] {strides = array<i32>} : memref<128x128xf32, #tpu.memory_space<vmem>>, vector<1x16xf32>,
        %swap3A_2732 = vector.shape_cast %swap3A_2731 : vector<1x16xf32> to vector<16xf32>
        %swap3A_2733 = vector.shape_cast %mul3A_2724 : vector<16xf32> to vector<1x16xf32>
        tpu.vector_store %arg9[%swap3A_2729, %swap3A_2730], %swap3A_2733 {strides = array<i32>} : memref<128x128xf32, #tpu.memory_space<vmem>>, vector<1x16xf32>,
        %mul3A_2734 = arith.constant 16 : i32
        %mul3A_2735 = arith.muli %scan3A_631, %mul3A_2734 : i32
        %add3A_2736 = arith.constant 14 : i32
        %add3A_2737 = arith.addi %mul3A_2735, %add3A_2736 : i32
        %get3A_2738 = arith.index_cast %add3A_2737 : i32 to index
        %get3A_2739 = arith.constant 32 : index
        %get3A_2740 = tpu.vector_load %arg9[%get3A_2738, %get3A_2739] {strides = array<i32>} : memref<128x128xf32, #tpu.memory_space<vmem>>, vector<1x16xf32>,
        %get3A_2741 = vector.shape_cast %get3A_2740 : vector<1x16xf32> to vector<16xf32>
        %mul3A_2742 = arith.mulf %get3A_2741, %broadcast_in_dim3A_2697 : vector<16xf32>
        %mul3A_2743 = arith.constant 16 : i32
        %mul3A_2744 = arith.muli %scan3A_631, %mul3A_2743 : i32
        %add3A_2745 = arith.constant 14 : i32
        %add3A_2746 = arith.addi %mul3A_2744, %add3A_2745 : i32
        %swap3A_2747 = arith.index_cast %add3A_2746 : i32 to index
        %swap3A_2748 = arith.constant 32 : index
        %swap3A_2749 = tpu.vector_load %arg9[%swap3A_2747, %swap3A_2748] {strides = array<i32>} : memref<128x128xf32, #tpu.memory_space<vmem>>, vector<1x16xf32>,
        %swap3A_2750 = vector.shape_cast %swap3A_2749 : vector<1x16xf32> to vector<16xf32>
        %swap3A_2751 = vector.shape_cast %mul3A_2742 : vector<16xf32> to vector<1x16xf32>
        tpu.vector_store %arg9[%swap3A_2747, %swap3A_2748], %swap3A_2751 {strides = array<i32>} : memref<128x128xf32, #tpu.memory_space<vmem>>, vector<1x16xf32>,
        %mul3A_2752 = arith.constant 16 : i32
        %mul3A_2753 = arith.muli %scan3A_631, %mul3A_2752 : i32
        %add3A_2754 = arith.constant 14 : i32
        %add3A_2755 = arith.addi %mul3A_2753, %add3A_2754 : i32
        %get3A_2756 = arith.index_cast %add3A_2755 : i32 to index
        %get3A_2757 = arith.constant 48 : index
        %get3A_2758 = tpu.vector_load %arg9[%get3A_2756, %get3A_2757] {strides = array<i32>} : memref<128x128xf32, #tpu.memory_space<vmem>>, vector<1x16xf32>,
        %get3A_2759 = vector.shape_cast %get3A_2758 : vector<1x16xf32> to vector<16xf32>
        %mul3A_2760 = arith.mulf %get3A_2759, %broadcast_in_dim3A_2697 : vector<16xf32>
        %mul3A_2761 = arith.constant 16 : i32
        %mul3A_2762 = arith.muli %scan3A_631, %mul3A_2761 : i32
        %add3A_2763 = arith.constant 14 : i32
        %add3A_2764 = arith.addi %mul3A_2762, %add3A_2763 : i32
        %swap3A_2765 = arith.index_cast %add3A_2764 : i32 to index
        %swap3A_2766 = arith.constant 48 : index
        %swap3A_2767 = tpu.vector_load %arg9[%swap3A_2765, %swap3A_2766] {strides = array<i32>} : memref<128x128xf32, #tpu.memory_space<vmem>>, vector<1x16xf32>,
        %swap3A_2768 = vector.shape_cast %swap3A_2767 : vector<1x16xf32> to vector<16xf32>
        %swap3A_2769 = vector.shape_cast %mul3A_2760 : vector<16xf32> to vector<1x16xf32>
        tpu.vector_store %arg9[%swap3A_2765, %swap3A_2766], %swap3A_2769 {strides = array<i32>} : memref<128x128xf32, #tpu.memory_space<vmem>>, vector<1x16xf32>,
        %mul3A_2770 = arith.constant 16 : i32
        %mul3A_2771 = arith.muli %scan3A_631, %mul3A_2770 : i32
        %add3A_2772 = arith.constant 14 : i32
        %add3A_2773 = arith.addi %mul3A_2771, %add3A_2772 : i32
        %get3A_2774 = arith.index_cast %add3A_2773 : i32 to index
        %get3A_2775 = arith.constant 64 : index
        %get3A_2776 = tpu.vector_load %arg9[%get3A_2774, %get3A_2775] {strides = array<i32>} : memref<128x128xf32, #tpu.memory_space<vmem>>, vector<1x16xf32>,
        %get3A_2777 = vector.shape_cast %get3A_2776 : vector<1x16xf32> to vector<16xf32>
        %mul3A_2778 = arith.mulf %get3A_2777, %broadcast_in_dim3A_2697 : vector<16xf32>
        %mul3A_2779 = arith.constant 16 : i32
        %mul3A_2780 = arith.muli %scan3A_631, %mul3A_2779 : i32
        %add3A_2781 = arith.constant 14 : i32
        %add3A_2782 = arith.addi %mul3A_2780, %add3A_2781 : i32
        %swap3A_2783 = arith.index_cast %add3A_2782 : i32 to index
        %swap3A_2784 = arith.constant 64 : index
        %swap3A_2785 = tpu.vector_load %arg9[%swap3A_2783, %swap3A_2784] {strides = array<i32>} : memref<128x128xf32, #tpu.memory_space<vmem>>, vector<1x16xf32>,
        %swap3A_2786 = vector.shape_cast %swap3A_2785 : vector<1x16xf32> to vector<16xf32>
        %swap3A_2787 = vector.shape_cast %mul3A_2778 : vector<16xf32> to vector<1x16xf32>
        tpu.vector_store %arg9[%swap3A_2783, %swap3A_2784], %swap3A_2787 {strides = array<i32>} : memref<128x128xf32, #tpu.memory_space<vmem>>, vector<1x16xf32>,
        %mul3A_2788 = arith.constant 16 : i32
        %mul3A_2789 = arith.muli %scan3A_631, %mul3A_2788 : i32
        %add3A_2790 = arith.constant 14 : i32
        %add3A_2791 = arith.addi %mul3A_2789, %add3A_2790 : i32
        %get3A_2792 = arith.index_cast %add3A_2791 : i32 to index
        %get3A_2793 = arith.constant 80 : index
        %get3A_2794 = tpu.vector_load %arg9[%get3A_2792, %get3A_2793] {strides = array<i32>} : memref<128x128xf32, #tpu.memory_space<vmem>>, vector<1x16xf32>,
        %get3A_2795 = vector.shape_cast %get3A_2794 : vector<1x16xf32> to vector<16xf32>
        %mul3A_2796 = arith.mulf %get3A_2795, %broadcast_in_dim3A_2697 : vector<16xf32>
        %mul3A_2797 = arith.constant 16 : i32
        %mul3A_2798 = arith.muli %scan3A_631, %mul3A_2797 : i32
        %add3A_2799 = arith.constant 14 : i32
        %add3A_2800 = arith.addi %mul3A_2798, %add3A_2799 : i32
        %swap3A_2801 = arith.index_cast %add3A_2800 : i32 to index
        %swap3A_2802 = arith.constant 80 : index
        %swap3A_2803 = tpu.vector_load %arg9[%swap3A_2801, %swap3A_2802] {strides = array<i32>} : memref<128x128xf32, #tpu.memory_space<vmem>>, vector<1x16xf32>,
        %swap3A_2804 = vector.shape_cast %swap3A_2803 : vector<1x16xf32> to vector<16xf32>
        %swap3A_2805 = vector.shape_cast %mul3A_2796 : vector<16xf32> to vector<1x16xf32>
        tpu.vector_store %arg9[%swap3A_2801, %swap3A_2802], %swap3A_2805 {strides = array<i32>} : memref<128x128xf32, #tpu.memory_space<vmem>>, vector<1x16xf32>,
        %mul3A_2806 = arith.constant 16 : i32
        %mul3A_2807 = arith.muli %scan3A_631, %mul3A_2806 : i32
        %add3A_2808 = arith.constant 14 : i32
        %add3A_2809 = arith.addi %mul3A_2807, %add3A_2808 : i32
        %get3A_2810 = arith.index_cast %add3A_2809 : i32 to index
        %get3A_2811 = arith.constant 96 : index
        %get3A_2812 = tpu.vector_load %arg9[%get3A_2810, %get3A_2811] {strides = array<i32>} : memref<128x128xf32, #tpu.memory_space<vmem>>, vector<1x16xf32>,
        %get3A_2813 = vector.shape_cast %get3A_2812 : vector<1x16xf32> to vector<16xf32>
        %mul3A_2814 = arith.mulf %get3A_2813, %broadcast_in_dim3A_2697 : vector<16xf32>
        %mul3A_2815 = arith.constant 16 : i32
        %mul3A_2816 = arith.muli %scan3A_631, %mul3A_2815 : i32
        %add3A_2817 = arith.constant 14 : i32
        %add3A_2818 = arith.addi %mul3A_2816, %add3A_2817 : i32
        %swap3A_2819 = arith.index_cast %add3A_2818 : i32 to index
        %swap3A_2820 = arith.constant 96 : index
        %swap3A_2821 = tpu.vector_load %arg9[%swap3A_2819, %swap3A_2820] {strides = array<i32>} : memref<128x128xf32, #tpu.memory_space<vmem>>, vector<1x16xf32>,
        %swap3A_2822 = vector.shape_cast %swap3A_2821 : vector<1x16xf32> to vector<16xf32>
        %swap3A_2823 = vector.shape_cast %mul3A_2814 : vector<16xf32> to vector<1x16xf32>
        tpu.vector_store %arg9[%swap3A_2819, %swap3A_2820], %swap3A_2823 {strides = array<i32>} : memref<128x128xf32, #tpu.memory_space<vmem>>, vector<1x16xf32>,
        %mul3A_2824 = arith.constant 16 : i32
        %mul3A_2825 = arith.muli %scan3A_631, %mul3A_2824 : i32
        %add3A_2826 = arith.constant 14 : i32
        %add3A_2827 = arith.addi %mul3A_2825, %add3A_2826 : i32
        %get3A_2828 = arith.index_cast %add3A_2827 : i32 to index
        %get3A_2829 = arith.constant 112 : index
        %get3A_2830 = tpu.vector_load %arg9[%get3A_2828, %get3A_2829] {strides = array<i32>} : memref<128x128xf32, #tpu.memory_space<vmem>>, vector<1x16xf32>,
        %get3A_2831 = vector.shape_cast %get3A_2830 : vector<1x16xf32> to vector<16xf32>
        %mul3A_2832 = arith.mulf %get3A_2831, %broadcast_in_dim3A_2697 : vector<16xf32>
        %mul3A_2833 = arith.constant 16 : i32
        %mul3A_2834 = arith.muli %scan3A_631, %mul3A_2833 : i32
        %add3A_2835 = arith.constant 14 : i32
        %add3A_2836 = arith.addi %mul3A_2834, %add3A_2835 : i32
        %swap3A_2837 = arith.index_cast %add3A_2836 : i32 to index
        %swap3A_2838 = arith.constant 112 : index
        %swap3A_2839 = tpu.vector_load %arg9[%swap3A_2837, %swap3A_2838] {strides = array<i32>} : memref<128x128xf32, #tpu.memory_space<vmem>>, vector<1x16xf32>,
        %swap3A_2840 = vector.shape_cast %swap3A_2839 : vector<1x16xf32> to vector<16xf32>
        %swap3A_2841 = vector.shape_cast %mul3A_2832 : vector<16xf32> to vector<1x16xf32>
        tpu.vector_store %arg9[%swap3A_2837, %swap3A_2838], %swap3A_2841 {strides = array<i32>} : memref<128x128xf32, #tpu.memory_space<vmem>>, vector<1x16xf32>,
        %slice3A_2842 = vector.extract_strided_slice %get3A_638 {offsets = [15], sizes = [1], strides = [1]} : vector<16xf32> to vector<1xf32>
        %squeeze3A_2843 = vector.extract %slice3A_2842[0] : f32 from vector<1xf32>
        %broadcast_in_dim3A_2844 = vector.broadcast %squeeze3A_2843 : f32 to vector<16xf32>
        %mul3A_2845 = arith.constant 16 : i32
        %mul3A_2846 = arith.muli %scan3A_631, %mul3A_2845 : i32
        %add3A_2847 = arith.constant 15 : i32
        %add3A_2848 = arith.addi %mul3A_2846, %add3A_2847 : i32
        %get3A_2849 = arith.index_cast %add3A_2848 : i32 to index
        %get3A_2850 = arith.constant 0 : index
        %get3A_2851 = tpu.vector_load %arg9[%get3A_2849, %get3A_2850] {strides = array<i32>} : memref<128x128xf32, #tpu.memory_space<vmem>>, vector<1x16xf32>,
        %get3A_2852 = vector.shape_cast %get3A_2851 : vector<1x16xf32> to vector<16xf32>
        %mul3A_2853 = arith.mulf %get3A_2852, %broadcast_in_dim3A_2844 : vector<16xf32>
        %mul3A_2854 = arith.constant 16 : i32
        %mul3A_2855 = arith.muli %scan3A_631, %mul3A_2854 : i32
        %add3A_2856 = arith.constant 15 : i32
        %add3A_2857 = arith.addi %mul3A_2855, %add3A_2856 : i32
        %swap3A_2858 = arith.index_cast %add3A_2857 : i32 to index
        %swap3A_2859 = arith.constant 0 : index
        %swap3A_2860 = tpu.vector_load %arg9[%swap3A_2858, %swap3A_2859] {strides = array<i32>} : memref<128x128xf32, #tpu.memory_space<vmem>>, vector<1x16xf32>,
        %swap3A_2861 = vector.shape_cast %swap3A_2860 : vector<1x16xf32> to vector<16xf32>
        %swap3A_2862 = vector.shape_cast %mul3A_2853 : vector<16xf32> to vector<1x16xf32>
        tpu.vector_store %arg9[%swap3A_2858, %swap3A_2859], %swap3A_2862 {strides = array<i32>} : memref<128x128xf32, #tpu.memory_space<vmem>>, vector<1x16xf32>,
        %mul3A_2863 = arith.constant 16 : i32
        %mul3A_2864 = arith.muli %scan3A_631, %mul3A_2863 : i32
        %add3A_2865 = arith.constant 15 : i32
        %add3A_2866 = arith.addi %mul3A_2864, %add3A_2865 : i32
        %get3A_2867 = arith.index_cast %add3A_2866 : i32 to index
        %get3A_2868 = arith.constant 16 : index
        %get3A_2869 = tpu.vector_load %arg9[%get3A_2867, %get3A_2868] {strides = array<i32>} : memref<128x128xf32, #tpu.memory_space<vmem>>, vector<1x16xf32>,
        %get3A_2870 = vector.shape_cast %get3A_2869 : vector<1x16xf32> to vector<16xf32>
        %mul3A_2871 = arith.mulf %get3A_2870, %broadcast_in_dim3A_2844 : vector<16xf32>
        %mul3A_2872 = arith.constant 16 : i32
        %mul3A_2873 = arith.muli %scan3A_631, %mul3A_2872 : i32
        %add3A_2874 = arith.constant 15 : i32
        %add3A_2875 = arith.addi %mul3A_2873, %add3A_2874 : i32
        %swap3A_2876 = arith.index_cast %add3A_2875 : i32 to index
        %swap3A_2877 = arith.constant 16 : index
        %swap3A_2878 = tpu.vector_load %arg9[%swap3A_2876, %swap3A_2877] {strides = array<i32>} : memref<128x128xf32, #tpu.memory_space<vmem>>, vector<1x16xf32>,
        %swap3A_2879 = vector.shape_cast %swap3A_2878 : vector<1x16xf32> to vector<16xf32>
        %swap3A_2880 = vector.shape_cast %mul3A_2871 : vector<16xf32> to vector<1x16xf32>
        tpu.vector_store %arg9[%swap3A_2876, %swap3A_2877], %swap3A_2880 {strides = array<i32>} : memref<128x128xf32, #tpu.memory_space<vmem>>, vector<1x16xf32>,
        %mul3A_2881 = arith.constant 16 : i32
        %mul3A_2882 = arith.muli %scan3A_631, %mul3A_2881 : i32
        %add3A_2883 = arith.constant 15 : i32
        %add3A_2884 = arith.addi %mul3A_2882, %add3A_2883 : i32
        %get3A_2885 = arith.index_cast %add3A_2884 : i32 to index
        %get3A_2886 = arith.constant 32 : index
        %get3A_2887 = tpu.vector_load %arg9[%get3A_2885, %get3A_2886] {strides = array<i32>} : memref<128x128xf32, #tpu.memory_space<vmem>>, vector<1x16xf32>,
        %get3A_2888 = vector.shape_cast %get3A_2887 : vector<1x16xf32> to vector<16xf32>
        %mul3A_2889 = arith.mulf %get3A_2888, %broadcast_in_dim3A_2844 : vector<16xf32>
        %mul3A_2890 = arith.constant 16 : i32
        %mul3A_2891 = arith.muli %scan3A_631, %mul3A_2890 : i32
        %add3A_2892 = arith.constant 15 : i32
        %add3A_2893 = arith.addi %mul3A_2891, %add3A_2892 : i32
        %swap3A_2894 = arith.index_cast %add3A_2893 : i32 to index
        %swap3A_2895 = arith.constant 32 : index
        %swap3A_2896 = tpu.vector_load %arg9[%swap3A_2894, %swap3A_2895] {strides = array<i32>} : memref<128x128xf32, #tpu.memory_space<vmem>>, vector<1x16xf32>,
        %swap3A_2897 = vector.shape_cast %swap3A_2896 : vector<1x16xf32> to vector<16xf32>
        %swap3A_2898 = vector.shape_cast %mul3A_2889 : vector<16xf32> to vector<1x16xf32>
        tpu.vector_store %arg9[%swap3A_2894, %swap3A_2895], %swap3A_2898 {strides = array<i32>} : memref<128x128xf32, #tpu.memory_space<vmem>>, vector<1x16xf32>,
        %mul3A_2899 = arith.constant 16 : i32
        %mul3A_2900 = arith.muli %scan3A_631, %mul3A_2899 : i32
        %add3A_2901 = arith.constant 15 : i32
        %add3A_2902 = arith.addi %mul3A_2900, %add3A_2901 : i32
        %get3A_2903 = arith.index_cast %add3A_2902 : i32 to index
        %get3A_2904 = arith.constant 48 : index
        %get3A_2905 = tpu.vector_load %arg9[%get3A_2903, %get3A_2904] {strides = array<i32>} : memref<128x128xf32, #tpu.memory_space<vmem>>, vector<1x16xf32>,
        %get3A_2906 = vector.shape_cast %get3A_2905 : vector<1x16xf32> to vector<16xf32>
        %mul3A_2907 = arith.mulf %get3A_2906, %broadcast_in_dim3A_2844 : vector<16xf32>
        %mul3A_2908 = arith.constant 16 : i32
        %mul3A_2909 = arith.muli %scan3A_631, %mul3A_2908 : i32
        %add3A_2910 = arith.constant 15 : i32
        %add3A_2911 = arith.addi %mul3A_2909, %add3A_2910 : i32
        %swap3A_2912 = arith.index_cast %add3A_2911 : i32 to index
        %swap3A_2913 = arith.constant 48 : index
        %swap3A_2914 = tpu.vector_load %arg9[%swap3A_2912, %swap3A_2913] {strides = array<i32>} : memref<128x128xf32, #tpu.memory_space<vmem>>, vector<1x16xf32>,
        %swap3A_2915 = vector.shape_cast %swap3A_2914 : vector<1x16xf32> to vector<16xf32>
        %swap3A_2916 = vector.shape_cast %mul3A_2907 : vector<16xf32> to vector<1x16xf32>
        tpu.vector_store %arg9[%swap3A_2912, %swap3A_2913], %swap3A_2916 {strides = array<i32>} : memref<128x128xf32, #tpu.memory_space<vmem>>, vector<1x16xf32>,
        %mul3A_2917 = arith.constant 16 : i32
        %mul3A_2918 = arith.muli %scan3A_631, %mul3A_2917 : i32
        %add3A_2919 = arith.constant 15 : i32
        %add3A_2920 = arith.addi %mul3A_2918, %add3A_2919 : i32
        %get3A_2921 = arith.index_cast %add3A_2920 : i32 to index
        %get3A_2922 = arith.constant 64 : index
        %get3A_2923 = tpu.vector_load %arg9[%get3A_2921, %get3A_2922] {strides = array<i32>} : memref<128x128xf32, #tpu.memory_space<vmem>>, vector<1x16xf32>,
        %get3A_2924 = vector.shape_cast %get3A_2923 : vector<1x16xf32> to vector<16xf32>
        %mul3A_2925 = arith.mulf %get3A_2924, %broadcast_in_dim3A_2844 : vector<16xf32>
        %mul3A_2926 = arith.constant 16 : i32
        %mul3A_2927 = arith.muli %scan3A_631, %mul3A_2926 : i32
        %add3A_2928 = arith.constant 15 : i32
        %add3A_2929 = arith.addi %mul3A_2927, %add3A_2928 : i32
        %swap3A_2930 = arith.index_cast %add3A_2929 : i32 to index
        %swap3A_2931 = arith.constant 64 : index
        %swap3A_2932 = tpu.vector_load %arg9[%swap3A_2930, %swap3A_2931] {strides = array<i32>} : memref<128x128xf32, #tpu.memory_space<vmem>>, vector<1x16xf32>,
        %swap3A_2933 = vector.shape_cast %swap3A_2932 : vector<1x16xf32> to vector<16xf32>
        %swap3A_2934 = vector.shape_cast %mul3A_2925 : vector<16xf32> to vector<1x16xf32>
        tpu.vector_store %arg9[%swap3A_2930, %swap3A_2931], %swap3A_2934 {strides = array<i32>} : memref<128x128xf32, #tpu.memory_space<vmem>>, vector<1x16xf32>,
        %mul3A_2935 = arith.constant 16 : i32
        %mul3A_2936 = arith.muli %scan3A_631, %mul3A_2935 : i32
        %add3A_2937 = arith.constant 15 : i32
        %add3A_2938 = arith.addi %mul3A_2936, %add3A_2937 : i32
        %get3A_2939 = arith.index_cast %add3A_2938 : i32 to index
        %get3A_2940 = arith.constant 80 : index
        %get3A_2941 = tpu.vector_load %arg9[%get3A_2939, %get3A_2940] {strides = array<i32>} : memref<128x128xf32, #tpu.memory_space<vmem>>, vector<1x16xf32>,
        %get3A_2942 = vector.shape_cast %get3A_2941 : vector<1x16xf32> to vector<16xf32>
        %mul3A_2943 = arith.mulf %get3A_2942, %broadcast_in_dim3A_2844 : vector<16xf32>
        %mul3A_2944 = arith.constant 16 : i32
        %mul3A_2945 = arith.muli %scan3A_631, %mul3A_2944 : i32
        %add3A_2946 = arith.constant 15 : i32
        %add3A_2947 = arith.addi %mul3A_2945, %add3A_2946 : i32
        %swap3A_2948 = arith.index_cast %add3A_2947 : i32 to index
        %swap3A_2949 = arith.constant 80 : index
        %swap3A_2950 = tpu.vector_load %arg9[%swap3A_2948, %swap3A_2949] {strides = array<i32>} : memref<128x128xf32, #tpu.memory_space<vmem>>, vector<1x16xf32>,
        %swap3A_2951 = vector.shape_cast %swap3A_2950 : vector<1x16xf32> to vector<16xf32>
        %swap3A_2952 = vector.shape_cast %mul3A_2943 : vector<16xf32> to vector<1x16xf32>
        tpu.vector_store %arg9[%swap3A_2948, %swap3A_2949], %swap3A_2952 {strides = array<i32>} : memref<128x128xf32, #tpu.memory_space<vmem>>, vector<1x16xf32>,
        %mul3A_2953 = arith.constant 16 : i32
        %mul3A_2954 = arith.muli %scan3A_631, %mul3A_2953 : i32
        %add3A_2955 = arith.constant 15 : i32
        %add3A_2956 = arith.addi %mul3A_2954, %add3A_2955 : i32
        %get3A_2957 = arith.index_cast %add3A_2956 : i32 to index
        %get3A_2958 = arith.constant 96 : index
        %get3A_2959 = tpu.vector_load %arg9[%get3A_2957, %get3A_2958] {strides = array<i32>} : memref<128x128xf32, #tpu.memory_space<vmem>>, vector<1x16xf32>,
        %get3A_2960 = vector.shape_cast %get3A_2959 : vector<1x16xf32> to vector<16xf32>
        %mul3A_2961 = arith.mulf %get3A_2960, %broadcast_in_dim3A_2844 : vector<16xf32>
        %mul3A_2962 = arith.constant 16 : i32
        %mul3A_2963 = arith.muli %scan3A_631, %mul3A_2962 : i32
        %add3A_2964 = arith.constant 15 : i32
        %add3A_2965 = arith.addi %mul3A_2963, %add3A_2964 : i32
        %swap3A_2966 = arith.index_cast %add3A_2965 : i32 to index
        %swap3A_2967 = arith.constant 96 : index
        %swap3A_2968 = tpu.vector_load %arg9[%swap3A_2966, %swap3A_2967] {strides = array<i32>} : memref<128x128xf32, #tpu.memory_space<vmem>>, vector<1x16xf32>,
        %swap3A_2969 = vector.shape_cast %swap3A_2968 : vector<1x16xf32> to vector<16xf32>
        %swap3A_2970 = vector.shape_cast %mul3A_2961 : vector<16xf32> to vector<1x16xf32>
        tpu.vector_store %arg9[%swap3A_2966, %swap3A_2967], %swap3A_2970 {strides = array<i32>} : memref<128x128xf32, #tpu.memory_space<vmem>>, vector<1x16xf32>,
        %mul3A_2971 = arith.constant 16 : i32
        %mul3A_2972 = arith.muli %scan3A_631, %mul3A_2971 : i32
        %add3A_2973 = arith.constant 15 : i32
        %add3A_2974 = arith.addi %mul3A_2972, %add3A_2973 : i32
        %get3A_2975 = arith.index_cast %add3A_2974 : i32 to index
        %get3A_2976 = arith.constant 112 : index
        %get3A_2977 = tpu.vector_load %arg9[%get3A_2975, %get3A_2976] {strides = array<i32>} : memref<128x128xf32, #tpu.memory_space<vmem>>, vector<1x16xf32>,
        %get3A_2978 = vector.shape_cast %get3A_2977 : vector<1x16xf32> to vector<16xf32>
        %mul3A_2979 = arith.mulf %get3A_2978, %broadcast_in_dim3A_2844 : vector<16xf32>
        %mul3A_2980 = arith.constant 16 : i32
        %mul3A_2981 = arith.muli %scan3A_631, %mul3A_2980 : i32
        %add3A_2982 = arith.constant 15 : i32
        %add3A_2983 = arith.addi %mul3A_2981, %add3A_2982 : i32
        %swap3A_2984 = arith.index_cast %add3A_2983 : i32 to index
        %swap3A_2985 = arith.constant 112 : index
        %swap3A_2986 = tpu.vector_load %arg9[%swap3A_2984, %swap3A_2985] {strides = array<i32>} : memref<128x128xf32, #tpu.memory_space<vmem>>, vector<1x16xf32>,
        %swap3A_2987 = vector.shape_cast %swap3A_2986 : vector<1x16xf32> to vector<16xf32>
        %swap3A_2988 = vector.shape_cast %mul3A_2979 : vector<16xf32> to vector<1x16xf32>
        tpu.vector_store %arg9[%swap3A_2984, %swap3A_2985], %swap3A_2988 {strides = array<i32>} : memref<128x128xf32, #tpu.memory_space<vmem>>, vector<1x16xf32>,
      }
      %scan3A_627 = arith.constant 8 : i32
      %dma_start3A_628 = arith.constant 0 : i32
      %dma_start3A_629 = arith.constant 0 : i32
      %dma_start3A_630 = tpu.memref_slice %arg6[%dma_start3A_628, %dma_start3A_629] : memref<10240x128xf32, #tpu.memory_space<vmem_shared>> -> memref<10240x128xf32, #tpu.memory_space<vmem_shared>>
      tpu.enqueue_indirect_dma source(%arg9 : memref<128x128xf32, #tpu.memory_space<vmem>>) target(%dma_start3A_630 : memref<10240x128xf32, #tpu.memory_space<vmem_shared>>) offsets(%arg13 : memref<128xi32, #tpu.memory_space<vmem>>) semaphore(%arg17 : memref<!tpu.dma_semaphore, #tpu.memory_space<semaphore_mem>>) {add = true}
    }
    %scan3A_241 = arith.constant 40 : i32
    %dma_wait3A = arith.constant 0 : i32
    %dma_wait3A_242 = arith.constant 0 : i32
    %dma_wait3A_243 = tpu.memref_slice %arg2[%dma_wait3A, %dma_wait3A_242] : memref<10000x128xf32, #tpu.memory_space<hbm>> -> memref<10000x128xf32, #tpu.memory_space<hbm>>
    tpu.wait_indirect_dma semaphore(%arg16 : memref<!tpu.dma_semaphore, #tpu.memory_space<semaphore_mem>>) src(%dma_wait3A_243 : memref<10000x128xf32, #tpu.memory_space<hbm>>) dst(%arg8 : memref<128x128xf32, #tpu.memory_space<vmem>>)
    %add3A_244 = arith.constant 0 : i32
    %add3A_245 = arith.addi %mul3A_71, %add3A_244 : i32
    %dma_wait3A_246 = arith.constant 0 : i32
    %dma_wait3A_247 = arith.constant 0 : i32
    %dma_wait3A_248 = tpu.memref_slice %arg4[%add3A_245, %dma_wait3A_246, %dma_wait3A_247] : memref<2568x1x128xf32, #tpu.memory_space<hbm>> -> memref<1x1x128xf32, #tpu.memory_space<hbm>>
    %dma_wait3A_249 = tpu.memref_squeeze %dma_wait3A_248 : memref<1x1x128xf32, #tpu.memory_space<hbm>> -> memref<1x128xf32, #tpu.memory_space<hbm>>
    %dma_wait3A_250 = arith.constant 0 : i32
    %dma_wait3A_251 = arith.constant 0 : i32
    %dma_wait3A_252 = tpu.memref_slice %arg4[%add3A_245, %dma_wait3A_250, %dma_wait3A_251] : memref<2568x1x128xf32, #tpu.memory_space<hbm>> -> memref<1x1x128xf32, #tpu.memory_space<hbm>>
    %dma_wait3A_253 = tpu.memref_squeeze %dma_wait3A_252 : memref<1x1x128xf32, #tpu.memory_space<hbm>> -> memref<1x128xf32, #tpu.memory_space<hbm>>
    tpu.wait_dma2 semaphore(%arg18 : memref<!tpu.dma_semaphore, #tpu.memory_space<semaphore_mem>>) src(%dma_wait3A_253 : memref<1x128xf32, #tpu.memory_space<hbm>>) dst(%arg14 : memref<1x128xf32, #tpu.memory_space<vmem>>)
    %dma_wait3A_254 = arith.constant 0 : i32
    %dma_wait3A_255 = arith.constant 0 : i32
    %dma_wait3A_256 = tpu.memref_slice %arg6[%dma_wait3A_254, %dma_wait3A_255] : memref<10240x128xf32, #tpu.memory_space<vmem_shared>> -> memref<10240x128xf32, #tpu.memory_space<vmem_shared>>
    tpu.wait_indirect_dma semaphore(%arg17 : memref<!tpu.dma_semaphore, #tpu.memory_space<semaphore_mem>>) src(%arg9 : memref<128x128xf32, #tpu.memory_space<vmem>>) dst(%dma_wait3A_256 : memref<10240x128xf32, #tpu.memory_space<vmem_shared>>)
    %barrier3A_257 = arith.constant 0 : index
    tpu.barrier barrier_id(%barrier3A_257)
    "tpu.region"() ({
      %run_scoped3A = tpu.sem_alloc : memref<!tpu.dma_semaphore, #tpu.memory_space<semaphore_mem>>
      %dma_start3A_258 = arith.constant 0 : i32
      %dma_start3A_259 = tpu.memref_slice %arg5[%arg0, %mul3A_7, %dma_start3A_258] : memref<2x10240x128xf32, #tpu.memory_space<hbm>> -> memref<1x640x128xf32, #tpu.memory_space<hbm>>
      %dma_start3A_260 = tpu.memref_squeeze %dma_start3A_259 : memref<1x640x128xf32, #tpu.memory_space<hbm>> -> memref<640x128xf32, #tpu.memory_space<hbm>>
      %dma_start3A_261 = arith.constant 0 : i32
      %dma_start3A_262 = tpu.memref_slice %arg6[%mul3A_7, %dma_start3A_261] : memref<10240x128xf32, #tpu.memory_space<vmem_shared>> -> memref<640x128xf32, #tpu.memory_space<vmem_shared>>
      tpu.enqueue_dma source(%dma_start3A_262 : memref<640x128xf32, #tpu.memory_space<vmem_shared>>) target(%dma_start3A_260 : memref<640x128xf32, #tpu.memory_space<hbm>>) target_semaphore(%run_scoped3A : memref<!tpu.dma_semaphore, #tpu.memory_space<semaphore_mem>>)
      %dma_wait3A_263 = arith.constant 0 : i32
      %dma_wait3A_264 = tpu.memref_slice %arg5[%arg0, %mul3A_7, %dma_wait3A_263] : memref<2x10240x128xf32, #tpu.memory_space<hbm>> -> memref<1x640x128xf32, #tpu.memory_space<hbm>>
      %dma_wait3A_265 = tpu.memref_squeeze %dma_wait3A_264 : memref<1x640x128xf32, #tpu.memory_space<hbm>> -> memref<640x128xf32, #tpu.memory_space<hbm>>
      %dma_wait3A_266 = arith.constant 0 : i32
      %dma_wait3A_267 = tpu.memref_slice %arg6[%mul3A_7, %dma_wait3A_266] : memref<10240x128xf32, #tpu.memory_space<vmem_shared>> -> memref<640x128xf32, #tpu.memory_space<vmem_shared>>
      tpu.wait_dma2 semaphore(%run_scoped3A : memref<!tpu.dma_semaphore, #tpu.memory_space<semaphore_mem>>) src(%dma_wait3A_267 : memref<640x128xf32, #tpu.memory_space<vmem_shared>>) dst(%dma_wait3A_265 : memref<640x128xf32, #tpu.memory_space<hbm>>)
      tpu.yield
    }) : () -> ()
    return
  }
}

module attributes {stable_mosaic.version = 14 : i64} {
  func.func @_mix_body(%arg0: i32, %arg1: memref<2x1000x128xf32, #tpu.memory_space<vmem>>, %arg2: memref<1x128xf32, #tpu.memory_space<vmem>>, %arg3: memref<1000x128xf32, #tpu.memory_space<vmem>>) attributes {dimension_semantics = [#tpu.dimension_semantics<arbitrary>], iteration_bounds = array<i64: 10>, scalar_prefetch = 0 : i64, scratch_operands = 0 : i64, tpu.core_type = #tpu.core_type<tc>, window_params = [{transform_indices = @transform_0, window_bounds = array<i64: 2, 1000, 128>}, {pipeline_mode = #tpu.pipeline_mode<synchronous>, transform_indices = @transform_1, window_bounds = array<i64: 1, 128>}, {transform_indices = @transform_2, window_bounds = array<i64: 1000, 128>}]} {
    %get3A = arith.constant 0 : index
    %get3A_0 = arith.constant 0 : index
    %get3A_1 = arith.constant 0 : index
    %get3A_2 = vector.load %arg1[%get3A, %get3A_0, %get3A_1] : memref<2x1000x128xf32, #tpu.memory_space<vmem>>, vector<1x1000x128xf32>
    %get3A_3 = vector.shape_cast %get3A_2 : vector<1x1000x128xf32> to vector<1000x128xf32>
    %get3A_4 = arith.constant 1 : index
    %get3A_5 = arith.constant 0 : index
    %get3A_6 = arith.constant 0 : index
    %get3A_7 = vector.load %arg1[%get3A_4, %get3A_5, %get3A_6] : memref<2x1000x128xf32, #tpu.memory_space<vmem>>, vector<1x1000x128xf32>
    %get3A_8 = vector.shape_cast %get3A_7 : vector<1x1000x128xf32> to vector<1000x128xf32>
    %add3A = arith.addf %get3A_3, %get3A_8 : vector<1000x128xf32>
    %get3A_9 = arith.constant 0 : index
    %get3A_10 = arith.constant 0 : index
    %get3A_11 = vector.load %arg2[%get3A_9, %get3A_10] : memref<1x128xf32, #tpu.memory_space<vmem>>, vector<1x128xf32>
    %add3A_12 = vector.broadcast %get3A_11 : vector<1x128xf32> to vector<1000x128xf32>
    %add3A_13 = arith.addf %add3A, %add3A_12 : vector<1000x128xf32>
    %mul3A = arith.constant 5.000000e-01 : f32
    %mul3A_14 = vector.broadcast %mul3A : f32 to vector<1000x128xf32>
    %mul3A_15 = arith.mulf %mul3A_14, %add3A_13 : vector<1000x128xf32>
    %max3A = arith.constant 0.000000e+00 : f32
    %max3A_16 = vector.broadcast %max3A : f32 to vector<1000x128xf32>
    %max3A_17 = arith.maximumf %add3A_13, %max3A_16 : vector<1000x128xf32>
    %mul3A_18 = arith.constant 5.000000e-01 : f32
    %mul3A_19 = vector.broadcast %mul3A_18 : f32 to vector<1000x128xf32>
    %mul3A_20 = arith.mulf %mul3A_19, %max3A_17 : vector<1000x128xf32>
    %add3A_21 = arith.addf %mul3A_15, %mul3A_20 : vector<1000x128xf32>
    %swap3A = arith.constant 0 : index
    %swap3A_22 = arith.constant 0 : index
    %swap3A_23 = vector.load %arg3[%swap3A, %swap3A_22] : memref<1000x128xf32, #tpu.memory_space<vmem>>, vector<1000x128xf32>
    tpu.vector_store %arg3[%swap3A, %swap3A_22], %add3A_21 {strides = array<i32>} : memref<1000x128xf32, #tpu.memory_space<vmem>>, vector<1000x128xf32>,
    return
  }
  func.func @transform_0(%arg0: i32) -> (i32, i32, i32) {
    %c0_i32 = arith.constant 0 : i32
    %c0_i32_0 = arith.constant 0 : i32
    %c0_i32_1 = arith.constant 0 : i32
    return %c0_i32, %arg0, %c0_i32_0 : i32, i32, i32
  }
  func.func @transform_1(%arg0: i32) -> (i32, i32) {
    %c0_i32 = arith.constant 0 : i32
    %c0_i32_0 = arith.constant 0 : i32
    %c0_i32_1 = arith.constant 0 : i32
    return %c0_i32, %c0_i32_0 : i32, i32
  }
  func.func @transform_2(%arg0: i32) -> (i32, i32) {
    %c0_i32 = arith.constant 0 : i32
    %c0_i32_0 = arith.constant 0 : i32
    return %arg0, %c0_i32 : i32, i32
  }
}

module attributes {stable_mosaic.version = 14 : i64} {
  func.func @_mm_body(%arg0: i32, %arg1: memref<1000x128xf32, #tpu.memory_space<vmem>>, %arg2: memref<128x128xf32, #tpu.memory_space<vmem>>, %arg3: memref<1000x128xf32, #tpu.memory_space<vmem>>) attributes {dimension_semantics = [#tpu.dimension_semantics<arbitrary>], iteration_bounds = array<i64: 10>, scalar_prefetch = 0 : i64, scratch_operands = 0 : i64, tpu.core_type = #tpu.core_type<tc>, window_params = [{transform_indices = @transform_0, window_bounds = array<i64: 1000, 128>}, {pipeline_mode = #tpu.pipeline_mode<synchronous>, transform_indices = @transform_1, window_bounds = array<i64: 128, 128>}, {transform_indices = @transform_2, window_bounds = array<i64: 1000, 128>}]} {
    %get3A = arith.constant 0 : index
    %get3A_0 = arith.constant 0 : index
    %get3A_1 = vector.load %arg1[%get3A, %get3A_0] : memref<1000x128xf32, #tpu.memory_space<vmem>>, vector<1000x128xf32>
    %get3A_2 = arith.constant 0 : index
    %get3A_3 = arith.constant 0 : index
    %get3A_4 = vector.load %arg2[%get3A_2, %get3A_3] : memref<128x128xf32, #tpu.memory_space<vmem>>, vector<128x128xf32>
    %dot_general3A = arith.constant dense<0.000000e+00> : vector<1000x128xf32>
    %dot_general3A_5 = tpu.matmul %get3A_1, %get3A_4, %dot_general3A {dimension_numbers = #tpu.dot_dimension_numbers<[1], [0], [0], [1], [0, 0, 1, 1], [], []>, transpose_lhs_hint = false} : vector<1000x128xf32>, vector<128x128xf32>, vector<1000x128xf32> -> vector<1000x128xf32>
    %swap3A = arith.constant 0 : index
    %swap3A_6 = arith.constant 0 : index
    %swap3A_7 = vector.load %arg3[%swap3A, %swap3A_6] : memref<1000x128xf32, #tpu.memory_space<vmem>>, vector<1000x128xf32>
    tpu.vector_store %arg3[%swap3A, %swap3A_6], %dot_general3A_5 {strides = array<i32>} : memref<1000x128xf32, #tpu.memory_space<vmem>>, vector<1000x128xf32>,
    return
  }
  func.func @transform_0(%arg0: i32) -> (i32, i32) {
    %c0_i32 = arith.constant 0 : i32
    %c0_i32_0 = arith.constant 0 : i32
    return %arg0, %c0_i32 : i32, i32
  }
  func.func @transform_1(%arg0: i32) -> (i32, i32) {
    %c0_i32 = arith.constant 0 : i32
    %c0_i32_0 = arith.constant 0 : i32
    %c0_i32_1 = arith.constant 0 : i32
    return %c0_i32, %c0_i32_0 : i32, i32
  }
  func.func @transform_2(%arg0: i32) -> (i32, i32) {
    %c0_i32 = arith.constant 0 : i32
    %c0_i32_0 = arith.constant 0 : i32
    return %arg0, %c0_i32 : i32, i32
  }
}

</mosaic_0001>

<sc_bundles>
// kernel: kernel.5.cloned.1.call-start
scs
__scs_entry_jumppad:
0x0: {  	(pc) =	sbr.rel $0x88, $3  }
0x1: {  	(tag) =	ssettag $0x0;
	lr =	simm.s32 $0x1  }
0x2: {  	[smem:$0x3F9C] =	sst lr;
	_ =	strace $0xD0000000  }
0x3: {  	_ = 	snop  }
0x4: {  	_ = 	snop  }
0x5: {  	_ = 	snop  }
0x6: {  	_ = 	snop  }
0x7: {  	_ = 	snop  }
__scs_overlays_trampoline_lowered:
0x8: {  	[smem:$0x3FAB] =	sst s0  }
0x9: {  	[smem:$0x3FAC] =	sst s1  }
0xa: {  	[smem:$0x3FAD] =	sst s2  }
0xb: {  	[smem:$0x3FAE] =	sst s3  }
0xc: {  	[smem:$0x3FAF] =	sst s4  }
0xd: {  	[smem:$0x3FB0] =	sst s5  }
0xe: {  	[smem:$0x3FB1] =	sst s6  }
0xf: {  	[smem:$0x3FB2] =	sst s7  }
0x10: {  	[smem:$0x3FB3] =	sst s8  }
0x11: {  	[smem:$0x3FB4] =	sst s9;
	s0 =	simm.s32 @!p0 $0x0  }
0x12: {  	s1 =	sld [smem:$0x3F9A];
	s0 =	simm.s32 @p0 $0x1  }
0x13: {  	[smem:$0x3FB5] =	sst s0;
	s0 =	simm.s32 @!p1 $0x0  }
0x14: {  	s2 =	sld [smem:$0x3F99];
	s0 =	simm.s32 @p1 $0x1  }
0x15: {  	[smem:$0x3FB6] =	sst s0;
	s0 =	simm.s32 @!p2 $0x0  }
0x16: {  	s3 =	sld [smem:$0x3FDB];
	s0 =	simm.s32 @p2 $0x1  }
0x17: {  	s4 =	simm.s32 $0x1BF5;
	[smem:$0x3FB8] =	sst s0  }
0x18: {  	s0 =	sld [smem:$0x3F9B];
	_ =	swait.ge [sflag:s4], $0x0  }
0x19: {  	s7 =	sld [smem:$0x3F9C]  }
0x1a: {  	s8 =	sadd.s32 $0xFFFFE003, lr  }
0x1b: {  	s9 =	sadd.s32 $0xFFFFFEF7, lr;
	s5 =	simm.s32 $0xFFFFFFFF;
	p2 =	slt.u32 s8, $0xFFFFF086  }
0x1c: {  	p1 =	slt.u32 s9, $0xF7A;
	s5 =	simm.s32 @!p2 $0x0  }
0x1d: {  	s5 =	simm.s32 @p1 $0x1;
	p0 =	seq.s32 s7, s2  }
0x1e: {  	s7 =	smul.u32 @!p0 $0xF7A, s2;
	p2 =	seq.s32 @!p0 s5, $0x0  }
0x1f: {  	s9 =	smul.u32 $0xF7A, s1;
	s8 =	simm.s32 @!p0 $0x1BF5;
	p2 =	por !p2, p0  }
0x20: {  	[sflag:s8] =	ssyncset.s32 @!p0 $0xFFFFF086;
	s6 =	sadd.s32 @!p0 s3, s7;
	s7 =	simm.s32 @!p0 $0x108  }
0x21: {  	s3 =	sadd.s32 s3, s9;
	s6 =	sadd.s32 @!p0 $0x88, s6;
	s7 =	simm.s32 @p2 $0x1082  }
0x22: {  	[simem:s7], [sflag:s8] =	dma.local @!p0 [hbm:s6], $0xF7A  }
0x23: {  	s9 =	sor.u32 $0xD0000000, s2;
	s6 =	simm.s32 $0x108;
	_ =	swait.ge @!p0 [sflag:s8], $0x0  }
0x24: {  	s3 =	sadd.s32 $0x88, s3;
	s6 =	simm.s32 @!p1 $0x1082;
	[sflag:s4] =	ssyncset.s32 $0xFFFFF086  }
0x25: {  	[simem:s6], [sflag:s4] =	dma.local [hbm:s3], $0xF7A  }
0x26: {  	[smem:$0x3F9C] =	sst s1;
	(tag) =	ssettag s2;
	_ =	strace s9  }
0x27: {  	s1 =	sld [smem:$0x3FAC]  }
0x28: {  	s2 =	sld [smem:$0x3FAD]  }
0x29: {  	s4 =	sld [smem:$0x3FAF]  }
0x2a: {  	p0 =	seq.s32 s5, $0x0;
	s5 =	sld [smem:$0x3FB0]  }
0x2b: {  	s6 =	sld [smem:$0x3FB1]  }
0x2c: {  	s7 =	sld [smem:$0x3FB2]  }
0x2d: {  	s3 =	simm.s32 $0x108;
	s8 =	sld [smem:$0x3FB3]  }
0x2e: {  	s3 =	simm.s32 @!p0 $0x1082;
	s9 =	sld [smem:$0x3FB4]  }
0x2f: {  	lr =	sadd.s32 s0, s3;
	s0 =	sld [smem:$0x3FAB]  }
0x30: {  	s3 =	sld [smem:$0x3FAE]  }
0x31: {  	[smem:$0x3FB7] =	sst s10  }
0x32: {  	s10 =	sld [smem:$0x3FB5];
	_ =	sdelay $0x3  }
0x33: {  	p0 =	seq.s32 s10, $0x1;
	s10 =	sld [smem:$0x3FB7];
	_ =	sdelay $0x3  }
0x34: {  	[smem:$0x3FB7] =	sst s10  }
0x35: {  	s10 =	sld [smem:$0x3FB6];
	_ =	sdelay $0x3  }
0x36: {  	p1 =	seq.s32 s10, $0x1;
	s10 =	sld [smem:$0x3FB7];
	_ =	sdelay $0x3  }
0x37: {  	[smem:$0x3FB7] =	sst s10  }
0x38: {  	s10 =	sld [smem:$0x3FB8]  }
0x39: {  	_ = 	snop;
	(pc) =	sbr.ind lr, $3  }
0x3a: {  	_ = 	snop  }
0x3b: {  	_ = 	snop  }
0x3c: {  	p2 =	seq.s32 s10, $0x1;
	s10 =	sld [smem:$0x3FB7]  }
0x3d: {  	_ =	shalt  }
0x3e: {  	_ =	shalt  }
0x3f: {  	_ =	shalt  }
0x40: {  	_ =	shalt  }
0x41: {  	_ =	shalt  }
0x42: {  	_ =	shalt  }
0x43: {  	_ =	shalt  }
0x44: {  	_ =	shalt  }
0x45: {  	_ =	shalt  }
0x46: {  	_ =	shalt  }
0x47: {  	_ =	shalt  }
0x48: {  	_ =	shalt  }
0x49: {  	_ =	shalt  }
0x4a: {  	_ =	shalt  }
0x4b: {  	_ =	shalt  }
0x4c: {  	_ =	shalt  }
0x4d: {  	_ =	shalt  }
0x4e: {  	_ =	shalt  }
0x4f: {  	_ =	shalt  }
0x50: {  	_ =	shalt  }
0x51: {  	_ =	shalt  }
0x52: {  	_ =	shalt  }
0x53: {  	_ =	shalt  }
0x54: {  	_ =	shalt  }
0x55: {  	_ =	shalt  }
0x56: {  	_ =	shalt  }
0x57: {  	_ =	shalt  }
0x58: {  	_ =	shalt  }
0x59: {  	_ =	shalt  }
0x5a: {  	_ =	shalt  }
0x5b: {  	_ =	shalt  }
0x5c: {  	_ =	shalt  }
0x5d: {  	_ =	shalt  }
0x5e: {  	_ =	shalt  }
0x5f: {  	_ =	shalt  }
0x60: {  	_ =	shalt  }
0x61: {  	_ =	shalt  }
0x62: {  	_ =	shalt  }
0x63: {  	_ =	shalt  }
0x64: {  	_ =	shalt  }
0x65: {  	_ =	shalt  }
0x66: {  	_ =	shalt  }
0x67: {  	_ =	shalt  }
0x68: {  	_ =	shalt  }
0x69: {  	_ =	shalt  }
0x6a: {  	_ =	shalt  }
0x6b: {  	_ =	shalt  }
0x6c: {  	_ =	shalt  }
0x6d: {  	_ =	shalt  }
0x6e: {  	_ =	shalt  }
0x6f: {  	_ =	shalt  }
0x70: {  	_ =	shalt  }
0x71: {  	_ =	shalt  }
0x72: {  	_ =	shalt  }
0x73: {  	_ =	shalt  }
0x74: {  	_ =	shalt  }
0x75: {  	_ =	shalt  }
0x76: {  	_ =	shalt  }
0x77: {  	_ =	shalt  }
0x78: {  	_ =	shalt  }
0x79: {  	_ =	shalt  }
0x7a: {  	_ =	shalt  }
0x7b: {  	_ =	shalt  }
0x7c: {  	_ =	shalt  }
0x7d: {  	_ =	shalt  }
0x7e: {  	_ =	shalt  }
0x7f: {  	_ =	shalt  }
0x80: {  	_ =	shalt  }
0x81: {  	_ =	shalt  }
0x82: {  	_ =	shalt  }
0x83: {  	_ =	shalt  }
0x84: {  	_ =	shalt  }
0x85: {  	_ =	shalt  }
0x86: {  	_ =	shalt  }
0x87: {  	_ =	shalt  }
.Lfunc_end0:
.L_simem_size_0:
called_computation_lowered:
.L_overlay_start_0:
0x88: {  	s2 =	sld [smem:$0x3FD9]  }
0x89: {  	s3 =	sld [smem:$0x3FFE];
	_ =	sdelay $0x1  }
0x8a: {  	s1 =	srdreg.scid  }
0x8b: {  	s0 =	sand.u32 $0x1, s1  }
0x8c: {  	s17 =	sshll.u32 s0, $0xA;
	s2 =	sadd.s32 s3, s2  }
0x8d: {  	s2 =	sadd.s32 s2, s17  }
0x8e: {  	[smem:$0x3FC3] =	sst s2  }
0x8f: {  	_ = 	snop  }
0x90: {  	s2 =	sld [smem:$0x3FD0];
	(tm) =	ssettm $0x1  }
0x91: {  	s18 =	sld [smem:$0x3FFB];
	_ =	sdelay $0x3  }
0x92: {  	_ =	strace s18  }
0x93: {  	s3 =	sld [smem:$0x3FFC];
	_ =	sdelay $0x3  }
0x94: {  	_ =	strace s3  }
0x95: {  	s3 =	sld [smem:$0x3FFD];
	_ =	sdelay $0x3  }
0x96: {  	_ =	strace s3  }
0x97: {  	_ =	strace $0x8FFFFFFF  }
0x98: {  	s19 =	sld [smem:$0x3FDB];
	_ =	sdelay $0x1  }
0x99: {  	s4 =	simm.s32 $_scs_section_size  }
0x9a: {  	s5 =	simm.s32 $_size__tile_overlayer_lowered;
	s6 =	simm.s32 $_tile_overlayer_lowered  }
0x9b: {  	s22 =	simm.s32 $0x1BFF;
	s21 =	sshll.u32 s6, $0x1;
	s3 =	sadd.s32 s4, s19  }
0x9c: {  	s7 =	simm.s32 $0x0;
	s20 =	sshll.u32 s5, $0x1;
	s5 =	sadd.s32 s21, s3  }
0x9d: {  	[timem:s7], [sflag:s22] =	dma.local [hbm:s5], s20  }
0x9e: {  	_ =	swait.ge [sflag:s22], s20  }
0x9f: {  	s4 =	ssub.s32 $0x0, s20;
	[sflag:s22] =	ssyncset.done $0x0  }
0xa0: {  	[sflag:s22] =	ssyncadd.s32 s4;
	_ =	sdelay $0x1  }
0xa1: {  	s23 =	simm.s32 $0x1B8B  }
0xa2: {  	_ =	swait.ge [sflag:s23], $0x1  }
0xa3: {  	[sflag:s23] =	ssyncset.done $0x0  }
0xa4: {  	s25 =	simm.s32 $0x1B8E;
	s24 =	sld [smem:$0x3FFE];
	[sflag:s23] =	ssyncadd.s32 $0xFFFFFFFF  }
0xa5: {  	s26 =	simm.s32 $execute0_lowered;
	[smem:$0x3FD2] =	sst s25  }
0xa6: {  	s5 =	sshll.u32 s26, $0x1;
	_ =	strace $0x80000046;
	[dreg:$0x1] =	wrdreg $0xFFFFFFFF  }
0xa7: {  	s28 =	simm.s32 $_size_execute0_lowered;
	s3 =	sadd.s32 s3, s5;
	[dreg:$0x0] =	wrdreg $0x0  }
0xa8: {  	s5 =	sshll.u32 s28, $0x1;
	[dreg:$0x2] =	wrdreg s3  }
0xa9: {  	[dreg:$0x3] =	wrdreg s5  }
0xaa: {  	[dreg:$0x4] =	wrdreg $0xC0  }
0xab: {  	_ =	task [dreg:s7], $0x5FFFF  }
0xac: {  	[dreg:$0x1] =	wrdreg $0xFFFFFFFF  }
0xad: {  	[dreg:$0x0] =	wrdreg $0x60  }
0xae: {  	[dreg:$0x2] =	wrdreg s2  }
0xaf: {  	[dreg:$0x3] =	wrdreg s24  }
0xb0: {  	[dreg:$0x4] =	wrdreg $0x0  }
0xb1: {  	[dreg:$0x5] =	wrdreg $0x9  }
0xb2: {  	_ =	task.clear_ibuf [dreg:s7], $0x6FFFF;
	_ =	strace $0x90000046  }
0xb3: {  	s29 =	simm.s32 $0x9;
	_ =	strace $0x80000048  }
0xb4: {  	_ =	swait.ge [sflag:s29], $0x1  }
0xb5: {  	[sflag:s29] =	ssyncadd.s32 $0xFFFFFFFF  }
0xb6: {  	_ =	strace $0x90000048  }
0xb7: {  	_ =	sfence  }
0xb8: {  	s30 =	sld [smem:$0x0];
	_ =	sdelay $0x2  }
0xb9: {  	s31 =	sshll.u32 s1, $0xD;
	s1 =	sshrl.u32 s1, $0x2  }
0xba: {  	s3 =	sand.u32 $0x4000, s31;
	s1 =	sadd.s32 s1, s30  }
0xbb: {  	s0 =	sor.u32 s3, s0;
	s1 =	sshll.u32 s1, $0x11  }
0xbc: {  	s0 =	sor.u32 s1, s0  }
0xbd: {  	s0 =	sadd.s32 $0x8F2B, s0  }
0xbe: {  	[sflag:s0] =	ssyncadd.remote.s32 $0x1  }
0xbf: {  	_ =	sfence.sel $0xFFFF  }
0xc0: {  	[dreg:$0x0] =	wrdreg $0xFFFFFFFF;
	(pc) =	sbr.abs _section_cstart, $3  }
0xc1: {  	[dreg:$0x1] =	wrdreg $0xFFFFFFFF  }
0xc2: {  	_ =	task.clear_ibuf [dreg:s7], $0x2FFFF;
	_ =	strace $0x9FFFFFFF  }
0xc3: {  	(tm) =	ssettm $0x7FFFFFFF  }
tec
execute0_lowered:
.L_overlay_start_1:
0x0: {  	(tag) =	ssettag $0x1  }
0x1: {  	s1 =	rddreg [dreg:$0x0]  }
0x2: {  	s0 =	srdreg.scid;
	s6 =	rddreg [dreg:$0x1]  }
0x3: {  	s5 =	stileid.u32;
	s3 =	rddreg [dreg:$0x2]  }
0x4: {  	s4 =	simm.s32 $0x0;
	s16 =	simm.s32 $0x16C00;
	s17 =	simm.s32 $0x5  }
0x5: {  	s19 =	simm.s32 $0x80;
	s20 =	simm.s32 $0x1ED80;
	s21 =	simm.s32 $0x1AC00  }
0x6: {  	s22 =	simm.s32 $0x1EC00;
	s23 =	simm.s32 $0x1EE00;
	s28 =	simm.s32 $0x1  }
0x7: {  	s29 =	simm.s32 $0x3;
	s30 =	simm.s32 $0x1EC80;
	s9 =	smul.u32 $0x14000, s5  }
0x8: {  	s31 =	simm.s32 $0x4;
	s0 =	sand.u32 $0x1, s0;
	s10 =	smul.u32 $0x50000, s5  }
0x9: {  	[smem:$0x7FF] =	sst s4;
	s2 =	sshll.u32 s0, $0x4;
	s8 =	smul.u32 $0x140000, s0  }
0xa: {  	_ =	strace $0x80000047;
	s0 =	ssub.s32 $0x2, s0;
	s2 =	sor.u32 s5, s2  }
0xb: {  	s5 =	sadd.s32 $0xAE00, s6;
	s24 =	sshrl.u32 s0, $0x1;
	s10 =	sshrl.u32 s10, $0x2  }
0xc: {  	s7 =	smul.u32 $0x500, s2;
	s8 =	sadd.s32 s9, s8;
	s0 =	ssub.s32 s0, s24  }
0xd: {  	s11 =	smul.u32 $0x50, s2;
	s24 =	simm.s32 $0x2;
	s8 =	sshrl.u32 s8, $0x3  }
0xe: {  	s12 =	sadd.s32 s7, s6;
	s8 =	sadd.s32 s8, s6;
	s6 =	sadd.s32 s10, s3  }
0xf: {  	s15 =	smax.u32 s0, $0x1;
	s13 =	sadd.s32 s5, s7;
	s25 =	sadd.s32 $0x4000, s6  }
0x10: {  	s26 =	sadd.s32 $0x8000, s6;
	s9 =	sadd.s32 $0xC000, s6;
	s10 =	sadd.s32 $0x10000, s6  }
0x11: {  	s12 =	sadd.s32 $0xC00, s12;
	s14 =	sadd.s32 $0x15000, s8;
	[dreg:$0x4] =	wrdreg s25  }
0x12: {  	v0 =	vimm.f32 $0.0e+00;
	v1 =	vimm.s32 $0x0;
	[dreg:$0x5] =	wrdreg s26;
	s25 =	simm.s32 $0x1ED00;
	s26 =	simm.s32 $0x1EE80  }
.LBB2_1:
0x13: {  	s0 =	simm.s32 $0x0;
	s2 =	simm.s32 $0x200  }
.LBB2_2:
0x14: {  	p0 =	sne.s32 s2, $0xFE00;
	[tilespmem:s0+$0x16C70] =	vst v0  }
0x15: {  	[tilespmem:s0+$0x16C00] =	vst v0  }
0x16: {  	[tilespmem:s0+$0x16C10] =	vst v0  }
.Ltmp0:
0x17: {  	[tilespmem:s0+$0x16C20] =	vst v0;
	(pc) =	sbr.rel @p0 .LBB2_2-.Ltmp0, $4  }
0x18: {  	[tilespmem:s0+$0x16C30] =	vst v0  }
0x19: {  	[tilespmem:s0+$0x16C40] =	vst v0  }
0x1a: {  	[tilespmem:s0+$0x16C50] =	vst v0  }
0x1b: {  	[tilespmem:s0+$0x16C60] =	vst v0;
	s0 =	sshra.s32 s2, $0x2;
	s2 =	sadd.s32 $0x200, s2  }
0x1c: {  	[tilespmem:s0+$0x16C70] =	vst v0  }
0x1d: {  	[tilespmem:s0+$0x16C00] =	vst v0  }
0x1e: {  	[tilespmem:s0+$0x16C10] =	vst v0  }
0x1f: {  	[tilespmem:s0+$0x16C20] =	vst v0  }
0x20: {  	[tilespmem:s0+$0x16C30] =	vst v0  }
0x21: {  	[tilespmem:s0+$0x16C40] =	vst v0  }
0x22: {  	[tilespmem:s0+$0x16C50] =	vst v0  }
0x23: {  	[tilespmem:s0+$0x16C60] =	vst v0  }
0x24: {  	[spmem:s6] =	stream.linear.scatter [tilespmem:s16], [sflag:$0x5], $0x4000, $0x38;
	[tilespmem:$0x1EF00] =	vst v63  }
0x25: {  	_ =	swait.ge [sflag:s17], $0x4000  }
0x26: {  	[sflag:s17] =	ssyncset.done $0x0  }
0x27: {  	s8 =	rddreg [dreg:$0x4];
	[sflag:s17] =	ssyncadd.s32 $0xFFFFC000  }
0x28: {  	[spmem:s8] =	stream.linear.scatter [tilespmem:s16], [sflag:$0x5], $0x4000, $0x38;
	[tilespmem:$0x1EF00] =	vst v63  }
0x29: {  	_ =	swait.ge [sflag:s17], $0x4000  }
0x2a: {  	[sflag:s17] =	ssyncset.done $0x0  }
0x2b: {  	s18 =	rddreg [dreg:$0x5];
	[sflag:s17] =	ssyncadd.s32 $0xFFFFC000  }
0x2c: {  	[spmem:s18] =	stream.linear.scatter [tilespmem:s16], [sflag:$0x5], $0x4000, $0x38;
	[tilespmem:$0x1EF00] =	vst v63  }
0x2d: {  	_ =	swait.ge [sflag:s17], $0x4000  }
0x2e: {  	[sflag:s17] =	ssyncset.done $0x0  }
0x2f: {  	[sflag:s17] =	ssyncadd.s32 $0xFFFFC000  }
0x30: {  	[spmem:s9] =	stream.linear.scatter [tilespmem:s16], [sflag:$0x5], $0x4000, $0x38;
	[tilespmem:$0x1EF00] =	vst v63  }
0x31: {  	_ =	swait.ge [sflag:s17], $0x4000  }
0x32: {  	[sflag:s17] =	ssyncset.done $0x0  }
0x33: {  	[sflag:s17] =	ssyncadd.s32 $0xFFFFC000  }
0x34: {  	[spmem:s10] =	stream.linear.scatter [tilespmem:s16], [sflag:$0x5], $0x4000, $0x38;
	[tilespmem:$0x1EF00] =	vst v63  }
0x35: {  	_ =	swait.ge [sflag:s17], $0x4000  }
0x36: {  	[sflag:s17] =	ssyncset.done $0x0  }
0x37: {  	s0 =	simm.s32 $0x0;
	s2 =	simm.s32 $0x200;
	[sflag:s17] =	ssyncadd.s32 $0xFFFFC000  }
.LBB2_4:
0x38: {  	p0 =	sne.s32 s2, $0xFE00;
	[tilespmem:s0+$0x1AC70] =	vst v0  }
0x39: {  	[tilespmem:s0+$0x1AC00] =	vst v0  }
0x3a: {  	[tilespmem:s0+$0x1AC10] =	vst v0  }
.Ltmp1:
0x3b: {  	[tilespmem:s0+$0x1AC20] =	vst v0;
	(pc) =	sbr.rel @p0 .LBB2_4-.Ltmp1, $4  }
0x3c: {  	[tilespmem:s0+$0x1AC30] =	vst v0  }
0x3d: {  	[tilespmem:s0+$0x1AC40] =	vst v0  }
0x3e: {  	[tilespmem:s0+$0x1AC50] =	vst v0  }
0x3f: {  	[tilespmem:s0+$0x1AC60] =	vst v0;
	s0 =	sshra.s32 s2, $0x2;
	s2 =	sadd.s32 $0x200, s2  }
0x40: {  	[tilespmem:s0+$0x1AC70] =	vst v0  }
0x41: {  	[tilespmem:s0+$0x1AC00] =	vst v0  }
0x42: {  	[tilespmem:s0+$0x1AC10] =	vst v0  }
0x43: {  	[tilespmem:s0+$0x1AC20] =	vst v0  }
0x44: {  	[tilespmem:s0+$0x1AC30] =	vst v0  }
0x45: {  	[tilespmem:s0+$0x1AC40] =	vst v0  }
0x46: {  	[tilespmem:s0+$0x1AC50] =	vst v0  }
0x47: {  	[tilespmem:s0+$0x1AC60] =	vst v0  }
0x48: {  	[tilespmem:$0x1ED80] =	vst v1  }
0x49: {  	[tilespmem:$0x1ED90] =	vst v1  }
0x4a: {  	[tilespmem:$0x1EDA0] =	vst v1  }
0x4b: {  	[tilespmem:$0x1EDB0] =	vst v1  }
0x4c: {  	[tilespmem:$0x1EDC0] =	vst v1  }
0x4d: {  	[tilespmem:$0x1EDD0] =	vst v1  }
0x4e: {  	[tilespmem:$0x1EDE0] =	vst v1  }
0x4f: {  	[tilespmem:$0x1EDF0] =	vst v1  }
0x50: {  	s2 =	simm.s32 $0x0;
	s18 =	simm.s32 $0x14000;
	[bflag:$0x0] =	sbarrier.arrive $0xFFFF  }
0x51: {  	[tilespmem:s18], [sflag:$0x5] =	stream.linear.gather [hbm4b:s12+s2], $0x2C00, $0x38;
	[tilespmem:$0x1EF00] =	vst v63  }
0x52: {  	_ =	swait.ge [sflag:s17], $0x2C00  }
0x53: {  	[sflag:s17] =	ssyncset.done $0x0  }
0x54: {  	[sflag:s17] =	ssyncadd.s32 $0xFFFFD400  }
0x55: {  	[spmem:s3] =	stream.indirect.scatter.add.f32 [tilespmem:s21], [sflag:$0x2], $0x80, s20, s19, $0xb8;
	[tilespmem:$0x1EF00] =	vst v63  }
0x56: {  	v2 =	vld [tilespmem:$0x14000];
	_ =	sdelay $0x1  }
0x57: {  	v3 =	vld [tilespmem:$0x14010];
	_ =	sdelay $0x1  }
0x58: {  	v4 =	vld [tilespmem:$0x14020]  }
0x59: {  	v5 =	vand.u32 $0x3FFF, v2  }
0x5a: {  	v61 =	vld [tilespmem:$0x14030];
	v2 =	vshrl.u32 v2, $0xE;
	[tilespmem:$0x1EC00] =	vst v5  }
0x5b: {  	[tilespmem:$0x1EC80] =	vst v2;
	v2 =	vand.u32 $0x3FFF, v3  }
0x5c: {  	[tilespmem:$0x1EC10] =	vst v2;
	v2 =	vshrl.u32 v3, $0xE;
	v3 =	vld [tilespmem:$0x14040]  }
0x5d: {  	[tilespmem:$0x1EC90] =	vst v2;
	v2 =	vand.u32 $0x3FFF, v4  }
0x5e: {  	v62 =	vld [tilespmem:$0x14050];
	[tilespmem:$0x1EC20] =	vst v2;
	v2 =	vshrl.u32 v4, $0xE  }
0x5f: {  	[tilespmem:$0x1ECA0] =	vst v2;
	v2 =	vand.u32 $0x3FFF, v61  }
0x60: {  	v63 =	vld [tilespmem:$0x14060];
	[tilespmem:$0x1EC30] =	vst v2;
	v2 =	vshrl.u32 v61, $0xE  }
0x61: {  	[tilespmem:$0x1ECB0] =	vst v2;
	v2 =	vand.u32 $0x3FFF, v3  }
0x62: {  	[tilespmem:$0x1EC40] =	vst v2;
	v2 =	vshrl.u32 v3, $0xE;
	v3 =	vld [tilespmem:$0x14070]  }
0x63: {  	[tilespmem:$0x1ECC0] =	vst v2;
	v2 =	vand.u32 $0x3FFF, v62  }
0x64: {  	[tilespmem:$0x1EC50] =	vst v2;
	v2 =	vshrl.u32 v62, $0xE  }
0x65: {  	[tilespmem:$0x1ECD0] =	vst v2;
	v2 =	vand.u32 $0x3FFF, v63  }
0x66: {  	[tilespmem:$0x1EC60] =	vst v2;
	v2 =	vshrl.u32 v63, $0xE  }
0x67: {  	[tilespmem:$0x1ECE0] =	vst v2;
	v2 =	vand.u32 $0x3FFF, v3  }
0x68: {  	[tilespmem:$0x1EC70] =	vst v2;
	v2 =	vshrl.u32 v3, $0xE  }
0x69: {  	[tilespmem:$0x1ECF0] =	vst v2  }
0x6a: {  	[tilespmem:s16], [sflag:$0x1] =	stream.indirect.gather [hbm4b:s1+s19], $0x80, s22, s19, $0xb8;
	[tilespmem:$0x1EF00] =	vst v63  }
0x6b: {  	s18 =	simm.s32 $0x0  }
0x6c: {  	[tilespmem:s23], [sflag:$0x3] =	stream.linear.gather [hbm4b:s13+s2], $0x80, $0x38;
	[tilespmem:$0x1EF00] =	vst v63  }
.LBB2_6:
0x6d: {  	_ =	swait.ge [sflag:s24], $0x4000;
	s0 =	sshllo.u32 s18, $0x1  }
0x6e: {  	[sflag:s24] =	ssyncset.done $0x0;
	s7 =	sshll.u32 s0, $0x7  }
0x6f: {  	[sflag:s24] =	ssyncadd.s32 $0xFFFFC000;
	s7 =	sand.u32 $0x3FFFFF80, s7  }
0x70: {  	v2 =	vld [tilespmem:s7+$0x14000];
	_ =	sdelay $0x4  }
0x71: {  	v3 =	vand.u32 $0x3FFF, v2  }
0x72: {  	v2 =	vshrl.u32 v2, $0xE;
	[tilespmem:$0x1ED00] =	vst v3  }
0x73: {  	[tilespmem:$0x1ED80] =	vst v2  }
0x74: {  	v2 =	vld [tilespmem:s7+$0x14010];
	_ =	sdelay $0x4  }
0x75: {  	v3 =	vand.u32 $0x3FFF, v2  }
0x76: {  	v2 =	vshrl.u32 v2, $0xE;
	[tilespmem:$0x1ED10] =	vst v3  }
0x77: {  	[tilespmem:$0x1ED90] =	vst v2  }
0x78: {  	v2 =	vld [tilespmem:s7+$0x14020];
	_ =	sdelay $0x4  }
0x79: {  	v3 =	vand.u32 $0x3FFF, v2  }
0x7a: {  	v2 =	vshrl.u32 v2, $0xE;
	[tilespmem:$0x1ED20] =	vst v3  }
0x7b: {  	[tilespmem:$0x1EDA0] =	vst v2  }
0x7c: {  	v2 =	vld [tilespmem:s7+$0x14030];
	_ =	sdelay $0x4  }
0x7d: {  	v3 =	vand.u32 $0x3FFF, v2  }
0x7e: {  	v2 =	vshrl.u32 v2, $0xE;
	[tilespmem:$0x1ED30] =	vst v3  }
0x7f: {  	[tilespmem:$0x1EDB0] =	vst v2  }
0x80: {  	v2 =	vld [tilespmem:s7+$0x14040];
	_ =	sdelay $0x4  }
0x81: {  	v3 =	vand.u32 $0x3FFF, v2  }
0x82: {  	v2 =	vshrl.u32 v2, $0xE;
	[tilespmem:$0x1ED40] =	vst v3  }
0x83: {  	[tilespmem:$0x1EDC0] =	vst v2  }
0x84: {  	v2 =	vld [tilespmem:s7+$0x14050];
	_ =	sdelay $0x4  }
0x85: {  	v3 =	vand.u32 $0x3FFF, v2  }
0x86: {  	v2 =	vshrl.u32 v2, $0xE;
	[tilespmem:$0x1ED50] =	vst v3  }
0x87: {  	[tilespmem:$0x1EDD0] =	vst v2  }
0x88: {  	v2 =	vld [tilespmem:s7+$0x14060];
	_ =	sdelay $0x4  }
0x89: {  	v3 =	vand.u32 $0x3FFF, v2  }
0x8a: {  	v2 =	vshrl.u32 v2, $0xE;
	[tilespmem:$0x1ED60] =	vst v3  }
0x8b: {  	[tilespmem:$0x1EDE0] =	vst v2  }
0x8c: {  	v2 =	vld [tilespmem:s7+$0x14070];
	_ =	sdelay $0x4  }
0x8d: {  	s0 =	sadd.s32 s11, s0;
	v3 =	vand.u32 $0x3FFF, v2  }
0x8e: {  	s0 =	sshll.u32 s0, $0x4;
	v2 =	vshrl.u32 v2, $0xE;
	[tilespmem:$0x1ED70] =	vst v3  }
0x8f: {  	s0 =	sand.u32 $0x1FFFFFF0, s0;
	[tilespmem:$0x1EDF0] =	vst v2  }
0x90: {  	[tilespmem:s21], [sflag:$0x2] =	stream.indirect.gather [hbm4b:s1+s19], $0x80, s25, s19, $0xb8;
	[tilespmem:$0x1EF00] =	vst v63  }
0x91: {  	s0 =	sadd.s32 s5, s0  }
0x92: {  	[tilespmem:s26], [sflag:$0x4] =	stream.linear.gather [hbm4b:s0+s2], $0x80, $0x38;
	[tilespmem:$0x1EF00] =	vst v63  }
0x93: {  	_ =	swait.ge [sflag:s28], $0x4000  }
0x94: {  	[sflag:s28] =	ssyncset.done $0x0  }
0x95: {  	[sflag:s28] =	ssyncadd.s32 $0xFFFFC000  }
0x96: {  	_ =	swait.ge [sflag:s29], $0x80  }
0x97: {  	[sflag:s29] =	ssyncset.done $0x0  }
0x98: {  	s7 =	simm.s32 $0x0;
	s0 =	sshll.u32 s18, $0x1;
	[sflag:s29] =	ssyncadd.s32 $0xFFFFFF80  }
.LBB2_7:
0x99: {  	s8 =	sshll.u32 s7, $0x4  }
0x9a: {  	s8 =	sand.u32 $0x3FFFFFF0, s8  }
0x9b: {  	v2 =	vld [tilespmem:s8+$0x1EE00];
	s8 =	sshll.u32 s7, $0xB  }
0x9c: {  	s8 =	sand.u32 $0x3FFFF800, s8  }
0x9d: {  	v3 =	vld [tilespmem:s8+$0x16C00]  }
0x9e: {  	v4 =	vld [tilespmem:s8+$0x16C10]  }
0x9f: {  	v5 =	vld [tilespmem:s8+$0x16C20]  }
0xa0: {  	v7 =	vld [tilespmem:s8+$0x16C30];
	v6 =	vbroadcast v2, $0x0  }
0xa1: {  	v8 =	vld [tilespmem:s8+$0x16C40]  }
0xa2: {  	v9 =	vld [tilespmem:s8+$0x16C50];
	v3 =	vmul.f32 v6, v3  }
0xa3: {  	v10 =	vld [tilespmem:s8+$0x16C60];
	v4 =	vmul.f32 v4, v6  }
0xa4: {  	v24 =	vld [tilespmem:s8+$0x16C70];
	[tilespmem:s8+$0x16C00] =	vst v3;
	v3 =	vmul.f32 v5, v6  }
0xa5: {  	v26 =	vld [tilespmem:s8+$0x16C80];
	v25 =	vmul.f32 v7, v6;
	[tilespmem:s8+$0x16C10] =	vst v4  }
0xa6: {  	v27 =	vld [tilespmem:s8+$0x16C90];
	[tilespmem:s8+$0x16C20] =	vst v3;
	v3 =	vmul.f32 v8, v6  }
0xa7: {  	v29 =	vld [tilespmem:s8+$0x16CA0];
	v28 =	vmul.f32 v9, v6;
	[tilespmem:s8+$0x16C30] =	vst v25  }
0xa8: {  	v11 =	vld [tilespmem:s8+$0x16CB0];
	v30 =	vbroadcast v2, $0x1;
	[tilespmem:s8+$0x16C40] =	vst v3;
	v3 =	vmul.f32 v10, v6  }
0xa9: {  	v32 =	vld [tilespmem:s8+$0x16CC0];
	v31 =	vmul.f32 v24, v6;
	[tilespmem:s8+$0x16C50] =	vst v28  }
0xaa: {  	v33 =	vld [tilespmem:s8+$0x16CD0];
	[tilespmem:s8+$0x16C60] =	vst v3;
	v3 =	vmul.f32 v26, v30  }
0xab: {  	v35 =	vld [tilespmem:s8+$0x16CE0];
	v34 =	vmul.f32 v27, v30;
	[tilespmem:s8+$0x16C70] =	vst v31  }
0xac: {  	v36 =	vld [tilespmem:s8+$0x16CF0];
	[tilespmem:s8+$0x16C80] =	vst v3;
	v3 =	vmul.f32 v29, v30  }
0xad: {  	v38 =	vld [tilespmem:s8+$0x16D00];
	v37 =	vmul.f32 v11, v30;
	[tilespmem:s8+$0x16C90] =	vst v34  }
0xae: {  	v39 =	vld [tilespmem:s8+$0x16D10];
	[tilespmem:s8+$0x16CA0] =	vst v3;
	v3 =	vmul.f32 v32, v30  }
0xaf: {  	v41 =	vld [tilespmem:s8+$0x16D20];
	v40 =	vmul.f32 v33, v30;
	[tilespmem:s8+$0x16CB0] =	vst v37  }
0xb0: {  	v43 =	vld [tilespmem:s8+$0x16D30];
	v42 =	vbroadcast v2, $0x2;
	[tilespmem:s8+$0x16CC0] =	vst v3;
	v3 =	vmul.f32 v35, v30  }
0xb1: {  	v45 =	vld [tilespmem:s8+$0x16D40];
	v44 =	vmul.f32 v36, v30;
	[tilespmem:s8+$0x16CD0] =	vst v40  }
0xb2: {  	v46 =	vld [tilespmem:s8+$0x16D50];
	[tilespmem:s8+$0x16CE0] =	vst v3;
	v3 =	vmul.f32 v38, v42  }
0xb3: {  	v48 =	vld [tilespmem:s8+$0x16D60];
	v47 =	vmul.f32 v39, v42;
	[tilespmem:s8+$0x16CF0] =	vst v44  }
0xb4: {  	v49 =	vld [tilespmem:s8+$0x16D70];
	[tilespmem:s8+$0x16D00] =	vst v3;
	v3 =	vmul.f32 v41, v42  }
0xb5: {  	v51 =	vld [tilespmem:s8+$0x16D80];
	v50 =	vmul.f32 v43, v42;
	[tilespmem:s8+$0x16D10] =	vst v47  }
0xb6: {  	v52 =	vld [tilespmem:s8+$0x16D90];
	[tilespmem:s8+$0x16D20] =	vst v3;
	v3 =	vmul.f32 v45, v42  }
0xb7: {  	v54 =	vld [tilespmem:s8+$0x16DA0];
	v53 =	vmul.f32 v46, v42;
	[tilespmem:s8+$0x16D30] =	vst v50  }
0xb8: {  	v56 =	vld [tilespmem:s8+$0x16DB0];
	v55 =	vbroadcast v2, $0x3;
	[tilespmem:s8+$0x16D40] =	vst v3;
	v3 =	vmul.f32 v48, v42  }
0xb9: {  	v58 =	vld [tilespmem:s8+$0x16DC0];
	v57 =	vmul.f32 v49, v42;
	[tilespmem:s8+$0x16D50] =	vst v53  }
0xba: {  	v59 =	vld [tilespmem:s8+$0x16DD0];
	[tilespmem:s8+$0x16D60] =	vst v3;
	v3 =	vmul.f32 v51, v55  }
0xbb: {  	v61 =	vld [tilespmem:s8+$0x16DE0];
	v60 =	vmul.f32 v52, v55;
	[tilespmem:s8+$0x16D70] =	vst v57  }
0xbc: {  	v62 =	vld [tilespmem:s8+$0x16DF0];
	[tilespmem:s8+$0x16D80] =	vst v3;
	v3 =	vmul.f32 v54, v55  }
0xbd: {  	v12 =	vld [tilespmem:s8+$0x16E00];
	v63 =	vmul.f32 v56, v55;
	[tilespmem:s8+$0x16D90] =	vst v60  }
0xbe: {  	v13 =	vld [tilespmem:s8+$0x16E10];
	[tilespmem:s8+$0x16DA0] =	vst v3;
	v3 =	vmul.f32 v58, v55  }
0xbf: {  	v15 =	vld [tilespmem:s8+$0x16E20];
	v14 =	vmul.f32 v59, v55;
	[tilespmem:s8+$0x16DB0] =	vst v63  }
0xc0: {  	v17 =	vld [tilespmem:s8+$0x16E30];
	v16 =	vbroadcast v2, $0x4;
	[tilespmem:s8+$0x16DC0] =	vst v3;
	v3 =	vmul.f32 v61, v55  }
0xc1: {  	v19 =	vld [tilespmem:s8+$0x16E40];
	v18 =	vmul.f32 v62, v55;
	[tilespmem:s8+$0x16DD0] =	vst v14  }
0xc2: {  	v20 =	vld [tilespmem:s8+$0x16E50];
	[tilespmem:s8+$0x16DE0] =	vst v3;
	v3 =	vmul.f32 v12, v16  }
0xc3: {  	v22 =	vld [tilespmem:s8+$0x16E60];
	v21 =	vmul.f32 v13, v16;
	[tilespmem:s8+$0x16DF0] =	vst v18  }
0xc4: {  	v23 =	vld [tilespmem:s8+$0x16E70];
	[tilespmem:s8+$0x16E00] =	vst v3;
	v3 =	vmul.f32 v15, v16  }
0xc5: {  	v24 =	vmul.f32 v17, v16;
	[tilespmem:s8+$0x16E10] =	vst v21;
	v25 =	vld [tilespmem:s8+$0x16E80]  }
0xc6: {  	v33 =	vld [tilespmem:s8+$0x16ED0];
	[tilespmem:s8+$0x16E20] =	vst v3;
	v3 =	vmul.f32 v19, v16  }
0xc7: {  	v27 =	vmul.f32 v20, v16;
	[tilespmem:s8+$0x16E30] =	vst v24;
	v28 =	vld [tilespmem:s8+$0x16EA0]  }
0xc8: {  	v36 =	vld [tilespmem:s8+$0x16EF0];
	v29 =	vbroadcast v2, $0x5;
	[tilespmem:s8+$0x16E40] =	vst v3;
	v3 =	vmul.f32 v22, v16  }
0xc9: {  	[tilespmem:s8+$0x16E50] =	vst v27;
	v31 =	vmul.f32 v23, v16;
	v32 =	vld [tilespmem:s8+$0x16EC0]  }
0xca: {  	v26 =	vld [tilespmem:s8+$0x16E90];
	[tilespmem:s8+$0x16E60] =	vst v3;
	v3 =	vmul.f32 v25, v29  }
0xcb: {  	[tilespmem:s8+$0x16E70] =	vst v31;
	v40 =	vmul.f32 v33, v29;
	v35 =	vld [tilespmem:s8+$0x16EE0]  }
0xcc: {  	v30 =	vld [tilespmem:s8+$0x16EB0];
	[tilespmem:s8+$0x16E80] =	vst v3;
	v3 =	vmul.f32 v28, v29  }
0xcd: {  	v44 =	vmul.f32 v36, v29;
	[tilespmem:s8+$0x16ED0] =	vst v40;
	v38 =	vld [tilespmem:s8+$0x16F00]  }
0xce: {  	v39 =	vld [tilespmem:s8+$0x16F10];
	[tilespmem:s8+$0x16EA0] =	vst v3;
	v3 =	vmul.f32 v32, v29  }
0xcf: {  	v34 =	vmul.f32 v26, v29;
	[tilespmem:s8+$0x16EF0] =	vst v44;
	v41 =	vld [tilespmem:s8+$0x16F20]  }
0xd0: {  	v43 =	vld [tilespmem:s8+$0x16F30];
	v42 =	vbroadcast v2, $0x6;
	[tilespmem:s8+$0x16EC0] =	vst v3;
	v3 =	vmul.f32 v35, v29  }
0xd1: {  	[tilespmem:s8+$0x16E90] =	vst v34;
	v37 =	vmul.f32 v30, v29;
	v45 =	vld [tilespmem:s8+$0x16F40]  }
0xd2: {  	v46 =	vld [tilespmem:s8+$0x16F50];
	[tilespmem:s8+$0x16EE0] =	vst v3;
	v3 =	vmul.f32 v38, v42  }
0xd3: {  	[tilespmem:s8+$0x16EB0] =	vst v37;
	v48 =	vld [tilespmem:s8+$0x16F60];
	v47 =	vmul.f32 v39, v42  }
0xd4: {  	v49 =	vld [tilespmem:s8+$0x16F70];
	[tilespmem:s8+$0x16F00] =	vst v3;
	v3 =	vmul.f32 v41, v42  }
0xd5: {  	v50 =	vmul.f32 v43, v42;
	v51 =	vld [tilespmem:s8+$0x16F80];
	[tilespmem:s8+$0x16F10] =	vst v47  }
0xd6: {  	v52 =	vld [tilespmem:s8+$0x16F90];
	[tilespmem:s8+$0x16F20] =	vst v3;
	v3 =	vmul.f32 v45, v42  }
0xd7: {  	v53 =	vmul.f32 v46, v42;
	[tilespmem:s8+$0x16F30] =	vst v50;
	v54 =	vld [tilespmem:s8+$0x16FA0]  }
0xd8: {  	v56 =	vld [tilespmem:s8+$0x16FB0];
	v55 =	vbroadcast v2, $0x7;
	[tilespmem:s8+$0x16F40] =	vst v3;
	v3 =	vmul.f32 v48, v42  }
0xd9: {  	v57 =	vmul.f32 v49, v42;
	[tilespmem:s8+$0x16F50] =	vst v53;
	v58 =	vld [tilespmem:s8+$0x16FC0]  }
0xda: {  	v59 =	vld [tilespmem:s8+$0x16FD0];
	[tilespmem:s8+$0x16F60] =	vst v3;
	v3 =	vmul.f32 v51, v55  }
0xdb: {  	[tilespmem:s8+$0x16F70] =	vst v57;
	v61 =	vld [tilespmem:s8+$0x16FE0];
	v60 =	vmul.f32 v52, v55  }
0xdc: {  	v62 =	vld [tilespmem:s8+$0x16FF0];
	[tilespmem:s8+$0x16F80] =	vst v3;
	v3 =	vmul.f32 v54, v55  }
0xdd: {  	v63 =	vmul.f32 v56, v55;
	v12 =	vld [tilespmem:s8+$0x17000];
	[tilespmem:s8+$0x16F90] =	vst v60  }
0xde: {  	v13 =	vld [tilespmem:s8+$0x17010];
	[tilespmem:s8+$0x16FA0] =	vst v3;
	v3 =	vmul.f32 v58, v55  }
0xdf: {  	v14 =	vmul.f32 v59, v55;
	[tilespmem:s8+$0x16FB0] =	vst v63;
	v15 =	vld [tilespmem:s8+$0x17020]  }
0xe0: {  	v17 =	vld [tilespmem:s8+$0x17030];
	v16 =	vbroadcast v2, $0x8;
	[tilespmem:s8+$0x16FC0] =	vst v3;
	v3 =	vmul.f32 v61, v55  }
0xe1: {  	v18 =	vmul.f32 v62, v55;
	[tilespmem:s8+$0x16FD0] =	vst v14;
	v19 =	vld [tilespmem:s8+$0x17040]  }
0xe2: {  	v20 =	vld [tilespmem:s8+$0x17050];
	[tilespmem:s8+$0x16FE0] =	vst v3;
	v3 =	vmul.f32 v12, v16  }
0xe3: {  	[tilespmem:s8+$0x16FF0] =	vst v18;
	v22 =	vld [tilespmem:s8+$0x17060];
	v21 =	vmul.f32 v13, v16  }
0xe4: {  	v23 =	vld [tilespmem:s8+$0x17070];
	[tilespmem:s8+$0x17000] =	vst v3;
	v3 =	vmul.f32 v15, v16  }
0xe5: {  	v24 =	vmul.f32 v17, v16;
	v25 =	vld [tilespmem:s8+$0x17080];
	[tilespmem:s8+$0x17010] =	vst v21  }
0xe6: {  	v26 =	vld [tilespmem:s8+$0x17090];
	[tilespmem:s8+$0x17020] =	vst v3;
	v3 =	vmul.f32 v19, v16  }
0xe7: {  	v27 =	vmul.f32 v20, v16;
	[tilespmem:s8+$0x17030] =	vst v24;
	v28 =	vld [tilespmem:s8+$0x170A0]  }
0xe8: {  	v30 =	vld [tilespmem:s8+$0x170B0];
	v29 =	vbroadcast v2, $0x9;
	[tilespmem:s8+$0x17040] =	vst v3;
	v3 =	vmul.f32 v22, v16  }
0xe9: {  	v31 =	vmul.f32 v23, v16;
	[tilespmem:s8+$0x17050] =	vst v27;
	v32 =	vld [tilespmem:s8+$0x170C0]  }
0xea: {  	v33 =	vld [tilespmem:s8+$0x170D0];
	[tilespmem:s8+$0x17060] =	vst v3;
	v3 =	vmul.f32 v25, v29  }
0xeb: {  	[tilespmem:s8+$0x17070] =	vst v31;
	v35 =	vld [tilespmem:s8+$0x170E0];
	v34 =	vmul.f32 v26, v29  }
0xec: {  	v36 =	vld [tilespmem:s8+$0x170F0];
	[tilespmem:s8+$0x17080] =	vst v3;
	v3 =	vmul.f32 v28, v29  }
0xed: {  	v37 =	vmul.f32 v30, v29;
	v38 =	vld [tilespmem:s8+$0x17100];
	[tilespmem:s8+$0x17090] =	vst v34  }
0xee: {  	v39 =	vld [tilespmem:s8+$0x17110];
	[tilespmem:s8+$0x170A0] =	vst v3;
	v3 =	vmul.f32 v32, v29  }
0xef: {  	v40 =	vmul.f32 v33, v29;
	[tilespmem:s8+$0x170B0] =	vst v37;
	v41 =	vld [tilespmem:s8+$0x17120]  }
0xf0: {  	v43 =	vld [tilespmem:s8+$0x17130];
	v42 =	vbroadcast v2, $0xA;
	[tilespmem:s8+$0x170C0] =	vst v3;
	v3 =	vmul.f32 v35, v29  }
0xf1: {  	v44 =	vmul.f32 v36, v29;
	[tilespmem:s8+$0x170D0] =	vst v40;
	v45 =	vld [tilespmem:s8+$0x17140]  }
0xf2: {  	v46 =	vld [tilespmem:s8+$0x17150];
	[tilespmem:s8+$0x170E0] =	vst v3;
	v3 =	vmul.f32 v38, v42  }
0xf3: {  	[tilespmem:s8+$0x170F0] =	vst v44;
	v48 =	vld [tilespmem:s8+$0x17160];
	v47 =	vmul.f32 v39, v42  }
0xf4: {  	v49 =	vld [tilespmem:s8+$0x17170];
	[tilespmem:s8+$0x17100] =	vst v3;
	v3 =	vmul.f32 v41, v42  }
0xf5: {  	v50 =	vmul.f32 v43, v42;
	v51 =	vld [tilespmem:s8+$0x17180];
	[tilespmem:s8+$0x17110] =	vst v47  }
0xf6: {  	v52 =	vld [tilespmem:s8+$0x17190];
	[tilespmem:s8+$0x17120] =	vst v3;
	v3 =	vmul.f32 v45, v42  }
0xf7: {  	v53 =	vmul.f32 v46, v42;
	[tilespmem:s8+$0x17130] =	vst v50;
	v54 =	vld [tilespmem:s8+$0x171A0]  }
0xf8: {  	v56 =	vld [tilespmem:s8+$0x171B0];
	v55 =	vbroadcast v2, $0xB;
	[tilespmem:s8+$0x17140] =	vst v3;
	v3 =	vmul.f32 v48, v42  }
0xf9: {  	v57 =	vmul.f32 v49, v42;
	[tilespmem:s8+$0x17150] =	vst v53;
	v58 =	vld [tilespmem:s8+$0x171C0]  }
0xfa: {  	v59 =	vld [tilespmem:s8+$0x171D0];
	[tilespmem:s8+$0x17160] =	vst v3;
	v3 =	vmul.f32 v51, v55  }
0xfb: {  	[tilespmem:s8+$0x17170] =	vst v57;
	v61 =	vld [tilespmem:s8+$0x171E0];
	v60 =	vmul.f32 v52, v55  }
0xfc: {  	v62 =	vld [tilespmem:s8+$0x171F0];
	[tilespmem:s8+$0x17180] =	vst v3;
	v3 =	vmul.f32 v54, v55  }
0xfd: {  	v63 =	vmul.f32 v56, v55;
	v12 =	vld [tilespmem:s8+$0x17200];
	[tilespmem:s8+$0x17190] =	vst v60  }
0xfe: {  	v13 =	vld [tilespmem:s8+$0x17210];
	[tilespmem:s8+$0x171A0] =	vst v3;
	v3 =	vmul.f32 v58, v55  }
0xff: {  	v14 =	vmul.f32 v59, v55;
	[tilespmem:s8+$0x171B0] =	vst v63;
	v15 =	vld [tilespmem:s8+$0x17220]  }
0x100: {  	v17 =	vld [tilespmem:s8+$0x17230];
	v16 =	vbroadcast v2, $0xC;
	[tilespmem:s8+$0x171C0] =	vst v3;
	v3 =	vmul.f32 v61, v55  }
0x101: {  	v18 =	vmul.f32 v62, v55;
	[tilespmem:s8+$0x171D0] =	vst v14;
	v19 =	vld [tilespmem:s8+$0x17240]  }
0x102: {  	v20 =	vld [tilespmem:s8+$0x17250];
	[tilespmem:s8+$0x171E0] =	vst v3;
	v3 =	vmul.f32 v12, v16  }
0x103: {  	[tilespmem:s8+$0x171F0] =	vst v18;
	v22 =	vld [tilespmem:s8+$0x17260];
	v21 =	vmul.f32 v13, v16  }
0x104: {  	v23 =	vld [tilespmem:s8+$0x17270];
	[tilespmem:s8+$0x17200] =	vst v3;
	v3 =	vmul.f32 v15, v16  }
0x105: {  	v24 =	vmul.f32 v17, v16;
	v25 =	vld [tilespmem:s8+$0x17280];
	[tilespmem:s8+$0x17210] =	vst v21  }
0x106: {  	v26 =	vld [tilespmem:s8+$0x17290];
	[tilespmem:s8+$0x17220] =	vst v3;
	v3 =	vmul.f32 v19, v16  }
0x107: {  	v27 =	vmul.f32 v20, v16;
	[tilespmem:s8+$0x17230] =	vst v24;
	v28 =	vld [tilespmem:s8+$0x172A0]  }
0x108: {  	v30 =	vld [tilespmem:s8+$0x172B0];
	v29 =	vbroadcast v2, $0xD;
	[tilespmem:s8+$0x17240] =	vst v3;
	v3 =	vmul.f32 v22, v16  }
0x109: {  	v31 =	vmul.f32 v23, v16;
	[tilespmem:s8+$0x17250] =	vst v27;
	v32 =	vld [tilespmem:s8+$0x172C0]  }
0x10a: {  	v33 =	vld [tilespmem:s8+$0x172D0];
	[tilespmem:s8+$0x17260] =	vst v3;
	v3 =	vmul.f32 v25, v29  }
0x10b: {  	[tilespmem:s8+$0x17270] =	vst v31;
	v35 =	vld [tilespmem:s8+$0x172E0];
	v34 =	vmul.f32 v26, v29  }
0x10c: {  	v36 =	vld [tilespmem:s8+$0x172F0];
	[tilespmem:s8+$0x17280] =	vst v3;
	v3 =	vmul.f32 v28, v29  }
0x10d: {  	v37 =	vmul.f32 v30, v29;
	v38 =	vld [tilespmem:s8+$0x17300];
	[tilespmem:s8+$0x17290] =	vst v34  }
0x10e: {  	v39 =	vld [tilespmem:s8+$0x17310];
	[tilespmem:s8+$0x172A0] =	vst v3;
	v3 =	vmul.f32 v32, v29  }
0x10f: {  	v40 =	vmul.f32 v33, v29;
	[tilespmem:s8+$0x172B0] =	vst v37;
	v41 =	vld [tilespmem:s8+$0x17320]  }
0x110: {  	v43 =	vld [tilespmem:s8+$0x17330];
	v42 =	vbroadcast v2, $0xE;
	[tilespmem:s8+$0x172C0] =	vst v3;
	v3 =	vmul.f32 v35, v29  }
0x111: {  	v44 =	vmul.f32 v36, v29;
	[tilespmem:s8+$0x172D0] =	vst v40;
	v45 =	vld [tilespmem:s8+$0x17340]  }
0x112: {  	v46 =	vld [tilespmem:s8+$0x17350];
	[tilespmem:s8+$0x172E0] =	vst v3;
	v3 =	vmul.f32 v38, v42  }
0x113: {  	[tilespmem:s8+$0x172F0] =	vst v44;
	v48 =	vld [tilespmem:s8+$0x17360];
	v47 =	vmul.f32 v39, v42  }
0x114: {  	v49 =	vld [tilespmem:s8+$0x17370];
	[tilespmem:s8+$0x17300] =	vst v3;
	v3 =	vmul.f32 v41, v42  }
0x115: {  	v50 =	vmul.f32 v43, v42;
	v51 =	vld [tilespmem:s8+$0x17380];
	[tilespmem:s8+$0x17310] =	vst v47  }
0x116: {  	v52 =	vld [tilespmem:s8+$0x17390];
	[tilespmem:s8+$0x17320] =	vst v3;
	v3 =	vmul.f32 v45, v42  }
0x117: {  	v53 =	vmul.f32 v46, v42;
	[tilespmem:s8+$0x17330] =	vst v50;
	v54 =	vld [tilespmem:s8+$0x173A0]  }
0x118: {  	v2 =	vbroadcast v2, $0xF;
	v58 =	vld [tilespmem:s8+$0x173D0];
	[tilespmem:s8+$0x17340] =	vst v3;
	v3 =	vmul.f32 v48, v42  }
0x119: {  	v57 =	vld [tilespmem:s8+$0x173C0];
	v56 =	vmul.f32 v49, v42;
	[tilespmem:s8+$0x17350] =	vst v53  }
0x11a: {  	v55 =	vld [tilespmem:s8+$0x173B0];
	[tilespmem:s8+$0x17360] =	vst v3;
	v3 =	vmul.f32 v51, v2  }
0x11b: {  	v60 =	vld [tilespmem:s8+$0x173E0];
	v59 =	vmul.f32 v52, v2;
	[tilespmem:s8+$0x17370] =	vst v56  }
0x11c: {  	v61 =	vld [tilespmem:s8+$0x173F0];
	[tilespmem:s8+$0x17380] =	vst v3;
	v3 =	vmul.f32 v54, v2  }
0x11d: {  	[tilespmem:s8+$0x17390] =	vst v59;
	v63 =	vmul.f32 v58, v2  }
0x11e: {  	p0 =	sne.s32 s7, $0x7;
	[tilespmem:s8+$0x173A0] =	vst v3;
	v3 =	vmul.f32 v57, v2  }
.Ltmp2:
0x11f: {  	v62 =	vmul.f32 v55, v2;
	[tilespmem:s8+$0x173D0] =	vst v63;
	(pc) =	sbr.rel @p0 .LBB2_7-.Ltmp2, $4  }
0x120: {  	[tilespmem:s8+$0x173C0] =	vst v3;
	v3 =	vmul.f32 v60, v2  }
0x121: {  	[tilespmem:s8+$0x173B0] =	vst v62;
	v2 =	vmul.f32 v61, v2  }
0x122: {  	[tilespmem:s8+$0x173E0] =	vst v3  }
0x123: {  	s7 =	sadd.s32 $0x1, s7;
	[tilespmem:s8+$0x173F0] =	vst v2  }
0x124: {  	[spmem:s3] =	stream.indirect.scatter.add.f32 [tilespmem:s16], [sflag:$0x1], $0x80, s30, s19, $0xb8;
	[tilespmem:$0x1EF00] =	vst v63  }
0x125: {  	s0 =	sadd.s32 $0x2, s0;
	_ =	swait.ge [sflag:s28], $0x4000  }
0x126: {  	s7 =	sshll.u32 s0, $0x7;
	[sflag:s28] =	ssyncset.done $0x0  }
0x127: {  	s7 =	sand.u32 $0x3FFFFF80, s7;
	[sflag:s28] =	ssyncadd.s32 $0xFFFFC000  }
0x128: {  	v2 =	vld [tilespmem:s7+$0x14000];
	_ =	sdelay $0x4  }
0x129: {  	v3 =	vand.u32 $0x3FFF, v2  }
0x12a: {  	v2 =	vshrl.u32 v2, $0xE;
	[tilespmem:$0x1EC00] =	vst v3  }
0x12b: {  	[tilespmem:$0x1EC80] =	vst v2  }
0x12c: {  	v2 =	vld [tilespmem:s7+$0x14010];
	_ =	sdelay $0x4  }
0x12d: {  	v3 =	vand.u32 $0x3FFF, v2  }
0x12e: {  	v2 =	vshrl.u32 v2, $0xE;
	[tilespmem:$0x1EC10] =	vst v3  }
0x12f: {  	[tilespmem:$0x1EC90] =	vst v2  }
0x130: {  	v2 =	vld [tilespmem:s7+$0x14020];
	_ =	sdelay $0x4  }
0x131: {  	v3 =	vand.u32 $0x3FFF, v2  }
0x132: {  	v2 =	vshrl.u32 v2, $0xE;
	[tilespmem:$0x1EC20] =	vst v3  }
0x133: {  	[tilespmem:$0x1ECA0] =	vst v2  }
0x134: {  	v2 =	vld [tilespmem:s7+$0x14030];
	_ =	sdelay $0x4  }
0x135: {  	v3 =	vand.u32 $0x3FFF, v2  }
0x136: {  	v2 =	vshrl.u32 v2, $0xE;
	[tilespmem:$0x1EC30] =	vst v3  }
0x137: {  	[tilespmem:$0x1ECB0] =	vst v2  }
0x138: {  	v2 =	vld [tilespmem:s7+$0x14040];
	_ =	sdelay $0x4  }
0x139: {  	v3 =	vand.u32 $0x3FFF, v2  }
0x13a: {  	v2 =	vshrl.u32 v2, $0xE;
	[tilespmem:$0x1EC40] =	vst v3  }
0x13b: {  	[tilespmem:$0x1ECC0] =	vst v2  }
0x13c: {  	v2 =	vld [tilespmem:s7+$0x14050];
	_ =	sdelay $0x4  }
0x13d: {  	v3 =	vand.u32 $0x3FFF, v2  }
0x13e: {  	v2 =	vshrl.u32 v2, $0xE;
	[tilespmem:$0x1EC50] =	vst v3  }
0x13f: {  	[tilespmem:$0x1ECD0] =	vst v2  }
0x140: {  	v2 =	vld [tilespmem:s7+$0x14060];
	_ =	sdelay $0x4  }
0x141: {  	v3 =	vand.u32 $0x3FFF, v2  }
0x142: {  	v2 =	vshrl.u32 v2, $0xE;
	[tilespmem:$0x1EC60] =	vst v3  }
0x143: {  	[tilespmem:$0x1ECE0] =	vst v2  }
0x144: {  	v2 =	vld [tilespmem:s7+$0x14070];
	_ =	sdelay $0x4  }
0x145: {  	s0 =	sadd.s32 s11, s0;
	v3 =	vand.u32 $0x3FFF, v2  }
0x146: {  	s0 =	sshll.u32 s0, $0x4;
	v2 =	vshrl.u32 v2, $0xE;
	[tilespmem:$0x1EC70] =	vst v3  }
0x147: {  	s0 =	sand.u32 $0x1FFFFFE0, s0;
	[tilespmem:$0x1ECF0] =	vst v2  }
0x148: {  	[tilespmem:s16], [sflag:$0x1] =	stream.indirect.gather [hbm4b:s1+s19], $0x80, s22, s19, $0xb8;
	[tilespmem:$0x1EF00] =	vst v63  }
0x149: {  	s8 =	sadd.s32 s5, s0;
	s0 =	simm.s32 $0x0  }
0x14a: {  	[tilespmem:s23], [sflag:$0x3] =	stream.linear.gather [hbm4b:s8+s0], $0x80, $0x38;
	[tilespmem:$0x1EF00] =	vst v63  }
0x14b: {  	_ =	swait.ge [sflag:s24], $0x4000  }
0x14c: {  	[sflag:s24] =	ssyncset.done $0x0  }
0x14d: {  	[sflag:s24] =	ssyncadd.s32 $0xFFFFC000  }
0x14e: {  	_ =	swait.ge [sflag:s31], $0x80  }
0x14f: {  	[sflag:s31] =	ssyncset.done $0x0  }
0x150: {  	[sflag:s31] =	ssyncadd.s32 $0xFFFFFF80  }
.LBB2_9:
0x151: {  	s7 =	sshll.u32 s0, $0x4  }
0x152: {  	s7 =	sand.u32 $0x3FFFFFF0, s7  }
0x153: {  	s8 =	sshll.u32 s0, $0xB;
	v2 =	vld [tilespmem:s7+$0x1EE80]  }
0x154: {  	s7 =	sand.u32 $0x3FFFF800, s8  }
0x155: {  	v3 =	vld [tilespmem:s7+$0x1AC00]  }
0x156: {  	v4 =	vld [tilespmem:s7+$0x1AC10]  }
0x157: {  	v5 =	vld [tilespmem:s7+$0x1AC20]  }
0x158: {  	v7 =	vld [tilespmem:s7+$0x1AC30];
	v6 =	vbroadcast v2, $0x0  }
0x159: {  	v8 =	vld [tilespmem:s7+$0x1AC40]  }
0x15a: {  	v9 =	vld [tilespmem:s7+$0x1AC50];
	v3 =	vmul.f32 v6, v3  }
0x15b: {  	v10 =	vld [tilespmem:s7+$0x1AC60];
	v4 =	vmul.f32 v4, v6  }
0x15c: {  	v24 =	vld [tilespmem:s7+$0x1AC70];
	[tilespmem:s7+$0x1AC00] =	vst v3;
	v3 =	vmul.f32 v5, v6  }
0x15d: {  	v26 =	vld [tilespmem:s7+$0x1AC80];
	v25 =	vmul.f32 v7, v6;
	[tilespmem:s7+$0x1AC10] =	vst v4  }
0x15e: {  	v27 =	vld [tilespmem:s7+$0x1AC90];
	[tilespmem:s7+$0x1AC20] =	vst v3;
	v3 =	vmul.f32 v8, v6  }
0x15f: {  	v29 =	vld [tilespmem:s7+$0x1ACA0];
	v28 =	vmul.f32 v9, v6;
	[tilespmem:s7+$0x1AC30] =	vst v25  }
0x160: {  	v11 =	vld [tilespmem:s7+$0x1ACB0];
	v30 =	vbroadcast v2, $0x1;
	[tilespmem:s7+$0x1AC40] =	vst v3;
	v3 =	vmul.f32 v10, v6  }
0x161: {  	v32 =	vld [tilespmem:s7+$0x1ACC0];
	v31 =	vmul.f32 v24, v6;
	[tilespmem:s7+$0x1AC50] =	vst v28  }
0x162: {  	v33 =	vld [tilespmem:s7+$0x1ACD0];
	[tilespmem:s7+$0x1AC60] =	vst v3;
	v3 =	vmul.f32 v26, v30  }
0x163: {  	v35 =	vld [tilespmem:s7+$0x1ACE0];
	v34 =	vmul.f32 v27, v30;
	[tilespmem:s7+$0x1AC70] =	vst v31  }
0x164: {  	v36 =	vld [tilespmem:s7+$0x1ACF0];
	[tilespmem:s7+$0x1AC80] =	vst v3;
	v3 =	vmul.f32 v29, v30  }
0x165: {  	v38 =	vld [tilespmem:s7+$0x1AD00];
	v37 =	vmul.f32 v11, v30;
	[tilespmem:s7+$0x1AC90] =	vst v34  }
0x166: {  	v39 =	vld [tilespmem:s7+$0x1AD10];
	[tilespmem:s7+$0x1ACA0] =	vst v3;
	v3 =	vmul.f32 v32, v30  }
0x167: {  	v41 =	vld [tilespmem:s7+$0x1AD20];
	v40 =	vmul.f32 v33, v30;
	[tilespmem:s7+$0x1ACB0] =	vst v37  }
0x168: {  	v43 =	vld [tilespmem:s7+$0x1AD30];
	v42 =	vbroadcast v2, $0x2;
	[tilespmem:s7+$0x1ACC0] =	vst v3;
	v3 =	vmul.f32 v35, v30  }
0x169: {  	v45 =	vld [tilespmem:s7+$0x1AD40];
	v44 =	vmul.f32 v36, v30;
	[tilespmem:s7+$0x1ACD0] =	vst v40  }
0x16a: {  	v46 =	vld [tilespmem:s7+$0x1AD50];
	[tilespmem:s7+$0x1ACE0] =	vst v3;
	v3 =	vmul.f32 v38, v42  }
0x16b: {  	v48 =	vld [tilespmem:s7+$0x1AD60];
	v47 =	vmul.f32 v39, v42;
	[tilespmem:s7+$0x1ACF0] =	vst v44  }
0x16c: {  	v49 =	vld [tilespmem:s7+$0x1AD70];
	[tilespmem:s7+$0x1AD00] =	vst v3;
	v3 =	vmul.f32 v41, v42  }
0x16d: {  	v51 =	vld [tilespmem:s7+$0x1AD80];
	v50 =	vmul.f32 v43, v42;
	[tilespmem:s7+$0x1AD10] =	vst v47  }
0x16e: {  	v52 =	vld [tilespmem:s7+$0x1AD90];
	[tilespmem:s7+$0x1AD20] =	vst v3;
	v3 =	vmul.f32 v45, v42  }
0x16f: {  	v54 =	vld [tilespmem:s7+$0x1ADA0];
	v53 =	vmul.f32 v46, v42;
	[tilespmem:s7+$0x1AD30] =	vst v50  }
0x170: {  	v56 =	vld [tilespmem:s7+$0x1ADB0];
	v55 =	vbroadcast v2, $0x3;
	[tilespmem:s7+$0x1AD40] =	vst v3;
	v3 =	vmul.f32 v48, v42  }
0x171: {  	v58 =	vld [tilespmem:s7+$0x1ADC0];
	v57 =	vmul.f32 v49, v42;
	[tilespmem:s7+$0x1AD50] =	vst v53  }
0x172: {  	v59 =	vld [tilespmem:s7+$0x1ADD0];
	[tilespmem:s7+$0x1AD60] =	vst v3;
	v3 =	vmul.f32 v51, v55  }
0x173: {  	v61 =	vld [tilespmem:s7+$0x1ADE0];
	v60 =	vmul.f32 v52, v55;
	[tilespmem:s7+$0x1AD70] =	vst v57  }
0x174: {  	v62 =	vld [tilespmem:s7+$0x1ADF0];
	[tilespmem:s7+$0x1AD80] =	vst v3;
	v3 =	vmul.f32 v54, v55  }
0x175: {  	v12 =	vld [tilespmem:s7+$0x1AE00];
	v63 =	vmul.f32 v56, v55;
	[tilespmem:s7+$0x1AD90] =	vst v60  }
0x176: {  	v13 =	vld [tilespmem:s7+$0x1AE10];
	[tilespmem:s7+$0x1ADA0] =	vst v3;
	v3 =	vmul.f32 v58, v55  }
0x177: {  	v15 =	vld [tilespmem:s7+$0x1AE20];
	v14 =	vmul.f32 v59, v55;
	[tilespmem:s7+$0x1ADB0] =	vst v63  }
0x178: {  	v17 =	vld [tilespmem:s7+$0x1AE30];
	v16 =	vbroadcast v2, $0x4;
	[tilespmem:s7+$0x1ADC0] =	vst v3;
	v3 =	vmul.f32 v61, v55  }
0x179: {  	v19 =	vld [tilespmem:s7+$0x1AE40];
	v18 =	vmul.f32 v62, v55;
	[tilespmem:s7+$0x1ADD0] =	vst v14  }
0x17a: {  	v20 =	vld [tilespmem:s7+$0x1AE50];
	[tilespmem:s7+$0x1ADE0] =	vst v3;
	v3 =	vmul.f32 v12, v16  }
0x17b: {  	v22 =	vld [tilespmem:s7+$0x1AE60];
	v21 =	vmul.f32 v13, v16;
	[tilespmem:s7+$0x1ADF0] =	vst v18  }
0x17c: {  	v23 =	vld [tilespmem:s7+$0x1AE70];
	[tilespmem:s7+$0x1AE00] =	vst v3;
	v3 =	vmul.f32 v15, v16  }
0x17d: {  	v24 =	vmul.f32 v17, v16;
	[tilespmem:s7+$0x1AE10] =	vst v21;
	v25 =	vld [tilespmem:s7+$0x1AE80]  }
0x17e: {  	v33 =	vld [tilespmem:s7+$0x1AED0];
	[tilespmem:s7+$0x1AE20] =	vst v3;
	v3 =	vmul.f32 v19, v16  }
0x17f: {  	v27 =	vmul.f32 v20, v16;
	[tilespmem:s7+$0x1AE30] =	vst v24;
	v28 =	vld [tilespmem:s7+$0x1AEA0]  }
0x180: {  	v36 =	vld [tilespmem:s7+$0x1AEF0];
	v29 =	vbroadcast v2, $0x5;
	[tilespmem:s7+$0x1AE40] =	vst v3;
	v3 =	vmul.f32 v22, v16  }
0x181: {  	[tilespmem:s7+$0x1AE50] =	vst v27;
	v31 =	vmul.f32 v23, v16;
	v32 =	vld [tilespmem:s7+$0x1AEC0]  }
0x182: {  	v26 =	vld [tilespmem:s7+$0x1AE90];
	[tilespmem:s7+$0x1AE60] =	vst v3;
	v3 =	vmul.f32 v25, v29  }
0x183: {  	[tilespmem:s7+$0x1AE70] =	vst v31;
	v40 =	vmul.f32 v33, v29;
	v35 =	vld [tilespmem:s7+$0x1AEE0]  }
0x184: {  	v30 =	vld [tilespmem:s7+$0x1AEB0];
	[tilespmem:s7+$0x1AE80] =	vst v3;
	v3 =	vmul.f32 v28, v29  }
0x185: {  	v44 =	vmul.f32 v36, v29;
	[tilespmem:s7+$0x1AED0] =	vst v40;
	v38 =	vld [tilespmem:s7+$0x1AF00]  }
0x186: {  	v39 =	vld [tilespmem:s7+$0x1AF10];
	[tilespmem:s7+$0x1AEA0] =	vst v3;
	v3 =	vmul.f32 v32, v29  }
0x187: {  	v34 =	vmul.f32 v26, v29;
	[tilespmem:s7+$0x1AEF0] =	vst v44;
	v41 =	vld [tilespmem:s7+$0x1AF20]  }
0x188: {  	v43 =	vld [tilespmem:s7+$0x1AF30];
	v42 =	vbroadcast v2, $0x6;
	[tilespmem:s7+$0x1AEC0] =	vst v3;
	v3 =	vmul.f32 v35, v29  }
0x189: {  	[tilespmem:s7+$0x1AE90] =	vst v34;
	v37 =	vmul.f32 v30, v29;
	v45 =	vld [tilespmem:s7+$0x1AF40]  }
0x18a: {  	v46 =	vld [tilespmem:s7+$0x1AF50];
	[tilespmem:s7+$0x1AEE0] =	vst v3;
	v3 =	vmul.f32 v38, v42  }
0x18b: {  	[tilespmem:s7+$0x1AEB0] =	vst v37;
	v48 =	vld [tilespmem:s7+$0x1AF60];
	v47 =	vmul.f32 v39, v42  }
0x18c: {  	v49 =	vld [tilespmem:s7+$0x1AF70];
	[tilespmem:s7+$0x1AF00] =	vst v3;
	v3 =	vmul.f32 v41, v42  }
0x18d: {  	v50 =	vmul.f32 v43, v42;
	v51 =	vld [tilespmem:s7+$0x1AF80];
	[tilespmem:s7+$0x1AF10] =	vst v47  }
0x18e: {  	v52 =	vld [tilespmem:s7+$0x1AF90];
	[tilespmem:s7+$0x1AF20] =	vst v3;
	v3 =	vmul.f32 v45, v42  }
0x18f: {  	v53 =	vmul.f32 v46, v42;
	[tilespmem:s7+$0x1AF30] =	vst v50;
	v54 =	vld [tilespmem:s7+$0x1AFA0]  }
0x190: {  	v56 =	vld [tilespmem:s7+$0x1AFB0];
	v55 =	vbroadcast v2, $0x7;
	[tilespmem:s7+$0x1AF40] =	vst v3;
	v3 =	vmul.f32 v48, v42  }
0x191: {  	v57 =	vmul.f32 v49, v42;
	[tilespmem:s7+$0x1AF50] =	vst v53;
	v58 =	vld [tilespmem:s7+$0x1AFC0]  }
0x192: {  	v59 =	vld [tilespmem:s7+$0x1AFD0];
	[tilespmem:s7+$0x1AF60] =	vst v3;
	v3 =	vmul.f32 v51, v55  }
0x193: {  	[tilespmem:s7+$0x1AF70] =	vst v57;
	v61 =	vld [tilespmem:s7+$0x1AFE0];
	v60 =	vmul.f32 v52, v55  }
0x194: {  	v62 =	vld [tilespmem:s7+$0x1AFF0];
	[tilespmem:s7+$0x1AF80] =	vst v3;
	v3 =	vmul.f32 v54, v55  }
0x195: {  	v63 =	vmul.f32 v56, v55;
	v12 =	vld [tilespmem:s7+$0x1B000];
	[tilespmem:s7+$0x1AF90] =	vst v60  }
0x196: {  	v13 =	vld [tilespmem:s7+$0x1B010];
	[tilespmem:s7+$0x1AFA0] =	vst v3;
	v3 =	vmul.f32 v58, v55  }
0x197: {  	v14 =	vmul.f32 v59, v55;
	[tilespmem:s7+$0x1AFB0] =	vst v63;
	v15 =	vld [tilespmem:s7+$0x1B020]  }
0x198: {  	v17 =	vld [tilespmem:s7+$0x1B030];
	v16 =	vbroadcast v2, $0x8;
	[tilespmem:s7+$0x1AFC0] =	vst v3;
	v3 =	vmul.f32 v61, v55  }
0x199: {  	v18 =	vmul.f32 v62, v55;
	[tilespmem:s7+$0x1AFD0] =	vst v14;
	v19 =	vld [tilespmem:s7+$0x1B040]  }
0x19a: {  	v20 =	vld [tilespmem:s7+$0x1B050];
	[tilespmem:s7+$0x1AFE0] =	vst v3;
	v3 =	vmul.f32 v12, v16  }
0x19b: {  	[tilespmem:s7+$0x1AFF0] =	vst v18;
	v22 =	vld [tilespmem:s7+$0x1B060];
	v21 =	vmul.f32 v13, v16  }
0x19c: {  	v23 =	vld [tilespmem:s7+$0x1B070];
	[tilespmem:s7+$0x1B000] =	vst v3;
	v3 =	vmul.f32 v15, v16  }
0x19d: {  	v24 =	vmul.f32 v17, v16;
	v25 =	vld [tilespmem:s7+$0x1B080];
	[tilespmem:s7+$0x1B010] =	vst v21  }
0x19e: {  	v26 =	vld [tilespmem:s7+$0x1B090];
	[tilespmem:s7+$0x1B020] =	vst v3;
	v3 =	vmul.f32 v19, v16  }
0x19f: {  	v27 =	vmul.f32 v20, v16;
	[tilespmem:s7+$0x1B030] =	vst v24;
	v28 =	vld [tilespmem:s7+$0x1B0A0]  }
0x1a0: {  	v30 =	vld [tilespmem:s7+$0x1B0B0];
	v29 =	vbroadcast v2, $0x9;
	[tilespmem:s7+$0x1B040] =	vst v3;
	v3 =	vmul.f32 v22, v16  }
0x1a1: {  	v31 =	vmul.f32 v23, v16;
	[tilespmem:s7+$0x1B050] =	vst v27;
	v32 =	vld [tilespmem:s7+$0x1B0C0]  }
0x1a2: {  	v33 =	vld [tilespmem:s7+$0x1B0D0];
	[tilespmem:s7+$0x1B060] =	vst v3;
	v3 =	vmul.f32 v25, v29  }
0x1a3: {  	[tilespmem:s7+$0x1B070] =	vst v31;
	v35 =	vld [tilespmem:s7+$0x1B0E0];
	v34 =	vmul.f32 v26, v29  }
0x1a4: {  	v36 =	vld [tilespmem:s7+$0x1B0F0];
	[tilespmem:s7+$0x1B080] =	vst v3;
	v3 =	vmul.f32 v28, v29  }
0x1a5: {  	v37 =	vmul.f32 v30, v29;
	v38 =	vld [tilespmem:s7+$0x1B100];
	[tilespmem:s7+$0x1B090] =	vst v34  }
0x1a6: {  	v39 =	vld [tilespmem:s7+$0x1B110];
	[tilespmem:s7+$0x1B0A0] =	vst v3;
	v3 =	vmul.f32 v32, v29  }
0x1a7: {  	v40 =	vmul.f32 v33, v29;
	[tilespmem:s7+$0x1B0B0] =	vst v37;
	v41 =	vld [tilespmem:s7+$0x1B120]  }
0x1a8: {  	v43 =	vld [tilespmem:s7+$0x1B130];
	v42 =	vbroadcast v2, $0xA;
	[tilespmem:s7+$0x1B0C0] =	vst v3;
	v3 =	vmul.f32 v35, v29  }
0x1a9: {  	v44 =	vmul.f32 v36, v29;
	[tilespmem:s7+$0x1B0D0] =	vst v40;
	v45 =	vld [tilespmem:s7+$0x1B140]  }
0x1aa: {  	v46 =	vld [tilespmem:s7+$0x1B150];
	[tilespmem:s7+$0x1B0E0] =	vst v3;
	v3 =	vmul.f32 v38, v42  }
0x1ab: {  	[tilespmem:s7+$0x1B0F0] =	vst v44;
	v48 =	vld [tilespmem:s7+$0x1B160];
	v47 =	vmul.f32 v39, v42  }
0x1ac: {  	v49 =	vld [tilespmem:s7+$0x1B170];
	[tilespmem:s7+$0x1B100] =	vst v3;
	v3 =	vmul.f32 v41, v42  }
0x1ad: {  	v50 =	vmul.f32 v43, v42;
	v51 =	vld [tilespmem:s7+$0x1B180];
	[tilespmem:s7+$0x1B110] =	vst v47  }
0x1ae: {  	v52 =	vld [tilespmem:s7+$0x1B190];
	[tilespmem:s7+$0x1B120] =	vst v3;
	v3 =	vmul.f32 v45, v42  }
0x1af: {  	v53 =	vmul.f32 v46, v42;
	[tilespmem:s7+$0x1B130] =	vst v50;
	v54 =	vld [tilespmem:s7+$0x1B1A0]  }
0x1b0: {  	v56 =	vld [tilespmem:s7+$0x1B1B0];
	v55 =	vbroadcast v2, $0xB;
	[tilespmem:s7+$0x1B140] =	vst v3;
	v3 =	vmul.f32 v48, v42  }
0x1b1: {  	v57 =	vmul.f32 v49, v42;
	[tilespmem:s7+$0x1B150] =	vst v53;
	v58 =	vld [tilespmem:s7+$0x1B1C0]  }
0x1b2: {  	v59 =	vld [tilespmem:s7+$0x1B1D0];
	[tilespmem:s7+$0x1B160] =	vst v3;
	v3 =	vmul.f32 v51, v55  }
0x1b3: {  	[tilespmem:s7+$0x1B170] =	vst v57;
	v61 =	vld [tilespmem:s7+$0x1B1E0];
	v60 =	vmul.f32 v52, v55  }
0x1b4: {  	v62 =	vld [tilespmem:s7+$0x1B1F0];
	[tilespmem:s7+$0x1B180] =	vst v3;
	v3 =	vmul.f32 v54, v55  }
0x1b5: {  	v63 =	vmul.f32 v56, v55;
	v12 =	vld [tilespmem:s7+$0x1B200];
	[tilespmem:s7+$0x1B190] =	vst v60  }
0x1b6: {  	v13 =	vld [tilespmem:s7+$0x1B210];
	[tilespmem:s7+$0x1B1A0] =	vst v3;
	v3 =	vmul.f32 v58, v55  }
0x1b7: {  	v14 =	vmul.f32 v59, v55;
	[tilespmem:s7+$0x1B1B0] =	vst v63;
	v15 =	vld [tilespmem:s7+$0x1B220]  }
0x1b8: {  	v17 =	vld [tilespmem:s7+$0x1B230];
	v16 =	vbroadcast v2, $0xC;
	[tilespmem:s7+$0x1B1C0] =	vst v3;
	v3 =	vmul.f32 v61, v55  }
0x1b9: {  	v18 =	vmul.f32 v62, v55;
	[tilespmem:s7+$0x1B1D0] =	vst v14;
	v19 =	vld [tilespmem:s7+$0x1B240]  }
0x1ba: {  	v20 =	vld [tilespmem:s7+$0x1B250];
	[tilespmem:s7+$0x1B1E0] =	vst v3;
	v3 =	vmul.f32 v12, v16  }
0x1bb: {  	[tilespmem:s7+$0x1B1F0] =	vst v18;
	v22 =	vld [tilespmem:s7+$0x1B260];
	v21 =	vmul.f32 v13, v16  }
0x1bc: {  	v23 =	vld [tilespmem:s7+$0x1B270];
	[tilespmem:s7+$0x1B200] =	vst v3;
	v3 =	vmul.f32 v15, v16  }
0x1bd: {  	v24 =	vmul.f32 v17, v16;
	v25 =	vld [tilespmem:s7+$0x1B280];
	[tilespmem:s7+$0x1B210] =	vst v21  }
0x1be: {  	v26 =	vld [tilespmem:s7+$0x1B290];
	[tilespmem:s7+$0x1B220] =	vst v3;
	v3 =	vmul.f32 v19, v16  }
0x1bf: {  	v27 =	vmul.f32 v20, v16;
	[tilespmem:s7+$0x1B230] =	vst v24;
	v28 =	vld [tilespmem:s7+$0x1B2A0]  }
0x1c0: {  	v30 =	vld [tilespmem:s7+$0x1B2B0];
	v29 =	vbroadcast v2, $0xD;
	[tilespmem:s7+$0x1B240] =	vst v3;
	v3 =	vmul.f32 v22, v16  }
0x1c1: {  	v31 =	vmul.f32 v23, v16;
	[tilespmem:s7+$0x1B250] =	vst v27;
	v32 =	vld [tilespmem:s7+$0x1B2C0]  }
0x1c2: {  	v33 =	vld [tilespmem:s7+$0x1B2D0];
	[tilespmem:s7+$0x1B260] =	vst v3;
	v3 =	vmul.f32 v25, v29  }
0x1c3: {  	[tilespmem:s7+$0x1B270] =	vst v31;
	v35 =	vld [tilespmem:s7+$0x1B2E0];
	v34 =	vmul.f32 v26, v29  }
0x1c4: {  	v36 =	vld [tilespmem:s7+$0x1B2F0];
	[tilespmem:s7+$0x1B280] =	vst v3;
	v3 =	vmul.f32 v28, v29  }
0x1c5: {  	v37 =	vmul.f32 v30, v29;
	v38 =	vld [tilespmem:s7+$0x1B300];
	[tilespmem:s7+$0x1B290] =	vst v34  }
0x1c6: {  	v39 =	vld [tilespmem:s7+$0x1B310];
	[tilespmem:s7+$0x1B2A0] =	vst v3;
	v3 =	vmul.f32 v32, v29  }
0x1c7: {  	v40 =	vmul.f32 v33, v29;
	[tilespmem:s7+$0x1B2B0] =	vst v37;
	v41 =	vld [tilespmem:s7+$0x1B320]  }
0x1c8: {  	v43 =	vld [tilespmem:s7+$0x1B330];
	v42 =	vbroadcast v2, $0xE;
	[tilespmem:s7+$0x1B2C0] =	vst v3;
	v3 =	vmul.f32 v35, v29  }
0x1c9: {  	v44 =	vmul.f32 v36, v29;
	[tilespmem:s7+$0x1B2D0] =	vst v40;
	v45 =	vld [tilespmem:s7+$0x1B340]  }
0x1ca: {  	v46 =	vld [tilespmem:s7+$0x1B350];
	[tilespmem:s7+$0x1B2E0] =	vst v3;
	v3 =	vmul.f32 v38, v42  }
0x1cb: {  	[tilespmem:s7+$0x1B2F0] =	vst v44;
	v48 =	vld [tilespmem:s7+$0x1B360];
	v47 =	vmul.f32 v39, v42  }
0x1cc: {  	v49 =	vld [tilespmem:s7+$0x1B370];
	[tilespmem:s7+$0x1B300] =	vst v3;
	v3 =	vmul.f32 v41, v42  }
0x1cd: {  	v50 =	vmul.f32 v43, v42;
	v51 =	vld [tilespmem:s7+$0x1B380];
	[tilespmem:s7+$0x1B310] =	vst v47  }
0x1ce: {  	v52 =	vld [tilespmem:s7+$0x1B390];
	[tilespmem:s7+$0x1B320] =	vst v3;
	v3 =	vmul.f32 v45, v42  }
0x1cf: {  	v53 =	vmul.f32 v46, v42;
	[tilespmem:s7+$0x1B330] =	vst v50;
	v54 =	vld [tilespmem:s7+$0x1B3A0]  }
0x1d0: {  	v2 =	vbroadcast v2, $0xF;
	v58 =	vld [tilespmem:s7+$0x1B3D0];
	[tilespmem:s7+$0x1B340] =	vst v3;
	v3 =	vmul.f32 v48, v42  }
0x1d1: {  	v57 =	vld [tilespmem:s7+$0x1B3C0];
	v56 =	vmul.f32 v49, v42;
	[tilespmem:s7+$0x1B350] =	vst v53  }
0x1d2: {  	v55 =	vld [tilespmem:s7+$0x1B3B0];
	[tilespmem:s7+$0x1B360] =	vst v3;
	v3 =	vmul.f32 v51, v2  }
0x1d3: {  	v60 =	vld [tilespmem:s7+$0x1B3E0];
	v59 =	vmul.f32 v52, v2;
	[tilespmem:s7+$0x1B370] =	vst v56  }
0x1d4: {  	v61 =	vld [tilespmem:s7+$0x1B3F0];
	[tilespmem:s7+$0x1B380] =	vst v3;
	v3 =	vmul.f32 v54, v2  }
0x1d5: {  	[tilespmem:s7+$0x1B390] =	vst v59;
	v63 =	vmul.f32 v58, v2  }
0x1d6: {  	p0 =	sne.s32 s0, $0x7;
	[tilespmem:s7+$0x1B3A0] =	vst v3;
	v3 =	vmul.f32 v57, v2  }
.Ltmp3:
0x1d7: {  	v62 =	vmul.f32 v55, v2;
	[tilespmem:s7+$0x1B3D0] =	vst v63;
	(pc) =	sbr.rel @p0 .LBB2_9-.Ltmp3, $4  }
0x1d8: {  	[tilespmem:s7+$0x1B3C0] =	vst v3;
	v3 =	vmul.f32 v60, v2  }
0x1d9: {  	[tilespmem:s7+$0x1B3B0] =	vst v62;
	v2 =	vmul.f32 v61, v2  }
0x1da: {  	[tilespmem:s7+$0x1B3E0] =	vst v3  }
0x1db: {  	s0 =	sadd.s32 $0x1, s0;
	[tilespmem:s7+$0x1B3F0] =	vst v2  }
0x1dc: {  	s18 =	sadd.s32 $0x1, s18  }
0x1dd: {  	p0 =	sne.s32 s18, $0x28  }
.Ltmp4:
0x1de: {  	_ = 	snop;
	(pc) =	sbr.rel @p0 .LBB2_6-.Ltmp4, $2  }
0x1df: {  	_ =	sdelay $0x2  }
0x1e0: {  	[spmem:s3] =	stream.indirect.scatter.add.f32 [tilespmem:s21], [sflag:$0x2], $0x80, s20, s19, $0xb8;
	[tilespmem:$0x1EF00] =	vst v63  }
0x1e1: {  	_ =	swait.ge [sflag:s28], $0x4000  }
0x1e2: {  	[sflag:s28] =	ssyncset.done $0x0  }
0x1e3: {  	[sflag:s28] =	ssyncadd.s32 $0xFFFFC000  }
0x1e4: {  	_ =	swait.ge [sflag:s29], $0x80  }
0x1e5: {  	[sflag:s29] =	ssyncset.done $0x0  }
0x1e6: {  	[sflag:s29] =	ssyncadd.s32 $0xFFFFFF80  }
0x1e7: {  	s0 =	stileid.u32;
	_ =	swait.ge [sflag:s24], $0x4000  }
0x1e8: {  	s2 =	sshrl.u32 s6, $0x3;
	s4 =	sadd.s32 $0x1, s4;
	[sflag:s24] =	ssyncset.done $0x0  }
0x1e9: {  	s0 =	sshll.u32 s0, $0x6;
	p0 =	sne.s32 s4, s15;
	[sflag:s24] =	ssyncadd.s32 $0xFFFFC000  }
.Ltmp5:
0x1ea: {  	s0 =	sor.u32 $0x1C05, s0;
	[bflag:$0x0] =	sbarrier.arrive $0xFFFF;
	(pc) =	sbr.rel @p0 .LBB2_1-.Ltmp5, $4  }
0x1eb: {  	[hbm:s14], [sflag:s0] =	dma.local [spmem:s2], $0x2800  }
0x1ec: {  	_ =	swait.ge [sflag:s17], $0x2800  }
0x1ed: {  	[sflag:s17] =	ssyncset.done $0x0  }
0x1ee: {  	[sflag:s17] =	ssyncadd.s32 $0xFFFFD800  }
0x1ef: {  	_ =	sfence.sel $0x180000  }
0x1f0: {  	[bflag:$0x0] =	sbarrier.arrive $0xFFFF  }
0x1f1: {  	_ =	strace $0x90000047  }
0x1f2: {  	s0 =	stileid.u32;
	[bflag:$0x2] =	sbarrier.arrive $0xFFFF  }
0x1f3: {  	p0 =	sne.s32 s0, $0x0;
	s0 =	rddreg [dreg:$0x3]  }
0x1f4: {  	s0 =	sadd.s32 @!p0 $0x100000, s0  }
0x1f5: {  	[sflag:s0] =	ssyncadd.tile.s32 @!p0 $0x1;
	_ =	shalt  }
.Lfunc_end2:
_tile_overlayer_lowered:
.L_overlay_start_2:
0x1f6: {  	(tag) =	ssettag $0x2  }
0x1f7: {  	s0 =	rddreg [dreg:$0x0];
	s2 =	stileid.u32  }
0x1f8: {  	s1 =	rddreg [dreg:$0x1];
	p0 =	sne.s32 s2, $0x0  }
0x1f9: {  	s3 =	rddreg [dreg:$0x2];
	[bflag:$0x3] =	sbarrier.arrive $0xFFFF;
	s2 =	simm.s32 @!p0 $0x1C05  }
0x1fa: {  	[timem:s3], [sflag:s2] =	dma.local @!p0 [hbm:s0], s1  }
0x1fb: {  	s0 =	simm.s32 @!p0 $0x5  }
0x1fc: {  	_ =	swait.ge @!p0 [sflag:s0], s1  }
0x1fd: {  	s1 =	ssub.s32 @!p0 $0x0, s1;
	[sflag:s0] =	ssyncset.done @!p0 $0x0  }
0x1fe: {  	[sflag:s0] =	ssyncadd.s32 @!p0 s1  }
0x1ff: {  	[bflag:$0x3] =	sbarrier.arrive $0xFFFF  }
0x200: {  	_ =	shalt  }

</sc_bundles>
